<compile_context>
chip_gen: v7x
topology: tpu7x:2x2x1
jax: 0.10.2.dev20260603
libtpu: 0.0.44.dev20260713+nightly
codegen_flags: <defaults>
</compile_context>

<pallas_src>
import jax
import jax.numpy as jnp
from jax import lax
from jax.experimental import pallas as pl
from jax.experimental.pallas import tpu as pltpu
from jax.experimental.pallas import tpu_sc as plsc

_NOBS = 4096
_NNODES = 10000
_NPAD = 10240
_NEDGES = 131072
_NT = 16
_CH = 128
_EPT = _NEDGES // _NT
_NCH = _EPT // _CH
_RPT = _NOBS // _NT
_FRPT = _NPAD // _NT

_mesh = plsc.VectorSubcoreMesh(core_axis_name="c", subcore_axis_name="s",
                               num_cores=2, num_subcores=_NT)



def _sc_degrees(dst_rsh):

    def body(dst_hbm, out_hbm, dstbuf, ones, zbuf, acc):
        c = lax.axis_index("c")
        s = lax.axis_index("s")
        pltpu.sync_copy(dst_hbm.at[c, s], dstbuf)
        one = jnp.ones((16,), jnp.float32)
        zero = jnp.zeros((16,), jnp.float32)

        def fill(r, carry):
            ones[r, :] = one
            zbuf[r, :] = zero
            return carry

        lax.fori_loop(0, _CH, fill, 0)
        pltpu.sync_copy(zbuf, acc.at[pl.ds(s * _RPT, _CH)])
        pltpu.sync_copy(zbuf, acc.at[pl.ds(s * _RPT + _CH, _CH)])
        plsc.subcore_barrier()

        def chunk(j, carry):
            pltpu.sync_copy(ones, acc.at[dstbuf.at[j]], add=True)
            return carry

        lax.fori_loop(0, _NCH, chunk, 0)
        plsc.subcore_barrier()
        pltpu.sync_copy(acc.at[pl.ds(s * _RPT, _RPT)],
                        out_hbm.at[c, pl.ds(s * _RPT, _RPT)])

    return pl.kernel(
        body,
        out_type=jax.ShapeDtypeStruct((2, _NOBS, 16), jnp.float32),
        mesh=_mesh,
        compiler_params=pltpu.CompilerParams(use_tc_tiling_on_sc=False),
        scratch_types=[
            pltpu.VMEM((_NCH, _CH), jnp.int32),
            pltpu.VMEM((_CH, 16), jnp.float32),
            pltpu.VMEM((_CH, 16), jnp.float32),
            pltpu.VMEM_SHARED((_NOBS, 16), jnp.float32),
        ],
    )(dst_rsh)


def _sc_propagate(u_cat, src_rsh, dst_rsh, d, ch):

    nb = 4 if d > 128 else 8
    nch = _EPT // ch

    def body(u_hbm, src_hbm, dst_hbm, out_hbm, srcbuf, dstbuf, *rest):
        rows = rest[:nb]
        acc = rest[nb]
        gs = rest[nb + 1:2 * nb + 1]
        ss = rest[2 * nb + 1:]
        c = lax.axis_index("c")
        s = lax.axis_index("s")
        pltpu.sync_copy(src_hbm.at[c, s], srcbuf)
        pltpu.sync_copy(dst_hbm.at[c, s], dstbuf)
        zero = jnp.zeros((16,), jnp.float32)

        def zrow(r, carry):
            for k in range(d // 16):
                rows[0][r, pl.ds(k * 16, 16)] = zero
            return carry

        lax.fori_loop(0, ch, zrow, 0)
        for q in range(_RPT // ch):
            pltpu.sync_copy(rows[0], acc.at[pl.ds(s * _RPT + q * ch, ch)])
        plsc.subcore_barrier()

        for b in range(nb):
            pltpu.async_copy(u_hbm.at[srcbuf.at[b]], rows[b], gs[b])

        def step(i, carry):
            base = i * nb
            for b in range(nb):
                j = base + b
                pltpu.make_async_copy(u_hbm.at[srcbuf.at[j]],
                                      rows[b], gs[b]).wait()
                pltpu.async_copy(rows[b], acc.at[dstbuf.at[j]], ss[b],
                                 add=True)
            for b in range(nb):
                j = base + b
                pltpu.make_async_copy(rows[b], acc.at[dstbuf.at[j]],
                                      ss[b]).wait()

                @pl.when(j + nb < nch)
                def _():
                    pltpu.async_copy(u_hbm.at[srcbuf.at[j + nb]],
                                     rows[b], gs[b])

            return carry

        lax.fori_loop(0, nch // nb, step, 0)
        plsc.subcore_barrier()
        pltpu.sync_copy(acc.at[pl.ds(s * _RPT, _RPT)],
                        out_hbm.at[c, pl.ds(s * _RPT, _RPT)])

    return pl.kernel(
        body,
        out_type=jax.ShapeDtypeStruct((2, _NOBS, d), jnp.float32),
        mesh=_mesh,
        compiler_params=pltpu.CompilerParams(use_tc_tiling_on_sc=False),
        scratch_types=(
            [pltpu.VMEM((nch, ch), jnp.int32),
             pltpu.VMEM((nch, ch), jnp.int32)]
            + [pltpu.VMEM((ch, d), jnp.float32) for _ in range(nb)]
            + [pltpu.VMEM_SHARED((_NOBS, d), jnp.float32)]
            + [pltpu.SemaphoreType.DMA for _ in range(2 * nb)]
        ),
    )(u_cat, src_rsh, dst_rsh)


def _sc_prop3_fuse(u_cat, src_rsh, dst_rsh, isv2, obs_rsh):

    d, ch, nb = 64, _CH // 2, 4
    nch = _EPT // ch

    def body(u_hbm, src_hbm, dst_hbm, isv_hbm, obs_hbm, out_hbm,
             srcbuf, dstbuf, obsbuf, accstr, ubuf, zstr, ivbuf, *rest):
        rows = rest[:nb]
        acc = rest[nb]
        facc = rest[nb + 1]
        gs = rest[nb + 2:2 * nb + 2]
        ss = rest[2 * nb + 2:]
        c = lax.axis_index("c")
        s = lax.axis_index("s")
        pltpu.sync_copy(src_hbm.at[c, s], srcbuf)
        pltpu.sync_copy(dst_hbm.at[c, s], dstbuf)
        pltpu.sync_copy(obs_hbm.at[c, s], obsbuf)
        zero = jnp.zeros((16,), jnp.float32)

        def zrow(r, carry):
            for k in range(d // 16):
                rows[0][r, pl.ds(k * 16, 16)] = zero
            return carry

        lax.fori_loop(0, ch, zrow, 0)
        for q in range(_RPT // ch):
            pltpu.sync_copy(rows[0], acc.at[pl.ds(s * _RPT + q * ch, ch)])
        for q in range(_FRPT // ch):
            pltpu.sync_copy(rows[0], facc.at[pl.ds(s * _FRPT + q * ch, ch)])
        plsc.subcore_barrier()

        for b in range(nb):
            pltpu.async_copy(u_hbm.at[srcbuf.at[b]], rows[b], gs[b])

        def step(i, carry):
            base = i * nb
            for b in range(nb):
                j = base + b
                pltpu.make_async_copy(u_hbm.at[srcbuf.at[j]],
                                      rows[b], gs[b]).wait()
                pltpu.async_copy(rows[b], acc.at[dstbuf.at[j]], ss[b],
                                 add=True)
            for b in range(nb):
                j = base + b
                pltpu.make_async_copy(rows[b], acc.at[dstbuf.at[j]],
                                      ss[b]).wait()

                @pl.when(j + nb < nch)
                def _():
                    pltpu.async_copy(u_hbm.at[srcbuf.at[j + nb]],
                                     rows[b], gs[b])

            return carry

        lax.fori_loop(0, nch // nb, step, 0)
        plsc.subcore_barrier()

        for h in range(2):
            base = s * _RPT + h * _CH
            pltpu.sync_copy(acc.at[pl.ds(base, _CH)], accstr)
            pltpu.sync_copy(u_hbm.at[pl.ds(c * _NOBS + base, _CH)], ubuf)
            pltpu.sync_copy(isv_hbm.at[pl.ds(c * _NOBS + base, _CH)], ivbuf)

            def zcomp(r, carry):
                for k in range(d // 16):
                    sl = pl.ds(k * 16, 16)
                    zstr[r, sl] = (accstr[r, sl] + ubuf[r, sl]) * ivbuf[r, sl]
                return carry

            lax.fori_loop(0, _CH, zcomp, 0)
            pltpu.sync_copy(zstr, facc.at[obsbuf.at[h]], add=True)
        plsc.subcore_barrier()
        pltpu.sync_copy(facc.at[pl.ds(s * _FRPT, _FRPT)],
                        out_hbm.at[c, pl.ds(s * _FRPT, _FRPT)])

    return pl.kernel(
        body,
        out_type=jax.ShapeDtypeStruct((2, _NPAD, 64), jnp.float32),
        mesh=_mesh,
        compiler_params=pltpu.CompilerParams(use_tc_tiling_on_sc=False),
        scratch_types=(
            [pltpu.VMEM((nch, ch), jnp.int32),
             pltpu.VMEM((nch, ch), jnp.int32),
             pltpu.VMEM((2, _CH), jnp.int32),
             pltpu.VMEM((_CH, d), jnp.float32),
             pltpu.VMEM((_CH, d), jnp.float32),
             pltpu.VMEM((_CH, d), jnp.float32),
             pltpu.VMEM((_CH, d), jnp.float32)]
            + [pltpu.VMEM((ch, d), jnp.float32) for _ in range(nb)]
            + [pltpu.VMEM_SHARED((_NOBS, d), jnp.float32),
               pltpu.VMEM_SHARED((_NPAD, d), jnp.float32)]
            + [pltpu.SemaphoreType.DMA for _ in range(2 * nb)]
        ),
    )(u_cat, src_rsh, dst_rsh, isv2, obs_rsh)



def _tc_layer1(xs, Ws, bs, degparts):

    def body(x_ref, w_ref, b_ref, deg_ref, u_ref, is_ref):
        deg = deg_ref[0][:, 0:1] + 1.0
        isv = lax.rsqrt(deg)
        is_ref[0] = isv
        u = jnp.dot(x_ref[0], w_ref[0], preferred_element_type=jnp.float32)
        u_ref[0] = (u + b_ref[0]) * isv

    din, dout = Ws.shape[1], Ws.shape[2]
    return pl.pallas_call(
        body,
        grid=(2,),
        in_specs=[
            pl.BlockSpec((1, _NOBS, din), lambda v: (v, 0, 0)),
            pl.BlockSpec((1, din, dout), lambda v: (v, 0, 0)),
            pl.BlockSpec((1, 1, dout), lambda v: (v, 0, 0)),
            pl.BlockSpec((1, _NOBS, 16), lambda v: (v, 0, 0)),
        ],
        out_specs=[
            pl.BlockSpec((1, _NOBS, dout), lambda v: (v, 0, 0)),
            pl.BlockSpec((1, _NOBS, 1), lambda v: (v, 0, 0)),
        ],
        out_shape=[
            jax.ShapeDtypeStruct((2, _NOBS, dout), jnp.float32),
            jax.ShapeDtypeStruct((2, _NOBS, 1), jnp.float32),
        ],
    )(xs, Ws, bs, degparts)


def _tc_mid(racc, u_prev, isv, Ws, bs, emit_iv=False):

    def body(r_ref, u_ref, is_ref, w_ref, b_ref, *outs):
        iv = is_ref[0]
        h = jnp.maximum(iv * (r_ref[0] + u_ref[0]), 0.0)
        u = jnp.dot(h, w_ref[0], preferred_element_type=jnp.float32)
        outs[0][0] = (u + b_ref[0]) * iv
        if emit_iv:
            outs[1][0] = jnp.broadcast_to(iv, (_NOBS, w_ref.shape[2]))

    din, dout = Ws.shape[1], Ws.shape[2]
    ospec = pl.BlockSpec((1, _NOBS, dout), lambda v: (v, 0, 0))
    oshape = jax.ShapeDtypeStruct((2, _NOBS, dout), jnp.float32)
    return pl.pallas_call(
        body,
        grid=(2,),
        in_specs=[
            pl.BlockSpec((1, _NOBS, din), lambda v: (v, 0, 0)),
            pl.BlockSpec((1, _NOBS, din), lambda v: (v, 0, 0)),
            pl.BlockSpec((1, _NOBS, 1), lambda v: (v, 0, 0)),
            pl.BlockSpec((1, din, dout), lambda v: (v, 0, 0)),
            pl.BlockSpec((1, 1, dout), lambda v: (v, 0, 0)),
        ],
        out_specs=[ospec, ospec] if emit_iv else ospec,
        out_shape=[oshape, oshape] if emit_iv else oshape,
    )(racc, u_prev, isv, Ws, bs)


def _tc_head(full, m0, m1, Wf0, Wf1, bf2, Wcp, bcp):

    def body(full_ref, m0_ref, m1_ref, wf0_ref, wf1_ref, bf_ref, wc_ref,
             bc_ref, jz_ref, jy_ref):
        f0 = full_ref[0] * m0_ref[...]
        f1 = full_ref[1] * m1_ref[...]
        jz = (jnp.dot(f0, wf0_ref[...], preferred_element_type=jnp.float32)
              + jnp.dot(f1, wf1_ref[...], preferred_element_type=jnp.float32)
              + bf_ref[...])
        jz = jnp.maximum(jz, 0.0)
        jz_ref[...] = jz
        jy_ref[...] = (jnp.dot(jz, wc_ref[...],
                               preferred_element_type=jnp.float32)
                       + bc_ref[...])

    emb = Wf0.shape[1]
    return pl.pallas_call(
        body,
        out_shape=[
            jax.ShapeDtypeStruct((_NPAD, emb), jnp.float32),
            jax.ShapeDtypeStruct((_NPAD, Wcp.shape[1]), jnp.float32),
        ],
    )(full, m0, m1, Wf0, Wf1, bf2, Wcp, bcp)



def kernel(x0, x1, edge_index0, edge_index1, obs_idx0, obs_idx1, sample_mask,
           enc0, enc1, dec0, dec1, Wf, bf, Wc, bc):
    del dec0, dec1
    src = jnp.stack([edge_index0[0], edge_index1[0] + _NOBS])
    src = src.reshape(2, _NT, _NCH, _CH)
    dst = jnp.stack([edge_index0[1], edge_index1[1]])
    dst = dst.reshape(2, _NT, _NCH, _CH)
    obs = jnp.stack([obs_idx0, obs_idx1]).reshape(2, _NT, 2, _CH)
    xs = jnp.stack([x0, x1])

    degparts = _sc_degrees(dst)

    W1 = jnp.stack([enc0[0][0], enc1[0][0]])
    b1 = jnp.stack([enc0[0][1], enc1[0][1]])[:, None, :]
    W2 = jnp.stack([enc0[1][0], enc1[1][0]])
    b2 = jnp.stack([enc0[1][1], enc1[1][1]])[:, None, :]
    W3 = jnp.stack([enc0[2][0], enc1[2][0]])
    b3 = jnp.stack([enc0[2][1], enc1[2][1]])[:, None, :]

    src64 = src.reshape(2, _NT, 2 * _NCH, _CH // 2)
    dst64 = dst.reshape(2, _NT, 2 * _NCH, _CH // 2)
    u1, isv = _tc_layer1(xs, W1, b1, degparts)
    r1 = _sc_propagate(u1.reshape(2 * _NOBS, u1.shape[2]), src64, dst64,
                       192, _CH // 2)
    u2 = _tc_mid(r1, u1, isv, W2, b2)
    r2 = _sc_propagate(u2.reshape(2 * _NOBS, u2.shape[2]), src64, dst64,
                       128, _CH // 2)
    u3, ivb = _tc_mid(r2, u2, isv, W3, b3, emit_iv=True)
    full = _sc_prop3_fuse(u3.reshape(2 * _NOBS, 64), src64, dst64,
                          ivb.reshape(2 * _NOBS, 64), obs)

    maskp = jnp.pad(sample_mask, ((0, _NPAD - _NNODES), (0, 0)))
    jz, jy = _tc_head(full, maskp[:, 0:1], maskp[:, 1:2],
                      Wf[:64], Wf[64:], bf[None, :],
                      jnp.pad(Wc, ((0, 0), (0, 118))),
                      jnp.pad(bc, (0, 118))[None, :])
    return jz[:_NNODES], jy[:_NNODES, :10]

# --- scband reference (transcript-rebuilt; emitter-appended) ---
"""Pipeline reference for scband-mv-aemodel-24464133718126 (READ-ONLY COPY).

The authoritative reference and input builder live on the scoring server;
editing this copy changes nothing except your own understanding.
"""

import jax, jax.numpy as jnp
import numpy as np

N_NODES = 10000
N_OBS = 4096
N_EDGES = 131072
VIEW_DIMS = (128, 128)
HID_DIMS = (192, 128)
LATENT = 64
EMB = int(1.5 * LATENT)
CLUSTERS = 10


def _glorot(key, fan_in, fan_out):
    s = float(np.sqrt(6.0 / (fan_in + fan_out)))
    return jax.random.uniform(key, (fan_in, fan_out), minval=-s, maxval=s, dtype=jnp.float32)


def _mlp_params(key, dims):
    ks = jax.random.split(key, len(dims) - 1)
    return tuple((_glorot(ks[i], dims[i], dims[i + 1]), jnp.zeros((dims[i + 1],), jnp.float32)) for i in range(len(dims) - 1))


def setup_inputs():
    key = jax.random.PRNGKey(0)
    ks = jax.random.split(key, 16)
    x0 = jax.random.normal(ks[0], (N_OBS, VIEW_DIMS[0]), dtype=jnp.float32)
    x1 = jax.random.normal(ks[1], (N_OBS, VIEW_DIMS[1]), dtype=jnp.float32)
    edge_index0 = jax.random.randint(ks[2], (2, N_EDGES), 0, N_OBS, dtype=jnp.int32)
    edge_index1 = jax.random.randint(ks[3], (2, N_EDGES), 0, N_OBS, dtype=jnp.int32)
    obs_idx0 = jax.random.randint(ks[4], (N_OBS,), 0, N_NODES, dtype=jnp.int32)
    obs_idx1 = jax.random.randint(ks[5], (N_OBS,), 0, N_NODES, dtype=jnp.int32)
    sample_mask = jnp.zeros((N_NODES, 2), jnp.float32).at[obs_idx0, 0].set(1.0).at[obs_idx1, 1].set(1.0)
    enc0 = _mlp_params(ks[6], (VIEW_DIMS[0],) + HID_DIMS + (LATENT,))
    enc1 = _mlp_params(ks[7], (VIEW_DIMS[1],) + HID_DIMS + (LATENT,))
    dec0 = _mlp_params(ks[8], (EMB,) + tuple(reversed(HID_DIMS)) + (VIEW_DIMS[0],))
    dec1 = _mlp_params(ks[9], (EMB,) + tuple(reversed(HID_DIMS)) + (VIEW_DIMS[1],))
    Wf = _glorot(ks[10], 2 * LATENT, EMB)
    bf = jnp.zeros((EMB,), jnp.float32)
    Wc = _glorot(ks[11], EMB, CLUSTERS)
    bc = jnp.zeros((CLUSTERS,), jnp.float32)
    return {"x0": x0, "x1": x1, "edge_index0": edge_index0, "edge_index1": edge_index1,
            "obs_idx0": obs_idx0, "obs_idx1": obs_idx1, "sample_mask": sample_mask,
            "enc0": enc0, "enc1": enc1, "dec0": dec0, "dec1": dec1,
            "Wf": Wf, "bf": bf, "Wc": Wc, "bc": bc}


def gcn_encoder(x, edge_index, params):
    src, dst = edge_index[0], edge_index[1]
    n = x.shape[0]
    deg = jnp.zeros((n,), jnp.float32).at[dst].add(1.0) + 1.0
    inv_sqrt = 1.0 / jnp.sqrt(deg)
    h = x
    L = len(params)
    for i, (W, b) in enumerate(params):
        h = h @ W + b
        coef = (inv_sqrt[src] * inv_sqrt[dst])[:, None]
        agg = jnp.zeros_like(h).at[dst].add(h[src] * coef)
        h = agg + h * (inv_sqrt * inv_sqrt)[:, None]
        if i < L - 1:
            h = jax.nn.relu(h)
    return h


def mlp(x, params):
    h = x
    L = len(params)
    for i, (W, b) in enumerate(params):
        h = h @ W + b
        if i < L - 1:
            h = jax.nn.relu(h)
    return h


def reference(x0, x1, edge_index0, edge_index1, obs_idx0, obs_idx1, sample_mask,
              enc0, enc1, dec0, dec1, Wf, bf, Wc, bc):
    # view-specific GCN encoders
    z0 = gcn_encoder(x0, edge_index0, enc0)
    z1 = gcn_encoder(x1, edge_index1, enc1)
    # fusion: scatter observed-view latents into the full sample set (== O_v @ z_v with one-hot O_v)
    full0 = jnp.zeros((N_NODES, LATENT), jnp.float32).at[obs_idx0].add(z0) * sample_mask[:, 0:1]
    full1 = jnp.zeros((N_NODES, LATENT), jnp.float32).at[obs_idx1].add(z1) * sample_mask[:, 1:2]
    joint_z = jax.nn.relu(jnp.concatenate([full0, full1], axis=1) @ Wf + bf)
    joint_y = joint_z @ Wc + bc
    # view-specific reconstructions (== decoder(O_v.T @ joint_z), gather of joint_z rows)
    rec0 = mlp(joint_z[obs_idx0], dec0)
    rec1 = mlp(joint_z[obs_idx1], dec1)
    # is_training=False -> return (joint_z, joint_y); recs computed as in the torch forward
    del rec0, rec1
    return (joint_z, joint_y)

if __name__ == "__main__":
    import jax
    _d = setup_inputs()
    print(jax.jit(kernel)(*tuple(_d.values())))

</pallas_src>

<mosaic_0001>
#map = affine_map<(d0, d1) -> (0, 0, 0, 0)>
#map1 = affine_map<(d0, d1) -> (0, 0, 0)>
module attributes {stable_mosaic.version = 14 : i64} {
  func.func @body(%arg0: i32, %arg1: i32, %arg2: memref<2x16x64x128xi32, #tpu.memory_space<hbm>>, %arg3: memref<2x4096x16xf32, #tpu.memory_space<hbm>>, %arg4: memref<64x128xi32, #tpu.memory_space<vmem>>, %arg5: memref<128x16xf32, #tpu.memory_space<vmem>>, %arg6: memref<128x16xf32, #tpu.memory_space<vmem>>, %arg7: memref<4096x16xf32, #tpu.memory_space<vmem_shared>>) attributes {dimension_semantics = [#tpu.dimension_semantics<core_parallel>, #tpu.dimension_semantics<subcore_parallel>], iteration_bounds = array<i64: 2, 16>, scalar_prefetch = 0 : i64, scratch_operands = 4 : i64, tpu.core_type = #tpu.core_type<sc_vector_subcore>, window_params = [{transform_indices = #map}, {transform_indices = #map1}]} {
    "tpu.region"() ({
      %run_scoped3A = tpu.sem_alloc : memref<!tpu.dma_semaphore, #tpu.memory_space<semaphore_mem>>
      %dma_start3A = arith.constant 0 : i32
      %dma_start3A_23 = arith.constant 0 : i32
      %dma_start3A_24 = tpu.memref_slice %arg2[%arg0, %arg1, %dma_start3A, %dma_start3A_23] : memref<2x16x64x128xi32, #tpu.memory_space<hbm>> -> memref<1x1x64x128xi32, #tpu.memory_space<hbm>>
      %dma_start3A_25 = tpu.memref_squeeze %dma_start3A_24 : memref<1x1x64x128xi32, #tpu.memory_space<hbm>> -> memref<64x128xi32, #tpu.memory_space<hbm>>
      %dma_start3A_26 = arith.constant 0 : i32
      %dma_start3A_27 = arith.constant 0 : i32
      %dma_start3A_28 = tpu.memref_slice %arg2[%arg0, %arg1, %dma_start3A_26, %dma_start3A_27] : memref<2x16x64x128xi32, #tpu.memory_space<hbm>> -> memref<1x1x64x128xi32, #tpu.memory_space<hbm>>
      %dma_start3A_29 = tpu.memref_squeeze %dma_start3A_28 : memref<1x1x64x128xi32, #tpu.memory_space<hbm>> -> memref<64x128xi32, #tpu.memory_space<hbm>>
      tpu.enqueue_dma source(%dma_start3A_29 : memref<64x128xi32, #tpu.memory_space<hbm>>) target(%arg4 : memref<64x128xi32, #tpu.memory_space<vmem>>) target_semaphore(%run_scoped3A : memref<!tpu.dma_semaphore, #tpu.memory_space<semaphore_mem>>)
      %dma_wait3A = arith.constant 0 : i32
      %dma_wait3A_30 = arith.constant 0 : i32
      %dma_wait3A_31 = tpu.memref_slice %arg2[%arg0, %arg1, %dma_wait3A, %dma_wait3A_30] : memref<2x16x64x128xi32, #tpu.memory_space<hbm>> -> memref<1x1x64x128xi32, #tpu.memory_space<hbm>>
      %dma_wait3A_32 = tpu.memref_squeeze %dma_wait3A_31 : memref<1x1x64x128xi32, #tpu.memory_space<hbm>> -> memref<64x128xi32, #tpu.memory_space<hbm>>
      %dma_wait3A_33 = arith.constant 0 : i32
      %dma_wait3A_34 = arith.constant 0 : i32
      %dma_wait3A_35 = tpu.memref_slice %arg2[%arg0, %arg1, %dma_wait3A_33, %dma_wait3A_34] : memref<2x16x64x128xi32, #tpu.memory_space<hbm>> -> memref<1x1x64x128xi32, #tpu.memory_space<hbm>>
      %dma_wait3A_36 = tpu.memref_squeeze %dma_wait3A_35 : memref<1x1x64x128xi32, #tpu.memory_space<hbm>> -> memref<64x128xi32, #tpu.memory_space<hbm>>
      tpu.wait_dma2 semaphore(%run_scoped3A : memref<!tpu.dma_semaphore, #tpu.memory_space<semaphore_mem>>) src(%dma_wait3A_36 : memref<64x128xi32, #tpu.memory_space<hbm>>) dst(%arg4 : memref<64x128xi32, #tpu.memory_space<vmem>>)
      tpu.yield
    }) : () -> ()
    %broadcast_in_dim3A = arith.constant 1.000000e+00 : f32
    %broadcast_in_dim3A_0 = vector.broadcast %broadcast_in_dim3A : f32 to vector<16xf32>
    %broadcast_in_dim3A_1 = arith.constant 0.000000e+00 : f32
    %broadcast_in_dim3A_2 = vector.broadcast %broadcast_in_dim3A_1 : f32 to vector<16xf32>
    %scan3A = arith.constant 0 : i32
    %scan3A_3 = arith.constant 0 : i32
    %scan3A_4 = arith.constant 128 : i32
    %scan3A_5 = arith.addi %scan3A_3, %scan3A_4 : i32
    %scan3A_6 = arith.constant 1 : i32
    scf.for %scan3A_23 = %scan3A_3 to %scan3A_5 step %scan3A_6  : i32 {
      %swap3A = arith.index_cast %scan3A_23 : i32 to index
      %swap3A_24 = arith.constant 0 : index
      %swap3A_25 = tpu.vector_load %arg5[%swap3A, %swap3A_24] {strides = array<i32>} : memref<128x16xf32, #tpu.memory_space<vmem>>, vector<1x16xf32>,
      %swap3A_26 = vector.shape_cast %swap3A_25 : vector<1x16xf32> to vector<16xf32>
      %swap3A_27 = vector.shape_cast %broadcast_in_dim3A_0 : vector<16xf32> to vector<1x16xf32>
      tpu.vector_store %arg5[%swap3A, %swap3A_24], %swap3A_27 {strides = array<i32>} : memref<128x16xf32, #tpu.memory_space<vmem>>, vector<1x16xf32>,
      %swap3A_28 = arith.index_cast %scan3A_23 : i32 to index
      %swap3A_29 = arith.constant 0 : index
      %swap3A_30 = tpu.vector_load %arg6[%swap3A_28, %swap3A_29] {strides = array<i32>} : memref<128x16xf32, #tpu.memory_space<vmem>>, vector<1x16xf32>,
      %swap3A_31 = vector.shape_cast %swap3A_30 : vector<1x16xf32> to vector<16xf32>
      %swap3A_32 = vector.shape_cast %broadcast_in_dim3A_2 : vector<16xf32> to vector<1x16xf32>
      tpu.vector_store %arg6[%swap3A_28, %swap3A_29], %swap3A_32 {strides = array<i32>} : memref<128x16xf32, #tpu.memory_space<vmem>>, vector<1x16xf32>,
    }
    %scan3A_7 = arith.constant 128 : i32
    %mul3A = arith.constant 256 : i32
    %mul3A_8 = arith.muli %arg1, %mul3A : i32
    "tpu.region"() ({
      %run_scoped3A = tpu.sem_alloc : memref<!tpu.dma_semaphore, #tpu.memory_space<semaphore_mem>>
      %dma_start3A = arith.constant 0 : i32
      %dma_start3A_23 = tpu.memref_slice %arg7[%mul3A_8, %dma_start3A] : memref<4096x16xf32, #tpu.memory_space<vmem_shared>> -> memref<128x16xf32, #tpu.memory_space<vmem_shared>>
      %dma_start3A_24 = arith.constant 0 : i32
      %dma_start3A_25 = tpu.memref_slice %arg7[%mul3A_8, %dma_start3A_24] : memref<4096x16xf32, #tpu.memory_space<vmem_shared>> -> memref<128x16xf32, #tpu.memory_space<vmem_shared>>
      tpu.enqueue_dma source(%arg6 : memref<128x16xf32, #tpu.memory_space<vmem>>) target(%dma_start3A_25 : memref<128x16xf32, #tpu.memory_space<vmem_shared>>) target_semaphore(%run_scoped3A : memref<!tpu.dma_semaphore, #tpu.memory_space<semaphore_mem>>)
      %dma_wait3A = arith.constant 0 : i32
      %dma_wait3A_26 = tpu.memref_slice %arg7[%mul3A_8, %dma_wait3A] : memref<4096x16xf32, #tpu.memory_space<vmem_shared>> -> memref<128x16xf32, #tpu.memory_space<vmem_shared>>
      %dma_wait3A_27 = arith.constant 0 : i32
      %dma_wait3A_28 = tpu.memref_slice %arg7[%mul3A_8, %dma_wait3A_27] : memref<4096x16xf32, #tpu.memory_space<vmem_shared>> -> memref<128x16xf32, #tpu.memory_space<vmem_shared>>
      tpu.wait_dma2 semaphore(%run_scoped3A : memref<!tpu.dma_semaphore, #tpu.memory_space<semaphore_mem>>) src(%arg6 : memref<128x16xf32, #tpu.memory_space<vmem>>) dst(%dma_wait3A_28 : memref<128x16xf32, #tpu.memory_space<vmem_shared>>)
      tpu.yield
    }) : () -> ()
    %mul3A_9 = arith.constant 256 : i32
    %mul3A_10 = arith.muli %arg1, %mul3A_9 : i32
    %add3A = arith.constant 128 : i32
    %add3A_11 = arith.addi %mul3A_10, %add3A : i32
    "tpu.region"() ({
      %run_scoped3A = tpu.sem_alloc : memref<!tpu.dma_semaphore, #tpu.memory_space<semaphore_mem>>
      %dma_start3A = arith.constant 0 : i32
      %dma_start3A_23 = tpu.memref_slice %arg7[%add3A_11, %dma_start3A] : memref<4096x16xf32, #tpu.memory_space<vmem_shared>> -> memref<128x16xf32, #tpu.memory_space<vmem_shared>>
      %dma_start3A_24 = arith.constant 0 : i32
      %dma_start3A_25 = tpu.memref_slice %arg7[%add3A_11, %dma_start3A_24] : memref<4096x16xf32, #tpu.memory_space<vmem_shared>> -> memref<128x16xf32, #tpu.memory_space<vmem_shared>>
      tpu.enqueue_dma source(%arg6 : memref<128x16xf32, #tpu.memory_space<vmem>>) target(%dma_start3A_25 : memref<128x16xf32, #tpu.memory_space<vmem_shared>>) target_semaphore(%run_scoped3A : memref<!tpu.dma_semaphore, #tpu.memory_space<semaphore_mem>>)
      %dma_wait3A = arith.constant 0 : i32
      %dma_wait3A_26 = tpu.memref_slice %arg7[%add3A_11, %dma_wait3A] : memref<4096x16xf32, #tpu.memory_space<vmem_shared>> -> memref<128x16xf32, #tpu.memory_space<vmem_shared>>
      %dma_wait3A_27 = arith.constant 0 : i32
      %dma_wait3A_28 = tpu.memref_slice %arg7[%add3A_11, %dma_wait3A_27] : memref<4096x16xf32, #tpu.memory_space<vmem_shared>> -> memref<128x16xf32, #tpu.memory_space<vmem_shared>>
      tpu.wait_dma2 semaphore(%run_scoped3A : memref<!tpu.dma_semaphore, #tpu.memory_space<semaphore_mem>>) src(%arg6 : memref<128x16xf32, #tpu.memory_space<vmem>>) dst(%dma_wait3A_28 : memref<128x16xf32, #tpu.memory_space<vmem_shared>>)
      tpu.yield
    }) : () -> ()
    %barrier3A = arith.constant 0 : index
    tpu.barrier barrier_id(%barrier3A)
    %scan3A_12 = arith.constant 0 : i32
    %scan3A_13 = arith.constant 0 : i32
    %scan3A_14 = arith.constant 64 : i32
    %scan3A_15 = arith.addi %scan3A_13, %scan3A_14 : i32
    %scan3A_16 = arith.constant 1 : i32
    scf.for %scan3A_23 = %scan3A_13 to %scan3A_15 step %scan3A_16  : i32 {
      "tpu.region"() ({
        %run_scoped3A = tpu.sem_alloc : memref<!tpu.dma_semaphore, #tpu.memory_space<semaphore_mem>>
        %dma_start3A = arith.constant 0 : i32
        %dma_start3A_24 = tpu.memref_slice %arg4[%scan3A_23, %dma_start3A] : memref<64x128xi32, #tpu.memory_space<vmem>> -> memref<1x128xi32, #tpu.memory_space<vmem>>
        %dma_start3A_25 = tpu.memref_squeeze %dma_start3A_24 : memref<1x128xi32, #tpu.memory_space<vmem>> -> memref<128xi32, #tpu.memory_space<vmem>>
        %dma_start3A_26 = arith.constant 0 : i32
        %dma_start3A_27 = arith.constant 0 : i32
        %dma_start3A_28 = tpu.memref_slice %arg7[%dma_start3A_26, %dma_start3A_27] : memref<4096x16xf32, #tpu.memory_space<vmem_shared>> -> memref<4096x16xf32, #tpu.memory_space<vmem_shared>>
        tpu.enqueue_indirect_dma source(%arg5 : memref<128x16xf32, #tpu.memory_space<vmem>>) target(%dma_start3A_28 : memref<4096x16xf32, #tpu.memory_space<vmem_shared>>) offsets(%dma_start3A_25 : memref<128xi32, #tpu.memory_space<vmem>>) semaphore(%run_scoped3A : memref<!tpu.dma_semaphore, #tpu.memory_space<semaphore_mem>>) {add = true}
        %dma_wait3A = arith.constant 0 : i32
        %dma_wait3A_29 = tpu.memref_slice %arg4[%scan3A_23, %dma_wait3A] : memref<64x128xi32, #tpu.memory_space<vmem>> -> memref<1x128xi32, #tpu.memory_space<vmem>>
        %dma_wait3A_30 = tpu.memref_squeeze %dma_wait3A_29 : memref<1x128xi32, #tpu.memory_space<vmem>> -> memref<128xi32, #tpu.memory_space<vmem>>
        %dma_wait3A_31 = arith.constant 0 : i32
        %dma_wait3A_32 = arith.constant 0 : i32
        %dma_wait3A_33 = tpu.memref_slice %arg7[%dma_wait3A_31, %dma_wait3A_32] : memref<4096x16xf32, #tpu.memory_space<vmem_shared>> -> memref<4096x16xf32, #tpu.memory_space<vmem_shared>>
        tpu.wait_indirect_dma semaphore(%run_scoped3A : memref<!tpu.dma_semaphore, #tpu.memory_space<semaphore_mem>>) src(%arg5 : memref<128x16xf32, #tpu.memory_space<vmem>>) dst(%dma_wait3A_33 : memref<4096x16xf32, #tpu.memory_space<vmem_shared>>)
        tpu.yield
      }) : () -> ()
    }
    %scan3A_17 = arith.constant 64 : i32
    %barrier3A_18 = arith.constant 0 : index
    tpu.barrier barrier_id(%barrier3A_18)
    %mul3A_19 = arith.constant 256 : i32
    %mul3A_20 = arith.muli %arg1, %mul3A_19 : i32
    %mul3A_21 = arith.constant 256 : i32
    %mul3A_22 = arith.muli %arg1, %mul3A_21 : i32
    "tpu.region"() ({
      %run_scoped3A = tpu.sem_alloc : memref<!tpu.dma_semaphore, #tpu.memory_space<semaphore_mem>>
      %dma_start3A = arith.constant 0 : i32
      %dma_start3A_23 = tpu.memref_slice %arg3[%arg0, %mul3A_22, %dma_start3A] : memref<2x4096x16xf32, #tpu.memory_space<hbm>> -> memref<1x256x16xf32, #tpu.memory_space<hbm>>
      %dma_start3A_24 = tpu.memref_squeeze %dma_start3A_23 : memref<1x256x16xf32, #tpu.memory_space<hbm>> -> memref<256x16xf32, #tpu.memory_space<hbm>>
      %dma_start3A_25 = arith.constant 0 : i32
      %dma_start3A_26 = tpu.memref_slice %arg7[%mul3A_20, %dma_start3A_25] : memref<4096x16xf32, #tpu.memory_space<vmem_shared>> -> memref<256x16xf32, #tpu.memory_space<vmem_shared>>
      tpu.enqueue_dma source(%dma_start3A_26 : memref<256x16xf32, #tpu.memory_space<vmem_shared>>) target(%dma_start3A_24 : memref<256x16xf32, #tpu.memory_space<hbm>>) target_semaphore(%run_scoped3A : memref<!tpu.dma_semaphore, #tpu.memory_space<semaphore_mem>>)
      %dma_wait3A = arith.constant 0 : i32
      %dma_wait3A_27 = tpu.memref_slice %arg3[%arg0, %mul3A_22, %dma_wait3A] : memref<2x4096x16xf32, #tpu.memory_space<hbm>> -> memref<1x256x16xf32, #tpu.memory_space<hbm>>
      %dma_wait3A_28 = tpu.memref_squeeze %dma_wait3A_27 : memref<1x256x16xf32, #tpu.memory_space<hbm>> -> memref<256x16xf32, #tpu.memory_space<hbm>>
      %dma_wait3A_29 = arith.constant 0 : i32
      %dma_wait3A_30 = tpu.memref_slice %arg7[%mul3A_20, %dma_wait3A_29] : memref<4096x16xf32, #tpu.memory_space<vmem_shared>> -> memref<256x16xf32, #tpu.memory_space<vmem_shared>>
      tpu.wait_dma2 semaphore(%run_scoped3A : memref<!tpu.dma_semaphore, #tpu.memory_space<semaphore_mem>>) src(%dma_wait3A_30 : memref<256x16xf32, #tpu.memory_space<vmem_shared>>) dst(%dma_wait3A_28 : memref<256x16xf32, #tpu.memory_space<hbm>>)
      tpu.yield
    }) : () -> ()
    return
  }
}

#map = affine_map<(d0, d1) -> (0, 0)>
#map1 = affine_map<(d0, d1) -> (0, 0, 0, 0)>
#map2 = affine_map<(d0, d1) -> (0, 0, 0)>
module attributes {stable_mosaic.version = 14 : i64} {
  func.func @body(%arg0: i32, %arg1: i32, %arg2: memref<8192x64xf32, #tpu.memory_space<hbm>>, %arg3: memref<2x16x128x64xi32, #tpu.memory_space<hbm>>, %arg4: memref<2x16x128x64xi32, #tpu.memory_space<hbm>>, %arg5: memref<8192x64xf32, #tpu.memory_space<hbm>>, %arg6: memref<2x16x2x128xi32, #tpu.memory_space<hbm>>, %arg7: memref<2x10240x64xf32, #tpu.memory_space<hbm>>, %arg8: memref<128x64xi32, #tpu.memory_space<vmem>>, %arg9: memref<128x64xi32, #tpu.memory_space<vmem>>, %arg10: memref<2x128xi32, #tpu.memory_space<vmem>>, %arg11: memref<128x64xf32, #tpu.memory_space<vmem>>, %arg12: memref<128x64xf32, #tpu.memory_space<vmem>>, %arg13: memref<128x64xf32, #tpu.memory_space<vmem>>, %arg14: memref<128x64xf32, #tpu.memory_space<vmem>>, %arg15: memref<64x64xf32, #tpu.memory_space<vmem>>, %arg16: memref<64x64xf32, #tpu.memory_space<vmem>>, %arg17: memref<64x64xf32, #tpu.memory_space<vmem>>, %arg18: memref<64x64xf32, #tpu.memory_space<vmem>>, %arg19: memref<4096x64xf32, #tpu.memory_space<vmem_shared>>, %arg20: memref<10240x64xf32, #tpu.memory_space<vmem_shared>>, %arg21: memref<!tpu.dma_semaphore, #tpu.memory_space<semaphore_mem>>, %arg22: memref<!tpu.dma_semaphore, #tpu.memory_space<semaphore_mem>>, %arg23: memref<!tpu.dma_semaphore, #tpu.memory_space<semaphore_mem>>, %arg24: memref<!tpu.dma_semaphore, #tpu.memory_space<semaphore_mem>>, %arg25: memref<!tpu.dma_semaphore, #tpu.memory_space<semaphore_mem>>, %arg26: memref<!tpu.dma_semaphore, #tpu.memory_space<semaphore_mem>>, %arg27: memref<!tpu.dma_semaphore, #tpu.memory_space<semaphore_mem>>, %arg28: memref<!tpu.dma_semaphore, #tpu.memory_space<semaphore_mem>>) attributes {dimension_semantics = [#tpu.dimension_semantics<core_parallel>, #tpu.dimension_semantics<subcore_parallel>], iteration_bounds = array<i64: 2, 16>, scalar_prefetch = 0 : i64, scratch_operands = 21 : i64, tpu.core_type = #tpu.core_type<sc_vector_subcore>, window_params = [{transform_indices = #map}, {transform_indices = #map1}, {transform_indices = #map1}, {transform_indices = #map}, {transform_indices = #map1}, {transform_indices = #map2}]} {
    "tpu.region"() ({
      %run_scoped3A_132 = tpu.sem_alloc : memref<!tpu.dma_semaphore, #tpu.memory_space<semaphore_mem>>
      %dma_start3A_133 = arith.constant 0 : i32
      %dma_start3A_134 = arith.constant 0 : i32
      %dma_start3A_135 = tpu.memref_slice %arg3[%arg0, %arg1, %dma_start3A_133, %dma_start3A_134] : memref<2x16x128x64xi32, #tpu.memory_space<hbm>> -> memref<1x1x128x64xi32, #tpu.memory_space<hbm>>
      %dma_start3A_136 = tpu.memref_squeeze %dma_start3A_135 : memref<1x1x128x64xi32, #tpu.memory_space<hbm>> -> memref<128x64xi32, #tpu.memory_space<hbm>>
      %dma_start3A_137 = arith.constant 0 : i32
      %dma_start3A_138 = arith.constant 0 : i32
      %dma_start3A_139 = tpu.memref_slice %arg3[%arg0, %arg1, %dma_start3A_137, %dma_start3A_138] : memref<2x16x128x64xi32, #tpu.memory_space<hbm>> -> memref<1x1x128x64xi32, #tpu.memory_space<hbm>>
      %dma_start3A_140 = tpu.memref_squeeze %dma_start3A_139 : memref<1x1x128x64xi32, #tpu.memory_space<hbm>> -> memref<128x64xi32, #tpu.memory_space<hbm>>
      tpu.enqueue_dma source(%dma_start3A_140 : memref<128x64xi32, #tpu.memory_space<hbm>>) target(%arg8 : memref<128x64xi32, #tpu.memory_space<vmem>>) target_semaphore(%run_scoped3A_132 : memref<!tpu.dma_semaphore, #tpu.memory_space<semaphore_mem>>)
      %dma_wait3A = arith.constant 0 : i32
      %dma_wait3A_141 = arith.constant 0 : i32
      %dma_wait3A_142 = tpu.memref_slice %arg3[%arg0, %arg1, %dma_wait3A, %dma_wait3A_141] : memref<2x16x128x64xi32, #tpu.memory_space<hbm>> -> memref<1x1x128x64xi32, #tpu.memory_space<hbm>>
      %dma_wait3A_143 = tpu.memref_squeeze %dma_wait3A_142 : memref<1x1x128x64xi32, #tpu.memory_space<hbm>> -> memref<128x64xi32, #tpu.memory_space<hbm>>
      %dma_wait3A_144 = arith.constant 0 : i32
      %dma_wait3A_145 = arith.constant 0 : i32
      %dma_wait3A_146 = tpu.memref_slice %arg3[%arg0, %arg1, %dma_wait3A_144, %dma_wait3A_145] : memref<2x16x128x64xi32, #tpu.memory_space<hbm>> -> memref<1x1x128x64xi32, #tpu.memory_space<hbm>>
      %dma_wait3A_147 = tpu.memref_squeeze %dma_wait3A_146 : memref<1x1x128x64xi32, #tpu.memory_space<hbm>> -> memref<128x64xi32, #tpu.memory_space<hbm>>
      tpu.wait_dma2 semaphore(%run_scoped3A_132 : memref<!tpu.dma_semaphore, #tpu.memory_space<semaphore_mem>>) src(%dma_wait3A_147 : memref<128x64xi32, #tpu.memory_space<hbm>>) dst(%arg8 : memref<128x64xi32, #tpu.memory_space<vmem>>)
      tpu.yield
    }) : () -> ()
    "tpu.region"() ({
      %run_scoped3A_132 = tpu.sem_alloc : memref<!tpu.dma_semaphore, #tpu.memory_space<semaphore_mem>>
      %dma_start3A_133 = arith.constant 0 : i32
      %dma_start3A_134 = arith.constant 0 : i32
      %dma_start3A_135 = tpu.memref_slice %arg4[%arg0, %arg1, %dma_start3A_133, %dma_start3A_134] : memref<2x16x128x64xi32, #tpu.memory_space<hbm>> -> memref<1x1x128x64xi32, #tpu.memory_space<hbm>>
      %dma_start3A_136 = tpu.memref_squeeze %dma_start3A_135 : memref<1x1x128x64xi32, #tpu.memory_space<hbm>> -> memref<128x64xi32, #tpu.memory_space<hbm>>
      %dma_start3A_137 = arith.constant 0 : i32
      %dma_start3A_138 = arith.constant 0 : i32
      %dma_start3A_139 = tpu.memref_slice %arg4[%arg0, %arg1, %dma_start3A_137, %dma_start3A_138] : memref<2x16x128x64xi32, #tpu.memory_space<hbm>> -> memref<1x1x128x64xi32, #tpu.memory_space<hbm>>
      %dma_start3A_140 = tpu.memref_squeeze %dma_start3A_139 : memref<1x1x128x64xi32, #tpu.memory_space<hbm>> -> memref<128x64xi32, #tpu.memory_space<hbm>>
      tpu.enqueue_dma source(%dma_start3A_140 : memref<128x64xi32, #tpu.memory_space<hbm>>) target(%arg9 : memref<128x64xi32, #tpu.memory_space<vmem>>) target_semaphore(%run_scoped3A_132 : memref<!tpu.dma_semaphore, #tpu.memory_space<semaphore_mem>>)
      %dma_wait3A = arith.constant 0 : i32
      %dma_wait3A_141 = arith.constant 0 : i32
      %dma_wait3A_142 = tpu.memref_slice %arg4[%arg0, %arg1, %dma_wait3A, %dma_wait3A_141] : memref<2x16x128x64xi32, #tpu.memory_space<hbm>> -> memref<1x1x128x64xi32, #tpu.memory_space<hbm>>
      %dma_wait3A_143 = tpu.memref_squeeze %dma_wait3A_142 : memref<1x1x128x64xi32, #tpu.memory_space<hbm>> -> memref<128x64xi32, #tpu.memory_space<hbm>>
      %dma_wait3A_144 = arith.constant 0 : i32
      %dma_wait3A_145 = arith.constant 0 : i32
      %dma_wait3A_146 = tpu.memref_slice %arg4[%arg0, %arg1, %dma_wait3A_144, %dma_wait3A_145] : memref<2x16x128x64xi32, #tpu.memory_space<hbm>> -> memref<1x1x128x64xi32, #tpu.memory_space<hbm>>
      %dma_wait3A_147 = tpu.memref_squeeze %dma_wait3A_146 : memref<1x1x128x64xi32, #tpu.memory_space<hbm>> -> memref<128x64xi32, #tpu.memory_space<hbm>>
      tpu.wait_dma2 semaphore(%run_scoped3A_132 : memref<!tpu.dma_semaphore, #tpu.memory_space<semaphore_mem>>) src(%dma_wait3A_147 : memref<128x64xi32, #tpu.memory_space<hbm>>) dst(%arg9 : memref<128x64xi32, #tpu.memory_space<vmem>>)
      tpu.yield
    }) : () -> ()
    "tpu.region"() ({
      %run_scoped3A_132 = tpu.sem_alloc : memref<!tpu.dma_semaphore, #tpu.memory_space<semaphore_mem>>
      %dma_start3A_133 = arith.constant 0 : i32
      %dma_start3A_134 = arith.constant 0 : i32
      %dma_start3A_135 = tpu.memref_slice %arg6[%arg0, %arg1, %dma_start3A_133, %dma_start3A_134] : memref<2x16x2x128xi32, #tpu.memory_space<hbm>> -> memref<1x1x2x128xi32, #tpu.memory_space<hbm>>
      %dma_start3A_136 = tpu.memref_squeeze %dma_start3A_135 : memref<1x1x2x128xi32, #tpu.memory_space<hbm>> -> memref<2x128xi32, #tpu.memory_space<hbm>>
      %dma_start3A_137 = arith.constant 0 : i32
      %dma_start3A_138 = arith.constant 0 : i32
      %dma_start3A_139 = tpu.memref_slice %arg6[%arg0, %arg1, %dma_start3A_137, %dma_start3A_138] : memref<2x16x2x128xi32, #tpu.memory_space<hbm>> -> memref<1x1x2x128xi32, #tpu.memory_space<hbm>>
      %dma_start3A_140 = tpu.memref_squeeze %dma_start3A_139 : memref<1x1x2x128xi32, #tpu.memory_space<hbm>> -> memref<2x128xi32, #tpu.memory_space<hbm>>
      tpu.enqueue_dma source(%dma_start3A_140 : memref<2x128xi32, #tpu.memory_space<hbm>>) target(%arg10 : memref<2x128xi32, #tpu.memory_space<vmem>>) target_semaphore(%run_scoped3A_132 : memref<!tpu.dma_semaphore, #tpu.memory_space<semaphore_mem>>)
      %dma_wait3A = arith.constant 0 : i32
      %dma_wait3A_141 = arith.constant 0 : i32
      %dma_wait3A_142 = tpu.memref_slice %arg6[%arg0, %arg1, %dma_wait3A, %dma_wait3A_141] : memref<2x16x2x128xi32, #tpu.memory_space<hbm>> -> memref<1x1x2x128xi32, #tpu.memory_space<hbm>>
      %dma_wait3A_143 = tpu.memref_squeeze %dma_wait3A_142 : memref<1x1x2x128xi32, #tpu.memory_space<hbm>> -> memref<2x128xi32, #tpu.memory_space<hbm>>
      %dma_wait3A_144 = arith.constant 0 : i32
      %dma_wait3A_145 = arith.constant 0 : i32
      %dma_wait3A_146 = tpu.memref_slice %arg6[%arg0, %arg1, %dma_wait3A_144, %dma_wait3A_145] : memref<2x16x2x128xi32, #tpu.memory_space<hbm>> -> memref<1x1x2x128xi32, #tpu.memory_space<hbm>>
      %dma_wait3A_147 = tpu.memref_squeeze %dma_wait3A_146 : memref<1x1x2x128xi32, #tpu.memory_space<hbm>> -> memref<2x128xi32, #tpu.memory_space<hbm>>
      tpu.wait_dma2 semaphore(%run_scoped3A_132 : memref<!tpu.dma_semaphore, #tpu.memory_space<semaphore_mem>>) src(%dma_wait3A_147 : memref<2x128xi32, #tpu.memory_space<hbm>>) dst(%arg10 : memref<2x128xi32, #tpu.memory_space<vmem>>)
      tpu.yield
    }) : () -> ()
    %broadcast_in_dim3A = arith.constant 0.000000e+00 : f32
    %broadcast_in_dim3A_0 = vector.broadcast %broadcast_in_dim3A : f32 to vector<16xf32>
    %scan3A = arith.constant 0 : i32
    %scan3A_1 = arith.constant 0 : i32
    %scan3A_2 = arith.constant 64 : i32
    %scan3A_3 = arith.addi %scan3A_1, %scan3A_2 : i32
    %scan3A_4 = arith.constant 1 : i32
    scf.for %scan3A_132 = %scan3A_1 to %scan3A_3 step %scan3A_4  : i32 {
      %swap3A = arith.index_cast %scan3A_132 : i32 to index
      %swap3A_133 = arith.constant 0 : index
      %swap3A_134 = tpu.vector_load %arg15[%swap3A, %swap3A_133] {strides = array<i32>} : memref<64x64xf32, #tpu.memory_space<vmem>>, vector<1x16xf32>,
      %swap3A_135 = vector.shape_cast %swap3A_134 : vector<1x16xf32> to vector<16xf32>
      %swap3A_136 = vector.shape_cast %broadcast_in_dim3A_0 : vector<16xf32> to vector<1x16xf32>
      tpu.vector_store %arg15[%swap3A, %swap3A_133], %swap3A_136 {strides = array<i32>} : memref<64x64xf32, #tpu.memory_space<vmem>>, vector<1x16xf32>,
      %swap3A_137 = arith.index_cast %scan3A_132 : i32 to index
      %swap3A_138 = arith.constant 16 : index
      %swap3A_139 = tpu.vector_load %arg15[%swap3A_137, %swap3A_138] {strides = array<i32>} : memref<64x64xf32, #tpu.memory_space<vmem>>, vector<1x16xf32>,
      %swap3A_140 = vector.shape_cast %swap3A_139 : vector<1x16xf32> to vector<16xf32>
      %swap3A_141 = vector.shape_cast %broadcast_in_dim3A_0 : vector<16xf32> to vector<1x16xf32>
      tpu.vector_store %arg15[%swap3A_137, %swap3A_138], %swap3A_141 {strides = array<i32>} : memref<64x64xf32, #tpu.memory_space<vmem>>, vector<1x16xf32>,
      %swap3A_142 = arith.index_cast %scan3A_132 : i32 to index
      %swap3A_143 = arith.constant 32 : index
      %swap3A_144 = tpu.vector_load %arg15[%swap3A_142, %swap3A_143] {strides = array<i32>} : memref<64x64xf32, #tpu.memory_space<vmem>>, vector<1x16xf32>,
      %swap3A_145 = vector.shape_cast %swap3A_144 : vector<1x16xf32> to vector<16xf32>
      %swap3A_146 = vector.shape_cast %broadcast_in_dim3A_0 : vector<16xf32> to vector<1x16xf32>
      tpu.vector_store %arg15[%swap3A_142, %swap3A_143], %swap3A_146 {strides = array<i32>} : memref<64x64xf32, #tpu.memory_space<vmem>>, vector<1x16xf32>,
      %swap3A_147 = arith.index_cast %scan3A_132 : i32 to index
      %swap3A_148 = arith.constant 48 : index
      %swap3A_149 = tpu.vector_load %arg15[%swap3A_147, %swap3A_148] {strides = array<i32>} : memref<64x64xf32, #tpu.memory_space<vmem>>, vector<1x16xf32>,
      %swap3A_150 = vector.shape_cast %swap3A_149 : vector<1x16xf32> to vector<16xf32>
      %swap3A_151 = vector.shape_cast %broadcast_in_dim3A_0 : vector<16xf32> to vector<1x16xf32>
      tpu.vector_store %arg15[%swap3A_147, %swap3A_148], %swap3A_151 {strides = array<i32>} : memref<64x64xf32, #tpu.memory_space<vmem>>, vector<1x16xf32>,
    }
    %scan3A_5 = arith.constant 64 : i32
    %mul3A = arith.constant 256 : i32
    %mul3A_6 = arith.muli %arg1, %mul3A : i32
    %add3A = arith.constant 0 : i32
    %add3A_7 = arith.addi %mul3A_6, %add3A : i32
    "tpu.region"() ({
      %run_scoped3A_132 = tpu.sem_alloc : memref<!tpu.dma_semaphore, #tpu.memory_space<semaphore_mem>>
      %dma_start3A_133 = arith.constant 0 : i32
      %dma_start3A_134 = tpu.memref_slice %arg19[%add3A_7, %dma_start3A_133] : memref<4096x64xf32, #tpu.memory_space<vmem_shared>> -> memref<64x64xf32, #tpu.memory_space<vmem_shared>>
      %dma_start3A_135 = arith.constant 0 : i32
      %dma_start3A_136 = tpu.memref_slice %arg19[%add3A_7, %dma_start3A_135] : memref<4096x64xf32, #tpu.memory_space<vmem_shared>> -> memref<64x64xf32, #tpu.memory_space<vmem_shared>>
      tpu.enqueue_dma source(%arg15 : memref<64x64xf32, #tpu.memory_space<vmem>>) target(%dma_start3A_136 : memref<64x64xf32, #tpu.memory_space<vmem_shared>>) target_semaphore(%run_scoped3A_132 : memref<!tpu.dma_semaphore, #tpu.memory_space<semaphore_mem>>)
      %dma_wait3A = arith.constant 0 : i32
      %dma_wait3A_137 = tpu.memref_slice %arg19[%add3A_7, %dma_wait3A] : memref<4096x64xf32, #tpu.memory_space<vmem_shared>> -> memref<64x64xf32, #tpu.memory_space<vmem_shared>>
      %dma_wait3A_138 = arith.constant 0 : i32
      %dma_wait3A_139 = tpu.memref_slice %arg19[%add3A_7, %dma_wait3A_138] : memref<4096x64xf32, #tpu.memory_space<vmem_shared>> -> memref<64x64xf32, #tpu.memory_space<vmem_shared>>
      tpu.wait_dma2 semaphore(%run_scoped3A_132 : memref<!tpu.dma_semaphore, #tpu.memory_space<semaphore_mem>>) src(%arg15 : memref<64x64xf32, #tpu.memory_space<vmem>>) dst(%dma_wait3A_139 : memref<64x64xf32, #tpu.memory_space<vmem_shared>>)
      tpu.yield
    }) : () -> ()
    %mul3A_8 = arith.constant 256 : i32
    %mul3A_9 = arith.muli %arg1, %mul3A_8 : i32
    %add3A_10 = arith.constant 64 : i32
    %add3A_11 = arith.addi %mul3A_9, %add3A_10 : i32
    "tpu.region"() ({
      %run_scoped3A_132 = tpu.sem_alloc : memref<!tpu.dma_semaphore, #tpu.memory_space<semaphore_mem>>
      %dma_start3A_133 = arith.constant 0 : i32
      %dma_start3A_134 = tpu.memref_slice %arg19[%add3A_11, %dma_start3A_133] : memref<4096x64xf32, #tpu.memory_space<vmem_shared>> -> memref<64x64xf32, #tpu.memory_space<vmem_shared>>
      %dma_start3A_135 = arith.constant 0 : i32
      %dma_start3A_136 = tpu.memref_slice %arg19[%add3A_11, %dma_start3A_135] : memref<4096x64xf32, #tpu.memory_space<vmem_shared>> -> memref<64x64xf32, #tpu.memory_space<vmem_shared>>
      tpu.enqueue_dma source(%arg15 : memref<64x64xf32, #tpu.memory_space<vmem>>) target(%dma_start3A_136 : memref<64x64xf32, #tpu.memory_space<vmem_shared>>) target_semaphore(%run_scoped3A_132 : memref<!tpu.dma_semaphore, #tpu.memory_space<semaphore_mem>>)
      %dma_wait3A = arith.constant 0 : i32
      %dma_wait3A_137 = tpu.memref_slice %arg19[%add3A_11, %dma_wait3A] : memref<4096x64xf32, #tpu.memory_space<vmem_shared>> -> memref<64x64xf32, #tpu.memory_space<vmem_shared>>
      %dma_wait3A_138 = arith.constant 0 : i32
      %dma_wait3A_139 = tpu.memref_slice %arg19[%add3A_11, %dma_wait3A_138] : memref<4096x64xf32, #tpu.memory_space<vmem_shared>> -> memref<64x64xf32, #tpu.memory_space<vmem_shared>>
      tpu.wait_dma2 semaphore(%run_scoped3A_132 : memref<!tpu.dma_semaphore, #tpu.memory_space<semaphore_mem>>) src(%arg15 : memref<64x64xf32, #tpu.memory_space<vmem>>) dst(%dma_wait3A_139 : memref<64x64xf32, #tpu.memory_space<vmem_shared>>)
      tpu.yield
    }) : () -> ()
    %mul3A_12 = arith.constant 256 : i32
    %mul3A_13 = arith.muli %arg1, %mul3A_12 : i32
    %add3A_14 = arith.constant 128 : i32
    %add3A_15 = arith.addi %mul3A_13, %add3A_14 : i32
    "tpu.region"() ({
      %run_scoped3A_132 = tpu.sem_alloc : memref<!tpu.dma_semaphore, #tpu.memory_space<semaphore_mem>>
      %dma_start3A_133 = arith.constant 0 : i32
      %dma_start3A_134 = tpu.memref_slice %arg19[%add3A_15, %dma_start3A_133] : memref<4096x64xf32, #tpu.memory_space<vmem_shared>> -> memref<64x64xf32, #tpu.memory_space<vmem_shared>>
      %dma_start3A_135 = arith.constant 0 : i32
      %dma_start3A_136 = tpu.memref_slice %arg19[%add3A_15, %dma_start3A_135] : memref<4096x64xf32, #tpu.memory_space<vmem_shared>> -> memref<64x64xf32, #tpu.memory_space<vmem_shared>>
      tpu.enqueue_dma source(%arg15 : memref<64x64xf32, #tpu.memory_space<vmem>>) target(%dma_start3A_136 : memref<64x64xf32, #tpu.memory_space<vmem_shared>>) target_semaphore(%run_scoped3A_132 : memref<!tpu.dma_semaphore, #tpu.memory_space<semaphore_mem>>)
      %dma_wait3A = arith.constant 0 : i32
      %dma_wait3A_137 = tpu.memref_slice %arg19[%add3A_15, %dma_wait3A] : memref<4096x64xf32, #tpu.memory_space<vmem_shared>> -> memref<64x64xf32, #tpu.memory_space<vmem_shared>>
      %dma_wait3A_138 = arith.constant 0 : i32
      %dma_wait3A_139 = tpu.memref_slice %arg19[%add3A_15, %dma_wait3A_138] : memref<4096x64xf32, #tpu.memory_space<vmem_shared>> -> memref<64x64xf32, #tpu.memory_space<vmem_shared>>
      tpu.wait_dma2 semaphore(%run_scoped3A_132 : memref<!tpu.dma_semaphore, #tpu.memory_space<semaphore_mem>>) src(%arg15 : memref<64x64xf32, #tpu.memory_space<vmem>>) dst(%dma_wait3A_139 : memref<64x64xf32, #tpu.memory_space<vmem_shared>>)
      tpu.yield
    }) : () -> ()
    %mul3A_16 = arith.constant 256 : i32
    %mul3A_17 = arith.muli %arg1, %mul3A_16 : i32
    %add3A_18 = arith.constant 192 : i32
    %add3A_19 = arith.addi %mul3A_17, %add3A_18 : i32
    "tpu.region"() ({
      %run_scoped3A_132 = tpu.sem_alloc : memref<!tpu.dma_semaphore, #tpu.memory_space<semaphore_mem>>
      %dma_start3A_133 = arith.constant 0 : i32
      %dma_start3A_134 = tpu.memref_slice %arg19[%add3A_19, %dma_start3A_133] : memref<4096x64xf32, #tpu.memory_space<vmem_shared>> -> memref<64x64xf32, #tpu.memory_space<vmem_shared>>
      %dma_start3A_135 = arith.constant 0 : i32
      %dma_start3A_136 = tpu.memref_slice %arg19[%add3A_19, %dma_start3A_135] : memref<4096x64xf32, #tpu.memory_space<vmem_shared>> -> memref<64x64xf32, #tpu.memory_space<vmem_shared>>
      tpu.enqueue_dma source(%arg15 : memref<64x64xf32, #tpu.memory_space<vmem>>) target(%dma_start3A_136 : memref<64x64xf32, #tpu.memory_space<vmem_shared>>) target_semaphore(%run_scoped3A_132 : memref<!tpu.dma_semaphore, #tpu.memory_space<semaphore_mem>>)
      %dma_wait3A = arith.constant 0 : i32
      %dma_wait3A_137 = tpu.memref_slice %arg19[%add3A_19, %dma_wait3A] : memref<4096x64xf32, #tpu.memory_space<vmem_shared>> -> memref<64x64xf32, #tpu.memory_space<vmem_shared>>
      %dma_wait3A_138 = arith.constant 0 : i32
      %dma_wait3A_139 = tpu.memref_slice %arg19[%add3A_19, %dma_wait3A_138] : memref<4096x64xf32, #tpu.memory_space<vmem_shared>> -> memref<64x64xf32, #tpu.memory_space<vmem_shared>>
      tpu.wait_dma2 semaphore(%run_scoped3A_132 : memref<!tpu.dma_semaphore, #tpu.memory_space<semaphore_mem>>) src(%arg15 : memref<64x64xf32, #tpu.memory_space<vmem>>) dst(%dma_wait3A_139 : memref<64x64xf32, #tpu.memory_space<vmem_shared>>)
      tpu.yield
    }) : () -> ()
    %mul3A_20 = arith.constant 640 : i32
    %mul3A_21 = arith.muli %arg1, %mul3A_20 : i32
    %add3A_22 = arith.constant 0 : i32
    %add3A_23 = arith.addi %mul3A_21, %add3A_22 : i32
    "tpu.region"() ({
      %run_scoped3A_132 = tpu.sem_alloc : memref<!tpu.dma_semaphore, #tpu.memory_space<semaphore_mem>>
      %dma_start3A_133 = arith.constant 0 : i32
      %dma_start3A_134 = tpu.memref_slice %arg20[%add3A_23, %dma_start3A_133] : memref<10240x64xf32, #tpu.memory_space<vmem_shared>> -> memref<64x64xf32, #tpu.memory_space<vmem_shared>>
      %dma_start3A_135 = arith.constant 0 : i32
      %dma_start3A_136 = tpu.memref_slice %arg20[%add3A_23, %dma_start3A_135] : memref<10240x64xf32, #tpu.memory_space<vmem_shared>> -> memref<64x64xf32, #tpu.memory_space<vmem_shared>>
      tpu.enqueue_dma source(%arg15 : memref<64x64xf32, #tpu.memory_space<vmem>>) target(%dma_start3A_136 : memref<64x64xf32, #tpu.memory_space<vmem_shared>>) target_semaphore(%run_scoped3A_132 : memref<!tpu.dma_semaphore, #tpu.memory_space<semaphore_mem>>)
      %dma_wait3A = arith.constant 0 : i32
      %dma_wait3A_137 = tpu.memref_slice %arg20[%add3A_23, %dma_wait3A] : memref<10240x64xf32, #tpu.memory_space<vmem_shared>> -> memref<64x64xf32, #tpu.memory_space<vmem_shared>>
      %dma_wait3A_138 = arith.constant 0 : i32
      %dma_wait3A_139 = tpu.memref_slice %arg20[%add3A_23, %dma_wait3A_138] : memref<10240x64xf32, #tpu.memory_space<vmem_shared>> -> memref<64x64xf32, #tpu.memory_space<vmem_shared>>
      tpu.wait_dma2 semaphore(%run_scoped3A_132 : memref<!tpu.dma_semaphore, #tpu.memory_space<semaphore_mem>>) src(%arg15 : memref<64x64xf32, #tpu.memory_space<vmem>>) dst(%dma_wait3A_139 : memref<64x64xf32, #tpu.memory_space<vmem_shared>>)
      tpu.yield
    }) : () -> ()
    %mul3A_24 = arith.constant 640 : i32
    %mul3A_25 = arith.muli %arg1, %mul3A_24 : i32
    %add3A_26 = arith.constant 64 : i32
    %add3A_27 = arith.addi %mul3A_25, %add3A_26 : i32
    "tpu.region"() ({
      %run_scoped3A_132 = tpu.sem_alloc : memref<!tpu.dma_semaphore, #tpu.memory_space<semaphore_mem>>
      %dma_start3A_133 = arith.constant 0 : i32
      %dma_start3A_134 = tpu.memref_slice %arg20[%add3A_27, %dma_start3A_133] : memref<10240x64xf32, #tpu.memory_space<vmem_shared>> -> memref<64x64xf32, #tpu.memory_space<vmem_shared>>
      %dma_start3A_135 = arith.constant 0 : i32
      %dma_start3A_136 = tpu.memref_slice %arg20[%add3A_27, %dma_start3A_135] : memref<10240x64xf32, #tpu.memory_space<vmem_shared>> -> memref<64x64xf32, #tpu.memory_space<vmem_shared>>
      tpu.enqueue_dma source(%arg15 : memref<64x64xf32, #tpu.memory_space<vmem>>) target(%dma_start3A_136 : memref<64x64xf32, #tpu.memory_space<vmem_shared>>) target_semaphore(%run_scoped3A_132 : memref<!tpu.dma_semaphore, #tpu.memory_space<semaphore_mem>>)
      %dma_wait3A = arith.constant 0 : i32
      %dma_wait3A_137 = tpu.memref_slice %arg20[%add3A_27, %dma_wait3A] : memref<10240x64xf32, #tpu.memory_space<vmem_shared>> -> memref<64x64xf32, #tpu.memory_space<vmem_shared>>
      %dma_wait3A_138 = arith.constant 0 : i32
      %dma_wait3A_139 = tpu.memref_slice %arg20[%add3A_27, %dma_wait3A_138] : memref<10240x64xf32, #tpu.memory_space<vmem_shared>> -> memref<64x64xf32, #tpu.memory_space<vmem_shared>>
      tpu.wait_dma2 semaphore(%run_scoped3A_132 : memref<!tpu.dma_semaphore, #tpu.memory_space<semaphore_mem>>) src(%arg15 : memref<64x64xf32, #tpu.memory_space<vmem>>) dst(%dma_wait3A_139 : memref<64x64xf32, #tpu.memory_space<vmem_shared>>)
      tpu.yield
    }) : () -> ()
    %mul3A_28 = arith.constant 640 : i32
    %mul3A_29 = arith.muli %arg1, %mul3A_28 : i32
    %add3A_30 = arith.constant 128 : i32
    %add3A_31 = arith.addi %mul3A_29, %add3A_30 : i32
    "tpu.region"() ({
      %run_scoped3A_132 = tpu.sem_alloc : memref<!tpu.dma_semaphore, #tpu.memory_space<semaphore_mem>>
      %dma_start3A_133 = arith.constant 0 : i32
      %dma_start3A_134 = tpu.memref_slice %arg20[%add3A_31, %dma_start3A_133] : memref<10240x64xf32, #tpu.memory_space<vmem_shared>> -> memref<64x64xf32, #tpu.memory_space<vmem_shared>>
      %dma_start3A_135 = arith.constant 0 : i32
      %dma_start3A_136 = tpu.memref_slice %arg20[%add3A_31, %dma_start3A_135] : memref<10240x64xf32, #tpu.memory_space<vmem_shared>> -> memref<64x64xf32, #tpu.memory_space<vmem_shared>>
      tpu.enqueue_dma source(%arg15 : memref<64x64xf32, #tpu.memory_space<vmem>>) target(%dma_start3A_136 : memref<64x64xf32, #tpu.memory_space<vmem_shared>>) target_semaphore(%run_scoped3A_132 : memref<!tpu.dma_semaphore, #tpu.memory_space<semaphore_mem>>)
      %dma_wait3A = arith.constant 0 : i32
      %dma_wait3A_137 = tpu.memref_slice %arg20[%add3A_31, %dma_wait3A] : memref<10240x64xf32, #tpu.memory_space<vmem_shared>> -> memref<64x64xf32, #tpu.memory_space<vmem_shared>>
      %dma_wait3A_138 = arith.constant 0 : i32
      %dma_wait3A_139 = tpu.memref_slice %arg20[%add3A_31, %dma_wait3A_138] : memref<10240x64xf32, #tpu.memory_space<vmem_shared>> -> memref<64x64xf32, #tpu.memory_space<vmem_shared>>
      tpu.wait_dma2 semaphore(%run_scoped3A_132 : memref<!tpu.dma_semaphore, #tpu.memory_space<semaphore_mem>>) src(%arg15 : memref<64x64xf32, #tpu.memory_space<vmem>>) dst(%dma_wait3A_139 : memref<64x64xf32, #tpu.memory_space<vmem_shared>>)
      tpu.yield
    }) : () -> ()
    %mul3A_32 = arith.constant 640 : i32
    %mul3A_33 = arith.muli %arg1, %mul3A_32 : i32
    %add3A_34 = arith.constant 192 : i32
    %add3A_35 = arith.addi %mul3A_33, %add3A_34 : i32
    "tpu.region"() ({
      %run_scoped3A_132 = tpu.sem_alloc : memref<!tpu.dma_semaphore, #tpu.memory_space<semaphore_mem>>
      %dma_start3A_133 = arith.constant 0 : i32
      %dma_start3A_134 = tpu.memref_slice %arg20[%add3A_35, %dma_start3A_133] : memref<10240x64xf32, #tpu.memory_space<vmem_shared>> -> memref<64x64xf32, #tpu.memory_space<vmem_shared>>
      %dma_start3A_135 = arith.constant 0 : i32
      %dma_start3A_136 = tpu.memref_slice %arg20[%add3A_35, %dma_start3A_135] : memref<10240x64xf32, #tpu.memory_space<vmem_shared>> -> memref<64x64xf32, #tpu.memory_space<vmem_shared>>
      tpu.enqueue_dma source(%arg15 : memref<64x64xf32, #tpu.memory_space<vmem>>) target(%dma_start3A_136 : memref<64x64xf32, #tpu.memory_space<vmem_shared>>) target_semaphore(%run_scoped3A_132 : memref<!tpu.dma_semaphore, #tpu.memory_space<semaphore_mem>>)
      %dma_wait3A = arith.constant 0 : i32
      %dma_wait3A_137 = tpu.memref_slice %arg20[%add3A_35, %dma_wait3A] : memref<10240x64xf32, #tpu.memory_space<vmem_shared>> -> memref<64x64xf32, #tpu.memory_space<vmem_shared>>
      %dma_wait3A_138 = arith.constant 0 : i32
      %dma_wait3A_139 = tpu.memref_slice %arg20[%add3A_35, %dma_wait3A_138] : memref<10240x64xf32, #tpu.memory_space<vmem_shared>> -> memref<64x64xf32, #tpu.memory_space<vmem_shared>>
      tpu.wait_dma2 semaphore(%run_scoped3A_132 : memref<!tpu.dma_semaphore, #tpu.memory_space<semaphore_mem>>) src(%arg15 : memref<64x64xf32, #tpu.memory_space<vmem>>) dst(%dma_wait3A_139 : memref<64x64xf32, #tpu.memory_space<vmem_shared>>)
      tpu.yield
    }) : () -> ()
    %mul3A_36 = arith.constant 640 : i32
    %mul3A_37 = arith.muli %arg1, %mul3A_36 : i32
    %add3A_38 = arith.constant 256 : i32
    %add3A_39 = arith.addi %mul3A_37, %add3A_38 : i32
    "tpu.region"() ({
      %run_scoped3A_132 = tpu.sem_alloc : memref<!tpu.dma_semaphore, #tpu.memory_space<semaphore_mem>>
      %dma_start3A_133 = arith.constant 0 : i32
      %dma_start3A_134 = tpu.memref_slice %arg20[%add3A_39, %dma_start3A_133] : memref<10240x64xf32, #tpu.memory_space<vmem_shared>> -> memref<64x64xf32, #tpu.memory_space<vmem_shared>>
      %dma_start3A_135 = arith.constant 0 : i32
      %dma_start3A_136 = tpu.memref_slice %arg20[%add3A_39, %dma_start3A_135] : memref<10240x64xf32, #tpu.memory_space<vmem_shared>> -> memref<64x64xf32, #tpu.memory_space<vmem_shared>>
      tpu.enqueue_dma source(%arg15 : memref<64x64xf32, #tpu.memory_space<vmem>>) target(%dma_start3A_136 : memref<64x64xf32, #tpu.memory_space<vmem_shared>>) target_semaphore(%run_scoped3A_132 : memref<!tpu.dma_semaphore, #tpu.memory_space<semaphore_mem>>)
      %dma_wait3A = arith.constant 0 : i32
      %dma_wait3A_137 = tpu.memref_slice %arg20[%add3A_39, %dma_wait3A] : memref<10240x64xf32, #tpu.memory_space<vmem_shared>> -> memref<64x64xf32, #tpu.memory_space<vmem_shared>>
      %dma_wait3A_138 = arith.constant 0 : i32
      %dma_wait3A_139 = tpu.memref_slice %arg20[%add3A_39, %dma_wait3A_138] : memref<10240x64xf32, #tpu.memory_space<vmem_shared>> -> memref<64x64xf32, #tpu.memory_space<vmem_shared>>
      tpu.wait_dma2 semaphore(%run_scoped3A_132 : memref<!tpu.dma_semaphore, #tpu.memory_space<semaphore_mem>>) src(%arg15 : memref<64x64xf32, #tpu.memory_space<vmem>>) dst(%dma_wait3A_139 : memref<64x64xf32, #tpu.memory_space<vmem_shared>>)
      tpu.yield
    }) : () -> ()
    %mul3A_40 = arith.constant 640 : i32
    %mul3A_41 = arith.muli %arg1, %mul3A_40 : i32
    %add3A_42 = arith.constant 320 : i32
    %add3A_43 = arith.addi %mul3A_41, %add3A_42 : i32
    "tpu.region"() ({
      %run_scoped3A_132 = tpu.sem_alloc : memref<!tpu.dma_semaphore, #tpu.memory_space<semaphore_mem>>
      %dma_start3A_133 = arith.constant 0 : i32
      %dma_start3A_134 = tpu.memref_slice %arg20[%add3A_43, %dma_start3A_133] : memref<10240x64xf32, #tpu.memory_space<vmem_shared>> -> memref<64x64xf32, #tpu.memory_space<vmem_shared>>
      %dma_start3A_135 = arith.constant 0 : i32
      %dma_start3A_136 = tpu.memref_slice %arg20[%add3A_43, %dma_start3A_135] : memref<10240x64xf32, #tpu.memory_space<vmem_shared>> -> memref<64x64xf32, #tpu.memory_space<vmem_shared>>
      tpu.enqueue_dma source(%arg15 : memref<64x64xf32, #tpu.memory_space<vmem>>) target(%dma_start3A_136 : memref<64x64xf32, #tpu.memory_space<vmem_shared>>) target_semaphore(%run_scoped3A_132 : memref<!tpu.dma_semaphore, #tpu.memory_space<semaphore_mem>>)
      %dma_wait3A = arith.constant 0 : i32
      %dma_wait3A_137 = tpu.memref_slice %arg20[%add3A_43, %dma_wait3A] : memref<10240x64xf32, #tpu.memory_space<vmem_shared>> -> memref<64x64xf32, #tpu.memory_space<vmem_shared>>
      %dma_wait3A_138 = arith.constant 0 : i32
      %dma_wait3A_139 = tpu.memref_slice %arg20[%add3A_43, %dma_wait3A_138] : memref<10240x64xf32, #tpu.memory_space<vmem_shared>> -> memref<64x64xf32, #tpu.memory_space<vmem_shared>>
      tpu.wait_dma2 semaphore(%run_scoped3A_132 : memref<!tpu.dma_semaphore, #tpu.memory_space<semaphore_mem>>) src(%arg15 : memref<64x64xf32, #tpu.memory_space<vmem>>) dst(%dma_wait3A_139 : memref<64x64xf32, #tpu.memory_space<vmem_shared>>)
      tpu.yield
    }) : () -> ()
    %mul3A_44 = arith.constant 640 : i32
    %mul3A_45 = arith.muli %arg1, %mul3A_44 : i32
    %add3A_46 = arith.constant 384 : i32
    %add3A_47 = arith.addi %mul3A_45, %add3A_46 : i32
    "tpu.region"() ({
      %run_scoped3A_132 = tpu.sem_alloc : memref<!tpu.dma_semaphore, #tpu.memory_space<semaphore_mem>>
      %dma_start3A_133 = arith.constant 0 : i32
      %dma_start3A_134 = tpu.memref_slice %arg20[%add3A_47, %dma_start3A_133] : memref<10240x64xf32, #tpu.memory_space<vmem_shared>> -> memref<64x64xf32, #tpu.memory_space<vmem_shared>>
      %dma_start3A_135 = arith.constant 0 : i32
      %dma_start3A_136 = tpu.memref_slice %arg20[%add3A_47, %dma_start3A_135] : memref<10240x64xf32, #tpu.memory_space<vmem_shared>> -> memref<64x64xf32, #tpu.memory_space<vmem_shared>>
      tpu.enqueue_dma source(%arg15 : memref<64x64xf32, #tpu.memory_space<vmem>>) target(%dma_start3A_136 : memref<64x64xf32, #tpu.memory_space<vmem_shared>>) target_semaphore(%run_scoped3A_132 : memref<!tpu.dma_semaphore, #tpu.memory_space<semaphore_mem>>)
      %dma_wait3A = arith.constant 0 : i32
      %dma_wait3A_137 = tpu.memref_slice %arg20[%add3A_47, %dma_wait3A] : memref<10240x64xf32, #tpu.memory_space<vmem_shared>> -> memref<64x64xf32, #tpu.memory_space<vmem_shared>>
      %dma_wait3A_138 = arith.constant 0 : i32
      %dma_wait3A_139 = tpu.memref_slice %arg20[%add3A_47, %dma_wait3A_138] : memref<10240x64xf32, #tpu.memory_space<vmem_shared>> -> memref<64x64xf32, #tpu.memory_space<vmem_shared>>
      tpu.wait_dma2 semaphore(%run_scoped3A_132 : memref<!tpu.dma_semaphore, #tpu.memory_space<semaphore_mem>>) src(%arg15 : memref<64x64xf32, #tpu.memory_space<vmem>>) dst(%dma_wait3A_139 : memref<64x64xf32, #tpu.memory_space<vmem_shared>>)
      tpu.yield
    }) : () -> ()
    %mul3A_48 = arith.constant 640 : i32
    %mul3A_49 = arith.muli %arg1, %mul3A_48 : i32
    %add3A_50 = arith.constant 448 : i32
    %add3A_51 = arith.addi %mul3A_49, %add3A_50 : i32
    "tpu.region"() ({
      %run_scoped3A_132 = tpu.sem_alloc : memref<!tpu.dma_semaphore, #tpu.memory_space<semaphore_mem>>
      %dma_start3A_133 = arith.constant 0 : i32
      %dma_start3A_134 = tpu.memref_slice %arg20[%add3A_51, %dma_start3A_133] : memref<10240x64xf32, #tpu.memory_space<vmem_shared>> -> memref<64x64xf32, #tpu.memory_space<vmem_shared>>
      %dma_start3A_135 = arith.constant 0 : i32
      %dma_start3A_136 = tpu.memref_slice %arg20[%add3A_51, %dma_start3A_135] : memref<10240x64xf32, #tpu.memory_space<vmem_shared>> -> memref<64x64xf32, #tpu.memory_space<vmem_shared>>
      tpu.enqueue_dma source(%arg15 : memref<64x64xf32, #tpu.memory_space<vmem>>) target(%dma_start3A_136 : memref<64x64xf32, #tpu.memory_space<vmem_shared>>) target_semaphore(%run_scoped3A_132 : memref<!tpu.dma_semaphore, #tpu.memory_space<semaphore_mem>>)
      %dma_wait3A = arith.constant 0 : i32
      %dma_wait3A_137 = tpu.memref_slice %arg20[%add3A_51, %dma_wait3A] : memref<10240x64xf32, #tpu.memory_space<vmem_shared>> -> memref<64x64xf32, #tpu.memory_space<vmem_shared>>
      %dma_wait3A_138 = arith.constant 0 : i32
      %dma_wait3A_139 = tpu.memref_slice %arg20[%add3A_51, %dma_wait3A_138] : memref<10240x64xf32, #tpu.memory_space<vmem_shared>> -> memref<64x64xf32, #tpu.memory_space<vmem_shared>>
      tpu.wait_dma2 semaphore(%run_scoped3A_132 : memref<!tpu.dma_semaphore, #tpu.memory_space<semaphore_mem>>) src(%arg15 : memref<64x64xf32, #tpu.memory_space<vmem>>) dst(%dma_wait3A_139 : memref<64x64xf32, #tpu.memory_space<vmem_shared>>)
      tpu.yield
    }) : () -> ()
    %mul3A_52 = arith.constant 640 : i32
    %mul3A_53 = arith.muli %arg1, %mul3A_52 : i32
    %add3A_54 = arith.constant 512 : i32
    %add3A_55 = arith.addi %mul3A_53, %add3A_54 : i32
    "tpu.region"() ({
      %run_scoped3A_132 = tpu.sem_alloc : memref<!tpu.dma_semaphore, #tpu.memory_space<semaphore_mem>>
      %dma_start3A_133 = arith.constant 0 : i32
      %dma_start3A_134 = tpu.memref_slice %arg20[%add3A_55, %dma_start3A_133] : memref<10240x64xf32, #tpu.memory_space<vmem_shared>> -> memref<64x64xf32, #tpu.memory_space<vmem_shared>>
      %dma_start3A_135 = arith.constant 0 : i32
      %dma_start3A_136 = tpu.memref_slice %arg20[%add3A_55, %dma_start3A_135] : memref<10240x64xf32, #tpu.memory_space<vmem_shared>> -> memref<64x64xf32, #tpu.memory_space<vmem_shared>>
      tpu.enqueue_dma source(%arg15 : memref<64x64xf32, #tpu.memory_space<vmem>>) target(%dma_start3A_136 : memref<64x64xf32, #tpu.memory_space<vmem_shared>>) target_semaphore(%run_scoped3A_132 : memref<!tpu.dma_semaphore, #tpu.memory_space<semaphore_mem>>)
      %dma_wait3A = arith.constant 0 : i32
      %dma_wait3A_137 = tpu.memref_slice %arg20[%add3A_55, %dma_wait3A] : memref<10240x64xf32, #tpu.memory_space<vmem_shared>> -> memref<64x64xf32, #tpu.memory_space<vmem_shared>>
      %dma_wait3A_138 = arith.constant 0 : i32
      %dma_wait3A_139 = tpu.memref_slice %arg20[%add3A_55, %dma_wait3A_138] : memref<10240x64xf32, #tpu.memory_space<vmem_shared>> -> memref<64x64xf32, #tpu.memory_space<vmem_shared>>
      tpu.wait_dma2 semaphore(%run_scoped3A_132 : memref<!tpu.dma_semaphore, #tpu.memory_space<semaphore_mem>>) src(%arg15 : memref<64x64xf32, #tpu.memory_space<vmem>>) dst(%dma_wait3A_139 : memref<64x64xf32, #tpu.memory_space<vmem_shared>>)
      tpu.yield
    }) : () -> ()
    %mul3A_56 = arith.constant 640 : i32
    %mul3A_57 = arith.muli %arg1, %mul3A_56 : i32
    %add3A_58 = arith.constant 576 : i32
    %add3A_59 = arith.addi %mul3A_57, %add3A_58 : i32
    "tpu.region"() ({
      %run_scoped3A_132 = tpu.sem_alloc : memref<!tpu.dma_semaphore, #tpu.memory_space<semaphore_mem>>
      %dma_start3A_133 = arith.constant 0 : i32
      %dma_start3A_134 = tpu.memref_slice %arg20[%add3A_59, %dma_start3A_133] : memref<10240x64xf32, #tpu.memory_space<vmem_shared>> -> memref<64x64xf32, #tpu.memory_space<vmem_shared>>
      %dma_start3A_135 = arith.constant 0 : i32
      %dma_start3A_136 = tpu.memref_slice %arg20[%add3A_59, %dma_start3A_135] : memref<10240x64xf32, #tpu.memory_space<vmem_shared>> -> memref<64x64xf32, #tpu.memory_space<vmem_shared>>
      tpu.enqueue_dma source(%arg15 : memref<64x64xf32, #tpu.memory_space<vmem>>) target(%dma_start3A_136 : memref<64x64xf32, #tpu.memory_space<vmem_shared>>) target_semaphore(%run_scoped3A_132 : memref<!tpu.dma_semaphore, #tpu.memory_space<semaphore_mem>>)
      %dma_wait3A = arith.constant 0 : i32
      %dma_wait3A_137 = tpu.memref_slice %arg20[%add3A_59, %dma_wait3A] : memref<10240x64xf32, #tpu.memory_space<vmem_shared>> -> memref<64x64xf32, #tpu.memory_space<vmem_shared>>
      %dma_wait3A_138 = arith.constant 0 : i32
      %dma_wait3A_139 = tpu.memref_slice %arg20[%add3A_59, %dma_wait3A_138] : memref<10240x64xf32, #tpu.memory_space<vmem_shared>> -> memref<64x64xf32, #tpu.memory_space<vmem_shared>>
      tpu.wait_dma2 semaphore(%run_scoped3A_132 : memref<!tpu.dma_semaphore, #tpu.memory_space<semaphore_mem>>) src(%arg15 : memref<64x64xf32, #tpu.memory_space<vmem>>) dst(%dma_wait3A_139 : memref<64x64xf32, #tpu.memory_space<vmem_shared>>)
      tpu.yield
    }) : () -> ()
    %barrier3A = arith.constant 0 : index
    tpu.barrier barrier_id(%barrier3A)
    %dma_start3A = arith.constant 0 : i32
    %dma_start3A_60 = arith.constant 0 : i32
    %dma_start3A_61 = tpu.memref_slice %arg8[%dma_start3A, %dma_start3A_60] : memref<128x64xi32, #tpu.memory_space<vmem>> -> memref<1x64xi32, #tpu.memory_space<vmem>>
    %dma_start3A_62 = tpu.memref_squeeze %dma_start3A_61 : memref<1x64xi32, #tpu.memory_space<vmem>> -> memref<64xi32, #tpu.memory_space<vmem>>
    %dma_start3A_63 = arith.constant 0 : i32
    %dma_start3A_64 = arith.constant 0 : i32
    %dma_start3A_65 = tpu.memref_slice %arg2[%dma_start3A_63, %dma_start3A_64] : memref<8192x64xf32, #tpu.memory_space<hbm>> -> memref<8192x64xf32, #tpu.memory_space<hbm>>
    tpu.enqueue_indirect_dma source(%dma_start3A_65 : memref<8192x64xf32, #tpu.memory_space<hbm>>) target(%arg15 : memref<64x64xf32, #tpu.memory_space<vmem>>) offsets(%dma_start3A_62 : memref<64xi32, #tpu.memory_space<vmem>>) semaphore(%arg21 : memref<!tpu.dma_semaphore, #tpu.memory_space<semaphore_mem>>)
    %dma_start3A_66 = arith.constant 1 : i32
    %dma_start3A_67 = arith.constant 0 : i32
    %dma_start3A_68 = tpu.memref_slice %arg8[%dma_start3A_66, %dma_start3A_67] : memref<128x64xi32, #tpu.memory_space<vmem>> -> memref<1x64xi32, #tpu.memory_space<vmem>>
    %dma_start3A_69 = tpu.memref_squeeze %dma_start3A_68 : memref<1x64xi32, #tpu.memory_space<vmem>> -> memref<64xi32, #tpu.memory_space<vmem>>
    %dma_start3A_70 = arith.constant 0 : i32
    %dma_start3A_71 = arith.constant 0 : i32
    %dma_start3A_72 = tpu.memref_slice %arg2[%dma_start3A_70, %dma_start3A_71] : memref<8192x64xf32, #tpu.memory_space<hbm>> -> memref<8192x64xf32, #tpu.memory_space<hbm>>
    tpu.enqueue_indirect_dma source(%dma_start3A_72 : memref<8192x64xf32, #tpu.memory_space<hbm>>) target(%arg16 : memref<64x64xf32, #tpu.memory_space<vmem>>) offsets(%dma_start3A_69 : memref<64xi32, #tpu.memory_space<vmem>>) semaphore(%arg22 : memref<!tpu.dma_semaphore, #tpu.memory_space<semaphore_mem>>)
    %dma_start3A_73 = arith.constant 2 : i32
    %dma_start3A_74 = arith.constant 0 : i32
    %dma_start3A_75 = tpu.memref_slice %arg8[%dma_start3A_73, %dma_start3A_74] : memref<128x64xi32, #tpu.memory_space<vmem>> -> memref<1x64xi32, #tpu.memory_space<vmem>>
    %dma_start3A_76 = tpu.memref_squeeze %dma_start3A_75 : memref<1x64xi32, #tpu.memory_space<vmem>> -> memref<64xi32, #tpu.memory_space<vmem>>
    %dma_start3A_77 = arith.constant 0 : i32
    %dma_start3A_78 = arith.constant 0 : i32
    %dma_start3A_79 = tpu.memref_slice %arg2[%dma_start3A_77, %dma_start3A_78] : memref<8192x64xf32, #tpu.memory_space<hbm>> -> memref<8192x64xf32, #tpu.memory_space<hbm>>
    tpu.enqueue_indirect_dma source(%dma_start3A_79 : memref<8192x64xf32, #tpu.memory_space<hbm>>) target(%arg17 : memref<64x64xf32, #tpu.memory_space<vmem>>) offsets(%dma_start3A_76 : memref<64xi32, #tpu.memory_space<vmem>>) semaphore(%arg23 : memref<!tpu.dma_semaphore, #tpu.memory_space<semaphore_mem>>)
    %dma_start3A_80 = arith.constant 3 : i32
    %dma_start3A_81 = arith.constant 0 : i32
    %dma_start3A_82 = tpu.memref_slice %arg8[%dma_start3A_80, %dma_start3A_81] : memref<128x64xi32, #tpu.memory_space<vmem>> -> memref<1x64xi32, #tpu.memory_space<vmem>>
    %dma_start3A_83 = tpu.memref_squeeze %dma_start3A_82 : memref<1x64xi32, #tpu.memory_space<vmem>> -> memref<64xi32, #tpu.memory_space<vmem>>
    %dma_start3A_84 = arith.constant 0 : i32
    %dma_start3A_85 = arith.constant 0 : i32
    %dma_start3A_86 = tpu.memref_slice %arg2[%dma_start3A_84, %dma_start3A_85] : memref<8192x64xf32, #tpu.memory_space<hbm>> -> memref<8192x64xf32, #tpu.memory_space<hbm>>
    tpu.enqueue_indirect_dma source(%dma_start3A_86 : memref<8192x64xf32, #tpu.memory_space<hbm>>) target(%arg18 : memref<64x64xf32, #tpu.memory_space<vmem>>) offsets(%dma_start3A_83 : memref<64xi32, #tpu.memory_space<vmem>>) semaphore(%arg24 : memref<!tpu.dma_semaphore, #tpu.memory_space<semaphore_mem>>)
    %scan3A_87 = arith.constant 0 : i32
    %scan3A_88 = arith.constant 0 : i32
    %scan3A_89 = arith.constant 32 : i32
    %scan3A_90 = arith.addi %scan3A_88, %scan3A_89 : i32
    %scan3A_91 = arith.constant 1 : i32
    scf.for %scan3A_132 = %scan3A_88 to %scan3A_90 step %scan3A_91  : i32 {
      %mul3A_133 = arith.constant 4 : i32
      %mul3A_134 = arith.muli %scan3A_132, %mul3A_133 : i32
      %add3A_135 = arith.constant 0 : i32
      %add3A_136 = arith.addi %mul3A_134, %add3A_135 : i32
      %dma_wait3A = arith.constant 0 : i32
      %dma_wait3A_137 = tpu.memref_slice %arg8[%add3A_136, %dma_wait3A] : memref<128x64xi32, #tpu.memory_space<vmem>> -> memref<1x64xi32, #tpu.memory_space<vmem>>
      %dma_wait3A_138 = tpu.memref_squeeze %dma_wait3A_137 : memref<1x64xi32, #tpu.memory_space<vmem>> -> memref<64xi32, #tpu.memory_space<vmem>>
      %dma_wait3A_139 = arith.constant 0 : i32
      %dma_wait3A_140 = arith.constant 0 : i32
      %dma_wait3A_141 = tpu.memref_slice %arg2[%dma_wait3A_139, %dma_wait3A_140] : memref<8192x64xf32, #tpu.memory_space<hbm>> -> memref<8192x64xf32, #tpu.memory_space<hbm>>
      tpu.wait_indirect_dma semaphore(%arg21 : memref<!tpu.dma_semaphore, #tpu.memory_space<semaphore_mem>>) src(%dma_wait3A_141 : memref<8192x64xf32, #tpu.memory_space<hbm>>) dst(%arg15 : memref<64x64xf32, #tpu.memory_space<vmem>>)
      %dma_start3A_142 = arith.constant 0 : i32
      %dma_start3A_143 = tpu.memref_slice %arg9[%add3A_136, %dma_start3A_142] : memref<128x64xi32, #tpu.memory_space<vmem>> -> memref<1x64xi32, #tpu.memory_space<vmem>>
      %dma_start3A_144 = tpu.memref_squeeze %dma_start3A_143 : memref<1x64xi32, #tpu.memory_space<vmem>> -> memref<64xi32, #tpu.memory_space<vmem>>
      %dma_start3A_145 = arith.constant 0 : i32
      %dma_start3A_146 = arith.constant 0 : i32
      %dma_start3A_147 = tpu.memref_slice %arg19[%dma_start3A_145, %dma_start3A_146] : memref<4096x64xf32, #tpu.memory_space<vmem_shared>> -> memref<4096x64xf32, #tpu.memory_space<vmem_shared>>
      tpu.enqueue_indirect_dma source(%arg15 : memref<64x64xf32, #tpu.memory_space<vmem>>) target(%dma_start3A_147 : memref<4096x64xf32, #tpu.memory_space<vmem_shared>>) offsets(%dma_start3A_144 : memref<64xi32, #tpu.memory_space<vmem>>) semaphore(%arg25 : memref<!tpu.dma_semaphore, #tpu.memory_space<semaphore_mem>>) {add = true}
      %add3A_148 = arith.constant 1 : i32
      %add3A_149 = arith.addi %mul3A_134, %add3A_148 : i32
      %dma_wait3A_150 = arith.constant 0 : i32
      %dma_wait3A_151 = tpu.memref_slice %arg8[%add3A_149, %dma_wait3A_150] : memref<128x64xi32, #tpu.memory_space<vmem>> -> memref<1x64xi32, #tpu.memory_space<vmem>>
      %dma_wait3A_152 = tpu.memref_squeeze %dma_wait3A_151 : memref<1x64xi32, #tpu.memory_space<vmem>> -> memref<64xi32, #tpu.memory_space<vmem>>
      %dma_wait3A_153 = arith.constant 0 : i32
      %dma_wait3A_154 = arith.constant 0 : i32
      %dma_wait3A_155 = tpu.memref_slice %arg2[%dma_wait3A_153, %dma_wait3A_154] : memref<8192x64xf32, #tpu.memory_space<hbm>> -> memref<8192x64xf32, #tpu.memory_space<hbm>>
      tpu.wait_indirect_dma semaphore(%arg22 : memref<!tpu.dma_semaphore, #tpu.memory_space<semaphore_mem>>) src(%dma_wait3A_155 : memref<8192x64xf32, #tpu.memory_space<hbm>>) dst(%arg16 : memref<64x64xf32, #tpu.memory_space<vmem>>)
      %dma_start3A_156 = arith.constant 0 : i32
      %dma_start3A_157 = tpu.memref_slice %arg9[%add3A_149, %dma_start3A_156] : memref<128x64xi32, #tpu.memory_space<vmem>> -> memref<1x64xi32, #tpu.memory_space<vmem>>
      %dma_start3A_158 = tpu.memref_squeeze %dma_start3A_157 : memref<1x64xi32, #tpu.memory_space<vmem>> -> memref<64xi32, #tpu.memory_space<vmem>>
      %dma_start3A_159 = arith.constant 0 : i32
      %dma_start3A_160 = arith.constant 0 : i32
      %dma_start3A_161 = tpu.memref_slice %arg19[%dma_start3A_159, %dma_start3A_160] : memref<4096x64xf32, #tpu.memory_space<vmem_shared>> -> memref<4096x64xf32, #tpu.memory_space<vmem_shared>>
      tpu.enqueue_indirect_dma source(%arg16 : memref<64x64xf32, #tpu.memory_space<vmem>>) target(%dma_start3A_161 : memref<4096x64xf32, #tpu.memory_space<vmem_shared>>) offsets(%dma_start3A_158 : memref<64xi32, #tpu.memory_space<vmem>>) semaphore(%arg26 : memref<!tpu.dma_semaphore, #tpu.memory_space<semaphore_mem>>) {add = true}
      %add3A_162 = arith.constant 2 : i32
      %add3A_163 = arith.addi %mul3A_134, %add3A_162 : i32
      %dma_wait3A_164 = arith.constant 0 : i32
      %dma_wait3A_165 = tpu.memref_slice %arg8[%add3A_163, %dma_wait3A_164] : memref<128x64xi32, #tpu.memory_space<vmem>> -> memref<1x64xi32, #tpu.memory_space<vmem>>
      %dma_wait3A_166 = tpu.memref_squeeze %dma_wait3A_165 : memref<1x64xi32, #tpu.memory_space<vmem>> -> memref<64xi32, #tpu.memory_space<vmem>>
      %dma_wait3A_167 = arith.constant 0 : i32
      %dma_wait3A_168 = arith.constant 0 : i32
      %dma_wait3A_169 = tpu.memref_slice %arg2[%dma_wait3A_167, %dma_wait3A_168] : memref<8192x64xf32, #tpu.memory_space<hbm>> -> memref<8192x64xf32, #tpu.memory_space<hbm>>
      tpu.wait_indirect_dma semaphore(%arg23 : memref<!tpu.dma_semaphore, #tpu.memory_space<semaphore_mem>>) src(%dma_wait3A_169 : memref<8192x64xf32, #tpu.memory_space<hbm>>) dst(%arg17 : memref<64x64xf32, #tpu.memory_space<vmem>>)
      %dma_start3A_170 = arith.constant 0 : i32
      %dma_start3A_171 = tpu.memref_slice %arg9[%add3A_163, %dma_start3A_170] : memref<128x64xi32, #tpu.memory_space<vmem>> -> memref<1x64xi32, #tpu.memory_space<vmem>>
      %dma_start3A_172 = tpu.memref_squeeze %dma_start3A_171 : memref<1x64xi32, #tpu.memory_space<vmem>> -> memref<64xi32, #tpu.memory_space<vmem>>
      %dma_start3A_173 = arith.constant 0 : i32
      %dma_start3A_174 = arith.constant 0 : i32
      %dma_start3A_175 = tpu.memref_slice %arg19[%dma_start3A_173, %dma_start3A_174] : memref<4096x64xf32, #tpu.memory_space<vmem_shared>> -> memref<4096x64xf32, #tpu.memory_space<vmem_shared>>
      tpu.enqueue_indirect_dma source(%arg17 : memref<64x64xf32, #tpu.memory_space<vmem>>) target(%dma_start3A_175 : memref<4096x64xf32, #tpu.memory_space<vmem_shared>>) offsets(%dma_start3A_172 : memref<64xi32, #tpu.memory_space<vmem>>) semaphore(%arg27 : memref<!tpu.dma_semaphore, #tpu.memory_space<semaphore_mem>>) {add = true}
      %add3A_176 = arith.constant 3 : i32
      %add3A_177 = arith.addi %mul3A_134, %add3A_176 : i32
      %dma_wait3A_178 = arith.constant 0 : i32
      %dma_wait3A_179 = tpu.memref_slice %arg8[%add3A_177, %dma_wait3A_178] : memref<128x64xi32, #tpu.memory_space<vmem>> -> memref<1x64xi32, #tpu.memory_space<vmem>>
      %dma_wait3A_180 = tpu.memref_squeeze %dma_wait3A_179 : memref<1x64xi32, #tpu.memory_space<vmem>> -> memref<64xi32, #tpu.memory_space<vmem>>
      %dma_wait3A_181 = arith.constant 0 : i32
      %dma_wait3A_182 = arith.constant 0 : i32
      %dma_wait3A_183 = tpu.memref_slice %arg2[%dma_wait3A_181, %dma_wait3A_182] : memref<8192x64xf32, #tpu.memory_space<hbm>> -> memref<8192x64xf32, #tpu.memory_space<hbm>>
      tpu.wait_indirect_dma semaphore(%arg24 : memref<!tpu.dma_semaphore, #tpu.memory_space<semaphore_mem>>) src(%dma_wait3A_183 : memref<8192x64xf32, #tpu.memory_space<hbm>>) dst(%arg18 : memref<64x64xf32, #tpu.memory_space<vmem>>)
      %dma_start3A_184 = arith.constant 0 : i32
      %dma_start3A_185 = tpu.memref_slice %arg9[%add3A_177, %dma_start3A_184] : memref<128x64xi32, #tpu.memory_space<vmem>> -> memref<1x64xi32, #tpu.memory_space<vmem>>
      %dma_start3A_186 = tpu.memref_squeeze %dma_start3A_185 : memref<1x64xi32, #tpu.memory_space<vmem>> -> memref<64xi32, #tpu.memory_space<vmem>>
      %dma_start3A_187 = arith.constant 0 : i32
      %dma_start3A_188 = arith.constant 0 : i32
      %dma_start3A_189 = tpu.memref_slice %arg19[%dma_start3A_187, %dma_start3A_188] : memref<4096x64xf32, #tpu.memory_space<vmem_shared>> -> memref<4096x64xf32, #tpu.memory_space<vmem_shared>>
      tpu.enqueue_indirect_dma source(%arg18 : memref<64x64xf32, #tpu.memory_space<vmem>>) target(%dma_start3A_189 : memref<4096x64xf32, #tpu.memory_space<vmem_shared>>) offsets(%dma_start3A_186 : memref<64xi32, #tpu.memory_space<vmem>>) semaphore(%arg28 : memref<!tpu.dma_semaphore, #tpu.memory_space<semaphore_mem>>) {add = true}
      %add3A_190 = arith.constant 0 : i32
      %add3A_191 = arith.addi %mul3A_134, %add3A_190 : i32
      %dma_wait3A_192 = arith.constant 0 : i32
      %dma_wait3A_193 = tpu.memref_slice %arg9[%add3A_191, %dma_wait3A_192] : memref<128x64xi32, #tpu.memory_space<vmem>> -> memref<1x64xi32, #tpu.memory_space<vmem>>
      %dma_wait3A_194 = tpu.memref_squeeze %dma_wait3A_193 : memref<1x64xi32, #tpu.memory_space<vmem>> -> memref<64xi32, #tpu.memory_space<vmem>>
      %dma_wait3A_195 = arith.constant 0 : i32
      %dma_wait3A_196 = arith.constant 0 : i32
      %dma_wait3A_197 = tpu.memref_slice %arg19[%dma_wait3A_195, %dma_wait3A_196] : memref<4096x64xf32, #tpu.memory_space<vmem_shared>> -> memref<4096x64xf32, #tpu.memory_space<vmem_shared>>
      tpu.wait_indirect_dma semaphore(%arg25 : memref<!tpu.dma_semaphore, #tpu.memory_space<semaphore_mem>>) src(%arg15 : memref<64x64xf32, #tpu.memory_space<vmem>>) dst(%dma_wait3A_197 : memref<4096x64xf32, #tpu.memory_space<vmem_shared>>)
      %add3A_198 = arith.constant 4 : i32
      %add3A_199 = arith.addi %add3A_191, %add3A_198 : i32
      %lt3A = arith.constant 128 : i32
      %lt3A_200 = arith.cmpi slt, %add3A_199, %lt3A : i32
      %convert_element_type3A = arith.extui %lt3A_200 : i1 to i32
      %cond3A = arith.constant 0 : i32
      %cond3A_201 = arith.cmpi ne, %convert_element_type3A, %cond3A : i32
      scf.if %cond3A_201 {
        %add3A_247 = arith.constant 4 : i32
        %add3A_248 = arith.addi %add3A_191, %add3A_247 : i32
        %dma_start3A_249 = arith.constant 0 : i32
        %dma_start3A_250 = tpu.memref_slice %arg8[%add3A_248, %dma_start3A_249] : memref<128x64xi32, #tpu.memory_space<vmem>> -> memref<1x64xi32, #tpu.memory_space<vmem>>
        %dma_start3A_251 = tpu.memref_squeeze %dma_start3A_250 : memref<1x64xi32, #tpu.memory_space<vmem>> -> memref<64xi32, #tpu.memory_space<vmem>>
        %dma_start3A_252 = arith.constant 0 : i32
        %dma_start3A_253 = arith.constant 0 : i32
        %dma_start3A_254 = tpu.memref_slice %arg2[%dma_start3A_252, %dma_start3A_253] : memref<8192x64xf32, #tpu.memory_space<hbm>> -> memref<8192x64xf32, #tpu.memory_space<hbm>>
        tpu.enqueue_indirect_dma source(%dma_start3A_254 : memref<8192x64xf32, #tpu.memory_space<hbm>>) target(%arg15 : memref<64x64xf32, #tpu.memory_space<vmem>>) offsets(%dma_start3A_251 : memref<64xi32, #tpu.memory_space<vmem>>) semaphore(%arg21 : memref<!tpu.dma_semaphore, #tpu.memory_space<semaphore_mem>>)
      } else {
      }
      %add3A_202 = arith.constant 1 : i32
      %add3A_203 = arith.addi %mul3A_134, %add3A_202 : i32
      %dma_wait3A_204 = arith.constant 0 : i32
      %dma_wait3A_205 = tpu.memref_slice %arg9[%add3A_203, %dma_wait3A_204] : memref<128x64xi32, #tpu.memory_space<vmem>> -> memref<1x64xi32, #tpu.memory_space<vmem>>
      %dma_wait3A_206 = tpu.memref_squeeze %dma_wait3A_205 : memref<1x64xi32, #tpu.memory_space<vmem>> -> memref<64xi32, #tpu.memory_space<vmem>>
      %dma_wait3A_207 = arith.constant 0 : i32
      %dma_wait3A_208 = arith.constant 0 : i32
      %dma_wait3A_209 = tpu.memref_slice %arg19[%dma_wait3A_207, %dma_wait3A_208] : memref<4096x64xf32, #tpu.memory_space<vmem_shared>> -> memref<4096x64xf32, #tpu.memory_space<vmem_shared>>
      tpu.wait_indirect_dma semaphore(%arg26 : memref<!tpu.dma_semaphore, #tpu.memory_space<semaphore_mem>>) src(%arg16 : memref<64x64xf32, #tpu.memory_space<vmem>>) dst(%dma_wait3A_209 : memref<4096x64xf32, #tpu.memory_space<vmem_shared>>)
      %add3A_210 = arith.constant 4 : i32
      %add3A_211 = arith.addi %add3A_203, %add3A_210 : i32
      %lt3A_212 = arith.constant 128 : i32
      %lt3A_213 = arith.cmpi slt, %add3A_211, %lt3A_212 : i32
      %convert_element_type3A_214 = arith.extui %lt3A_213 : i1 to i32
      %cond3A_215 = arith.constant 0 : i32
      %cond3A_216 = arith.cmpi ne, %convert_element_type3A_214, %cond3A_215 : i32
      scf.if %cond3A_216 {
        %add3A_247 = arith.constant 4 : i32
        %add3A_248 = arith.addi %add3A_203, %add3A_247 : i32
        %dma_start3A_249 = arith.constant 0 : i32
        %dma_start3A_250 = tpu.memref_slice %arg8[%add3A_248, %dma_start3A_249] : memref<128x64xi32, #tpu.memory_space<vmem>> -> memref<1x64xi32, #tpu.memory_space<vmem>>
        %dma_start3A_251 = tpu.memref_squeeze %dma_start3A_250 : memref<1x64xi32, #tpu.memory_space<vmem>> -> memref<64xi32, #tpu.memory_space<vmem>>
        %dma_start3A_252 = arith.constant 0 : i32
        %dma_start3A_253 = arith.constant 0 : i32
        %dma_start3A_254 = tpu.memref_slice %arg2[%dma_start3A_252, %dma_start3A_253] : memref<8192x64xf32, #tpu.memory_space<hbm>> -> memref<8192x64xf32, #tpu.memory_space<hbm>>
        tpu.enqueue_indirect_dma source(%dma_start3A_254 : memref<8192x64xf32, #tpu.memory_space<hbm>>) target(%arg16 : memref<64x64xf32, #tpu.memory_space<vmem>>) offsets(%dma_start3A_251 : memref<64xi32, #tpu.memory_space<vmem>>) semaphore(%arg22 : memref<!tpu.dma_semaphore, #tpu.memory_space<semaphore_mem>>)
      } else {
      }
      %add3A_217 = arith.constant 2 : i32
      %add3A_218 = arith.addi %mul3A_134, %add3A_217 : i32
      %dma_wait3A_219 = arith.constant 0 : i32
      %dma_wait3A_220 = tpu.memref_slice %arg9[%add3A_218, %dma_wait3A_219] : memref<128x64xi32, #tpu.memory_space<vmem>> -> memref<1x64xi32, #tpu.memory_space<vmem>>
      %dma_wait3A_221 = tpu.memref_squeeze %dma_wait3A_220 : memref<1x64xi32, #tpu.memory_space<vmem>> -> memref<64xi32, #tpu.memory_space<vmem>>
      %dma_wait3A_222 = arith.constant 0 : i32
      %dma_wait3A_223 = arith.constant 0 : i32
      %dma_wait3A_224 = tpu.memref_slice %arg19[%dma_wait3A_222, %dma_wait3A_223] : memref<4096x64xf32, #tpu.memory_space<vmem_shared>> -> memref<4096x64xf32, #tpu.memory_space<vmem_shared>>
      tpu.wait_indirect_dma semaphore(%arg27 : memref<!tpu.dma_semaphore, #tpu.memory_space<semaphore_mem>>) src(%arg17 : memref<64x64xf32, #tpu.memory_space<vmem>>) dst(%dma_wait3A_224 : memref<4096x64xf32, #tpu.memory_space<vmem_shared>>)
      %add3A_225 = arith.constant 4 : i32
      %add3A_226 = arith.addi %add3A_218, %add3A_225 : i32
      %lt3A_227 = arith.constant 128 : i32
      %lt3A_228 = arith.cmpi slt, %add3A_226, %lt3A_227 : i32
      %convert_element_type3A_229 = arith.extui %lt3A_228 : i1 to i32
      %cond3A_230 = arith.constant 0 : i32
      %cond3A_231 = arith.cmpi ne, %convert_element_type3A_229, %cond3A_230 : i32
      scf.if %cond3A_231 {
        %add3A_247 = arith.constant 4 : i32
        %add3A_248 = arith.addi %add3A_218, %add3A_247 : i32
        %dma_start3A_249 = arith.constant 0 : i32
        %dma_start3A_250 = tpu.memref_slice %arg8[%add3A_248, %dma_start3A_249] : memref<128x64xi32, #tpu.memory_space<vmem>> -> memref<1x64xi32, #tpu.memory_space<vmem>>
        %dma_start3A_251 = tpu.memref_squeeze %dma_start3A_250 : memref<1x64xi32, #tpu.memory_space<vmem>> -> memref<64xi32, #tpu.memory_space<vmem>>
        %dma_start3A_252 = arith.constant 0 : i32
        %dma_start3A_253 = arith.constant 0 : i32
        %dma_start3A_254 = tpu.memref_slice %arg2[%dma_start3A_252, %dma_start3A_253] : memref<8192x64xf32, #tpu.memory_space<hbm>> -> memref<8192x64xf32, #tpu.memory_space<hbm>>
        tpu.enqueue_indirect_dma source(%dma_start3A_254 : memref<8192x64xf32, #tpu.memory_space<hbm>>) target(%arg17 : memref<64x64xf32, #tpu.memory_space<vmem>>) offsets(%dma_start3A_251 : memref<64xi32, #tpu.memory_space<vmem>>) semaphore(%arg23 : memref<!tpu.dma_semaphore, #tpu.memory_space<semaphore_mem>>)
      } else {
      }
      %add3A_232 = arith.constant 3 : i32
      %add3A_233 = arith.addi %mul3A_134, %add3A_232 : i32
      %dma_wait3A_234 = arith.constant 0 : i32
      %dma_wait3A_235 = tpu.memref_slice %arg9[%add3A_233, %dma_wait3A_234] : memref<128x64xi32, #tpu.memory_space<vmem>> -> memref<1x64xi32, #tpu.memory_space<vmem>>
      %dma_wait3A_236 = tpu.memref_squeeze %dma_wait3A_235 : memref<1x64xi32, #tpu.memory_space<vmem>> -> memref<64xi32, #tpu.memory_space<vmem>>
      %dma_wait3A_237 = arith.constant 0 : i32
      %dma_wait3A_238 = arith.constant 0 : i32
      %dma_wait3A_239 = tpu.memref_slice %arg19[%dma_wait3A_237, %dma_wait3A_238] : memref<4096x64xf32, #tpu.memory_space<vmem_shared>> -> memref<4096x64xf32, #tpu.memory_space<vmem_shared>>
      tpu.wait_indirect_dma semaphore(%arg28 : memref<!tpu.dma_semaphore, #tpu.memory_space<semaphore_mem>>) src(%arg18 : memref<64x64xf32, #tpu.memory_space<vmem>>) dst(%dma_wait3A_239 : memref<4096x64xf32, #tpu.memory_space<vmem_shared>>)
      %add3A_240 = arith.constant 4 : i32
      %add3A_241 = arith.addi %add3A_233, %add3A_240 : i32
      %lt3A_242 = arith.constant 128 : i32
      %lt3A_243 = arith.cmpi slt, %add3A_241, %lt3A_242 : i32
      %convert_element_type3A_244 = arith.extui %lt3A_243 : i1 to i32
      %cond3A_245 = arith.constant 0 : i32
      %cond3A_246 = arith.cmpi ne, %convert_element_type3A_244, %cond3A_245 : i32
      scf.if %cond3A_246 {
        %add3A_247 = arith.constant 4 : i32
        %add3A_248 = arith.addi %add3A_233, %add3A_247 : i32
        %dma_start3A_249 = arith.constant 0 : i32
        %dma_start3A_250 = tpu.memref_slice %arg8[%add3A_248, %dma_start3A_249] : memref<128x64xi32, #tpu.memory_space<vmem>> -> memref<1x64xi32, #tpu.memory_space<vmem>>
        %dma_start3A_251 = tpu.memref_squeeze %dma_start3A_250 : memref<1x64xi32, #tpu.memory_space<vmem>> -> memref<64xi32, #tpu.memory_space<vmem>>
        %dma_start3A_252 = arith.constant 0 : i32
        %dma_start3A_253 = arith.constant 0 : i32
        %dma_start3A_254 = tpu.memref_slice %arg2[%dma_start3A_252, %dma_start3A_253] : memref<8192x64xf32, #tpu.memory_space<hbm>> -> memref<8192x64xf32, #tpu.memory_space<hbm>>
        tpu.enqueue_indirect_dma source(%dma_start3A_254 : memref<8192x64xf32, #tpu.memory_space<hbm>>) target(%arg18 : memref<64x64xf32, #tpu.memory_space<vmem>>) offsets(%dma_start3A_251 : memref<64xi32, #tpu.memory_space<vmem>>) semaphore(%arg24 : memref<!tpu.dma_semaphore, #tpu.memory_space<semaphore_mem>>)
      } else {
      }
    }
    %scan3A_92 = arith.constant 32 : i32
    %barrier3A_93 = arith.constant 0 : index
    tpu.barrier barrier_id(%barrier3A_93)
    %mul3A_94 = arith.constant 256 : i32
    %mul3A_95 = arith.muli %arg1, %mul3A_94 : i32
    %add3A_96 = arith.constant 0 : i32
    %add3A_97 = arith.addi %mul3A_95, %add3A_96 : i32
    "tpu.region"() ({
      %run_scoped3A_132 = tpu.sem_alloc : memref<!tpu.dma_semaphore, #tpu.memory_space<semaphore_mem>>
      %dma_start3A_133 = arith.constant 0 : i32
      %dma_start3A_134 = tpu.memref_slice %arg19[%add3A_97, %dma_start3A_133] : memref<4096x64xf32, #tpu.memory_space<vmem_shared>> -> memref<128x64xf32, #tpu.memory_space<vmem_shared>>
      %dma_start3A_135 = arith.constant 0 : i32
      %dma_start3A_136 = tpu.memref_slice %arg19[%add3A_97, %dma_start3A_135] : memref<4096x64xf32, #tpu.memory_space<vmem_shared>> -> memref<128x64xf32, #tpu.memory_space<vmem_shared>>
      tpu.enqueue_dma source(%dma_start3A_136 : memref<128x64xf32, #tpu.memory_space<vmem_shared>>) target(%arg11 : memref<128x64xf32, #tpu.memory_space<vmem>>) target_semaphore(%run_scoped3A_132 : memref<!tpu.dma_semaphore, #tpu.memory_space<semaphore_mem>>)
      %dma_wait3A = arith.constant 0 : i32
      %dma_wait3A_137 = tpu.memref_slice %arg19[%add3A_97, %dma_wait3A] : memref<4096x64xf32, #tpu.memory_space<vmem_shared>> -> memref<128x64xf32, #tpu.memory_space<vmem_shared>>
      %dma_wait3A_138 = arith.constant 0 : i32
      %dma_wait3A_139 = tpu.memref_slice %arg19[%add3A_97, %dma_wait3A_138] : memref<4096x64xf32, #tpu.memory_space<vmem_shared>> -> memref<128x64xf32, #tpu.memory_space<vmem_shared>>
      tpu.wait_dma2 semaphore(%run_scoped3A_132 : memref<!tpu.dma_semaphore, #tpu.memory_space<semaphore_mem>>) src(%dma_wait3A_139 : memref<128x64xf32, #tpu.memory_space<vmem_shared>>) dst(%arg11 : memref<128x64xf32, #tpu.memory_space<vmem>>)
      tpu.yield
    }) : () -> ()
    %mul3A_98 = arith.constant 4096 : i32
    %mul3A_99 = arith.muli %arg0, %mul3A_98 : i32
    %add3A_100 = arith.addi %mul3A_99, %add3A_97 : i32
    "tpu.region"() ({
      %run_scoped3A_132 = tpu.sem_alloc : memref<!tpu.dma_semaphore, #tpu.memory_space<semaphore_mem>>
      %dma_start3A_133 = arith.constant 0 : i32
      %dma_start3A_134 = tpu.memref_slice %arg2[%add3A_100, %dma_start3A_133] : memref<8192x64xf32, #tpu.memory_space<hbm>> -> memref<128x64xf32, #tpu.memory_space<hbm>>
      %dma_start3A_135 = arith.constant 0 : i32
      %dma_start3A_136 = tpu.memref_slice %arg2[%add3A_100, %dma_start3A_135] : memref<8192x64xf32, #tpu.memory_space<hbm>> -> memref<128x64xf32, #tpu.memory_space<hbm>>
      tpu.enqueue_dma source(%dma_start3A_136 : memref<128x64xf32, #tpu.memory_space<hbm>>) target(%arg12 : memref<128x64xf32, #tpu.memory_space<vmem>>) target_semaphore(%run_scoped3A_132 : memref<!tpu.dma_semaphore, #tpu.memory_space<semaphore_mem>>)
      %dma_wait3A = arith.constant 0 : i32
      %dma_wait3A_137 = tpu.memref_slice %arg2[%add3A_100, %dma_wait3A] : memref<8192x64xf32, #tpu.memory_space<hbm>> -> memref<128x64xf32, #tpu.memory_space<hbm>>
      %dma_wait3A_138 = arith.constant 0 : i32
      %dma_wait3A_139 = tpu.memref_slice %arg2[%add3A_100, %dma_wait3A_138] : memref<8192x64xf32, #tpu.memory_space<hbm>> -> memref<128x64xf32, #tpu.memory_space<hbm>>
      tpu.wait_dma2 semaphore(%run_scoped3A_132 : memref<!tpu.dma_semaphore, #tpu.memory_space<semaphore_mem>>) src(%dma_wait3A_139 : memref<128x64xf32, #tpu.memory_space<hbm>>) dst(%arg12 : memref<128x64xf32, #tpu.memory_space<vmem>>)
      tpu.yield
    }) : () -> ()
    %mul3A_101 = arith.constant 4096 : i32
    %mul3A_102 = arith.muli %arg0, %mul3A_101 : i32
    %add3A_103 = arith.addi %mul3A_102, %add3A_97 : i32
    "tpu.region"() ({
      %run_scoped3A_132 = tpu.sem_alloc : memref<!tpu.dma_semaphore, #tpu.memory_space<semaphore_mem>>
      %dma_start3A_133 = arith.constant 0 : i32
      %dma_start3A_134 = tpu.memref_slice %arg5[%add3A_103, %dma_start3A_133] : memref<8192x64xf32, #tpu.memory_space<hbm>> -> memref<128x64xf32, #tpu.memory_space<hbm>>
      %dma_start3A_135 = arith.constant 0 : i32
      %dma_start3A_136 = tpu.memref_slice %arg5[%add3A_103, %dma_start3A_135] : memref<8192x64xf32, #tpu.memory_space<hbm>> -> memref<128x64xf32, #tpu.memory_space<hbm>>
      tpu.enqueue_dma source(%dma_start3A_136 : memref<128x64xf32, #tpu.memory_space<hbm>>) target(%arg14 : memref<128x64xf32, #tpu.memory_space<vmem>>) target_semaphore(%run_scoped3A_132 : memref<!tpu.dma_semaphore, #tpu.memory_space<semaphore_mem>>)
      %dma_wait3A = arith.constant 0 : i32
      %dma_wait3A_137 = tpu.memref_slice %arg5[%add3A_103, %dma_wait3A] : memref<8192x64xf32, #tpu.memory_space<hbm>> -> memref<128x64xf32, #tpu.memory_space<hbm>>
      %dma_wait3A_138 = arith.constant 0 : i32
      %dma_wait3A_139 = tpu.memref_slice %arg5[%add3A_103, %dma_wait3A_138] : memref<8192x64xf32, #tpu.memory_space<hbm>> -> memref<128x64xf32, #tpu.memory_space<hbm>>
      tpu.wait_dma2 semaphore(%run_scoped3A_132 : memref<!tpu.dma_semaphore, #tpu.memory_space<semaphore_mem>>) src(%dma_wait3A_139 : memref<128x64xf32, #tpu.memory_space<hbm>>) dst(%arg14 : memref<128x64xf32, #tpu.memory_space<vmem>>)
      tpu.yield
    }) : () -> ()
    %scan3A_104 = arith.constant 0 : i32
    %scan3A_105 = arith.constant 0 : i32
    %scan3A_106 = arith.constant 128 : i32
    %scan3A_107 = arith.addi %scan3A_105, %scan3A_106 : i32
    %scan3A_108 = arith.constant 1 : i32
    scf.for %scan3A_132 = %scan3A_105 to %scan3A_107 step %scan3A_108  : i32 {
      %get3A = arith.index_cast %scan3A_132 : i32 to index
      %get3A_133 = arith.constant 0 : index
      %get3A_134 = tpu.vector_load %arg11[%get3A, %get3A_133] {strides = array<i32>} : memref<128x64xf32, #tpu.memory_space<vmem>>, vector<1x16xf32>,
      %get3A_135 = vector.shape_cast %get3A_134 : vector<1x16xf32> to vector<16xf32>
      %get3A_136 = arith.index_cast %scan3A_132 : i32 to index
      %get3A_137 = arith.constant 0 : index
      %get3A_138 = tpu.vector_load %arg12[%get3A_136, %get3A_137] {strides = array<i32>} : memref<128x64xf32, #tpu.memory_space<vmem>>, vector<1x16xf32>,
      %get3A_139 = vector.shape_cast %get3A_138 : vector<1x16xf32> to vector<16xf32>
      %add3A_140 = arith.addf %get3A_135, %get3A_139 : vector<16xf32>
      %get3A_141 = arith.index_cast %scan3A_132 : i32 to index
      %get3A_142 = arith.constant 0 : index
      %get3A_143 = tpu.vector_load %arg14[%get3A_141, %get3A_142] {strides = array<i32>} : memref<128x64xf32, #tpu.memory_space<vmem>>, vector<1x16xf32>,
      %get3A_144 = vector.shape_cast %get3A_143 : vector<1x16xf32> to vector<16xf32>
      %mul3A_145 = arith.mulf %add3A_140, %get3A_144 : vector<16xf32>
      %swap3A = arith.index_cast %scan3A_132 : i32 to index
      %swap3A_146 = arith.constant 0 : index
      %swap3A_147 = tpu.vector_load %arg13[%swap3A, %swap3A_146] {strides = array<i32>} : memref<128x64xf32, #tpu.memory_space<vmem>>, vector<1x16xf32>,
      %swap3A_148 = vector.shape_cast %swap3A_147 : vector<1x16xf32> to vector<16xf32>
      %swap3A_149 = vector.shape_cast %mul3A_145 : vector<16xf32> to vector<1x16xf32>
      tpu.vector_store %arg13[%swap3A, %swap3A_146], %swap3A_149 {strides = array<i32>} : memref<128x64xf32, #tpu.memory_space<vmem>>, vector<1x16xf32>,
      %get3A_150 = arith.index_cast %scan3A_132 : i32 to index
      %get3A_151 = arith.constant 16 : index
      %get3A_152 = tpu.vector_load %arg11[%get3A_150, %get3A_151] {strides = array<i32>} : memref<128x64xf32, #tpu.memory_space<vmem>>, vector<1x16xf32>,
      %get3A_153 = vector.shape_cast %get3A_152 : vector<1x16xf32> to vector<16xf32>
      %get3A_154 = arith.index_cast %scan3A_132 : i32 to index
      %get3A_155 = arith.constant 16 : index
      %get3A_156 = tpu.vector_load %arg12[%get3A_154, %get3A_155] {strides = array<i32>} : memref<128x64xf32, #tpu.memory_space<vmem>>, vector<1x16xf32>,
      %get3A_157 = vector.shape_cast %get3A_156 : vector<1x16xf32> to vector<16xf32>
      %add3A_158 = arith.addf %get3A_153, %get3A_157 : vector<16xf32>
      %get3A_159 = arith.index_cast %scan3A_132 : i32 to index
      %get3A_160 = arith.constant 16 : index
      %get3A_161 = tpu.vector_load %arg14[%get3A_159, %get3A_160] {strides = array<i32>} : memref<128x64xf32, #tpu.memory_space<vmem>>, vector<1x16xf32>,
      %get3A_162 = vector.shape_cast %get3A_161 : vector<1x16xf32> to vector<16xf32>
      %mul3A_163 = arith.mulf %add3A_158, %get3A_162 : vector<16xf32>
      %swap3A_164 = arith.index_cast %scan3A_132 : i32 to index
      %swap3A_165 = arith.constant 16 : index
      %swap3A_166 = tpu.vector_load %arg13[%swap3A_164, %swap3A_165] {strides = array<i32>} : memref<128x64xf32, #tpu.memory_space<vmem>>, vector<1x16xf32>,
      %swap3A_167 = vector.shape_cast %swap3A_166 : vector<1x16xf32> to vector<16xf32>
      %swap3A_168 = vector.shape_cast %mul3A_163 : vector<16xf32> to vector<1x16xf32>
      tpu.vector_store %arg13[%swap3A_164, %swap3A_165], %swap3A_168 {strides = array<i32>} : memref<128x64xf32, #tpu.memory_space<vmem>>, vector<1x16xf32>,
      %get3A_169 = arith.index_cast %scan3A_132 : i32 to index
      %get3A_170 = arith.constant 32 : index
      %get3A_171 = tpu.vector_load %arg11[%get3A_169, %get3A_170] {strides = array<i32>} : memref<128x64xf32, #tpu.memory_space<vmem>>, vector<1x16xf32>,
      %get3A_172 = vector.shape_cast %get3A_171 : vector<1x16xf32> to vector<16xf32>
      %get3A_173 = arith.index_cast %scan3A_132 : i32 to index
      %get3A_174 = arith.constant 32 : index
      %get3A_175 = tpu.vector_load %arg12[%get3A_173, %get3A_174] {strides = array<i32>} : memref<128x64xf32, #tpu.memory_space<vmem>>, vector<1x16xf32>,
      %get3A_176 = vector.shape_cast %get3A_175 : vector<1x16xf32> to vector<16xf32>
      %add3A_177 = arith.addf %get3A_172, %get3A_176 : vector<16xf32>
      %get3A_178 = arith.index_cast %scan3A_132 : i32 to index
      %get3A_179 = arith.constant 32 : index
      %get3A_180 = tpu.vector_load %arg14[%get3A_178, %get3A_179] {strides = array<i32>} : memref<128x64xf32, #tpu.memory_space<vmem>>, vector<1x16xf32>,
      %get3A_181 = vector.shape_cast %get3A_180 : vector<1x16xf32> to vector<16xf32>
      %mul3A_182 = arith.mulf %add3A_177, %get3A_181 : vector<16xf32>
      %swap3A_183 = arith.index_cast %scan3A_132 : i32 to index
      %swap3A_184 = arith.constant 32 : index
      %swap3A_185 = tpu.vector_load %arg13[%swap3A_183, %swap3A_184] {strides = array<i32>} : memref<128x64xf32, #tpu.memory_space<vmem>>, vector<1x16xf32>,
      %swap3A_186 = vector.shape_cast %swap3A_185 : vector<1x16xf32> to vector<16xf32>
      %swap3A_187 = vector.shape_cast %mul3A_182 : vector<16xf32> to vector<1x16xf32>
      tpu.vector_store %arg13[%swap3A_183, %swap3A_184], %swap3A_187 {strides = array<i32>} : memref<128x64xf32, #tpu.memory_space<vmem>>, vector<1x16xf32>,
      %get3A_188 = arith.index_cast %scan3A_132 : i32 to index
      %get3A_189 = arith.constant 48 : index
      %get3A_190 = tpu.vector_load %arg11[%get3A_188, %get3A_189] {strides = array<i32>} : memref<128x64xf32, #tpu.memory_space<vmem>>, vector<1x16xf32>,
      %get3A_191 = vector.shape_cast %get3A_190 : vector<1x16xf32> to vector<16xf32>
      %get3A_192 = arith.index_cast %scan3A_132 : i32 to index
      %get3A_193 = arith.constant 48 : index
      %get3A_194 = tpu.vector_load %arg12[%get3A_192, %get3A_193] {strides = array<i32>} : memref<128x64xf32, #tpu.memory_space<vmem>>, vector<1x16xf32>,
      %get3A_195 = vector.shape_cast %get3A_194 : vector<1x16xf32> to vector<16xf32>
      %add3A_196 = arith.addf %get3A_191, %get3A_195 : vector<16xf32>
      %get3A_197 = arith.index_cast %scan3A_132 : i32 to index
      %get3A_198 = arith.constant 48 : index
      %get3A_199 = tpu.vector_load %arg14[%get3A_197, %get3A_198] {strides = array<i32>} : memref<128x64xf32, #tpu.memory_space<vmem>>, vector<1x16xf32>,
      %get3A_200 = vector.shape_cast %get3A_199 : vector<1x16xf32> to vector<16xf32>
      %mul3A_201 = arith.mulf %add3A_196, %get3A_200 : vector<16xf32>
      %swap3A_202 = arith.index_cast %scan3A_132 : i32 to index
      %swap3A_203 = arith.constant 48 : index
      %swap3A_204 = tpu.vector_load %arg13[%swap3A_202, %swap3A_203] {strides = array<i32>} : memref<128x64xf32, #tpu.memory_space<vmem>>, vector<1x16xf32>,
      %swap3A_205 = vector.shape_cast %swap3A_204 : vector<1x16xf32> to vector<16xf32>
      %swap3A_206 = vector.shape_cast %mul3A_201 : vector<16xf32> to vector<1x16xf32>
      tpu.vector_store %arg13[%swap3A_202, %swap3A_203], %swap3A_206 {strides = array<i32>} : memref<128x64xf32, #tpu.memory_space<vmem>>, vector<1x16xf32>,
    }
    %scan3A_109 = arith.constant 128 : i32
    %run_scoped3A = arith.constant 0 : i32
    "tpu.region"() ({
      %run_scoped3A_132 = tpu.sem_alloc : memref<!tpu.dma_semaphore, #tpu.memory_space<semaphore_mem>>
      %dma_start3A_133 = arith.constant 0 : i32
      %dma_start3A_134 = tpu.memref_slice %arg10[%run_scoped3A, %dma_start3A_133] : memref<2x128xi32, #tpu.memory_space<vmem>> -> memref<1x128xi32, #tpu.memory_space<vmem>>
      %dma_start3A_135 = tpu.memref_squeeze %dma_start3A_134 : memref<1x128xi32, #tpu.memory_space<vmem>> -> memref<128xi32, #tpu.memory_space<vmem>>
      %dma_start3A_136 = arith.constant 0 : i32
      %dma_start3A_137 = arith.constant 0 : i32
      %dma_start3A_138 = tpu.memref_slice %arg20[%dma_start3A_136, %dma_start3A_137] : memref<10240x64xf32, #tpu.memory_space<vmem_shared>> -> memref<10240x64xf32, #tpu.memory_space<vmem_shared>>
      tpu.enqueue_indirect_dma source(%arg13 : memref<128x64xf32, #tpu.memory_space<vmem>>) target(%dma_start3A_138 : memref<10240x64xf32, #tpu.memory_space<vmem_shared>>) offsets(%dma_start3A_135 : memref<128xi32, #tpu.memory_space<vmem>>) semaphore(%run_scoped3A_132 : memref<!tpu.dma_semaphore, #tpu.memory_space<semaphore_mem>>) {add = true}
      %dma_wait3A = arith.constant 0 : i32
      %dma_wait3A_139 = tpu.memref_slice %arg10[%run_scoped3A, %dma_wait3A] : memref<2x128xi32, #tpu.memory_space<vmem>> -> memref<1x128xi32, #tpu.memory_space<vmem>>
      %dma_wait3A_140 = tpu.memref_squeeze %dma_wait3A_139 : memref<1x128xi32, #tpu.memory_space<vmem>> -> memref<128xi32, #tpu.memory_space<vmem>>
      %dma_wait3A_141 = arith.constant 0 : i32
      %dma_wait3A_142 = arith.constant 0 : i32
      %dma_wait3A_143 = tpu.memref_slice %arg20[%dma_wait3A_141, %dma_wait3A_142] : memref<10240x64xf32, #tpu.memory_space<vmem_shared>> -> memref<10240x64xf32, #tpu.memory_space<vmem_shared>>
      tpu.wait_indirect_dma semaphore(%run_scoped3A_132 : memref<!tpu.dma_semaphore, #tpu.memory_space<semaphore_mem>>) src(%arg13 : memref<128x64xf32, #tpu.memory_space<vmem>>) dst(%dma_wait3A_143 : memref<10240x64xf32, #tpu.memory_space<vmem_shared>>)
      tpu.yield
    }) : () -> ()
    %mul3A_110 = arith.constant 256 : i32
    %mul3A_111 = arith.muli %arg1, %mul3A_110 : i32
    %add3A_112 = arith.constant 128 : i32
    %add3A_113 = arith.addi %mul3A_111, %add3A_112 : i32
    "tpu.region"() ({
      %run_scoped3A_132 = tpu.sem_alloc : memref<!tpu.dma_semaphore, #tpu.memory_space<semaphore_mem>>
      %dma_start3A_133 = arith.constant 0 : i32
      %dma_start3A_134 = tpu.memref_slice %arg19[%add3A_113, %dma_start3A_133] : memref<4096x64xf32, #tpu.memory_space<vmem_shared>> -> memref<128x64xf32, #tpu.memory_space<vmem_shared>>
      %dma_start3A_135 = arith.constant 0 : i32
      %dma_start3A_136 = tpu.memref_slice %arg19[%add3A_113, %dma_start3A_135] : memref<4096x64xf32, #tpu.memory_space<vmem_shared>> -> memref<128x64xf32, #tpu.memory_space<vmem_shared>>
      tpu.enqueue_dma source(%dma_start3A_136 : memref<128x64xf32, #tpu.memory_space<vmem_shared>>) target(%arg11 : memref<128x64xf32, #tpu.memory_space<vmem>>) target_semaphore(%run_scoped3A_132 : memref<!tpu.dma_semaphore, #tpu.memory_space<semaphore_mem>>)
      %dma_wait3A = arith.constant 0 : i32
      %dma_wait3A_137 = tpu.memref_slice %arg19[%add3A_113, %dma_wait3A] : memref<4096x64xf32, #tpu.memory_space<vmem_shared>> -> memref<128x64xf32, #tpu.memory_space<vmem_shared>>
      %dma_wait3A_138 = arith.constant 0 : i32
      %dma_wait3A_139 = tpu.memref_slice %arg19[%add3A_113, %dma_wait3A_138] : memref<4096x64xf32, #tpu.memory_space<vmem_shared>> -> memref<128x64xf32, #tpu.memory_space<vmem_shared>>
      tpu.wait_dma2 semaphore(%run_scoped3A_132 : memref<!tpu.dma_semaphore, #tpu.memory_space<semaphore_mem>>) src(%dma_wait3A_139 : memref<128x64xf32, #tpu.memory_space<vmem_shared>>) dst(%arg11 : memref<128x64xf32, #tpu.memory_space<vmem>>)
      tpu.yield
    }) : () -> ()
    %mul3A_114 = arith.constant 4096 : i32
    %mul3A_115 = arith.muli %arg0, %mul3A_114 : i32
    %add3A_116 = arith.addi %mul3A_115, %add3A_113 : i32
    "tpu.region"() ({
      %run_scoped3A_132 = tpu.sem_alloc : memref<!tpu.dma_semaphore, #tpu.memory_space<semaphore_mem>>
      %dma_start3A_133 = arith.constant 0 : i32
      %dma_start3A_134 = tpu.memref_slice %arg2[%add3A_116, %dma_start3A_133] : memref<8192x64xf32, #tpu.memory_space<hbm>> -> memref<128x64xf32, #tpu.memory_space<hbm>>
      %dma_start3A_135 = arith.constant 0 : i32
      %dma_start3A_136 = tpu.memref_slice %arg2[%add3A_116, %dma_start3A_135] : memref<8192x64xf32, #tpu.memory_space<hbm>> -> memref<128x64xf32, #tpu.memory_space<hbm>>
      tpu.enqueue_dma source(%dma_start3A_136 : memref<128x64xf32, #tpu.memory_space<hbm>>) target(%arg12 : memref<128x64xf32, #tpu.memory_space<vmem>>) target_semaphore(%run_scoped3A_132 : memref<!tpu.dma_semaphore, #tpu.memory_space<semaphore_mem>>)
      %dma_wait3A = arith.constant 0 : i32
      %dma_wait3A_137 = tpu.memref_slice %arg2[%add3A_116, %dma_wait3A] : memref<8192x64xf32, #tpu.memory_space<hbm>> -> memref<128x64xf32, #tpu.memory_space<hbm>>
      %dma_wait3A_138 = arith.constant 0 : i32
      %dma_wait3A_139 = tpu.memref_slice %arg2[%add3A_116, %dma_wait3A_138] : memref<8192x64xf32, #tpu.memory_space<hbm>> -> memref<128x64xf32, #tpu.memory_space<hbm>>
      tpu.wait_dma2 semaphore(%run_scoped3A_132 : memref<!tpu.dma_semaphore, #tpu.memory_space<semaphore_mem>>) src(%dma_wait3A_139 : memref<128x64xf32, #tpu.memory_space<hbm>>) dst(%arg12 : memref<128x64xf32, #tpu.memory_space<vmem>>)
      tpu.yield
    }) : () -> ()
    %mul3A_117 = arith.constant 4096 : i32
    %mul3A_118 = arith.muli %arg0, %mul3A_117 : i32
    %add3A_119 = arith.addi %mul3A_118, %add3A_113 : i32
    "tpu.region"() ({
      %run_scoped3A_132 = tpu.sem_alloc : memref<!tpu.dma_semaphore, #tpu.memory_space<semaphore_mem>>
      %dma_start3A_133 = arith.constant 0 : i32
      %dma_start3A_134 = tpu.memref_slice %arg5[%add3A_119, %dma_start3A_133] : memref<8192x64xf32, #tpu.memory_space<hbm>> -> memref<128x64xf32, #tpu.memory_space<hbm>>
      %dma_start3A_135 = arith.constant 0 : i32
      %dma_start3A_136 = tpu.memref_slice %arg5[%add3A_119, %dma_start3A_135] : memref<8192x64xf32, #tpu.memory_space<hbm>> -> memref<128x64xf32, #tpu.memory_space<hbm>>
      tpu.enqueue_dma source(%dma_start3A_136 : memref<128x64xf32, #tpu.memory_space<hbm>>) target(%arg14 : memref<128x64xf32, #tpu.memory_space<vmem>>) target_semaphore(%run_scoped3A_132 : memref<!tpu.dma_semaphore, #tpu.memory_space<semaphore_mem>>)
      %dma_wait3A = arith.constant 0 : i32
      %dma_wait3A_137 = tpu.memref_slice %arg5[%add3A_119, %dma_wait3A] : memref<8192x64xf32, #tpu.memory_space<hbm>> -> memref<128x64xf32, #tpu.memory_space<hbm>>
      %dma_wait3A_138 = arith.constant 0 : i32
      %dma_wait3A_139 = tpu.memref_slice %arg5[%add3A_119, %dma_wait3A_138] : memref<8192x64xf32, #tpu.memory_space<hbm>> -> memref<128x64xf32, #tpu.memory_space<hbm>>
      tpu.wait_dma2 semaphore(%run_scoped3A_132 : memref<!tpu.dma_semaphore, #tpu.memory_space<semaphore_mem>>) src(%dma_wait3A_139 : memref<128x64xf32, #tpu.memory_space<hbm>>) dst(%arg14 : memref<128x64xf32, #tpu.memory_space<vmem>>)
      tpu.yield
    }) : () -> ()
    %scan3A_120 = arith.constant 0 : i32
    %scan3A_121 = arith.constant 0 : i32
    %scan3A_122 = arith.constant 128 : i32
    %scan3A_123 = arith.addi %scan3A_121, %scan3A_122 : i32
    %scan3A_124 = arith.constant 1 : i32
    scf.for %scan3A_132 = %scan3A_121 to %scan3A_123 step %scan3A_124  : i32 {
      %get3A = arith.index_cast %scan3A_132 : i32 to index
      %get3A_133 = arith.constant 0 : index
      %get3A_134 = tpu.vector_load %arg11[%get3A, %get3A_133] {strides = array<i32>} : memref<128x64xf32, #tpu.memory_space<vmem>>, vector<1x16xf32>,
      %get3A_135 = vector.shape_cast %get3A_134 : vector<1x16xf32> to vector<16xf32>
      %get3A_136 = arith.index_cast %scan3A_132 : i32 to index
      %get3A_137 = arith.constant 0 : index
      %get3A_138 = tpu.vector_load %arg12[%get3A_136, %get3A_137] {strides = array<i32>} : memref<128x64xf32, #tpu.memory_space<vmem>>, vector<1x16xf32>,
      %get3A_139 = vector.shape_cast %get3A_138 : vector<1x16xf32> to vector<16xf32>
      %add3A_140 = arith.addf %get3A_135, %get3A_139 : vector<16xf32>
      %get3A_141 = arith.index_cast %scan3A_132 : i32 to index
      %get3A_142 = arith.constant 0 : index
      %get3A_143 = tpu.vector_load %arg14[%get3A_141, %get3A_142] {strides = array<i32>} : memref<128x64xf32, #tpu.memory_space<vmem>>, vector<1x16xf32>,
      %get3A_144 = vector.shape_cast %get3A_143 : vector<1x16xf32> to vector<16xf32>
      %mul3A_145 = arith.mulf %add3A_140, %get3A_144 : vector<16xf32>
      %swap3A = arith.index_cast %scan3A_132 : i32 to index
      %swap3A_146 = arith.constant 0 : index
      %swap3A_147 = tpu.vector_load %arg13[%swap3A, %swap3A_146] {strides = array<i32>} : memref<128x64xf32, #tpu.memory_space<vmem>>, vector<1x16xf32>,
      %swap3A_148 = vector.shape_cast %swap3A_147 : vector<1x16xf32> to vector<16xf32>
      %swap3A_149 = vector.shape_cast %mul3A_145 : vector<16xf32> to vector<1x16xf32>
      tpu.vector_store %arg13[%swap3A, %swap3A_146], %swap3A_149 {strides = array<i32>} : memref<128x64xf32, #tpu.memory_space<vmem>>, vector<1x16xf32>,
      %get3A_150 = arith.index_cast %scan3A_132 : i32 to index
      %get3A_151 = arith.constant 16 : index
      %get3A_152 = tpu.vector_load %arg11[%get3A_150, %get3A_151] {strides = array<i32>} : memref<128x64xf32, #tpu.memory_space<vmem>>, vector<1x16xf32>,
      %get3A_153 = vector.shape_cast %get3A_152 : vector<1x16xf32> to vector<16xf32>
      %get3A_154 = arith.index_cast %scan3A_132 : i32 to index
      %get3A_155 = arith.constant 16 : index
      %get3A_156 = tpu.vector_load %arg12[%get3A_154, %get3A_155] {strides = array<i32>} : memref<128x64xf32, #tpu.memory_space<vmem>>, vector<1x16xf32>,
      %get3A_157 = vector.shape_cast %get3A_156 : vector<1x16xf32> to vector<16xf32>
      %add3A_158 = arith.addf %get3A_153, %get3A_157 : vector<16xf32>
      %get3A_159 = arith.index_cast %scan3A_132 : i32 to index
      %get3A_160 = arith.constant 16 : index
      %get3A_161 = tpu.vector_load %arg14[%get3A_159, %get3A_160] {strides = array<i32>} : memref<128x64xf32, #tpu.memory_space<vmem>>, vector<1x16xf32>,
      %get3A_162 = vector.shape_cast %get3A_161 : vector<1x16xf32> to vector<16xf32>
      %mul3A_163 = arith.mulf %add3A_158, %get3A_162 : vector<16xf32>
      %swap3A_164 = arith.index_cast %scan3A_132 : i32 to index
      %swap3A_165 = arith.constant 16 : index
      %swap3A_166 = tpu.vector_load %arg13[%swap3A_164, %swap3A_165] {strides = array<i32>} : memref<128x64xf32, #tpu.memory_space<vmem>>, vector<1x16xf32>,
      %swap3A_167 = vector.shape_cast %swap3A_166 : vector<1x16xf32> to vector<16xf32>
      %swap3A_168 = vector.shape_cast %mul3A_163 : vector<16xf32> to vector<1x16xf32>
      tpu.vector_store %arg13[%swap3A_164, %swap3A_165], %swap3A_168 {strides = array<i32>} : memref<128x64xf32, #tpu.memory_space<vmem>>, vector<1x16xf32>,
      %get3A_169 = arith.index_cast %scan3A_132 : i32 to index
      %get3A_170 = arith.constant 32 : index
      %get3A_171 = tpu.vector_load %arg11[%get3A_169, %get3A_170] {strides = array<i32>} : memref<128x64xf32, #tpu.memory_space<vmem>>, vector<1x16xf32>,
      %get3A_172 = vector.shape_cast %get3A_171 : vector<1x16xf32> to vector<16xf32>
      %get3A_173 = arith.index_cast %scan3A_132 : i32 to index
      %get3A_174 = arith.constant 32 : index
      %get3A_175 = tpu.vector_load %arg12[%get3A_173, %get3A_174] {strides = array<i32>} : memref<128x64xf32, #tpu.memory_space<vmem>>, vector<1x16xf32>,
      %get3A_176 = vector.shape_cast %get3A_175 : vector<1x16xf32> to vector<16xf32>
      %add3A_177 = arith.addf %get3A_172, %get3A_176 : vector<16xf32>
      %get3A_178 = arith.index_cast %scan3A_132 : i32 to index
      %get3A_179 = arith.constant 32 : index
      %get3A_180 = tpu.vector_load %arg14[%get3A_178, %get3A_179] {strides = array<i32>} : memref<128x64xf32, #tpu.memory_space<vmem>>, vector<1x16xf32>,
      %get3A_181 = vector.shape_cast %get3A_180 : vector<1x16xf32> to vector<16xf32>
      %mul3A_182 = arith.mulf %add3A_177, %get3A_181 : vector<16xf32>
      %swap3A_183 = arith.index_cast %scan3A_132 : i32 to index
      %swap3A_184 = arith.constant 32 : index
      %swap3A_185 = tpu.vector_load %arg13[%swap3A_183, %swap3A_184] {strides = array<i32>} : memref<128x64xf32, #tpu.memory_space<vmem>>, vector<1x16xf32>,
      %swap3A_186 = vector.shape_cast %swap3A_185 : vector<1x16xf32> to vector<16xf32>
      %swap3A_187 = vector.shape_cast %mul3A_182 : vector<16xf32> to vector<1x16xf32>
      tpu.vector_store %arg13[%swap3A_183, %swap3A_184], %swap3A_187 {strides = array<i32>} : memref<128x64xf32, #tpu.memory_space<vmem>>, vector<1x16xf32>,
      %get3A_188 = arith.index_cast %scan3A_132 : i32 to index
      %get3A_189 = arith.constant 48 : index
      %get3A_190 = tpu.vector_load %arg11[%get3A_188, %get3A_189] {strides = array<i32>} : memref<128x64xf32, #tpu.memory_space<vmem>>, vector<1x16xf32>,
      %get3A_191 = vector.shape_cast %get3A_190 : vector<1x16xf32> to vector<16xf32>
      %get3A_192 = arith.index_cast %scan3A_132 : i32 to index
      %get3A_193 = arith.constant 48 : index
      %get3A_194 = tpu.vector_load %arg12[%get3A_192, %get3A_193] {strides = array<i32>} : memref<128x64xf32, #tpu.memory_space<vmem>>, vector<1x16xf32>,
      %get3A_195 = vector.shape_cast %get3A_194 : vector<1x16xf32> to vector<16xf32>
      %add3A_196 = arith.addf %get3A_191, %get3A_195 : vector<16xf32>
      %get3A_197 = arith.index_cast %scan3A_132 : i32 to index
      %get3A_198 = arith.constant 48 : index
      %get3A_199 = tpu.vector_load %arg14[%get3A_197, %get3A_198] {strides = array<i32>} : memref<128x64xf32, #tpu.memory_space<vmem>>, vector<1x16xf32>,
      %get3A_200 = vector.shape_cast %get3A_199 : vector<1x16xf32> to vector<16xf32>
      %mul3A_201 = arith.mulf %add3A_196, %get3A_200 : vector<16xf32>
      %swap3A_202 = arith.index_cast %scan3A_132 : i32 to index
      %swap3A_203 = arith.constant 48 : index
      %swap3A_204 = tpu.vector_load %arg13[%swap3A_202, %swap3A_203] {strides = array<i32>} : memref<128x64xf32, #tpu.memory_space<vmem>>, vector<1x16xf32>,
      %swap3A_205 = vector.shape_cast %swap3A_204 : vector<1x16xf32> to vector<16xf32>
      %swap3A_206 = vector.shape_cast %mul3A_201 : vector<16xf32> to vector<1x16xf32>
      tpu.vector_store %arg13[%swap3A_202, %swap3A_203], %swap3A_206 {strides = array<i32>} : memref<128x64xf32, #tpu.memory_space<vmem>>, vector<1x16xf32>,
    }
    %scan3A_125 = arith.constant 128 : i32
    %run_scoped3A_126 = arith.constant 1 : i32
    "tpu.region"() ({
      %run_scoped3A_132 = tpu.sem_alloc : memref<!tpu.dma_semaphore, #tpu.memory_space<semaphore_mem>>
      %dma_start3A_133 = arith.constant 0 : i32
      %dma_start3A_134 = tpu.memref_slice %arg10[%run_scoped3A_126, %dma_start3A_133] : memref<2x128xi32, #tpu.memory_space<vmem>> -> memref<1x128xi32, #tpu.memory_space<vmem>>
      %dma_start3A_135 = tpu.memref_squeeze %dma_start3A_134 : memref<1x128xi32, #tpu.memory_space<vmem>> -> memref<128xi32, #tpu.memory_space<vmem>>
      %dma_start3A_136 = arith.constant 0 : i32
      %dma_start3A_137 = arith.constant 0 : i32
      %dma_start3A_138 = tpu.memref_slice %arg20[%dma_start3A_136, %dma_start3A_137] : memref<10240x64xf32, #tpu.memory_space<vmem_shared>> -> memref<10240x64xf32, #tpu.memory_space<vmem_shared>>
      tpu.enqueue_indirect_dma source(%arg13 : memref<128x64xf32, #tpu.memory_space<vmem>>) target(%dma_start3A_138 : memref<10240x64xf32, #tpu.memory_space<vmem_shared>>) offsets(%dma_start3A_135 : memref<128xi32, #tpu.memory_space<vmem>>) semaphore(%run_scoped3A_132 : memref<!tpu.dma_semaphore, #tpu.memory_space<semaphore_mem>>) {add = true}
      %dma_wait3A = arith.constant 0 : i32
      %dma_wait3A_139 = tpu.memref_slice %arg10[%run_scoped3A_126, %dma_wait3A] : memref<2x128xi32, #tpu.memory_space<vmem>> -> memref<1x128xi32, #tpu.memory_space<vmem>>
      %dma_wait3A_140 = tpu.memref_squeeze %dma_wait3A_139 : memref<1x128xi32, #tpu.memory_space<vmem>> -> memref<128xi32, #tpu.memory_space<vmem>>
      %dma_wait3A_141 = arith.constant 0 : i32
      %dma_wait3A_142 = arith.constant 0 : i32
      %dma_wait3A_143 = tpu.memref_slice %arg20[%dma_wait3A_141, %dma_wait3A_142] : memref<10240x64xf32, #tpu.memory_space<vmem_shared>> -> memref<10240x64xf32, #tpu.memory_space<vmem_shared>>
      tpu.wait_indirect_dma semaphore(%run_scoped3A_132 : memref<!tpu.dma_semaphore, #tpu.memory_space<semaphore_mem>>) src(%arg13 : memref<128x64xf32, #tpu.memory_space<vmem>>) dst(%dma_wait3A_143 : memref<10240x64xf32, #tpu.memory_space<vmem_shared>>)
      tpu.yield
    }) : () -> ()
    %barrier3A_127 = arith.constant 0 : index
    tpu.barrier barrier_id(%barrier3A_127)
    %mul3A_128 = arith.constant 640 : i32
    %mul3A_129 = arith.muli %arg1, %mul3A_128 : i32
    %mul3A_130 = arith.constant 640 : i32
    %mul3A_131 = arith.muli %arg1, %mul3A_130 : i32
    "tpu.region"() ({
      %run_scoped3A_132 = tpu.sem_alloc : memref<!tpu.dma_semaphore, #tpu.memory_space<semaphore_mem>>
      %dma_start3A_133 = arith.constant 0 : i32
      %dma_start3A_134 = tpu.memref_slice %arg7[%arg0, %mul3A_131, %dma_start3A_133] : memref<2x10240x64xf32, #tpu.memory_space<hbm>> -> memref<1x640x64xf32, #tpu.memory_space<hbm>>
      %dma_start3A_135 = tpu.memref_squeeze %dma_start3A_134 : memref<1x640x64xf32, #tpu.memory_space<hbm>> -> memref<640x64xf32, #tpu.memory_space<hbm>>
      %dma_start3A_136 = arith.constant 0 : i32
      %dma_start3A_137 = tpu.memref_slice %arg20[%mul3A_129, %dma_start3A_136] : memref<10240x64xf32, #tpu.memory_space<vmem_shared>> -> memref<640x64xf32, #tpu.memory_space<vmem_shared>>
      tpu.enqueue_dma source(%dma_start3A_137 : memref<640x64xf32, #tpu.memory_space<vmem_shared>>) target(%dma_start3A_135 : memref<640x64xf32, #tpu.memory_space<hbm>>) target_semaphore(%run_scoped3A_132 : memref<!tpu.dma_semaphore, #tpu.memory_space<semaphore_mem>>)
      %dma_wait3A = arith.constant 0 : i32
      %dma_wait3A_138 = tpu.memref_slice %arg7[%arg0, %mul3A_131, %dma_wait3A] : memref<2x10240x64xf32, #tpu.memory_space<hbm>> -> memref<1x640x64xf32, #tpu.memory_space<hbm>>
      %dma_wait3A_139 = tpu.memref_squeeze %dma_wait3A_138 : memref<1x640x64xf32, #tpu.memory_space<hbm>> -> memref<640x64xf32, #tpu.memory_space<hbm>>
      %dma_wait3A_140 = arith.constant 0 : i32
      %dma_wait3A_141 = tpu.memref_slice %arg20[%mul3A_129, %dma_wait3A_140] : memref<10240x64xf32, #tpu.memory_space<vmem_shared>> -> memref<640x64xf32, #tpu.memory_space<vmem_shared>>
      tpu.wait_dma2 semaphore(%run_scoped3A_132 : memref<!tpu.dma_semaphore, #tpu.memory_space<semaphore_mem>>) src(%dma_wait3A_141 : memref<640x64xf32, #tpu.memory_space<vmem_shared>>) dst(%dma_wait3A_139 : memref<640x64xf32, #tpu.memory_space<hbm>>)
      tpu.yield
    }) : () -> ()
    return
  }
}

#map = affine_map<(d0, d1) -> (0, 0)>
#map1 = affine_map<(d0, d1) -> (0, 0, 0, 0)>
#map2 = affine_map<(d0, d1) -> (0, 0, 0)>
module attributes {stable_mosaic.version = 14 : i64} {
  func.func @body(%arg0: i32, %arg1: i32, %arg2: memref<8192x128xf32, #tpu.memory_space<hbm>>, %arg3: memref<2x16x128x64xi32, #tpu.memory_space<hbm>>, %arg4: memref<2x16x128x64xi32, #tpu.memory_space<hbm>>, %arg5: memref<2x4096x128xf32, #tpu.memory_space<hbm>>, %arg6: memref<128x64xi32, #tpu.memory_space<vmem>>, %arg7: memref<128x64xi32, #tpu.memory_space<vmem>>, %arg8: memref<64x128xf32, #tpu.memory_space<vmem>>, %arg9: memref<64x128xf32, #tpu.memory_space<vmem>>, %arg10: memref<64x128xf32, #tpu.memory_space<vmem>>, %arg11: memref<64x128xf32, #tpu.memory_space<vmem>>, %arg12: memref<64x128xf32, #tpu.memory_space<vmem>>, %arg13: memref<64x128xf32, #tpu.memory_space<vmem>>, %arg14: memref<64x128xf32, #tpu.memory_space<vmem>>, %arg15: memref<64x128xf32, #tpu.memory_space<vmem>>, %arg16: memref<4096x128xf32, #tpu.memory_space<vmem_shared>>, %arg17: memref<!tpu.dma_semaphore, #tpu.memory_space<semaphore_mem>>, %arg18: memref<!tpu.dma_semaphore, #tpu.memory_space<semaphore_mem>>, %arg19: memref<!tpu.dma_semaphore, #tpu.memory_space<semaphore_mem>>, %arg20: memref<!tpu.dma_semaphore, #tpu.memory_space<semaphore_mem>>, %arg21: memref<!tpu.dma_semaphore, #tpu.memory_space<semaphore_mem>>, %arg22: memref<!tpu.dma_semaphore, #tpu.memory_space<semaphore_mem>>, %arg23: memref<!tpu.dma_semaphore, #tpu.memory_space<semaphore_mem>>, %arg24: memref<!tpu.dma_semaphore, #tpu.memory_space<semaphore_mem>>, %arg25: memref<!tpu.dma_semaphore, #tpu.memory_space<semaphore_mem>>, %arg26: memref<!tpu.dma_semaphore, #tpu.memory_space<semaphore_mem>>, %arg27: memref<!tpu.dma_semaphore, #tpu.memory_space<semaphore_mem>>, %arg28: memref<!tpu.dma_semaphore, #tpu.memory_space<semaphore_mem>>, %arg29: memref<!tpu.dma_semaphore, #tpu.memory_space<semaphore_mem>>, %arg30: memref<!tpu.dma_semaphore, #tpu.memory_space<semaphore_mem>>, %arg31: memref<!tpu.dma_semaphore, #tpu.memory_space<semaphore_mem>>, %arg32: memref<!tpu.dma_semaphore, #tpu.memory_space<semaphore_mem>>) attributes {dimension_semantics = [#tpu.dimension_semantics<core_parallel>, #tpu.dimension_semantics<subcore_parallel>], iteration_bounds = array<i64: 2, 16>, scalar_prefetch = 0 : i64, scratch_operands = 27 : i64, tpu.core_type = #tpu.core_type<sc_vector_subcore>, window_params = [{transform_indices = #map}, {transform_indices = #map1}, {transform_indices = #map1}, {transform_indices = #map2}]} {
    "tpu.region"() ({
      %run_scoped3A = tpu.sem_alloc : memref<!tpu.dma_semaphore, #tpu.memory_space<semaphore_mem>>
      %dma_start3A_86 = arith.constant 0 : i32
      %dma_start3A_87 = arith.constant 0 : i32
      %dma_start3A_88 = tpu.memref_slice %arg3[%arg0, %arg1, %dma_start3A_86, %dma_start3A_87] : memref<2x16x128x64xi32, #tpu.memory_space<hbm>> -> memref<1x1x128x64xi32, #tpu.memory_space<hbm>>
      %dma_start3A_89 = tpu.memref_squeeze %dma_start3A_88 : memref<1x1x128x64xi32, #tpu.memory_space<hbm>> -> memref<128x64xi32, #tpu.memory_space<hbm>>
      %dma_start3A_90 = arith.constant 0 : i32
      %dma_start3A_91 = arith.constant 0 : i32
      %dma_start3A_92 = tpu.memref_slice %arg3[%arg0, %arg1, %dma_start3A_90, %dma_start3A_91] : memref<2x16x128x64xi32, #tpu.memory_space<hbm>> -> memref<1x1x128x64xi32, #tpu.memory_space<hbm>>
      %dma_start3A_93 = tpu.memref_squeeze %dma_start3A_92 : memref<1x1x128x64xi32, #tpu.memory_space<hbm>> -> memref<128x64xi32, #tpu.memory_space<hbm>>
      tpu.enqueue_dma source(%dma_start3A_93 : memref<128x64xi32, #tpu.memory_space<hbm>>) target(%arg6 : memref<128x64xi32, #tpu.memory_space<vmem>>) target_semaphore(%run_scoped3A : memref<!tpu.dma_semaphore, #tpu.memory_space<semaphore_mem>>)
      %dma_wait3A = arith.constant 0 : i32
      %dma_wait3A_94 = arith.constant 0 : i32
      %dma_wait3A_95 = tpu.memref_slice %arg3[%arg0, %arg1, %dma_wait3A, %dma_wait3A_94] : memref<2x16x128x64xi32, #tpu.memory_space<hbm>> -> memref<1x1x128x64xi32, #tpu.memory_space<hbm>>
      %dma_wait3A_96 = tpu.memref_squeeze %dma_wait3A_95 : memref<1x1x128x64xi32, #tpu.memory_space<hbm>> -> memref<128x64xi32, #tpu.memory_space<hbm>>
      %dma_wait3A_97 = arith.constant 0 : i32
      %dma_wait3A_98 = arith.constant 0 : i32
      %dma_wait3A_99 = tpu.memref_slice %arg3[%arg0, %arg1, %dma_wait3A_97, %dma_wait3A_98] : memref<2x16x128x64xi32, #tpu.memory_space<hbm>> -> memref<1x1x128x64xi32, #tpu.memory_space<hbm>>
      %dma_wait3A_100 = tpu.memref_squeeze %dma_wait3A_99 : memref<1x1x128x64xi32, #tpu.memory_space<hbm>> -> memref<128x64xi32, #tpu.memory_space<hbm>>
      tpu.wait_dma2 semaphore(%run_scoped3A : memref<!tpu.dma_semaphore, #tpu.memory_space<semaphore_mem>>) src(%dma_wait3A_100 : memref<128x64xi32, #tpu.memory_space<hbm>>) dst(%arg6 : memref<128x64xi32, #tpu.memory_space<vmem>>)
      tpu.yield
    }) : () -> ()
    "tpu.region"() ({
      %run_scoped3A = tpu.sem_alloc : memref<!tpu.dma_semaphore, #tpu.memory_space<semaphore_mem>>
      %dma_start3A_86 = arith.constant 0 : i32
      %dma_start3A_87 = arith.constant 0 : i32
      %dma_start3A_88 = tpu.memref_slice %arg4[%arg0, %arg1, %dma_start3A_86, %dma_start3A_87] : memref<2x16x128x64xi32, #tpu.memory_space<hbm>> -> memref<1x1x128x64xi32, #tpu.memory_space<hbm>>
      %dma_start3A_89 = tpu.memref_squeeze %dma_start3A_88 : memref<1x1x128x64xi32, #tpu.memory_space<hbm>> -> memref<128x64xi32, #tpu.memory_space<hbm>>
      %dma_start3A_90 = arith.constant 0 : i32
      %dma_start3A_91 = arith.constant 0 : i32
      %dma_start3A_92 = tpu.memref_slice %arg4[%arg0, %arg1, %dma_start3A_90, %dma_start3A_91] : memref<2x16x128x64xi32, #tpu.memory_space<hbm>> -> memref<1x1x128x64xi32, #tpu.memory_space<hbm>>
      %dma_start3A_93 = tpu.memref_squeeze %dma_start3A_92 : memref<1x1x128x64xi32, #tpu.memory_space<hbm>> -> memref<128x64xi32, #tpu.memory_space<hbm>>
      tpu.enqueue_dma source(%dma_start3A_93 : memref<128x64xi32, #tpu.memory_space<hbm>>) target(%arg7 : memref<128x64xi32, #tpu.memory_space<vmem>>) target_semaphore(%run_scoped3A : memref<!tpu.dma_semaphore, #tpu.memory_space<semaphore_mem>>)
      %dma_wait3A = arith.constant 0 : i32
      %dma_wait3A_94 = arith.constant 0 : i32
      %dma_wait3A_95 = tpu.memref_slice %arg4[%arg0, %arg1, %dma_wait3A, %dma_wait3A_94] : memref<2x16x128x64xi32, #tpu.memory_space<hbm>> -> memref<1x1x128x64xi32, #tpu.memory_space<hbm>>
      %dma_wait3A_96 = tpu.memref_squeeze %dma_wait3A_95 : memref<1x1x128x64xi32, #tpu.memory_space<hbm>> -> memref<128x64xi32, #tpu.memory_space<hbm>>
      %dma_wait3A_97 = arith.constant 0 : i32
      %dma_wait3A_98 = arith.constant 0 : i32
      %dma_wait3A_99 = tpu.memref_slice %arg4[%arg0, %arg1, %dma_wait3A_97, %dma_wait3A_98] : memref<2x16x128x64xi32, #tpu.memory_space<hbm>> -> memref<1x1x128x64xi32, #tpu.memory_space<hbm>>
      %dma_wait3A_100 = tpu.memref_squeeze %dma_wait3A_99 : memref<1x1x128x64xi32, #tpu.memory_space<hbm>> -> memref<128x64xi32, #tpu.memory_space<hbm>>
      tpu.wait_dma2 semaphore(%run_scoped3A : memref<!tpu.dma_semaphore, #tpu.memory_space<semaphore_mem>>) src(%dma_wait3A_100 : memref<128x64xi32, #tpu.memory_space<hbm>>) dst(%arg7 : memref<128x64xi32, #tpu.memory_space<vmem>>)
      tpu.yield
    }) : () -> ()
    %broadcast_in_dim3A = arith.constant 0.000000e+00 : f32
    %broadcast_in_dim3A_0 = vector.broadcast %broadcast_in_dim3A : f32 to vector<16xf32>
    %scan3A = arith.constant 0 : i32
    %scan3A_1 = arith.constant 0 : i32
    %scan3A_2 = arith.constant 64 : i32
    %scan3A_3 = arith.addi %scan3A_1, %scan3A_2 : i32
    %scan3A_4 = arith.constant 1 : i32
    scf.for %scan3A_86 = %scan3A_1 to %scan3A_3 step %scan3A_4  : i32 {
      %swap3A = arith.index_cast %scan3A_86 : i32 to index
      %swap3A_87 = arith.constant 0 : index
      %swap3A_88 = tpu.vector_load %arg8[%swap3A, %swap3A_87] {strides = array<i32>} : memref<64x128xf32, #tpu.memory_space<vmem>>, vector<1x16xf32>,
      %swap3A_89 = vector.shape_cast %swap3A_88 : vector<1x16xf32> to vector<16xf32>
      %swap3A_90 = vector.shape_cast %broadcast_in_dim3A_0 : vector<16xf32> to vector<1x16xf32>
      tpu.vector_store %arg8[%swap3A, %swap3A_87], %swap3A_90 {strides = array<i32>} : memref<64x128xf32, #tpu.memory_space<vmem>>, vector<1x16xf32>,
      %swap3A_91 = arith.index_cast %scan3A_86 : i32 to index
      %swap3A_92 = arith.constant 16 : index
      %swap3A_93 = tpu.vector_load %arg8[%swap3A_91, %swap3A_92] {strides = array<i32>} : memref<64x128xf32, #tpu.memory_space<vmem>>, vector<1x16xf32>,
      %swap3A_94 = vector.shape_cast %swap3A_93 : vector<1x16xf32> to vector<16xf32>
      %swap3A_95 = vector.shape_cast %broadcast_in_dim3A_0 : vector<16xf32> to vector<1x16xf32>
      tpu.vector_store %arg8[%swap3A_91, %swap3A_92], %swap3A_95 {strides = array<i32>} : memref<64x128xf32, #tpu.memory_space<vmem>>, vector<1x16xf32>,
      %swap3A_96 = arith.index_cast %scan3A_86 : i32 to index
      %swap3A_97 = arith.constant 32 : index
      %swap3A_98 = tpu.vector_load %arg8[%swap3A_96, %swap3A_97] {strides = array<i32>} : memref<64x128xf32, #tpu.memory_space<vmem>>, vector<1x16xf32>,
      %swap3A_99 = vector.shape_cast %swap3A_98 : vector<1x16xf32> to vector<16xf32>
      %swap3A_100 = vector.shape_cast %broadcast_in_dim3A_0 : vector<16xf32> to vector<1x16xf32>
      tpu.vector_store %arg8[%swap3A_96, %swap3A_97], %swap3A_100 {strides = array<i32>} : memref<64x128xf32, #tpu.memory_space<vmem>>, vector<1x16xf32>,
      %swap3A_101 = arith.index_cast %scan3A_86 : i32 to index
      %swap3A_102 = arith.constant 48 : index
      %swap3A_103 = tpu.vector_load %arg8[%swap3A_101, %swap3A_102] {strides = array<i32>} : memref<64x128xf32, #tpu.memory_space<vmem>>, vector<1x16xf32>,
      %swap3A_104 = vector.shape_cast %swap3A_103 : vector<1x16xf32> to vector<16xf32>
      %swap3A_105 = vector.shape_cast %broadcast_in_dim3A_0 : vector<16xf32> to vector<1x16xf32>
      tpu.vector_store %arg8[%swap3A_101, %swap3A_102], %swap3A_105 {strides = array<i32>} : memref<64x128xf32, #tpu.memory_space<vmem>>, vector<1x16xf32>,
      %swap3A_106 = arith.index_cast %scan3A_86 : i32 to index
      %swap3A_107 = arith.constant 64 : index
      %swap3A_108 = tpu.vector_load %arg8[%swap3A_106, %swap3A_107] {strides = array<i32>} : memref<64x128xf32, #tpu.memory_space<vmem>>, vector<1x16xf32>,
      %swap3A_109 = vector.shape_cast %swap3A_108 : vector<1x16xf32> to vector<16xf32>
      %swap3A_110 = vector.shape_cast %broadcast_in_dim3A_0 : vector<16xf32> to vector<1x16xf32>
      tpu.vector_store %arg8[%swap3A_106, %swap3A_107], %swap3A_110 {strides = array<i32>} : memref<64x128xf32, #tpu.memory_space<vmem>>, vector<1x16xf32>,
      %swap3A_111 = arith.index_cast %scan3A_86 : i32 to index
      %swap3A_112 = arith.constant 80 : index
      %swap3A_113 = tpu.vector_load %arg8[%swap3A_111, %swap3A_112] {strides = array<i32>} : memref<64x128xf32, #tpu.memory_space<vmem>>, vector<1x16xf32>,
      %swap3A_114 = vector.shape_cast %swap3A_113 : vector<1x16xf32> to vector<16xf32>
      %swap3A_115 = vector.shape_cast %broadcast_in_dim3A_0 : vector<16xf32> to vector<1x16xf32>
      tpu.vector_store %arg8[%swap3A_111, %swap3A_112], %swap3A_115 {strides = array<i32>} : memref<64x128xf32, #tpu.memory_space<vmem>>, vector<1x16xf32>,
      %swap3A_116 = arith.index_cast %scan3A_86 : i32 to index
      %swap3A_117 = arith.constant 96 : index
      %swap3A_118 = tpu.vector_load %arg8[%swap3A_116, %swap3A_117] {strides = array<i32>} : memref<64x128xf32, #tpu.memory_space<vmem>>, vector<1x16xf32>,
      %swap3A_119 = vector.shape_cast %swap3A_118 : vector<1x16xf32> to vector<16xf32>
      %swap3A_120 = vector.shape_cast %broadcast_in_dim3A_0 : vector<16xf32> to vector<1x16xf32>
      tpu.vector_store %arg8[%swap3A_116, %swap3A_117], %swap3A_120 {strides = array<i32>} : memref<64x128xf32, #tpu.memory_space<vmem>>, vector<1x16xf32>,
      %swap3A_121 = arith.index_cast %scan3A_86 : i32 to index
      %swap3A_122 = arith.constant 112 : index
      %swap3A_123 = tpu.vector_load %arg8[%swap3A_121, %swap3A_122] {strides = array<i32>} : memref<64x128xf32, #tpu.memory_space<vmem>>, vector<1x16xf32>,
      %swap3A_124 = vector.shape_cast %swap3A_123 : vector<1x16xf32> to vector<16xf32>
      %swap3A_125 = vector.shape_cast %broadcast_in_dim3A_0 : vector<16xf32> to vector<1x16xf32>
      tpu.vector_store %arg8[%swap3A_121, %swap3A_122], %swap3A_125 {strides = array<i32>} : memref<64x128xf32, #tpu.memory_space<vmem>>, vector<1x16xf32>,
    }
    %scan3A_5 = arith.constant 64 : i32
    %mul3A = arith.constant 256 : i32
    %mul3A_6 = arith.muli %arg1, %mul3A : i32
    %add3A = arith.constant 0 : i32
    %add3A_7 = arith.addi %mul3A_6, %add3A : i32
    "tpu.region"() ({
      %run_scoped3A = tpu.sem_alloc : memref<!tpu.dma_semaphore, #tpu.memory_space<semaphore_mem>>
      %dma_start3A_86 = arith.constant 0 : i32
      %dma_start3A_87 = tpu.memref_slice %arg16[%add3A_7, %dma_start3A_86] : memref<4096x128xf32, #tpu.memory_space<vmem_shared>> -> memref<64x128xf32, #tpu.memory_space<vmem_shared>>
      %dma_start3A_88 = arith.constant 0 : i32
      %dma_start3A_89 = tpu.memref_slice %arg16[%add3A_7, %dma_start3A_88] : memref<4096x128xf32, #tpu.memory_space<vmem_shared>> -> memref<64x128xf32, #tpu.memory_space<vmem_shared>>
      tpu.enqueue_dma source(%arg8 : memref<64x128xf32, #tpu.memory_space<vmem>>) target(%dma_start3A_89 : memref<64x128xf32, #tpu.memory_space<vmem_shared>>) target_semaphore(%run_scoped3A : memref<!tpu.dma_semaphore, #tpu.memory_space<semaphore_mem>>)
      %dma_wait3A = arith.constant 0 : i32
      %dma_wait3A_90 = tpu.memref_slice %arg16[%add3A_7, %dma_wait3A] : memref<4096x128xf32, #tpu.memory_space<vmem_shared>> -> memref<64x128xf32, #tpu.memory_space<vmem_shared>>
      %dma_wait3A_91 = arith.constant 0 : i32
      %dma_wait3A_92 = tpu.memref_slice %arg16[%add3A_7, %dma_wait3A_91] : memref<4096x128xf32, #tpu.memory_space<vmem_shared>> -> memref<64x128xf32, #tpu.memory_space<vmem_shared>>
      tpu.wait_dma2 semaphore(%run_scoped3A : memref<!tpu.dma_semaphore, #tpu.memory_space<semaphore_mem>>) src(%arg8 : memref<64x128xf32, #tpu.memory_space<vmem>>) dst(%dma_wait3A_92 : memref<64x128xf32, #tpu.memory_space<vmem_shared>>)
      tpu.yield
    }) : () -> ()
    %mul3A_8 = arith.constant 256 : i32
    %mul3A_9 = arith.muli %arg1, %mul3A_8 : i32
    %add3A_10 = arith.constant 64 : i32
    %add3A_11 = arith.addi %mul3A_9, %add3A_10 : i32
    "tpu.region"() ({
      %run_scoped3A = tpu.sem_alloc : memref<!tpu.dma_semaphore, #tpu.memory_space<semaphore_mem>>
      %dma_start3A_86 = arith.constant 0 : i32
      %dma_start3A_87 = tpu.memref_slice %arg16[%add3A_11, %dma_start3A_86] : memref<4096x128xf32, #tpu.memory_space<vmem_shared>> -> memref<64x128xf32, #tpu.memory_space<vmem_shared>>
      %dma_start3A_88 = arith.constant 0 : i32
      %dma_start3A_89 = tpu.memref_slice %arg16[%add3A_11, %dma_start3A_88] : memref<4096x128xf32, #tpu.memory_space<vmem_shared>> -> memref<64x128xf32, #tpu.memory_space<vmem_shared>>
      tpu.enqueue_dma source(%arg8 : memref<64x128xf32, #tpu.memory_space<vmem>>) target(%dma_start3A_89 : memref<64x128xf32, #tpu.memory_space<vmem_shared>>) target_semaphore(%run_scoped3A : memref<!tpu.dma_semaphore, #tpu.memory_space<semaphore_mem>>)
      %dma_wait3A = arith.constant 0 : i32
      %dma_wait3A_90 = tpu.memref_slice %arg16[%add3A_11, %dma_wait3A] : memref<4096x128xf32, #tpu.memory_space<vmem_shared>> -> memref<64x128xf32, #tpu.memory_space<vmem_shared>>
      %dma_wait3A_91 = arith.constant 0 : i32
      %dma_wait3A_92 = tpu.memref_slice %arg16[%add3A_11, %dma_wait3A_91] : memref<4096x128xf32, #tpu.memory_space<vmem_shared>> -> memref<64x128xf32, #tpu.memory_space<vmem_shared>>
      tpu.wait_dma2 semaphore(%run_scoped3A : memref<!tpu.dma_semaphore, #tpu.memory_space<semaphore_mem>>) src(%arg8 : memref<64x128xf32, #tpu.memory_space<vmem>>) dst(%dma_wait3A_92 : memref<64x128xf32, #tpu.memory_space<vmem_shared>>)
      tpu.yield
    }) : () -> ()
    %mul3A_12 = arith.constant 256 : i32
    %mul3A_13 = arith.muli %arg1, %mul3A_12 : i32
    %add3A_14 = arith.constant 128 : i32
    %add3A_15 = arith.addi %mul3A_13, %add3A_14 : i32
    "tpu.region"() ({
      %run_scoped3A = tpu.sem_alloc : memref<!tpu.dma_semaphore, #tpu.memory_space<semaphore_mem>>
      %dma_start3A_86 = arith.constant 0 : i32
      %dma_start3A_87 = tpu.memref_slice %arg16[%add3A_15, %dma_start3A_86] : memref<4096x128xf32, #tpu.memory_space<vmem_shared>> -> memref<64x128xf32, #tpu.memory_space<vmem_shared>>
      %dma_start3A_88 = arith.constant 0 : i32
      %dma_start3A_89 = tpu.memref_slice %arg16[%add3A_15, %dma_start3A_88] : memref<4096x128xf32, #tpu.memory_space<vmem_shared>> -> memref<64x128xf32, #tpu.memory_space<vmem_shared>>
      tpu.enqueue_dma source(%arg8 : memref<64x128xf32, #tpu.memory_space<vmem>>) target(%dma_start3A_89 : memref<64x128xf32, #tpu.memory_space<vmem_shared>>) target_semaphore(%run_scoped3A : memref<!tpu.dma_semaphore, #tpu.memory_space<semaphore_mem>>)
      %dma_wait3A = arith.constant 0 : i32
      %dma_wait3A_90 = tpu.memref_slice %arg16[%add3A_15, %dma_wait3A] : memref<4096x128xf32, #tpu.memory_space<vmem_shared>> -> memref<64x128xf32, #tpu.memory_space<vmem_shared>>
      %dma_wait3A_91 = arith.constant 0 : i32
      %dma_wait3A_92 = tpu.memref_slice %arg16[%add3A_15, %dma_wait3A_91] : memref<4096x128xf32, #tpu.memory_space<vmem_shared>> -> memref<64x128xf32, #tpu.memory_space<vmem_shared>>
      tpu.wait_dma2 semaphore(%run_scoped3A : memref<!tpu.dma_semaphore, #tpu.memory_space<semaphore_mem>>) src(%arg8 : memref<64x128xf32, #tpu.memory_space<vmem>>) dst(%dma_wait3A_92 : memref<64x128xf32, #tpu.memory_space<vmem_shared>>)
      tpu.yield
    }) : () -> ()
    %mul3A_16 = arith.constant 256 : i32
    %mul3A_17 = arith.muli %arg1, %mul3A_16 : i32
    %add3A_18 = arith.constant 192 : i32
    %add3A_19 = arith.addi %mul3A_17, %add3A_18 : i32
    "tpu.region"() ({
      %run_scoped3A = tpu.sem_alloc : memref<!tpu.dma_semaphore, #tpu.memory_space<semaphore_mem>>
      %dma_start3A_86 = arith.constant 0 : i32
      %dma_start3A_87 = tpu.memref_slice %arg16[%add3A_19, %dma_start3A_86] : memref<4096x128xf32, #tpu.memory_space<vmem_shared>> -> memref<64x128xf32, #tpu.memory_space<vmem_shared>>
      %dma_start3A_88 = arith.constant 0 : i32
      %dma_start3A_89 = tpu.memref_slice %arg16[%add3A_19, %dma_start3A_88] : memref<4096x128xf32, #tpu.memory_space<vmem_shared>> -> memref<64x128xf32, #tpu.memory_space<vmem_shared>>
      tpu.enqueue_dma source(%arg8 : memref<64x128xf32, #tpu.memory_space<vmem>>) target(%dma_start3A_89 : memref<64x128xf32, #tpu.memory_space<vmem_shared>>) target_semaphore(%run_scoped3A : memref<!tpu.dma_semaphore, #tpu.memory_space<semaphore_mem>>)
      %dma_wait3A = arith.constant 0 : i32
      %dma_wait3A_90 = tpu.memref_slice %arg16[%add3A_19, %dma_wait3A] : memref<4096x128xf32, #tpu.memory_space<vmem_shared>> -> memref<64x128xf32, #tpu.memory_space<vmem_shared>>
      %dma_wait3A_91 = arith.constant 0 : i32
      %dma_wait3A_92 = tpu.memref_slice %arg16[%add3A_19, %dma_wait3A_91] : memref<4096x128xf32, #tpu.memory_space<vmem_shared>> -> memref<64x128xf32, #tpu.memory_space<vmem_shared>>
      tpu.wait_dma2 semaphore(%run_scoped3A : memref<!tpu.dma_semaphore, #tpu.memory_space<semaphore_mem>>) src(%arg8 : memref<64x128xf32, #tpu.memory_space<vmem>>) dst(%dma_wait3A_92 : memref<64x128xf32, #tpu.memory_space<vmem_shared>>)
      tpu.yield
    }) : () -> ()
    %barrier3A = arith.constant 0 : index
    tpu.barrier barrier_id(%barrier3A)
    %dma_start3A = arith.constant 0 : i32
    %dma_start3A_20 = arith.constant 0 : i32
    %dma_start3A_21 = tpu.memref_slice %arg6[%dma_start3A, %dma_start3A_20] : memref<128x64xi32, #tpu.memory_space<vmem>> -> memref<1x64xi32, #tpu.memory_space<vmem>>
    %dma_start3A_22 = tpu.memref_squeeze %dma_start3A_21 : memref<1x64xi32, #tpu.memory_space<vmem>> -> memref<64xi32, #tpu.memory_space<vmem>>
    %dma_start3A_23 = arith.constant 0 : i32
    %dma_start3A_24 = arith.constant 0 : i32
    %dma_start3A_25 = tpu.memref_slice %arg2[%dma_start3A_23, %dma_start3A_24] : memref<8192x128xf32, #tpu.memory_space<hbm>> -> memref<8192x128xf32, #tpu.memory_space<hbm>>
    tpu.enqueue_indirect_dma source(%dma_start3A_25 : memref<8192x128xf32, #tpu.memory_space<hbm>>) target(%arg8 : memref<64x128xf32, #tpu.memory_space<vmem>>) offsets(%dma_start3A_22 : memref<64xi32, #tpu.memory_space<vmem>>) semaphore(%arg17 : memref<!tpu.dma_semaphore, #tpu.memory_space<semaphore_mem>>)
    %dma_start3A_26 = arith.constant 1 : i32
    %dma_start3A_27 = arith.constant 0 : i32
    %dma_start3A_28 = tpu.memref_slice %arg6[%dma_start3A_26, %dma_start3A_27] : memref<128x64xi32, #tpu.memory_space<vmem>> -> memref<1x64xi32, #tpu.memory_space<vmem>>
    %dma_start3A_29 = tpu.memref_squeeze %dma_start3A_28 : memref<1x64xi32, #tpu.memory_space<vmem>> -> memref<64xi32, #tpu.memory_space<vmem>>
    %dma_start3A_30 = arith.constant 0 : i32
    %dma_start3A_31 = arith.constant 0 : i32
    %dma_start3A_32 = tpu.memref_slice %arg2[%dma_start3A_30, %dma_start3A_31] : memref<8192x128xf32, #tpu.memory_space<hbm>> -> memref<8192x128xf32, #tpu.memory_space<hbm>>
    tpu.enqueue_indirect_dma source(%dma_start3A_32 : memref<8192x128xf32, #tpu.memory_space<hbm>>) target(%arg9 : memref<64x128xf32, #tpu.memory_space<vmem>>) offsets(%dma_start3A_29 : memref<64xi32, #tpu.memory_space<vmem>>) semaphore(%arg18 : memref<!tpu.dma_semaphore, #tpu.memory_space<semaphore_mem>>)
    %dma_start3A_33 = arith.constant 2 : i32
    %dma_start3A_34 = arith.constant 0 : i32
    %dma_start3A_35 = tpu.memref_slice %arg6[%dma_start3A_33, %dma_start3A_34] : memref<128x64xi32, #tpu.memory_space<vmem>> -> memref<1x64xi32, #tpu.memory_space<vmem>>
    %dma_start3A_36 = tpu.memref_squeeze %dma_start3A_35 : memref<1x64xi32, #tpu.memory_space<vmem>> -> memref<64xi32, #tpu.memory_space<vmem>>
    %dma_start3A_37 = arith.constant 0 : i32
    %dma_start3A_38 = arith.constant 0 : i32
    %dma_start3A_39 = tpu.memref_slice %arg2[%dma_start3A_37, %dma_start3A_38] : memref<8192x128xf32, #tpu.memory_space<hbm>> -> memref<8192x128xf32, #tpu.memory_space<hbm>>
    tpu.enqueue_indirect_dma source(%dma_start3A_39 : memref<8192x128xf32, #tpu.memory_space<hbm>>) target(%arg10 : memref<64x128xf32, #tpu.memory_space<vmem>>) offsets(%dma_start3A_36 : memref<64xi32, #tpu.memory_space<vmem>>) semaphore(%arg19 : memref<!tpu.dma_semaphore, #tpu.memory_space<semaphore_mem>>)
    %dma_start3A_40 = arith.constant 3 : i32
    %dma_start3A_41 = arith.constant 0 : i32
    %dma_start3A_42 = tpu.memref_slice %arg6[%dma_start3A_40, %dma_start3A_41] : memref<128x64xi32, #tpu.memory_space<vmem>> -> memref<1x64xi32, #tpu.memory_space<vmem>>
    %dma_start3A_43 = tpu.memref_squeeze %dma_start3A_42 : memref<1x64xi32, #tpu.memory_space<vmem>> -> memref<64xi32, #tpu.memory_space<vmem>>
    %dma_start3A_44 = arith.constant 0 : i32
    %dma_start3A_45 = arith.constant 0 : i32
    %dma_start3A_46 = tpu.memref_slice %arg2[%dma_start3A_44, %dma_start3A_45] : memref<8192x128xf32, #tpu.memory_space<hbm>> -> memref<8192x128xf32, #tpu.memory_space<hbm>>
    tpu.enqueue_indirect_dma source(%dma_start3A_46 : memref<8192x128xf32, #tpu.memory_space<hbm>>) target(%arg11 : memref<64x128xf32, #tpu.memory_space<vmem>>) offsets(%dma_start3A_43 : memref<64xi32, #tpu.memory_space<vmem>>) semaphore(%arg20 : memref<!tpu.dma_semaphore, #tpu.memory_space<semaphore_mem>>)
    %dma_start3A_47 = arith.constant 4 : i32
    %dma_start3A_48 = arith.constant 0 : i32
    %dma_start3A_49 = tpu.memref_slice %arg6[%dma_start3A_47, %dma_start3A_48] : memref<128x64xi32, #tpu.memory_space<vmem>> -> memref<1x64xi32, #tpu.memory_space<vmem>>
    %dma_start3A_50 = tpu.memref_squeeze %dma_start3A_49 : memref<1x64xi32, #tpu.memory_space<vmem>> -> memref<64xi32, #tpu.memory_space<vmem>>
    %dma_start3A_51 = arith.constant 0 : i32
    %dma_start3A_52 = arith.constant 0 : i32
    %dma_start3A_53 = tpu.memref_slice %arg2[%dma_start3A_51, %dma_start3A_52] : memref<8192x128xf32, #tpu.memory_space<hbm>> -> memref<8192x128xf32, #tpu.memory_space<hbm>>
    tpu.enqueue_indirect_dma source(%dma_start3A_53 : memref<8192x128xf32, #tpu.memory_space<hbm>>) target(%arg12 : memref<64x128xf32, #tpu.memory_space<vmem>>) offsets(%dma_start3A_50 : memref<64xi32, #tpu.memory_space<vmem>>) semaphore(%arg21 : memref<!tpu.dma_semaphore, #tpu.memory_space<semaphore_mem>>)
    %dma_start3A_54 = arith.constant 5 : i32
    %dma_start3A_55 = arith.constant 0 : i32
    %dma_start3A_56 = tpu.memref_slice %arg6[%dma_start3A_54, %dma_start3A_55] : memref<128x64xi32, #tpu.memory_space<vmem>> -> memref<1x64xi32, #tpu.memory_space<vmem>>
    %dma_start3A_57 = tpu.memref_squeeze %dma_start3A_56 : memref<1x64xi32, #tpu.memory_space<vmem>> -> memref<64xi32, #tpu.memory_space<vmem>>
    %dma_start3A_58 = arith.constant 0 : i32
    %dma_start3A_59 = arith.constant 0 : i32
    %dma_start3A_60 = tpu.memref_slice %arg2[%dma_start3A_58, %dma_start3A_59] : memref<8192x128xf32, #tpu.memory_space<hbm>> -> memref<8192x128xf32, #tpu.memory_space<hbm>>
    tpu.enqueue_indirect_dma source(%dma_start3A_60 : memref<8192x128xf32, #tpu.memory_space<hbm>>) target(%arg13 : memref<64x128xf32, #tpu.memory_space<vmem>>) offsets(%dma_start3A_57 : memref<64xi32, #tpu.memory_space<vmem>>) semaphore(%arg22 : memref<!tpu.dma_semaphore, #tpu.memory_space<semaphore_mem>>)
    %dma_start3A_61 = arith.constant 6 : i32
    %dma_start3A_62 = arith.constant 0 : i32
    %dma_start3A_63 = tpu.memref_slice %arg6[%dma_start3A_61, %dma_start3A_62] : memref<128x64xi32, #tpu.memory_space<vmem>> -> memref<1x64xi32, #tpu.memory_space<vmem>>
    %dma_start3A_64 = tpu.memref_squeeze %dma_start3A_63 : memref<1x64xi32, #tpu.memory_space<vmem>> -> memref<64xi32, #tpu.memory_space<vmem>>
    %dma_start3A_65 = arith.constant 0 : i32
    %dma_start3A_66 = arith.constant 0 : i32
    %dma_start3A_67 = tpu.memref_slice %arg2[%dma_start3A_65, %dma_start3A_66] : memref<8192x128xf32, #tpu.memory_space<hbm>> -> memref<8192x128xf32, #tpu.memory_space<hbm>>
    tpu.enqueue_indirect_dma source(%dma_start3A_67 : memref<8192x128xf32, #tpu.memory_space<hbm>>) target(%arg14 : memref<64x128xf32, #tpu.memory_space<vmem>>) offsets(%dma_start3A_64 : memref<64xi32, #tpu.memory_space<vmem>>) semaphore(%arg23 : memref<!tpu.dma_semaphore, #tpu.memory_space<semaphore_mem>>)
    %dma_start3A_68 = arith.constant 7 : i32
    %dma_start3A_69 = arith.constant 0 : i32
    %dma_start3A_70 = tpu.memref_slice %arg6[%dma_start3A_68, %dma_start3A_69] : memref<128x64xi32, #tpu.memory_space<vmem>> -> memref<1x64xi32, #tpu.memory_space<vmem>>
    %dma_start3A_71 = tpu.memref_squeeze %dma_start3A_70 : memref<1x64xi32, #tpu.memory_space<vmem>> -> memref<64xi32, #tpu.memory_space<vmem>>
    %dma_start3A_72 = arith.constant 0 : i32
    %dma_start3A_73 = arith.constant 0 : i32
    %dma_start3A_74 = tpu.memref_slice %arg2[%dma_start3A_72, %dma_start3A_73] : memref<8192x128xf32, #tpu.memory_space<hbm>> -> memref<8192x128xf32, #tpu.memory_space<hbm>>
    tpu.enqueue_indirect_dma source(%dma_start3A_74 : memref<8192x128xf32, #tpu.memory_space<hbm>>) target(%arg15 : memref<64x128xf32, #tpu.memory_space<vmem>>) offsets(%dma_start3A_71 : memref<64xi32, #tpu.memory_space<vmem>>) semaphore(%arg24 : memref<!tpu.dma_semaphore, #tpu.memory_space<semaphore_mem>>)
    %scan3A_75 = arith.constant 0 : i32
    %scan3A_76 = arith.constant 0 : i32
    %scan3A_77 = arith.constant 16 : i32
    %scan3A_78 = arith.addi %scan3A_76, %scan3A_77 : i32
    %scan3A_79 = arith.constant 1 : i32
    scf.for %scan3A_86 = %scan3A_76 to %scan3A_78 step %scan3A_79  : i32 {
      %mul3A_87 = arith.constant 8 : i32
      %mul3A_88 = arith.muli %scan3A_86, %mul3A_87 : i32
      %add3A_89 = arith.constant 0 : i32
      %add3A_90 = arith.addi %mul3A_88, %add3A_89 : i32
      %dma_wait3A = arith.constant 0 : i32
      %dma_wait3A_91 = tpu.memref_slice %arg6[%add3A_90, %dma_wait3A] : memref<128x64xi32, #tpu.memory_space<vmem>> -> memref<1x64xi32, #tpu.memory_space<vmem>>
      %dma_wait3A_92 = tpu.memref_squeeze %dma_wait3A_91 : memref<1x64xi32, #tpu.memory_space<vmem>> -> memref<64xi32, #tpu.memory_space<vmem>>
      %dma_wait3A_93 = arith.constant 0 : i32
      %dma_wait3A_94 = arith.constant 0 : i32
      %dma_wait3A_95 = tpu.memref_slice %arg2[%dma_wait3A_93, %dma_wait3A_94] : memref<8192x128xf32, #tpu.memory_space<hbm>> -> memref<8192x128xf32, #tpu.memory_space<hbm>>
      tpu.wait_indirect_dma semaphore(%arg17 : memref<!tpu.dma_semaphore, #tpu.memory_space<semaphore_mem>>) src(%dma_wait3A_95 : memref<8192x128xf32, #tpu.memory_space<hbm>>) dst(%arg8 : memref<64x128xf32, #tpu.memory_space<vmem>>)
      %dma_start3A_96 = arith.constant 0 : i32
      %dma_start3A_97 = tpu.memref_slice %arg7[%add3A_90, %dma_start3A_96] : memref<128x64xi32, #tpu.memory_space<vmem>> -> memref<1x64xi32, #tpu.memory_space<vmem>>
      %dma_start3A_98 = tpu.memref_squeeze %dma_start3A_97 : memref<1x64xi32, #tpu.memory_space<vmem>> -> memref<64xi32, #tpu.memory_space<vmem>>
      %dma_start3A_99 = arith.constant 0 : i32
      %dma_start3A_100 = arith.constant 0 : i32
      %dma_start3A_101 = tpu.memref_slice %arg16[%dma_start3A_99, %dma_start3A_100] : memref<4096x128xf32, #tpu.memory_space<vmem_shared>> -> memref<4096x128xf32, #tpu.memory_space<vmem_shared>>
      tpu.enqueue_indirect_dma source(%arg8 : memref<64x128xf32, #tpu.memory_space<vmem>>) target(%dma_start3A_101 : memref<4096x128xf32, #tpu.memory_space<vmem_shared>>) offsets(%dma_start3A_98 : memref<64xi32, #tpu.memory_space<vmem>>) semaphore(%arg25 : memref<!tpu.dma_semaphore, #tpu.memory_space<semaphore_mem>>) {add = true}
      %add3A_102 = arith.constant 1 : i32
      %add3A_103 = arith.addi %mul3A_88, %add3A_102 : i32
      %dma_wait3A_104 = arith.constant 0 : i32
      %dma_wait3A_105 = tpu.memref_slice %arg6[%add3A_103, %dma_wait3A_104] : memref<128x64xi32, #tpu.memory_space<vmem>> -> memref<1x64xi32, #tpu.memory_space<vmem>>
      %dma_wait3A_106 = tpu.memref_squeeze %dma_wait3A_105 : memref<1x64xi32, #tpu.memory_space<vmem>> -> memref<64xi32, #tpu.memory_space<vmem>>
      %dma_wait3A_107 = arith.constant 0 : i32
      %dma_wait3A_108 = arith.constant 0 : i32
      %dma_wait3A_109 = tpu.memref_slice %arg2[%dma_wait3A_107, %dma_wait3A_108] : memref<8192x128xf32, #tpu.memory_space<hbm>> -> memref<8192x128xf32, #tpu.memory_space<hbm>>
      tpu.wait_indirect_dma semaphore(%arg18 : memref<!tpu.dma_semaphore, #tpu.memory_space<semaphore_mem>>) src(%dma_wait3A_109 : memref<8192x128xf32, #tpu.memory_space<hbm>>) dst(%arg9 : memref<64x128xf32, #tpu.memory_space<vmem>>)
      %dma_start3A_110 = arith.constant 0 : i32
      %dma_start3A_111 = tpu.memref_slice %arg7[%add3A_103, %dma_start3A_110] : memref<128x64xi32, #tpu.memory_space<vmem>> -> memref<1x64xi32, #tpu.memory_space<vmem>>
      %dma_start3A_112 = tpu.memref_squeeze %dma_start3A_111 : memref<1x64xi32, #tpu.memory_space<vmem>> -> memref<64xi32, #tpu.memory_space<vmem>>
      %dma_start3A_113 = arith.constant 0 : i32
      %dma_start3A_114 = arith.constant 0 : i32
      %dma_start3A_115 = tpu.memref_slice %arg16[%dma_start3A_113, %dma_start3A_114] : memref<4096x128xf32, #tpu.memory_space<vmem_shared>> -> memref<4096x128xf32, #tpu.memory_space<vmem_shared>>
      tpu.enqueue_indirect_dma source(%arg9 : memref<64x128xf32, #tpu.memory_space<vmem>>) target(%dma_start3A_115 : memref<4096x128xf32, #tpu.memory_space<vmem_shared>>) offsets(%dma_start3A_112 : memref<64xi32, #tpu.memory_space<vmem>>) semaphore(%arg26 : memref<!tpu.dma_semaphore, #tpu.memory_space<semaphore_mem>>) {add = true}
      %add3A_116 = arith.constant 2 : i32
      %add3A_117 = arith.addi %mul3A_88, %add3A_116 : i32
      %dma_wait3A_118 = arith.constant 0 : i32
      %dma_wait3A_119 = tpu.memref_slice %arg6[%add3A_117, %dma_wait3A_118] : memref<128x64xi32, #tpu.memory_space<vmem>> -> memref<1x64xi32, #tpu.memory_space<vmem>>
      %dma_wait3A_120 = tpu.memref_squeeze %dma_wait3A_119 : memref<1x64xi32, #tpu.memory_space<vmem>> -> memref<64xi32, #tpu.memory_space<vmem>>
      %dma_wait3A_121 = arith.constant 0 : i32
      %dma_wait3A_122 = arith.constant 0 : i32
      %dma_wait3A_123 = tpu.memref_slice %arg2[%dma_wait3A_121, %dma_wait3A_122] : memref<8192x128xf32, #tpu.memory_space<hbm>> -> memref<8192x128xf32, #tpu.memory_space<hbm>>
      tpu.wait_indirect_dma semaphore(%arg19 : memref<!tpu.dma_semaphore, #tpu.memory_space<semaphore_mem>>) src(%dma_wait3A_123 : memref<8192x128xf32, #tpu.memory_space<hbm>>) dst(%arg10 : memref<64x128xf32, #tpu.memory_space<vmem>>)
      %dma_start3A_124 = arith.constant 0 : i32
      %dma_start3A_125 = tpu.memref_slice %arg7[%add3A_117, %dma_start3A_124] : memref<128x64xi32, #tpu.memory_space<vmem>> -> memref<1x64xi32, #tpu.memory_space<vmem>>
      %dma_start3A_126 = tpu.memref_squeeze %dma_start3A_125 : memref<1x64xi32, #tpu.memory_space<vmem>> -> memref<64xi32, #tpu.memory_space<vmem>>
      %dma_start3A_127 = arith.constant 0 : i32
      %dma_start3A_128 = arith.constant 0 : i32
      %dma_start3A_129 = tpu.memref_slice %arg16[%dma_start3A_127, %dma_start3A_128] : memref<4096x128xf32, #tpu.memory_space<vmem_shared>> -> memref<4096x128xf32, #tpu.memory_space<vmem_shared>>
      tpu.enqueue_indirect_dma source(%arg10 : memref<64x128xf32, #tpu.memory_space<vmem>>) target(%dma_start3A_129 : memref<4096x128xf32, #tpu.memory_space<vmem_shared>>) offsets(%dma_start3A_126 : memref<64xi32, #tpu.memory_space<vmem>>) semaphore(%arg27 : memref<!tpu.dma_semaphore, #tpu.memory_space<semaphore_mem>>) {add = true}
      %add3A_130 = arith.constant 3 : i32
      %add3A_131 = arith.addi %mul3A_88, %add3A_130 : i32
      %dma_wait3A_132 = arith.constant 0 : i32
      %dma_wait3A_133 = tpu.memref_slice %arg6[%add3A_131, %dma_wait3A_132] : memref<128x64xi32, #tpu.memory_space<vmem>> -> memref<1x64xi32, #tpu.memory_space<vmem>>
      %dma_wait3A_134 = tpu.memref_squeeze %dma_wait3A_133 : memref<1x64xi32, #tpu.memory_space<vmem>> -> memref<64xi32, #tpu.memory_space<vmem>>
      %dma_wait3A_135 = arith.constant 0 : i32
      %dma_wait3A_136 = arith.constant 0 : i32
      %dma_wait3A_137 = tpu.memref_slice %arg2[%dma_wait3A_135, %dma_wait3A_136] : memref<8192x128xf32, #tpu.memory_space<hbm>> -> memref<8192x128xf32, #tpu.memory_space<hbm>>
      tpu.wait_indirect_dma semaphore(%arg20 : memref<!tpu.dma_semaphore, #tpu.memory_space<semaphore_mem>>) src(%dma_wait3A_137 : memref<8192x128xf32, #tpu.memory_space<hbm>>) dst(%arg11 : memref<64x128xf32, #tpu.memory_space<vmem>>)
      %dma_start3A_138 = arith.constant 0 : i32
      %dma_start3A_139 = tpu.memref_slice %arg7[%add3A_131, %dma_start3A_138] : memref<128x64xi32, #tpu.memory_space<vmem>> -> memref<1x64xi32, #tpu.memory_space<vmem>>
      %dma_start3A_140 = tpu.memref_squeeze %dma_start3A_139 : memref<1x64xi32, #tpu.memory_space<vmem>> -> memref<64xi32, #tpu.memory_space<vmem>>
      %dma_start3A_141 = arith.constant 0 : i32
      %dma_start3A_142 = arith.constant 0 : i32
      %dma_start3A_143 = tpu.memref_slice %arg16[%dma_start3A_141, %dma_start3A_142] : memref<4096x128xf32, #tpu.memory_space<vmem_shared>> -> memref<4096x128xf32, #tpu.memory_space<vmem_shared>>
      tpu.enqueue_indirect_dma source(%arg11 : memref<64x128xf32, #tpu.memory_space<vmem>>) target(%dma_start3A_143 : memref<4096x128xf32, #tpu.memory_space<vmem_shared>>) offsets(%dma_start3A_140 : memref<64xi32, #tpu.memory_space<vmem>>) semaphore(%arg28 : memref<!tpu.dma_semaphore, #tpu.memory_space<semaphore_mem>>) {add = true}
      %add3A_144 = arith.constant 4 : i32
      %add3A_145 = arith.addi %mul3A_88, %add3A_144 : i32
      %dma_wait3A_146 = arith.constant 0 : i32
      %dma_wait3A_147 = tpu.memref_slice %arg6[%add3A_145, %dma_wait3A_146] : memref<128x64xi32, #tpu.memory_space<vmem>> -> memref<1x64xi32, #tpu.memory_space<vmem>>
      %dma_wait3A_148 = tpu.memref_squeeze %dma_wait3A_147 : memref<1x64xi32, #tpu.memory_space<vmem>> -> memref<64xi32, #tpu.memory_space<vmem>>
      %dma_wait3A_149 = arith.constant 0 : i32
      %dma_wait3A_150 = arith.constant 0 : i32
      %dma_wait3A_151 = tpu.memref_slice %arg2[%dma_wait3A_149, %dma_wait3A_150] : memref<8192x128xf32, #tpu.memory_space<hbm>> -> memref<8192x128xf32, #tpu.memory_space<hbm>>
      tpu.wait_indirect_dma semaphore(%arg21 : memref<!tpu.dma_semaphore, #tpu.memory_space<semaphore_mem>>) src(%dma_wait3A_151 : memref<8192x128xf32, #tpu.memory_space<hbm>>) dst(%arg12 : memref<64x128xf32, #tpu.memory_space<vmem>>)
      %dma_start3A_152 = arith.constant 0 : i32
      %dma_start3A_153 = tpu.memref_slice %arg7[%add3A_145, %dma_start3A_152] : memref<128x64xi32, #tpu.memory_space<vmem>> -> memref<1x64xi32, #tpu.memory_space<vmem>>
      %dma_start3A_154 = tpu.memref_squeeze %dma_start3A_153 : memref<1x64xi32, #tpu.memory_space<vmem>> -> memref<64xi32, #tpu.memory_space<vmem>>
      %dma_start3A_155 = arith.constant 0 : i32
      %dma_start3A_156 = arith.constant 0 : i32
      %dma_start3A_157 = tpu.memref_slice %arg16[%dma_start3A_155, %dma_start3A_156] : memref<4096x128xf32, #tpu.memory_space<vmem_shared>> -> memref<4096x128xf32, #tpu.memory_space<vmem_shared>>
      tpu.enqueue_indirect_dma source(%arg12 : memref<64x128xf32, #tpu.memory_space<vmem>>) target(%dma_start3A_157 : memref<4096x128xf32, #tpu.memory_space<vmem_shared>>) offsets(%dma_start3A_154 : memref<64xi32, #tpu.memory_space<vmem>>) semaphore(%arg29 : memref<!tpu.dma_semaphore, #tpu.memory_space<semaphore_mem>>) {add = true}
      %add3A_158 = arith.constant 5 : i32
      %add3A_159 = arith.addi %mul3A_88, %add3A_158 : i32
      %dma_wait3A_160 = arith.constant 0 : i32
      %dma_wait3A_161 = tpu.memref_slice %arg6[%add3A_159, %dma_wait3A_160] : memref<128x64xi32, #tpu.memory_space<vmem>> -> memref<1x64xi32, #tpu.memory_space<vmem>>
      %dma_wait3A_162 = tpu.memref_squeeze %dma_wait3A_161 : memref<1x64xi32, #tpu.memory_space<vmem>> -> memref<64xi32, #tpu.memory_space<vmem>>
      %dma_wait3A_163 = arith.constant 0 : i32
      %dma_wait3A_164 = arith.constant 0 : i32
      %dma_wait3A_165 = tpu.memref_slice %arg2[%dma_wait3A_163, %dma_wait3A_164] : memref<8192x128xf32, #tpu.memory_space<hbm>> -> memref<8192x128xf32, #tpu.memory_space<hbm>>
      tpu.wait_indirect_dma semaphore(%arg22 : memref<!tpu.dma_semaphore, #tpu.memory_space<semaphore_mem>>) src(%dma_wait3A_165 : memref<8192x128xf32, #tpu.memory_space<hbm>>) dst(%arg13 : memref<64x128xf32, #tpu.memory_space<vmem>>)
      %dma_start3A_166 = arith.constant 0 : i32
      %dma_start3A_167 = tpu.memref_slice %arg7[%add3A_159, %dma_start3A_166] : memref<128x64xi32, #tpu.memory_space<vmem>> -> memref<1x64xi32, #tpu.memory_space<vmem>>
      %dma_start3A_168 = tpu.memref_squeeze %dma_start3A_167 : memref<1x64xi32, #tpu.memory_space<vmem>> -> memref<64xi32, #tpu.memory_space<vmem>>
      %dma_start3A_169 = arith.constant 0 : i32
      %dma_start3A_170 = arith.constant 0 : i32
      %dma_start3A_171 = tpu.memref_slice %arg16[%dma_start3A_169, %dma_start3A_170] : memref<4096x128xf32, #tpu.memory_space<vmem_shared>> -> memref<4096x128xf32, #tpu.memory_space<vmem_shared>>
      tpu.enqueue_indirect_dma source(%arg13 : memref<64x128xf32, #tpu.memory_space<vmem>>) target(%dma_start3A_171 : memref<4096x128xf32, #tpu.memory_space<vmem_shared>>) offsets(%dma_start3A_168 : memref<64xi32, #tpu.memory_space<vmem>>) semaphore(%arg30 : memref<!tpu.dma_semaphore, #tpu.memory_space<semaphore_mem>>) {add = true}
      %add3A_172 = arith.constant 6 : i32
      %add3A_173 = arith.addi %mul3A_88, %add3A_172 : i32
      %dma_wait3A_174 = arith.constant 0 : i32
      %dma_wait3A_175 = tpu.memref_slice %arg6[%add3A_173, %dma_wait3A_174] : memref<128x64xi32, #tpu.memory_space<vmem>> -> memref<1x64xi32, #tpu.memory_space<vmem>>
      %dma_wait3A_176 = tpu.memref_squeeze %dma_wait3A_175 : memref<1x64xi32, #tpu.memory_space<vmem>> -> memref<64xi32, #tpu.memory_space<vmem>>
      %dma_wait3A_177 = arith.constant 0 : i32
      %dma_wait3A_178 = arith.constant 0 : i32
      %dma_wait3A_179 = tpu.memref_slice %arg2[%dma_wait3A_177, %dma_wait3A_178] : memref<8192x128xf32, #tpu.memory_space<hbm>> -> memref<8192x128xf32, #tpu.memory_space<hbm>>
      tpu.wait_indirect_dma semaphore(%arg23 : memref<!tpu.dma_semaphore, #tpu.memory_space<semaphore_mem>>) src(%dma_wait3A_179 : memref<8192x128xf32, #tpu.memory_space<hbm>>) dst(%arg14 : memref<64x128xf32, #tpu.memory_space<vmem>>)
      %dma_start3A_180 = arith.constant 0 : i32
      %dma_start3A_181 = tpu.memref_slice %arg7[%add3A_173, %dma_start3A_180] : memref<128x64xi32, #tpu.memory_space<vmem>> -> memref<1x64xi32, #tpu.memory_space<vmem>>
      %dma_start3A_182 = tpu.memref_squeeze %dma_start3A_181 : memref<1x64xi32, #tpu.memory_space<vmem>> -> memref<64xi32, #tpu.memory_space<vmem>>
      %dma_start3A_183 = arith.constant 0 : i32
      %dma_start3A_184 = arith.constant 0 : i32
      %dma_start3A_185 = tpu.memref_slice %arg16[%dma_start3A_183, %dma_start3A_184] : memref<4096x128xf32, #tpu.memory_space<vmem_shared>> -> memref<4096x128xf32, #tpu.memory_space<vmem_shared>>
      tpu.enqueue_indirect_dma source(%arg14 : memref<64x128xf32, #tpu.memory_space<vmem>>) target(%dma_start3A_185 : memref<4096x128xf32, #tpu.memory_space<vmem_shared>>) offsets(%dma_start3A_182 : memref<64xi32, #tpu.memory_space<vmem>>) semaphore(%arg31 : memref<!tpu.dma_semaphore, #tpu.memory_space<semaphore_mem>>) {add = true}
      %add3A_186 = arith.constant 7 : i32
      %add3A_187 = arith.addi %mul3A_88, %add3A_186 : i32
      %dma_wait3A_188 = arith.constant 0 : i32
      %dma_wait3A_189 = tpu.memref_slice %arg6[%add3A_187, %dma_wait3A_188] : memref<128x64xi32, #tpu.memory_space<vmem>> -> memref<1x64xi32, #tpu.memory_space<vmem>>
      %dma_wait3A_190 = tpu.memref_squeeze %dma_wait3A_189 : memref<1x64xi32, #tpu.memory_space<vmem>> -> memref<64xi32, #tpu.memory_space<vmem>>
      %dma_wait3A_191 = arith.constant 0 : i32
      %dma_wait3A_192 = arith.constant 0 : i32
      %dma_wait3A_193 = tpu.memref_slice %arg2[%dma_wait3A_191, %dma_wait3A_192] : memref<8192x128xf32, #tpu.memory_space<hbm>> -> memref<8192x128xf32, #tpu.memory_space<hbm>>
      tpu.wait_indirect_dma semaphore(%arg24 : memref<!tpu.dma_semaphore, #tpu.memory_space<semaphore_mem>>) src(%dma_wait3A_193 : memref<8192x128xf32, #tpu.memory_space<hbm>>) dst(%arg15 : memref<64x128xf32, #tpu.memory_space<vmem>>)
      %dma_start3A_194 = arith.constant 0 : i32
      %dma_start3A_195 = tpu.memref_slice %arg7[%add3A_187, %dma_start3A_194] : memref<128x64xi32, #tpu.memory_space<vmem>> -> memref<1x64xi32, #tpu.memory_space<vmem>>
      %dma_start3A_196 = tpu.memref_squeeze %dma_start3A_195 : memref<1x64xi32, #tpu.memory_space<vmem>> -> memref<64xi32, #tpu.memory_space<vmem>>
      %dma_start3A_197 = arith.constant 0 : i32
      %dma_start3A_198 = arith.constant 0 : i32
      %dma_start3A_199 = tpu.memref_slice %arg16[%dma_start3A_197, %dma_start3A_198] : memref<4096x128xf32, #tpu.memory_space<vmem_shared>> -> memref<4096x128xf32, #tpu.memory_space<vmem_shared>>
      tpu.enqueue_indirect_dma source(%arg15 : memref<64x128xf32, #tpu.memory_space<vmem>>) target(%dma_start3A_199 : memref<4096x128xf32, #tpu.memory_space<vmem_shared>>) offsets(%dma_start3A_196 : memref<64xi32, #tpu.memory_space<vmem>>) semaphore(%arg32 : memref<!tpu.dma_semaphore, #tpu.memory_space<semaphore_mem>>) {add = true}
      %add3A_200 = arith.constant 0 : i32
      %add3A_201 = arith.addi %mul3A_88, %add3A_200 : i32
      %dma_wait3A_202 = arith.constant 0 : i32
      %dma_wait3A_203 = tpu.memref_slice %arg7[%add3A_201, %dma_wait3A_202] : memref<128x64xi32, #tpu.memory_space<vmem>> -> memref<1x64xi32, #tpu.memory_space<vmem>>
      %dma_wait3A_204 = tpu.memref_squeeze %dma_wait3A_203 : memref<1x64xi32, #tpu.memory_space<vmem>> -> memref<64xi32, #tpu.memory_space<vmem>>
      %dma_wait3A_205 = arith.constant 0 : i32
      %dma_wait3A_206 = arith.constant 0 : i32
      %dma_wait3A_207 = tpu.memref_slice %arg16[%dma_wait3A_205, %dma_wait3A_206] : memref<4096x128xf32, #tpu.memory_space<vmem_shared>> -> memref<4096x128xf32, #tpu.memory_space<vmem_shared>>
      tpu.wait_indirect_dma semaphore(%arg25 : memref<!tpu.dma_semaphore, #tpu.memory_space<semaphore_mem>>) src(%arg8 : memref<64x128xf32, #tpu.memory_space<vmem>>) dst(%dma_wait3A_207 : memref<4096x128xf32, #tpu.memory_space<vmem_shared>>)
      %add3A_208 = arith.constant 8 : i32
      %add3A_209 = arith.addi %add3A_201, %add3A_208 : i32
      %lt3A = arith.constant 128 : i32
      %lt3A_210 = arith.cmpi slt, %add3A_209, %lt3A : i32
      %convert_element_type3A = arith.extui %lt3A_210 : i1 to i32
      %cond3A = arith.constant 0 : i32
      %cond3A_211 = arith.cmpi ne, %convert_element_type3A, %cond3A : i32
      scf.if %cond3A_211 {
        %add3A_317 = arith.constant 8 : i32
        %add3A_318 = arith.addi %add3A_201, %add3A_317 : i32
        %dma_start3A_319 = arith.constant 0 : i32
        %dma_start3A_320 = tpu.memref_slice %arg6[%add3A_318, %dma_start3A_319] : memref<128x64xi32, #tpu.memory_space<vmem>> -> memref<1x64xi32, #tpu.memory_space<vmem>>
        %dma_start3A_321 = tpu.memref_squeeze %dma_start3A_320 : memref<1x64xi32, #tpu.memory_space<vmem>> -> memref<64xi32, #tpu.memory_space<vmem>>
        %dma_start3A_322 = arith.constant 0 : i32
        %dma_start3A_323 = arith.constant 0 : i32
        %dma_start3A_324 = tpu.memref_slice %arg2[%dma_start3A_322, %dma_start3A_323] : memref<8192x128xf32, #tpu.memory_space<hbm>> -> memref<8192x128xf32, #tpu.memory_space<hbm>>
        tpu.enqueue_indirect_dma source(%dma_start3A_324 : memref<8192x128xf32, #tpu.memory_space<hbm>>) target(%arg8 : memref<64x128xf32, #tpu.memory_space<vmem>>) offsets(%dma_start3A_321 : memref<64xi32, #tpu.memory_space<vmem>>) semaphore(%arg17 : memref<!tpu.dma_semaphore, #tpu.memory_space<semaphore_mem>>)
      } else {
      }
      %add3A_212 = arith.constant 1 : i32
      %add3A_213 = arith.addi %mul3A_88, %add3A_212 : i32
      %dma_wait3A_214 = arith.constant 0 : i32
      %dma_wait3A_215 = tpu.memref_slice %arg7[%add3A_213, %dma_wait3A_214] : memref<128x64xi32, #tpu.memory_space<vmem>> -> memref<1x64xi32, #tpu.memory_space<vmem>>
      %dma_wait3A_216 = tpu.memref_squeeze %dma_wait3A_215 : memref<1x64xi32, #tpu.memory_space<vmem>> -> memref<64xi32, #tpu.memory_space<vmem>>
      %dma_wait3A_217 = arith.constant 0 : i32
      %dma_wait3A_218 = arith.constant 0 : i32
      %dma_wait3A_219 = tpu.memref_slice %arg16[%dma_wait3A_217, %dma_wait3A_218] : memref<4096x128xf32, #tpu.memory_space<vmem_shared>> -> memref<4096x128xf32, #tpu.memory_space<vmem_shared>>
      tpu.wait_indirect_dma semaphore(%arg26 : memref<!tpu.dma_semaphore, #tpu.memory_space<semaphore_mem>>) src(%arg9 : memref<64x128xf32, #tpu.memory_space<vmem>>) dst(%dma_wait3A_219 : memref<4096x128xf32, #tpu.memory_space<vmem_shared>>)
      %add3A_220 = arith.constant 8 : i32
      %add3A_221 = arith.addi %add3A_213, %add3A_220 : i32
      %lt3A_222 = arith.constant 128 : i32
      %lt3A_223 = arith.cmpi slt, %add3A_221, %lt3A_222 : i32
      %convert_element_type3A_224 = arith.extui %lt3A_223 : i1 to i32
      %cond3A_225 = arith.constant 0 : i32
      %cond3A_226 = arith.cmpi ne, %convert_element_type3A_224, %cond3A_225 : i32
      scf.if %cond3A_226 {
        %add3A_317 = arith.constant 8 : i32
        %add3A_318 = arith.addi %add3A_213, %add3A_317 : i32
        %dma_start3A_319 = arith.constant 0 : i32
        %dma_start3A_320 = tpu.memref_slice %arg6[%add3A_318, %dma_start3A_319] : memref<128x64xi32, #tpu.memory_space<vmem>> -> memref<1x64xi32, #tpu.memory_space<vmem>>
        %dma_start3A_321 = tpu.memref_squeeze %dma_start3A_320 : memref<1x64xi32, #tpu.memory_space<vmem>> -> memref<64xi32, #tpu.memory_space<vmem>>
        %dma_start3A_322 = arith.constant 0 : i32
        %dma_start3A_323 = arith.constant 0 : i32
        %dma_start3A_324 = tpu.memref_slice %arg2[%dma_start3A_322, %dma_start3A_323] : memref<8192x128xf32, #tpu.memory_space<hbm>> -> memref<8192x128xf32, #tpu.memory_space<hbm>>
        tpu.enqueue_indirect_dma source(%dma_start3A_324 : memref<8192x128xf32, #tpu.memory_space<hbm>>) target(%arg9 : memref<64x128xf32, #tpu.memory_space<vmem>>) offsets(%dma_start3A_321 : memref<64xi32, #tpu.memory_space<vmem>>) semaphore(%arg18 : memref<!tpu.dma_semaphore, #tpu.memory_space<semaphore_mem>>)
      } else {
      }
      %add3A_227 = arith.constant 2 : i32
      %add3A_228 = arith.addi %mul3A_88, %add3A_227 : i32
      %dma_wait3A_229 = arith.constant 0 : i32
      %dma_wait3A_230 = tpu.memref_slice %arg7[%add3A_228, %dma_wait3A_229] : memref<128x64xi32, #tpu.memory_space<vmem>> -> memref<1x64xi32, #tpu.memory_space<vmem>>
      %dma_wait3A_231 = tpu.memref_squeeze %dma_wait3A_230 : memref<1x64xi32, #tpu.memory_space<vmem>> -> memref<64xi32, #tpu.memory_space<vmem>>
      %dma_wait3A_232 = arith.constant 0 : i32
      %dma_wait3A_233 = arith.constant 0 : i32
      %dma_wait3A_234 = tpu.memref_slice %arg16[%dma_wait3A_232, %dma_wait3A_233] : memref<4096x128xf32, #tpu.memory_space<vmem_shared>> -> memref<4096x128xf32, #tpu.memory_space<vmem_shared>>
      tpu.wait_indirect_dma semaphore(%arg27 : memref<!tpu.dma_semaphore, #tpu.memory_space<semaphore_mem>>) src(%arg10 : memref<64x128xf32, #tpu.memory_space<vmem>>) dst(%dma_wait3A_234 : memref<4096x128xf32, #tpu.memory_space<vmem_shared>>)
      %add3A_235 = arith.constant 8 : i32
      %add3A_236 = arith.addi %add3A_228, %add3A_235 : i32
      %lt3A_237 = arith.constant 128 : i32
      %lt3A_238 = arith.cmpi slt, %add3A_236, %lt3A_237 : i32
      %convert_element_type3A_239 = arith.extui %lt3A_238 : i1 to i32
      %cond3A_240 = arith.constant 0 : i32
      %cond3A_241 = arith.cmpi ne, %convert_element_type3A_239, %cond3A_240 : i32
      scf.if %cond3A_241 {
        %add3A_317 = arith.constant 8 : i32
        %add3A_318 = arith.addi %add3A_228, %add3A_317 : i32
        %dma_start3A_319 = arith.constant 0 : i32
        %dma_start3A_320 = tpu.memref_slice %arg6[%add3A_318, %dma_start3A_319] : memref<128x64xi32, #tpu.memory_space<vmem>> -> memref<1x64xi32, #tpu.memory_space<vmem>>
        %dma_start3A_321 = tpu.memref_squeeze %dma_start3A_320 : memref<1x64xi32, #tpu.memory_space<vmem>> -> memref<64xi32, #tpu.memory_space<vmem>>
        %dma_start3A_322 = arith.constant 0 : i32
        %dma_start3A_323 = arith.constant 0 : i32
        %dma_start3A_324 = tpu.memref_slice %arg2[%dma_start3A_322, %dma_start3A_323] : memref<8192x128xf32, #tpu.memory_space<hbm>> -> memref<8192x128xf32, #tpu.memory_space<hbm>>
        tpu.enqueue_indirect_dma source(%dma_start3A_324 : memref<8192x128xf32, #tpu.memory_space<hbm>>) target(%arg10 : memref<64x128xf32, #tpu.memory_space<vmem>>) offsets(%dma_start3A_321 : memref<64xi32, #tpu.memory_space<vmem>>) semaphore(%arg19 : memref<!tpu.dma_semaphore, #tpu.memory_space<semaphore_mem>>)
      } else {
      }
      %add3A_242 = arith.constant 3 : i32
      %add3A_243 = arith.addi %mul3A_88, %add3A_242 : i32
      %dma_wait3A_244 = arith.constant 0 : i32
      %dma_wait3A_245 = tpu.memref_slice %arg7[%add3A_243, %dma_wait3A_244] : memref<128x64xi32, #tpu.memory_space<vmem>> -> memref<1x64xi32, #tpu.memory_space<vmem>>
      %dma_wait3A_246 = tpu.memref_squeeze %dma_wait3A_245 : memref<1x64xi32, #tpu.memory_space<vmem>> -> memref<64xi32, #tpu.memory_space<vmem>>
      %dma_wait3A_247 = arith.constant 0 : i32
      %dma_wait3A_248 = arith.constant 0 : i32
      %dma_wait3A_249 = tpu.memref_slice %arg16[%dma_wait3A_247, %dma_wait3A_248] : memref<4096x128xf32, #tpu.memory_space<vmem_shared>> -> memref<4096x128xf32, #tpu.memory_space<vmem_shared>>
      tpu.wait_indirect_dma semaphore(%arg28 : memref<!tpu.dma_semaphore, #tpu.memory_space<semaphore_mem>>) src(%arg11 : memref<64x128xf32, #tpu.memory_space<vmem>>) dst(%dma_wait3A_249 : memref<4096x128xf32, #tpu.memory_space<vmem_shared>>)
      %add3A_250 = arith.constant 8 : i32
      %add3A_251 = arith.addi %add3A_243, %add3A_250 : i32
      %lt3A_252 = arith.constant 128 : i32
      %lt3A_253 = arith.cmpi slt, %add3A_251, %lt3A_252 : i32
      %convert_element_type3A_254 = arith.extui %lt3A_253 : i1 to i32
      %cond3A_255 = arith.constant 0 : i32
      %cond3A_256 = arith.cmpi ne, %convert_element_type3A_254, %cond3A_255 : i32
      scf.if %cond3A_256 {
        %add3A_317 = arith.constant 8 : i32
        %add3A_318 = arith.addi %add3A_243, %add3A_317 : i32
        %dma_start3A_319 = arith.constant 0 : i32
        %dma_start3A_320 = tpu.memref_slice %arg6[%add3A_318, %dma_start3A_319] : memref<128x64xi32, #tpu.memory_space<vmem>> -> memref<1x64xi32, #tpu.memory_space<vmem>>
        %dma_start3A_321 = tpu.memref_squeeze %dma_start3A_320 : memref<1x64xi32, #tpu.memory_space<vmem>> -> memref<64xi32, #tpu.memory_space<vmem>>
        %dma_start3A_322 = arith.constant 0 : i32
        %dma_start3A_323 = arith.constant 0 : i32
        %dma_start3A_324 = tpu.memref_slice %arg2[%dma_start3A_322, %dma_start3A_323] : memref<8192x128xf32, #tpu.memory_space<hbm>> -> memref<8192x128xf32, #tpu.memory_space<hbm>>
        tpu.enqueue_indirect_dma source(%dma_start3A_324 : memref<8192x128xf32, #tpu.memory_space<hbm>>) target(%arg11 : memref<64x128xf32, #tpu.memory_space<vmem>>) offsets(%dma_start3A_321 : memref<64xi32, #tpu.memory_space<vmem>>) semaphore(%arg20 : memref<!tpu.dma_semaphore, #tpu.memory_space<semaphore_mem>>)
      } else {
      }
      %add3A_257 = arith.constant 4 : i32
      %add3A_258 = arith.addi %mul3A_88, %add3A_257 : i32
      %dma_wait3A_259 = arith.constant 0 : i32
      %dma_wait3A_260 = tpu.memref_slice %arg7[%add3A_258, %dma_wait3A_259] : memref<128x64xi32, #tpu.memory_space<vmem>> -> memref<1x64xi32, #tpu.memory_space<vmem>>
      %dma_wait3A_261 = tpu.memref_squeeze %dma_wait3A_260 : memref<1x64xi32, #tpu.memory_space<vmem>> -> memref<64xi32, #tpu.memory_space<vmem>>
      %dma_wait3A_262 = arith.constant 0 : i32
      %dma_wait3A_263 = arith.constant 0 : i32
      %dma_wait3A_264 = tpu.memref_slice %arg16[%dma_wait3A_262, %dma_wait3A_263] : memref<4096x128xf32, #tpu.memory_space<vmem_shared>> -> memref<4096x128xf32, #tpu.memory_space<vmem_shared>>
      tpu.wait_indirect_dma semaphore(%arg29 : memref<!tpu.dma_semaphore, #tpu.memory_space<semaphore_mem>>) src(%arg12 : memref<64x128xf32, #tpu.memory_space<vmem>>) dst(%dma_wait3A_264 : memref<4096x128xf32, #tpu.memory_space<vmem_shared>>)
      %add3A_265 = arith.constant 8 : i32
      %add3A_266 = arith.addi %add3A_258, %add3A_265 : i32
      %lt3A_267 = arith.constant 128 : i32
      %lt3A_268 = arith.cmpi slt, %add3A_266, %lt3A_267 : i32
      %convert_element_type3A_269 = arith.extui %lt3A_268 : i1 to i32
      %cond3A_270 = arith.constant 0 : i32
      %cond3A_271 = arith.cmpi ne, %convert_element_type3A_269, %cond3A_270 : i32
      scf.if %cond3A_271 {
        %add3A_317 = arith.constant 8 : i32
        %add3A_318 = arith.addi %add3A_258, %add3A_317 : i32
        %dma_start3A_319 = arith.constant 0 : i32
        %dma_start3A_320 = tpu.memref_slice %arg6[%add3A_318, %dma_start3A_319] : memref<128x64xi32, #tpu.memory_space<vmem>> -> memref<1x64xi32, #tpu.memory_space<vmem>>
        %dma_start3A_321 = tpu.memref_squeeze %dma_start3A_320 : memref<1x64xi32, #tpu.memory_space<vmem>> -> memref<64xi32, #tpu.memory_space<vmem>>
        %dma_start3A_322 = arith.constant 0 : i32
        %dma_start3A_323 = arith.constant 0 : i32
        %dma_start3A_324 = tpu.memref_slice %arg2[%dma_start3A_322, %dma_start3A_323] : memref<8192x128xf32, #tpu.memory_space<hbm>> -> memref<8192x128xf32, #tpu.memory_space<hbm>>
        tpu.enqueue_indirect_dma source(%dma_start3A_324 : memref<8192x128xf32, #tpu.memory_space<hbm>>) target(%arg12 : memref<64x128xf32, #tpu.memory_space<vmem>>) offsets(%dma_start3A_321 : memref<64xi32, #tpu.memory_space<vmem>>) semaphore(%arg21 : memref<!tpu.dma_semaphore, #tpu.memory_space<semaphore_mem>>)
      } else {
      }
      %add3A_272 = arith.constant 5 : i32
      %add3A_273 = arith.addi %mul3A_88, %add3A_272 : i32
      %dma_wait3A_274 = arith.constant 0 : i32
      %dma_wait3A_275 = tpu.memref_slice %arg7[%add3A_273, %dma_wait3A_274] : memref<128x64xi32, #tpu.memory_space<vmem>> -> memref<1x64xi32, #tpu.memory_space<vmem>>
      %dma_wait3A_276 = tpu.memref_squeeze %dma_wait3A_275 : memref<1x64xi32, #tpu.memory_space<vmem>> -> memref<64xi32, #tpu.memory_space<vmem>>
      %dma_wait3A_277 = arith.constant 0 : i32
      %dma_wait3A_278 = arith.constant 0 : i32
      %dma_wait3A_279 = tpu.memref_slice %arg16[%dma_wait3A_277, %dma_wait3A_278] : memref<4096x128xf32, #tpu.memory_space<vmem_shared>> -> memref<4096x128xf32, #tpu.memory_space<vmem_shared>>
      tpu.wait_indirect_dma semaphore(%arg30 : memref<!tpu.dma_semaphore, #tpu.memory_space<semaphore_mem>>) src(%arg13 : memref<64x128xf32, #tpu.memory_space<vmem>>) dst(%dma_wait3A_279 : memref<4096x128xf32, #tpu.memory_space<vmem_shared>>)
      %add3A_280 = arith.constant 8 : i32
      %add3A_281 = arith.addi %add3A_273, %add3A_280 : i32
      %lt3A_282 = arith.constant 128 : i32
      %lt3A_283 = arith.cmpi slt, %add3A_281, %lt3A_282 : i32
      %convert_element_type3A_284 = arith.extui %lt3A_283 : i1 to i32
      %cond3A_285 = arith.constant 0 : i32
      %cond3A_286 = arith.cmpi ne, %convert_element_type3A_284, %cond3A_285 : i32
      scf.if %cond3A_286 {
        %add3A_317 = arith.constant 8 : i32
        %add3A_318 = arith.addi %add3A_273, %add3A_317 : i32
        %dma_start3A_319 = arith.constant 0 : i32
        %dma_start3A_320 = tpu.memref_slice %arg6[%add3A_318, %dma_start3A_319] : memref<128x64xi32, #tpu.memory_space<vmem>> -> memref<1x64xi32, #tpu.memory_space<vmem>>
        %dma_start3A_321 = tpu.memref_squeeze %dma_start3A_320 : memref<1x64xi32, #tpu.memory_space<vmem>> -> memref<64xi32, #tpu.memory_space<vmem>>
        %dma_start3A_322 = arith.constant 0 : i32
        %dma_start3A_323 = arith.constant 0 : i32
        %dma_start3A_324 = tpu.memref_slice %arg2[%dma_start3A_322, %dma_start3A_323] : memref<8192x128xf32, #tpu.memory_space<hbm>> -> memref<8192x128xf32, #tpu.memory_space<hbm>>
        tpu.enqueue_indirect_dma source(%dma_start3A_324 : memref<8192x128xf32, #tpu.memory_space<hbm>>) target(%arg13 : memref<64x128xf32, #tpu.memory_space<vmem>>) offsets(%dma_start3A_321 : memref<64xi32, #tpu.memory_space<vmem>>) semaphore(%arg22 : memref<!tpu.dma_semaphore, #tpu.memory_space<semaphore_mem>>)
      } else {
      }
      %add3A_287 = arith.constant 6 : i32
      %add3A_288 = arith.addi %mul3A_88, %add3A_287 : i32
      %dma_wait3A_289 = arith.constant 0 : i32
      %dma_wait3A_290 = tpu.memref_slice %arg7[%add3A_288, %dma_wait3A_289] : memref<128x64xi32, #tpu.memory_space<vmem>> -> memref<1x64xi32, #tpu.memory_space<vmem>>
      %dma_wait3A_291 = tpu.memref_squeeze %dma_wait3A_290 : memref<1x64xi32, #tpu.memory_space<vmem>> -> memref<64xi32, #tpu.memory_space<vmem>>
      %dma_wait3A_292 = arith.constant 0 : i32
      %dma_wait3A_293 = arith.constant 0 : i32
      %dma_wait3A_294 = tpu.memref_slice %arg16[%dma_wait3A_292, %dma_wait3A_293] : memref<4096x128xf32, #tpu.memory_space<vmem_shared>> -> memref<4096x128xf32, #tpu.memory_space<vmem_shared>>
      tpu.wait_indirect_dma semaphore(%arg31 : memref<!tpu.dma_semaphore, #tpu.memory_space<semaphore_mem>>) src(%arg14 : memref<64x128xf32, #tpu.memory_space<vmem>>) dst(%dma_wait3A_294 : memref<4096x128xf32, #tpu.memory_space<vmem_shared>>)
      %add3A_295 = arith.constant 8 : i32
      %add3A_296 = arith.addi %add3A_288, %add3A_295 : i32
      %lt3A_297 = arith.constant 128 : i32
      %lt3A_298 = arith.cmpi slt, %add3A_296, %lt3A_297 : i32
      %convert_element_type3A_299 = arith.extui %lt3A_298 : i1 to i32
      %cond3A_300 = arith.constant 0 : i32
      %cond3A_301 = arith.cmpi ne, %convert_element_type3A_299, %cond3A_300 : i32
      scf.if %cond3A_301 {
        %add3A_317 = arith.constant 8 : i32
        %add3A_318 = arith.addi %add3A_288, %add3A_317 : i32
        %dma_start3A_319 = arith.constant 0 : i32
        %dma_start3A_320 = tpu.memref_slice %arg6[%add3A_318, %dma_start3A_319] : memref<128x64xi32, #tpu.memory_space<vmem>> -> memref<1x64xi32, #tpu.memory_space<vmem>>
        %dma_start3A_321 = tpu.memref_squeeze %dma_start3A_320 : memref<1x64xi32, #tpu.memory_space<vmem>> -> memref<64xi32, #tpu.memory_space<vmem>>
        %dma_start3A_322 = arith.constant 0 : i32
        %dma_start3A_323 = arith.constant 0 : i32
        %dma_start3A_324 = tpu.memref_slice %arg2[%dma_start3A_322, %dma_start3A_323] : memref<8192x128xf32, #tpu.memory_space<hbm>> -> memref<8192x128xf32, #tpu.memory_space<hbm>>
        tpu.enqueue_indirect_dma source(%dma_start3A_324 : memref<8192x128xf32, #tpu.memory_space<hbm>>) target(%arg14 : memref<64x128xf32, #tpu.memory_space<vmem>>) offsets(%dma_start3A_321 : memref<64xi32, #tpu.memory_space<vmem>>) semaphore(%arg23 : memref<!tpu.dma_semaphore, #tpu.memory_space<semaphore_mem>>)
      } else {
      }
      %add3A_302 = arith.constant 7 : i32
      %add3A_303 = arith.addi %mul3A_88, %add3A_302 : i32
      %dma_wait3A_304 = arith.constant 0 : i32
      %dma_wait3A_305 = tpu.memref_slice %arg7[%add3A_303, %dma_wait3A_304] : memref<128x64xi32, #tpu.memory_space<vmem>> -> memref<1x64xi32, #tpu.memory_space<vmem>>
      %dma_wait3A_306 = tpu.memref_squeeze %dma_wait3A_305 : memref<1x64xi32, #tpu.memory_space<vmem>> -> memref<64xi32, #tpu.memory_space<vmem>>
      %dma_wait3A_307 = arith.constant 0 : i32
      %dma_wait3A_308 = arith.constant 0 : i32
      %dma_wait3A_309 = tpu.memref_slice %arg16[%dma_wait3A_307, %dma_wait3A_308] : memref<4096x128xf32, #tpu.memory_space<vmem_shared>> -> memref<4096x128xf32, #tpu.memory_space<vmem_shared>>
      tpu.wait_indirect_dma semaphore(%arg32 : memref<!tpu.dma_semaphore, #tpu.memory_space<semaphore_mem>>) src(%arg15 : memref<64x128xf32, #tpu.memory_space<vmem>>) dst(%dma_wait3A_309 : memref<4096x128xf32, #tpu.memory_space<vmem_shared>>)
      %add3A_310 = arith.constant 8 : i32
      %add3A_311 = arith.addi %add3A_303, %add3A_310 : i32
      %lt3A_312 = arith.constant 128 : i32
      %lt3A_313 = arith.cmpi slt, %add3A_311, %lt3A_312 : i32
      %convert_element_type3A_314 = arith.extui %lt3A_313 : i1 to i32
      %cond3A_315 = arith.constant 0 : i32
      %cond3A_316 = arith.cmpi ne, %convert_element_type3A_314, %cond3A_315 : i32
      scf.if %cond3A_316 {
        %add3A_317 = arith.constant 8 : i32
        %add3A_318 = arith.addi %add3A_303, %add3A_317 : i32
        %dma_start3A_319 = arith.constant 0 : i32
        %dma_start3A_320 = tpu.memref_slice %arg6[%add3A_318, %dma_start3A_319] : memref<128x64xi32, #tpu.memory_space<vmem>> -> memref<1x64xi32, #tpu.memory_space<vmem>>
        %dma_start3A_321 = tpu.memref_squeeze %dma_start3A_320 : memref<1x64xi32, #tpu.memory_space<vmem>> -> memref<64xi32, #tpu.memory_space<vmem>>
        %dma_start3A_322 = arith.constant 0 : i32
        %dma_start3A_323 = arith.constant 0 : i32
        %dma_start3A_324 = tpu.memref_slice %arg2[%dma_start3A_322, %dma_start3A_323] : memref<8192x128xf32, #tpu.memory_space<hbm>> -> memref<8192x128xf32, #tpu.memory_space<hbm>>
        tpu.enqueue_indirect_dma source(%dma_start3A_324 : memref<8192x128xf32, #tpu.memory_space<hbm>>) target(%arg15 : memref<64x128xf32, #tpu.memory_space<vmem>>) offsets(%dma_start3A_321 : memref<64xi32, #tpu.memory_space<vmem>>) semaphore(%arg24 : memref<!tpu.dma_semaphore, #tpu.memory_space<semaphore_mem>>)
      } else {
      }
    }
    %scan3A_80 = arith.constant 16 : i32
    %barrier3A_81 = arith.constant 0 : index
    tpu.barrier barrier_id(%barrier3A_81)
    %mul3A_82 = arith.constant 256 : i32
    %mul3A_83 = arith.muli %arg1, %mul3A_82 : i32
    %mul3A_84 = arith.constant 256 : i32
    %mul3A_85 = arith.muli %arg1, %mul3A_84 : i32
    "tpu.region"() ({
      %run_scoped3A = tpu.sem_alloc : memref<!tpu.dma_semaphore, #tpu.memory_space<semaphore_mem>>
      %dma_start3A_86 = arith.constant 0 : i32
      %dma_start3A_87 = tpu.memref_slice %arg5[%arg0, %mul3A_85, %dma_start3A_86] : memref<2x4096x128xf32, #tpu.memory_space<hbm>> -> memref<1x256x128xf32, #tpu.memory_space<hbm>>
      %dma_start3A_88 = tpu.memref_squeeze %dma_start3A_87 : memref<1x256x128xf32, #tpu.memory_space<hbm>> -> memref<256x128xf32, #tpu.memory_space<hbm>>
      %dma_start3A_89 = arith.constant 0 : i32
      %dma_start3A_90 = tpu.memref_slice %arg16[%mul3A_83, %dma_start3A_89] : memref<4096x128xf32, #tpu.memory_space<vmem_shared>> -> memref<256x128xf32, #tpu.memory_space<vmem_shared>>
      tpu.enqueue_dma source(%dma_start3A_90 : memref<256x128xf32, #tpu.memory_space<vmem_shared>>) target(%dma_start3A_88 : memref<256x128xf32, #tpu.memory_space<hbm>>) target_semaphore(%run_scoped3A : memref<!tpu.dma_semaphore, #tpu.memory_space<semaphore_mem>>)
      %dma_wait3A = arith.constant 0 : i32
      %dma_wait3A_91 = tpu.memref_slice %arg5[%arg0, %mul3A_85, %dma_wait3A] : memref<2x4096x128xf32, #tpu.memory_space<hbm>> -> memref<1x256x128xf32, #tpu.memory_space<hbm>>
      %dma_wait3A_92 = tpu.memref_squeeze %dma_wait3A_91 : memref<1x256x128xf32, #tpu.memory_space<hbm>> -> memref<256x128xf32, #tpu.memory_space<hbm>>
      %dma_wait3A_93 = arith.constant 0 : i32
      %dma_wait3A_94 = tpu.memref_slice %arg16[%mul3A_83, %dma_wait3A_93] : memref<4096x128xf32, #tpu.memory_space<vmem_shared>> -> memref<256x128xf32, #tpu.memory_space<vmem_shared>>
      tpu.wait_dma2 semaphore(%run_scoped3A : memref<!tpu.dma_semaphore, #tpu.memory_space<semaphore_mem>>) src(%dma_wait3A_94 : memref<256x128xf32, #tpu.memory_space<vmem_shared>>) dst(%dma_wait3A_92 : memref<256x128xf32, #tpu.memory_space<hbm>>)
      tpu.yield
    }) : () -> ()
    return
  }
}

#map = affine_map<(d0, d1) -> (0, 0)>
#map1 = affine_map<(d0, d1) -> (0, 0, 0, 0)>
#map2 = affine_map<(d0, d1) -> (0, 0, 0)>
module attributes {stable_mosaic.version = 14 : i64} {
  func.func @body(%arg0: i32, %arg1: i32, %arg2: memref<8192x192xf32, #tpu.memory_space<hbm>>, %arg3: memref<2x16x128x64xi32, #tpu.memory_space<hbm>>, %arg4: memref<2x16x128x64xi32, #tpu.memory_space<hbm>>, %arg5: memref<2x4096x192xf32, #tpu.memory_space<hbm>>, %arg6: memref<128x64xi32, #tpu.memory_space<vmem>>, %arg7: memref<128x64xi32, #tpu.memory_space<vmem>>, %arg8: memref<64x192xf32, #tpu.memory_space<vmem>>, %arg9: memref<64x192xf32, #tpu.memory_space<vmem>>, %arg10: memref<64x192xf32, #tpu.memory_space<vmem>>, %arg11: memref<64x192xf32, #tpu.memory_space<vmem>>, %arg12: memref<4096x192xf32, #tpu.memory_space<vmem_shared>>, %arg13: memref<!tpu.dma_semaphore, #tpu.memory_space<semaphore_mem>>, %arg14: memref<!tpu.dma_semaphore, #tpu.memory_space<semaphore_mem>>, %arg15: memref<!tpu.dma_semaphore, #tpu.memory_space<semaphore_mem>>, %arg16: memref<!tpu.dma_semaphore, #tpu.memory_space<semaphore_mem>>, %arg17: memref<!tpu.dma_semaphore, #tpu.memory_space<semaphore_mem>>, %arg18: memref<!tpu.dma_semaphore, #tpu.memory_space<semaphore_mem>>, %arg19: memref<!tpu.dma_semaphore, #tpu.memory_space<semaphore_mem>>, %arg20: memref<!tpu.dma_semaphore, #tpu.memory_space<semaphore_mem>>) attributes {dimension_semantics = [#tpu.dimension_semantics<core_parallel>, #tpu.dimension_semantics<subcore_parallel>], iteration_bounds = array<i64: 2, 16>, scalar_prefetch = 0 : i64, scratch_operands = 15 : i64, tpu.core_type = #tpu.core_type<sc_vector_subcore>, window_params = [{transform_indices = #map}, {transform_indices = #map1}, {transform_indices = #map1}, {transform_indices = #map2}]} {
    "tpu.region"() ({
      %run_scoped3A = tpu.sem_alloc : memref<!tpu.dma_semaphore, #tpu.memory_space<semaphore_mem>>
      %dma_start3A_58 = arith.constant 0 : i32
      %dma_start3A_59 = arith.constant 0 : i32
      %dma_start3A_60 = tpu.memref_slice %arg3[%arg0, %arg1, %dma_start3A_58, %dma_start3A_59] : memref<2x16x128x64xi32, #tpu.memory_space<hbm>> -> memref<1x1x128x64xi32, #tpu.memory_space<hbm>>
      %dma_start3A_61 = tpu.memref_squeeze %dma_start3A_60 : memref<1x1x128x64xi32, #tpu.memory_space<hbm>> -> memref<128x64xi32, #tpu.memory_space<hbm>>
      %dma_start3A_62 = arith.constant 0 : i32
      %dma_start3A_63 = arith.constant 0 : i32
      %dma_start3A_64 = tpu.memref_slice %arg3[%arg0, %arg1, %dma_start3A_62, %dma_start3A_63] : memref<2x16x128x64xi32, #tpu.memory_space<hbm>> -> memref<1x1x128x64xi32, #tpu.memory_space<hbm>>
      %dma_start3A_65 = tpu.memref_squeeze %dma_start3A_64 : memref<1x1x128x64xi32, #tpu.memory_space<hbm>> -> memref<128x64xi32, #tpu.memory_space<hbm>>
      tpu.enqueue_dma source(%dma_start3A_65 : memref<128x64xi32, #tpu.memory_space<hbm>>) target(%arg6 : memref<128x64xi32, #tpu.memory_space<vmem>>) target_semaphore(%run_scoped3A : memref<!tpu.dma_semaphore, #tpu.memory_space<semaphore_mem>>)
      %dma_wait3A = arith.constant 0 : i32
      %dma_wait3A_66 = arith.constant 0 : i32
      %dma_wait3A_67 = tpu.memref_slice %arg3[%arg0, %arg1, %dma_wait3A, %dma_wait3A_66] : memref<2x16x128x64xi32, #tpu.memory_space<hbm>> -> memref<1x1x128x64xi32, #tpu.memory_space<hbm>>
      %dma_wait3A_68 = tpu.memref_squeeze %dma_wait3A_67 : memref<1x1x128x64xi32, #tpu.memory_space<hbm>> -> memref<128x64xi32, #tpu.memory_space<hbm>>
      %dma_wait3A_69 = arith.constant 0 : i32
      %dma_wait3A_70 = arith.constant 0 : i32
      %dma_wait3A_71 = tpu.memref_slice %arg3[%arg0, %arg1, %dma_wait3A_69, %dma_wait3A_70] : memref<2x16x128x64xi32, #tpu.memory_space<hbm>> -> memref<1x1x128x64xi32, #tpu.memory_space<hbm>>
      %dma_wait3A_72 = tpu.memref_squeeze %dma_wait3A_71 : memref<1x1x128x64xi32, #tpu.memory_space<hbm>> -> memref<128x64xi32, #tpu.memory_space<hbm>>
      tpu.wait_dma2 semaphore(%run_scoped3A : memref<!tpu.dma_semaphore, #tpu.memory_space<semaphore_mem>>) src(%dma_wait3A_72 : memref<128x64xi32, #tpu.memory_space<hbm>>) dst(%arg6 : memref<128x64xi32, #tpu.memory_space<vmem>>)
      tpu.yield
    }) : () -> ()
    "tpu.region"() ({
      %run_scoped3A = tpu.sem_alloc : memref<!tpu.dma_semaphore, #tpu.memory_space<semaphore_mem>>
      %dma_start3A_58 = arith.constant 0 : i32
      %dma_start3A_59 = arith.constant 0 : i32
      %dma_start3A_60 = tpu.memref_slice %arg4[%arg0, %arg1, %dma_start3A_58, %dma_start3A_59] : memref<2x16x128x64xi32, #tpu.memory_space<hbm>> -> memref<1x1x128x64xi32, #tpu.memory_space<hbm>>
      %dma_start3A_61 = tpu.memref_squeeze %dma_start3A_60 : memref<1x1x128x64xi32, #tpu.memory_space<hbm>> -> memref<128x64xi32, #tpu.memory_space<hbm>>
      %dma_start3A_62 = arith.constant 0 : i32
      %dma_start3A_63 = arith.constant 0 : i32
      %dma_start3A_64 = tpu.memref_slice %arg4[%arg0, %arg1, %dma_start3A_62, %dma_start3A_63] : memref<2x16x128x64xi32, #tpu.memory_space<hbm>> -> memref<1x1x128x64xi32, #tpu.memory_space<hbm>>
      %dma_start3A_65 = tpu.memref_squeeze %dma_start3A_64 : memref<1x1x128x64xi32, #tpu.memory_space<hbm>> -> memref<128x64xi32, #tpu.memory_space<hbm>>
      tpu.enqueue_dma source(%dma_start3A_65 : memref<128x64xi32, #tpu.memory_space<hbm>>) target(%arg7 : memref<128x64xi32, #tpu.memory_space<vmem>>) target_semaphore(%run_scoped3A : memref<!tpu.dma_semaphore, #tpu.memory_space<semaphore_mem>>)
      %dma_wait3A = arith.constant 0 : i32
      %dma_wait3A_66 = arith.constant 0 : i32
      %dma_wait3A_67 = tpu.memref_slice %arg4[%arg0, %arg1, %dma_wait3A, %dma_wait3A_66] : memref<2x16x128x64xi32, #tpu.memory_space<hbm>> -> memref<1x1x128x64xi32, #tpu.memory_space<hbm>>
      %dma_wait3A_68 = tpu.memref_squeeze %dma_wait3A_67 : memref<1x1x128x64xi32, #tpu.memory_space<hbm>> -> memref<128x64xi32, #tpu.memory_space<hbm>>
      %dma_wait3A_69 = arith.constant 0 : i32
      %dma_wait3A_70 = arith.constant 0 : i32
      %dma_wait3A_71 = tpu.memref_slice %arg4[%arg0, %arg1, %dma_wait3A_69, %dma_wait3A_70] : memref<2x16x128x64xi32, #tpu.memory_space<hbm>> -> memref<1x1x128x64xi32, #tpu.memory_space<hbm>>
      %dma_wait3A_72 = tpu.memref_squeeze %dma_wait3A_71 : memref<1x1x128x64xi32, #tpu.memory_space<hbm>> -> memref<128x64xi32, #tpu.memory_space<hbm>>
      tpu.wait_dma2 semaphore(%run_scoped3A : memref<!tpu.dma_semaphore, #tpu.memory_space<semaphore_mem>>) src(%dma_wait3A_72 : memref<128x64xi32, #tpu.memory_space<hbm>>) dst(%arg7 : memref<128x64xi32, #tpu.memory_space<vmem>>)
      tpu.yield
    }) : () -> ()
    %broadcast_in_dim3A = arith.constant 0.000000e+00 : f32
    %broadcast_in_dim3A_0 = vector.broadcast %broadcast_in_dim3A : f32 to vector<16xf32>
    %scan3A = arith.constant 0 : i32
    %scan3A_1 = arith.constant 0 : i32
    %scan3A_2 = arith.constant 64 : i32
    %scan3A_3 = arith.addi %scan3A_1, %scan3A_2 : i32
    %scan3A_4 = arith.constant 1 : i32
    scf.for %scan3A_58 = %scan3A_1 to %scan3A_3 step %scan3A_4  : i32 {
      %swap3A = arith.index_cast %scan3A_58 : i32 to index
      %swap3A_59 = arith.constant 0 : index
      %swap3A_60 = tpu.vector_load %arg8[%swap3A, %swap3A_59] {strides = array<i32>} : memref<64x192xf32, #tpu.memory_space<vmem>>, vector<1x16xf32>,
      %swap3A_61 = vector.shape_cast %swap3A_60 : vector<1x16xf32> to vector<16xf32>
      %swap3A_62 = vector.shape_cast %broadcast_in_dim3A_0 : vector<16xf32> to vector<1x16xf32>
      tpu.vector_store %arg8[%swap3A, %swap3A_59], %swap3A_62 {strides = array<i32>} : memref<64x192xf32, #tpu.memory_space<vmem>>, vector<1x16xf32>,
      %swap3A_63 = arith.index_cast %scan3A_58 : i32 to index
      %swap3A_64 = arith.constant 16 : index
      %swap3A_65 = tpu.vector_load %arg8[%swap3A_63, %swap3A_64] {strides = array<i32>} : memref<64x192xf32, #tpu.memory_space<vmem>>, vector<1x16xf32>,
      %swap3A_66 = vector.shape_cast %swap3A_65 : vector<1x16xf32> to vector<16xf32>
      %swap3A_67 = vector.shape_cast %broadcast_in_dim3A_0 : vector<16xf32> to vector<1x16xf32>
      tpu.vector_store %arg8[%swap3A_63, %swap3A_64], %swap3A_67 {strides = array<i32>} : memref<64x192xf32, #tpu.memory_space<vmem>>, vector<1x16xf32>,
      %swap3A_68 = arith.index_cast %scan3A_58 : i32 to index
      %swap3A_69 = arith.constant 32 : index
      %swap3A_70 = tpu.vector_load %arg8[%swap3A_68, %swap3A_69] {strides = array<i32>} : memref<64x192xf32, #tpu.memory_space<vmem>>, vector<1x16xf32>,
      %swap3A_71 = vector.shape_cast %swap3A_70 : vector<1x16xf32> to vector<16xf32>
      %swap3A_72 = vector.shape_cast %broadcast_in_dim3A_0 : vector<16xf32> to vector<1x16xf32>
      tpu.vector_store %arg8[%swap3A_68, %swap3A_69], %swap3A_72 {strides = array<i32>} : memref<64x192xf32, #tpu.memory_space<vmem>>, vector<1x16xf32>,
      %swap3A_73 = arith.index_cast %scan3A_58 : i32 to index
      %swap3A_74 = arith.constant 48 : index
      %swap3A_75 = tpu.vector_load %arg8[%swap3A_73, %swap3A_74] {strides = array<i32>} : memref<64x192xf32, #tpu.memory_space<vmem>>, vector<1x16xf32>,
      %swap3A_76 = vector.shape_cast %swap3A_75 : vector<1x16xf32> to vector<16xf32>
      %swap3A_77 = vector.shape_cast %broadcast_in_dim3A_0 : vector<16xf32> to vector<1x16xf32>
      tpu.vector_store %arg8[%swap3A_73, %swap3A_74], %swap3A_77 {strides = array<i32>} : memref<64x192xf32, #tpu.memory_space<vmem>>, vector<1x16xf32>,
      %swap3A_78 = arith.index_cast %scan3A_58 : i32 to index
      %swap3A_79 = arith.constant 64 : index
      %swap3A_80 = tpu.vector_load %arg8[%swap3A_78, %swap3A_79] {strides = array<i32>} : memref<64x192xf32, #tpu.memory_space<vmem>>, vector<1x16xf32>,
      %swap3A_81 = vector.shape_cast %swap3A_80 : vector<1x16xf32> to vector<16xf32>
      %swap3A_82 = vector.shape_cast %broadcast_in_dim3A_0 : vector<16xf32> to vector<1x16xf32>
      tpu.vector_store %arg8[%swap3A_78, %swap3A_79], %swap3A_82 {strides = array<i32>} : memref<64x192xf32, #tpu.memory_space<vmem>>, vector<1x16xf32>,
      %swap3A_83 = arith.index_cast %scan3A_58 : i32 to index
      %swap3A_84 = arith.constant 80 : index
      %swap3A_85 = tpu.vector_load %arg8[%swap3A_83, %swap3A_84] {strides = array<i32>} : memref<64x192xf32, #tpu.memory_space<vmem>>, vector<1x16xf32>,
      %swap3A_86 = vector.shape_cast %swap3A_85 : vector<1x16xf32> to vector<16xf32>
      %swap3A_87 = vector.shape_cast %broadcast_in_dim3A_0 : vector<16xf32> to vector<1x16xf32>
      tpu.vector_store %arg8[%swap3A_83, %swap3A_84], %swap3A_87 {strides = array<i32>} : memref<64x192xf32, #tpu.memory_space<vmem>>, vector<1x16xf32>,
      %swap3A_88 = arith.index_cast %scan3A_58 : i32 to index
      %swap3A_89 = arith.constant 96 : index
      %swap3A_90 = tpu.vector_load %arg8[%swap3A_88, %swap3A_89] {strides = array<i32>} : memref<64x192xf32, #tpu.memory_space<vmem>>, vector<1x16xf32>,
      %swap3A_91 = vector.shape_cast %swap3A_90 : vector<1x16xf32> to vector<16xf32>
      %swap3A_92 = vector.shape_cast %broadcast_in_dim3A_0 : vector<16xf32> to vector<1x16xf32>
      tpu.vector_store %arg8[%swap3A_88, %swap3A_89], %swap3A_92 {strides = array<i32>} : memref<64x192xf32, #tpu.memory_space<vmem>>, vector<1x16xf32>,
      %swap3A_93 = arith.index_cast %scan3A_58 : i32 to index
      %swap3A_94 = arith.constant 112 : index
      %swap3A_95 = tpu.vector_load %arg8[%swap3A_93, %swap3A_94] {strides = array<i32>} : memref<64x192xf32, #tpu.memory_space<vmem>>, vector<1x16xf32>,
      %swap3A_96 = vector.shape_cast %swap3A_95 : vector<1x16xf32> to vector<16xf32>
      %swap3A_97 = vector.shape_cast %broadcast_in_dim3A_0 : vector<16xf32> to vector<1x16xf32>
      tpu.vector_store %arg8[%swap3A_93, %swap3A_94], %swap3A_97 {strides = array<i32>} : memref<64x192xf32, #tpu.memory_space<vmem>>, vector<1x16xf32>,
      %swap3A_98 = arith.index_cast %scan3A_58 : i32 to index
      %swap3A_99 = arith.constant 128 : index
      %swap3A_100 = tpu.vector_load %arg8[%swap3A_98, %swap3A_99] {strides = array<i32>} : memref<64x192xf32, #tpu.memory_space<vmem>>, vector<1x16xf32>,
      %swap3A_101 = vector.shape_cast %swap3A_100 : vector<1x16xf32> to vector<16xf32>
      %swap3A_102 = vector.shape_cast %broadcast_in_dim3A_0 : vector<16xf32> to vector<1x16xf32>
      tpu.vector_store %arg8[%swap3A_98, %swap3A_99], %swap3A_102 {strides = array<i32>} : memref<64x192xf32, #tpu.memory_space<vmem>>, vector<1x16xf32>,
      %swap3A_103 = arith.index_cast %scan3A_58 : i32 to index
      %swap3A_104 = arith.constant 144 : index
      %swap3A_105 = tpu.vector_load %arg8[%swap3A_103, %swap3A_104] {strides = array<i32>} : memref<64x192xf32, #tpu.memory_space<vmem>>, vector<1x16xf32>,
      %swap3A_106 = vector.shape_cast %swap3A_105 : vector<1x16xf32> to vector<16xf32>
      %swap3A_107 = vector.shape_cast %broadcast_in_dim3A_0 : vector<16xf32> to vector<1x16xf32>
      tpu.vector_store %arg8[%swap3A_103, %swap3A_104], %swap3A_107 {strides = array<i32>} : memref<64x192xf32, #tpu.memory_space<vmem>>, vector<1x16xf32>,
      %swap3A_108 = arith.index_cast %scan3A_58 : i32 to index
      %swap3A_109 = arith.constant 160 : index
      %swap3A_110 = tpu.vector_load %arg8[%swap3A_108, %swap3A_109] {strides = array<i32>} : memref<64x192xf32, #tpu.memory_space<vmem>>, vector<1x16xf32>,
      %swap3A_111 = vector.shape_cast %swap3A_110 : vector<1x16xf32> to vector<16xf32>
      %swap3A_112 = vector.shape_cast %broadcast_in_dim3A_0 : vector<16xf32> to vector<1x16xf32>
      tpu.vector_store %arg8[%swap3A_108, %swap3A_109], %swap3A_112 {strides = array<i32>} : memref<64x192xf32, #tpu.memory_space<vmem>>, vector<1x16xf32>,
      %swap3A_113 = arith.index_cast %scan3A_58 : i32 to index
      %swap3A_114 = arith.constant 176 : index
      %swap3A_115 = tpu.vector_load %arg8[%swap3A_113, %swap3A_114] {strides = array<i32>} : memref<64x192xf32, #tpu.memory_space<vmem>>, vector<1x16xf32>,
      %swap3A_116 = vector.shape_cast %swap3A_115 : vector<1x16xf32> to vector<16xf32>
      %swap3A_117 = vector.shape_cast %broadcast_in_dim3A_0 : vector<16xf32> to vector<1x16xf32>
      tpu.vector_store %arg8[%swap3A_113, %swap3A_114], %swap3A_117 {strides = array<i32>} : memref<64x192xf32, #tpu.memory_space<vmem>>, vector<1x16xf32>,
    }
    %scan3A_5 = arith.constant 64 : i32
    %mul3A = arith.constant 256 : i32
    %mul3A_6 = arith.muli %arg1, %mul3A : i32
    %add3A = arith.constant 0 : i32
    %add3A_7 = arith.addi %mul3A_6, %add3A : i32
    "tpu.region"() ({
      %run_scoped3A = tpu.sem_alloc : memref<!tpu.dma_semaphore, #tpu.memory_space<semaphore_mem>>
      %dma_start3A_58 = arith.constant 0 : i32
      %dma_start3A_59 = tpu.memref_slice %arg12[%add3A_7, %dma_start3A_58] : memref<4096x192xf32, #tpu.memory_space<vmem_shared>> -> memref<64x192xf32, #tpu.memory_space<vmem_shared>>
      %dma_start3A_60 = arith.constant 0 : i32
      %dma_start3A_61 = tpu.memref_slice %arg12[%add3A_7, %dma_start3A_60] : memref<4096x192xf32, #tpu.memory_space<vmem_shared>> -> memref<64x192xf32, #tpu.memory_space<vmem_shared>>
      tpu.enqueue_dma source(%arg8 : memref<64x192xf32, #tpu.memory_space<vmem>>) target(%dma_start3A_61 : memref<64x192xf32, #tpu.memory_space<vmem_shared>>) target_semaphore(%run_scoped3A : memref<!tpu.dma_semaphore, #tpu.memory_space<semaphore_mem>>)
      %dma_wait3A = arith.constant 0 : i32
      %dma_wait3A_62 = tpu.memref_slice %arg12[%add3A_7, %dma_wait3A] : memref<4096x192xf32, #tpu.memory_space<vmem_shared>> -> memref<64x192xf32, #tpu.memory_space<vmem_shared>>
      %dma_wait3A_63 = arith.constant 0 : i32
      %dma_wait3A_64 = tpu.memref_slice %arg12[%add3A_7, %dma_wait3A_63] : memref<4096x192xf32, #tpu.memory_space<vmem_shared>> -> memref<64x192xf32, #tpu.memory_space<vmem_shared>>
      tpu.wait_dma2 semaphore(%run_scoped3A : memref<!tpu.dma_semaphore, #tpu.memory_space<semaphore_mem>>) src(%arg8 : memref<64x192xf32, #tpu.memory_space<vmem>>) dst(%dma_wait3A_64 : memref<64x192xf32, #tpu.memory_space<vmem_shared>>)
      tpu.yield
    }) : () -> ()
    %mul3A_8 = arith.constant 256 : i32
    %mul3A_9 = arith.muli %arg1, %mul3A_8 : i32
    %add3A_10 = arith.constant 64 : i32
    %add3A_11 = arith.addi %mul3A_9, %add3A_10 : i32
    "tpu.region"() ({
      %run_scoped3A = tpu.sem_alloc : memref<!tpu.dma_semaphore, #tpu.memory_space<semaphore_mem>>
      %dma_start3A_58 = arith.constant 0 : i32
      %dma_start3A_59 = tpu.memref_slice %arg12[%add3A_11, %dma_start3A_58] : memref<4096x192xf32, #tpu.memory_space<vmem_shared>> -> memref<64x192xf32, #tpu.memory_space<vmem_shared>>
      %dma_start3A_60 = arith.constant 0 : i32
      %dma_start3A_61 = tpu.memref_slice %arg12[%add3A_11, %dma_start3A_60] : memref<4096x192xf32, #tpu.memory_space<vmem_shared>> -> memref<64x192xf32, #tpu.memory_space<vmem_shared>>
      tpu.enqueue_dma source(%arg8 : memref<64x192xf32, #tpu.memory_space<vmem>>) target(%dma_start3A_61 : memref<64x192xf32, #tpu.memory_space<vmem_shared>>) target_semaphore(%run_scoped3A : memref<!tpu.dma_semaphore, #tpu.memory_space<semaphore_mem>>)
      %dma_wait3A = arith.constant 0 : i32
      %dma_wait3A_62 = tpu.memref_slice %arg12[%add3A_11, %dma_wait3A] : memref<4096x192xf32, #tpu.memory_space<vmem_shared>> -> memref<64x192xf32, #tpu.memory_space<vmem_shared>>
      %dma_wait3A_63 = arith.constant 0 : i32
      %dma_wait3A_64 = tpu.memref_slice %arg12[%add3A_11, %dma_wait3A_63] : memref<4096x192xf32, #tpu.memory_space<vmem_shared>> -> memref<64x192xf32, #tpu.memory_space<vmem_shared>>
      tpu.wait_dma2 semaphore(%run_scoped3A : memref<!tpu.dma_semaphore, #tpu.memory_space<semaphore_mem>>) src(%arg8 : memref<64x192xf32, #tpu.memory_space<vmem>>) dst(%dma_wait3A_64 : memref<64x192xf32, #tpu.memory_space<vmem_shared>>)
      tpu.yield
    }) : () -> ()
    %mul3A_12 = arith.constant 256 : i32
    %mul3A_13 = arith.muli %arg1, %mul3A_12 : i32
    %add3A_14 = arith.constant 128 : i32
    %add3A_15 = arith.addi %mul3A_13, %add3A_14 : i32
    "tpu.region"() ({
      %run_scoped3A = tpu.sem_alloc : memref<!tpu.dma_semaphore, #tpu.memory_space<semaphore_mem>>
      %dma_start3A_58 = arith.constant 0 : i32
      %dma_start3A_59 = tpu.memref_slice %arg12[%add3A_15, %dma_start3A_58] : memref<4096x192xf32, #tpu.memory_space<vmem_shared>> -> memref<64x192xf32, #tpu.memory_space<vmem_shared>>
      %dma_start3A_60 = arith.constant 0 : i32
      %dma_start3A_61 = tpu.memref_slice %arg12[%add3A_15, %dma_start3A_60] : memref<4096x192xf32, #tpu.memory_space<vmem_shared>> -> memref<64x192xf32, #tpu.memory_space<vmem_shared>>
      tpu.enqueue_dma source(%arg8 : memref<64x192xf32, #tpu.memory_space<vmem>>) target(%dma_start3A_61 : memref<64x192xf32, #tpu.memory_space<vmem_shared>>) target_semaphore(%run_scoped3A : memref<!tpu.dma_semaphore, #tpu.memory_space<semaphore_mem>>)
      %dma_wait3A = arith.constant 0 : i32
      %dma_wait3A_62 = tpu.memref_slice %arg12[%add3A_15, %dma_wait3A] : memref<4096x192xf32, #tpu.memory_space<vmem_shared>> -> memref<64x192xf32, #tpu.memory_space<vmem_shared>>
      %dma_wait3A_63 = arith.constant 0 : i32
      %dma_wait3A_64 = tpu.memref_slice %arg12[%add3A_15, %dma_wait3A_63] : memref<4096x192xf32, #tpu.memory_space<vmem_shared>> -> memref<64x192xf32, #tpu.memory_space<vmem_shared>>
      tpu.wait_dma2 semaphore(%run_scoped3A : memref<!tpu.dma_semaphore, #tpu.memory_space<semaphore_mem>>) src(%arg8 : memref<64x192xf32, #tpu.memory_space<vmem>>) dst(%dma_wait3A_64 : memref<64x192xf32, #tpu.memory_space<vmem_shared>>)
      tpu.yield
    }) : () -> ()
    %mul3A_16 = arith.constant 256 : i32
    %mul3A_17 = arith.muli %arg1, %mul3A_16 : i32
    %add3A_18 = arith.constant 192 : i32
    %add3A_19 = arith.addi %mul3A_17, %add3A_18 : i32
    "tpu.region"() ({
      %run_scoped3A = tpu.sem_alloc : memref<!tpu.dma_semaphore, #tpu.memory_space<semaphore_mem>>
      %dma_start3A_58 = arith.constant 0 : i32
      %dma_start3A_59 = tpu.memref_slice %arg12[%add3A_19, %dma_start3A_58] : memref<4096x192xf32, #tpu.memory_space<vmem_shared>> -> memref<64x192xf32, #tpu.memory_space<vmem_shared>>
      %dma_start3A_60 = arith.constant 0 : i32
      %dma_start3A_61 = tpu.memref_slice %arg12[%add3A_19, %dma_start3A_60] : memref<4096x192xf32, #tpu.memory_space<vmem_shared>> -> memref<64x192xf32, #tpu.memory_space<vmem_shared>>
      tpu.enqueue_dma source(%arg8 : memref<64x192xf32, #tpu.memory_space<vmem>>) target(%dma_start3A_61 : memref<64x192xf32, #tpu.memory_space<vmem_shared>>) target_semaphore(%run_scoped3A : memref<!tpu.dma_semaphore, #tpu.memory_space<semaphore_mem>>)
      %dma_wait3A = arith.constant 0 : i32
      %dma_wait3A_62 = tpu.memref_slice %arg12[%add3A_19, %dma_wait3A] : memref<4096x192xf32, #tpu.memory_space<vmem_shared>> -> memref<64x192xf32, #tpu.memory_space<vmem_shared>>
      %dma_wait3A_63 = arith.constant 0 : i32
      %dma_wait3A_64 = tpu.memref_slice %arg12[%add3A_19, %dma_wait3A_63] : memref<4096x192xf32, #tpu.memory_space<vmem_shared>> -> memref<64x192xf32, #tpu.memory_space<vmem_shared>>
      tpu.wait_dma2 semaphore(%run_scoped3A : memref<!tpu.dma_semaphore, #tpu.memory_space<semaphore_mem>>) src(%arg8 : memref<64x192xf32, #tpu.memory_space<vmem>>) dst(%dma_wait3A_64 : memref<64x192xf32, #tpu.memory_space<vmem_shared>>)
      tpu.yield
    }) : () -> ()
    %barrier3A = arith.constant 0 : index
    tpu.barrier barrier_id(%barrier3A)
    %dma_start3A = arith.constant 0 : i32
    %dma_start3A_20 = arith.constant 0 : i32
    %dma_start3A_21 = tpu.memref_slice %arg6[%dma_start3A, %dma_start3A_20] : memref<128x64xi32, #tpu.memory_space<vmem>> -> memref<1x64xi32, #tpu.memory_space<vmem>>
    %dma_start3A_22 = tpu.memref_squeeze %dma_start3A_21 : memref<1x64xi32, #tpu.memory_space<vmem>> -> memref<64xi32, #tpu.memory_space<vmem>>
    %dma_start3A_23 = arith.constant 0 : i32
    %dma_start3A_24 = arith.constant 0 : i32
    %dma_start3A_25 = tpu.memref_slice %arg2[%dma_start3A_23, %dma_start3A_24] : memref<8192x192xf32, #tpu.memory_space<hbm>> -> memref<8192x192xf32, #tpu.memory_space<hbm>>
    tpu.enqueue_indirect_dma source(%dma_start3A_25 : memref<8192x192xf32, #tpu.memory_space<hbm>>) target(%arg8 : memref<64x192xf32, #tpu.memory_space<vmem>>) offsets(%dma_start3A_22 : memref<64xi32, #tpu.memory_space<vmem>>) semaphore(%arg13 : memref<!tpu.dma_semaphore, #tpu.memory_space<semaphore_mem>>)
    %dma_start3A_26 = arith.constant 1 : i32
    %dma_start3A_27 = arith.constant 0 : i32
    %dma_start3A_28 = tpu.memref_slice %arg6[%dma_start3A_26, %dma_start3A_27] : memref<128x64xi32, #tpu.memory_space<vmem>> -> memref<1x64xi32, #tpu.memory_space<vmem>>
    %dma_start3A_29 = tpu.memref_squeeze %dma_start3A_28 : memref<1x64xi32, #tpu.memory_space<vmem>> -> memref<64xi32, #tpu.memory_space<vmem>>
    %dma_start3A_30 = arith.constant 0 : i32
    %dma_start3A_31 = arith.constant 0 : i32
    %dma_start3A_32 = tpu.memref_slice %arg2[%dma_start3A_30, %dma_start3A_31] : memref<8192x192xf32, #tpu.memory_space<hbm>> -> memref<8192x192xf32, #tpu.memory_space<hbm>>
    tpu.enqueue_indirect_dma source(%dma_start3A_32 : memref<8192x192xf32, #tpu.memory_space<hbm>>) target(%arg9 : memref<64x192xf32, #tpu.memory_space<vmem>>) offsets(%dma_start3A_29 : memref<64xi32, #tpu.memory_space<vmem>>) semaphore(%arg14 : memref<!tpu.dma_semaphore, #tpu.memory_space<semaphore_mem>>)
    %dma_start3A_33 = arith.constant 2 : i32
    %dma_start3A_34 = arith.constant 0 : i32
    %dma_start3A_35 = tpu.memref_slice %arg6[%dma_start3A_33, %dma_start3A_34] : memref<128x64xi32, #tpu.memory_space<vmem>> -> memref<1x64xi32, #tpu.memory_space<vmem>>
    %dma_start3A_36 = tpu.memref_squeeze %dma_start3A_35 : memref<1x64xi32, #tpu.memory_space<vmem>> -> memref<64xi32, #tpu.memory_space<vmem>>
    %dma_start3A_37 = arith.constant 0 : i32
    %dma_start3A_38 = arith.constant 0 : i32
    %dma_start3A_39 = tpu.memref_slice %arg2[%dma_start3A_37, %dma_start3A_38] : memref<8192x192xf32, #tpu.memory_space<hbm>> -> memref<8192x192xf32, #tpu.memory_space<hbm>>
    tpu.enqueue_indirect_dma source(%dma_start3A_39 : memref<8192x192xf32, #tpu.memory_space<hbm>>) target(%arg10 : memref<64x192xf32, #tpu.memory_space<vmem>>) offsets(%dma_start3A_36 : memref<64xi32, #tpu.memory_space<vmem>>) semaphore(%arg15 : memref<!tpu.dma_semaphore, #tpu.memory_space<semaphore_mem>>)
    %dma_start3A_40 = arith.constant 3 : i32
    %dma_start3A_41 = arith.constant 0 : i32
    %dma_start3A_42 = tpu.memref_slice %arg6[%dma_start3A_40, %dma_start3A_41] : memref<128x64xi32, #tpu.memory_space<vmem>> -> memref<1x64xi32, #tpu.memory_space<vmem>>
    %dma_start3A_43 = tpu.memref_squeeze %dma_start3A_42 : memref<1x64xi32, #tpu.memory_space<vmem>> -> memref<64xi32, #tpu.memory_space<vmem>>
    %dma_start3A_44 = arith.constant 0 : i32
    %dma_start3A_45 = arith.constant 0 : i32
    %dma_start3A_46 = tpu.memref_slice %arg2[%dma_start3A_44, %dma_start3A_45] : memref<8192x192xf32, #tpu.memory_space<hbm>> -> memref<8192x192xf32, #tpu.memory_space<hbm>>
    tpu.enqueue_indirect_dma source(%dma_start3A_46 : memref<8192x192xf32, #tpu.memory_space<hbm>>) target(%arg11 : memref<64x192xf32, #tpu.memory_space<vmem>>) offsets(%dma_start3A_43 : memref<64xi32, #tpu.memory_space<vmem>>) semaphore(%arg16 : memref<!tpu.dma_semaphore, #tpu.memory_space<semaphore_mem>>)
    %scan3A_47 = arith.constant 0 : i32
    %scan3A_48 = arith.constant 0 : i32
    %scan3A_49 = arith.constant 32 : i32
    %scan3A_50 = arith.addi %scan3A_48, %scan3A_49 : i32
    %scan3A_51 = arith.constant 1 : i32
    scf.for %scan3A_58 = %scan3A_48 to %scan3A_50 step %scan3A_51  : i32 {
      %mul3A_59 = arith.constant 4 : i32
      %mul3A_60 = arith.muli %scan3A_58, %mul3A_59 : i32
      %add3A_61 = arith.constant 0 : i32
      %add3A_62 = arith.addi %mul3A_60, %add3A_61 : i32
      %dma_wait3A = arith.constant 0 : i32
      %dma_wait3A_63 = tpu.memref_slice %arg6[%add3A_62, %dma_wait3A] : memref<128x64xi32, #tpu.memory_space<vmem>> -> memref<1x64xi32, #tpu.memory_space<vmem>>
      %dma_wait3A_64 = tpu.memref_squeeze %dma_wait3A_63 : memref<1x64xi32, #tpu.memory_space<vmem>> -> memref<64xi32, #tpu.memory_space<vmem>>
      %dma_wait3A_65 = arith.constant 0 : i32
      %dma_wait3A_66 = arith.constant 0 : i32
      %dma_wait3A_67 = tpu.memref_slice %arg2[%dma_wait3A_65, %dma_wait3A_66] : memref<8192x192xf32, #tpu.memory_space<hbm>> -> memref<8192x192xf32, #tpu.memory_space<hbm>>
      tpu.wait_indirect_dma semaphore(%arg13 : memref<!tpu.dma_semaphore, #tpu.memory_space<semaphore_mem>>) src(%dma_wait3A_67 : memref<8192x192xf32, #tpu.memory_space<hbm>>) dst(%arg8 : memref<64x192xf32, #tpu.memory_space<vmem>>)
      %dma_start3A_68 = arith.constant 0 : i32
      %dma_start3A_69 = tpu.memref_slice %arg7[%add3A_62, %dma_start3A_68] : memref<128x64xi32, #tpu.memory_space<vmem>> -> memref<1x64xi32, #tpu.memory_space<vmem>>
      %dma_start3A_70 = tpu.memref_squeeze %dma_start3A_69 : memref<1x64xi32, #tpu.memory_space<vmem>> -> memref<64xi32, #tpu.memory_space<vmem>>
      %dma_start3A_71 = arith.constant 0 : i32
      %dma_start3A_72 = arith.constant 0 : i32
      %dma_start3A_73 = tpu.memref_slice %arg12[%dma_start3A_71, %dma_start3A_72] : memref<4096x192xf32, #tpu.memory_space<vmem_shared>> -> memref<4096x192xf32, #tpu.memory_space<vmem_shared>>
      tpu.enqueue_indirect_dma source(%arg8 : memref<64x192xf32, #tpu.memory_space<vmem>>) target(%dma_start3A_73 : memref<4096x192xf32, #tpu.memory_space<vmem_shared>>) offsets(%dma_start3A_70 : memref<64xi32, #tpu.memory_space<vmem>>) semaphore(%arg17 : memref<!tpu.dma_semaphore, #tpu.memory_space<semaphore_mem>>) {add = true}
      %add3A_74 = arith.constant 1 : i32
      %add3A_75 = arith.addi %mul3A_60, %add3A_74 : i32
      %dma_wait3A_76 = arith.constant 0 : i32
      %dma_wait3A_77 = tpu.memref_slice %arg6[%add3A_75, %dma_wait3A_76] : memref<128x64xi32, #tpu.memory_space<vmem>> -> memref<1x64xi32, #tpu.memory_space<vmem>>
      %dma_wait3A_78 = tpu.memref_squeeze %dma_wait3A_77 : memref<1x64xi32, #tpu.memory_space<vmem>> -> memref<64xi32, #tpu.memory_space<vmem>>
      %dma_wait3A_79 = arith.constant 0 : i32
      %dma_wait3A_80 = arith.constant 0 : i32
      %dma_wait3A_81 = tpu.memref_slice %arg2[%dma_wait3A_79, %dma_wait3A_80] : memref<8192x192xf32, #tpu.memory_space<hbm>> -> memref<8192x192xf32, #tpu.memory_space<hbm>>
      tpu.wait_indirect_dma semaphore(%arg14 : memref<!tpu.dma_semaphore, #tpu.memory_space<semaphore_mem>>) src(%dma_wait3A_81 : memref<8192x192xf32, #tpu.memory_space<hbm>>) dst(%arg9 : memref<64x192xf32, #tpu.memory_space<vmem>>)
      %dma_start3A_82 = arith.constant 0 : i32
      %dma_start3A_83 = tpu.memref_slice %arg7[%add3A_75, %dma_start3A_82] : memref<128x64xi32, #tpu.memory_space<vmem>> -> memref<1x64xi32, #tpu.memory_space<vmem>>
      %dma_start3A_84 = tpu.memref_squeeze %dma_start3A_83 : memref<1x64xi32, #tpu.memory_space<vmem>> -> memref<64xi32, #tpu.memory_space<vmem>>
      %dma_start3A_85 = arith.constant 0 : i32
      %dma_start3A_86 = arith.constant 0 : i32
      %dma_start3A_87 = tpu.memref_slice %arg12[%dma_start3A_85, %dma_start3A_86] : memref<4096x192xf32, #tpu.memory_space<vmem_shared>> -> memref<4096x192xf32, #tpu.memory_space<vmem_shared>>
      tpu.enqueue_indirect_dma source(%arg9 : memref<64x192xf32, #tpu.memory_space<vmem>>) target(%dma_start3A_87 : memref<4096x192xf32, #tpu.memory_space<vmem_shared>>) offsets(%dma_start3A_84 : memref<64xi32, #tpu.memory_space<vmem>>) semaphore(%arg18 : memref<!tpu.dma_semaphore, #tpu.memory_space<semaphore_mem>>) {add = true}
      %add3A_88 = arith.constant 2 : i32
      %add3A_89 = arith.addi %mul3A_60, %add3A_88 : i32
      %dma_wait3A_90 = arith.constant 0 : i32
      %dma_wait3A_91 = tpu.memref_slice %arg6[%add3A_89, %dma_wait3A_90] : memref<128x64xi32, #tpu.memory_space<vmem>> -> memref<1x64xi32, #tpu.memory_space<vmem>>
      %dma_wait3A_92 = tpu.memref_squeeze %dma_wait3A_91 : memref<1x64xi32, #tpu.memory_space<vmem>> -> memref<64xi32, #tpu.memory_space<vmem>>
      %dma_wait3A_93 = arith.constant 0 : i32
      %dma_wait3A_94 = arith.constant 0 : i32
      %dma_wait3A_95 = tpu.memref_slice %arg2[%dma_wait3A_93, %dma_wait3A_94] : memref<8192x192xf32, #tpu.memory_space<hbm>> -> memref<8192x192xf32, #tpu.memory_space<hbm>>
      tpu.wait_indirect_dma semaphore(%arg15 : memref<!tpu.dma_semaphore, #tpu.memory_space<semaphore_mem>>) src(%dma_wait3A_95 : memref<8192x192xf32, #tpu.memory_space<hbm>>) dst(%arg10 : memref<64x192xf32, #tpu.memory_space<vmem>>)
      %dma_start3A_96 = arith.constant 0 : i32
      %dma_start3A_97 = tpu.memref_slice %arg7[%add3A_89, %dma_start3A_96] : memref<128x64xi32, #tpu.memory_space<vmem>> -> memref<1x64xi32, #tpu.memory_space<vmem>>
      %dma_start3A_98 = tpu.memref_squeeze %dma_start3A_97 : memref<1x64xi32, #tpu.memory_space<vmem>> -> memref<64xi32, #tpu.memory_space<vmem>>
      %dma_start3A_99 = arith.constant 0 : i32
      %dma_start3A_100 = arith.constant 0 : i32
      %dma_start3A_101 = tpu.memref_slice %arg12[%dma_start3A_99, %dma_start3A_100] : memref<4096x192xf32, #tpu.memory_space<vmem_shared>> -> memref<4096x192xf32, #tpu.memory_space<vmem_shared>>
      tpu.enqueue_indirect_dma source(%arg10 : memref<64x192xf32, #tpu.memory_space<vmem>>) target(%dma_start3A_101 : memref<4096x192xf32, #tpu.memory_space<vmem_shared>>) offsets(%dma_start3A_98 : memref<64xi32, #tpu.memory_space<vmem>>) semaphore(%arg19 : memref<!tpu.dma_semaphore, #tpu.memory_space<semaphore_mem>>) {add = true}
      %add3A_102 = arith.constant 3 : i32
      %add3A_103 = arith.addi %mul3A_60, %add3A_102 : i32
      %dma_wait3A_104 = arith.constant 0 : i32
      %dma_wait3A_105 = tpu.memref_slice %arg6[%add3A_103, %dma_wait3A_104] : memref<128x64xi32, #tpu.memory_space<vmem>> -> memref<1x64xi32, #tpu.memory_space<vmem>>
      %dma_wait3A_106 = tpu.memref_squeeze %dma_wait3A_105 : memref<1x64xi32, #tpu.memory_space<vmem>> -> memref<64xi32, #tpu.memory_space<vmem>>
      %dma_wait3A_107 = arith.constant 0 : i32
      %dma_wait3A_108 = arith.constant 0 : i32
      %dma_wait3A_109 = tpu.memref_slice %arg2[%dma_wait3A_107, %dma_wait3A_108] : memref<8192x192xf32, #tpu.memory_space<hbm>> -> memref<8192x192xf32, #tpu.memory_space<hbm>>
      tpu.wait_indirect_dma semaphore(%arg16 : memref<!tpu.dma_semaphore, #tpu.memory_space<semaphore_mem>>) src(%dma_wait3A_109 : memref<8192x192xf32, #tpu.memory_space<hbm>>) dst(%arg11 : memref<64x192xf32, #tpu.memory_space<vmem>>)
      %dma_start3A_110 = arith.constant 0 : i32
      %dma_start3A_111 = tpu.memref_slice %arg7[%add3A_103, %dma_start3A_110] : memref<128x64xi32, #tpu.memory_space<vmem>> -> memref<1x64xi32, #tpu.memory_space<vmem>>
      %dma_start3A_112 = tpu.memref_squeeze %dma_start3A_111 : memref<1x64xi32, #tpu.memory_space<vmem>> -> memref<64xi32, #tpu.memory_space<vmem>>
      %dma_start3A_113 = arith.constant 0 : i32
      %dma_start3A_114 = arith.constant 0 : i32
      %dma_start3A_115 = tpu.memref_slice %arg12[%dma_start3A_113, %dma_start3A_114] : memref<4096x192xf32, #tpu.memory_space<vmem_shared>> -> memref<4096x192xf32, #tpu.memory_space<vmem_shared>>
      tpu.enqueue_indirect_dma source(%arg11 : memref<64x192xf32, #tpu.memory_space<vmem>>) target(%dma_start3A_115 : memref<4096x192xf32, #tpu.memory_space<vmem_shared>>) offsets(%dma_start3A_112 : memref<64xi32, #tpu.memory_space<vmem>>) semaphore(%arg20 : memref<!tpu.dma_semaphore, #tpu.memory_space<semaphore_mem>>) {add = true}
      %add3A_116 = arith.constant 0 : i32
      %add3A_117 = arith.addi %mul3A_60, %add3A_116 : i32
      %dma_wait3A_118 = arith.constant 0 : i32
      %dma_wait3A_119 = tpu.memref_slice %arg7[%add3A_117, %dma_wait3A_118] : memref<128x64xi32, #tpu.memory_space<vmem>> -> memref<1x64xi32, #tpu.memory_space<vmem>>
      %dma_wait3A_120 = tpu.memref_squeeze %dma_wait3A_119 : memref<1x64xi32, #tpu.memory_space<vmem>> -> memref<64xi32, #tpu.memory_space<vmem>>
      %dma_wait3A_121 = arith.constant 0 : i32
      %dma_wait3A_122 = arith.constant 0 : i32
      %dma_wait3A_123 = tpu.memref_slice %arg12[%dma_wait3A_121, %dma_wait3A_122] : memref<4096x192xf32, #tpu.memory_space<vmem_shared>> -> memref<4096x192xf32, #tpu.memory_space<vmem_shared>>
      tpu.wait_indirect_dma semaphore(%arg17 : memref<!tpu.dma_semaphore, #tpu.memory_space<semaphore_mem>>) src(%arg8 : memref<64x192xf32, #tpu.memory_space<vmem>>) dst(%dma_wait3A_123 : memref<4096x192xf32, #tpu.memory_space<vmem_shared>>)
      %add3A_124 = arith.constant 4 : i32
      %add3A_125 = arith.addi %add3A_117, %add3A_124 : i32
      %lt3A = arith.constant 128 : i32
      %lt3A_126 = arith.cmpi slt, %add3A_125, %lt3A : i32
      %convert_element_type3A = arith.extui %lt3A_126 : i1 to i32
      %cond3A = arith.constant 0 : i32
      %cond3A_127 = arith.cmpi ne, %convert_element_type3A, %cond3A : i32
      scf.if %cond3A_127 {
        %add3A_173 = arith.constant 4 : i32
        %add3A_174 = arith.addi %add3A_117, %add3A_173 : i32
        %dma_start3A_175 = arith.constant 0 : i32
        %dma_start3A_176 = tpu.memref_slice %arg6[%add3A_174, %dma_start3A_175] : memref<128x64xi32, #tpu.memory_space<vmem>> -> memref<1x64xi32, #tpu.memory_space<vmem>>
        %dma_start3A_177 = tpu.memref_squeeze %dma_start3A_176 : memref<1x64xi32, #tpu.memory_space<vmem>> -> memref<64xi32, #tpu.memory_space<vmem>>
        %dma_start3A_178 = arith.constant 0 : i32
        %dma_start3A_179 = arith.constant 0 : i32
        %dma_start3A_180 = tpu.memref_slice %arg2[%dma_start3A_178, %dma_start3A_179] : memref<8192x192xf32, #tpu.memory_space<hbm>> -> memref<8192x192xf32, #tpu.memory_space<hbm>>
        tpu.enqueue_indirect_dma source(%dma_start3A_180 : memref<8192x192xf32, #tpu.memory_space<hbm>>) target(%arg8 : memref<64x192xf32, #tpu.memory_space<vmem>>) offsets(%dma_start3A_177 : memref<64xi32, #tpu.memory_space<vmem>>) semaphore(%arg13 : memref<!tpu.dma_semaphore, #tpu.memory_space<semaphore_mem>>)
      } else {
      }
      %add3A_128 = arith.constant 1 : i32
      %add3A_129 = arith.addi %mul3A_60, %add3A_128 : i32
      %dma_wait3A_130 = arith.constant 0 : i32
      %dma_wait3A_131 = tpu.memref_slice %arg7[%add3A_129, %dma_wait3A_130] : memref<128x64xi32, #tpu.memory_space<vmem>> -> memref<1x64xi32, #tpu.memory_space<vmem>>
      %dma_wait3A_132 = tpu.memref_squeeze %dma_wait3A_131 : memref<1x64xi32, #tpu.memory_space<vmem>> -> memref<64xi32, #tpu.memory_space<vmem>>
      %dma_wait3A_133 = arith.constant 0 : i32
      %dma_wait3A_134 = arith.constant 0 : i32
      %dma_wait3A_135 = tpu.memref_slice %arg12[%dma_wait3A_133, %dma_wait3A_134] : memref<4096x192xf32, #tpu.memory_space<vmem_shared>> -> memref<4096x192xf32, #tpu.memory_space<vmem_shared>>
      tpu.wait_indirect_dma semaphore(%arg18 : memref<!tpu.dma_semaphore, #tpu.memory_space<semaphore_mem>>) src(%arg9 : memref<64x192xf32, #tpu.memory_space<vmem>>) dst(%dma_wait3A_135 : memref<4096x192xf32, #tpu.memory_space<vmem_shared>>)
      %add3A_136 = arith.constant 4 : i32
      %add3A_137 = arith.addi %add3A_129, %add3A_136 : i32
      %lt3A_138 = arith.constant 128 : i32
      %lt3A_139 = arith.cmpi slt, %add3A_137, %lt3A_138 : i32
      %convert_element_type3A_140 = arith.extui %lt3A_139 : i1 to i32
      %cond3A_141 = arith.constant 0 : i32
      %cond3A_142 = arith.cmpi ne, %convert_element_type3A_140, %cond3A_141 : i32
      scf.if %cond3A_142 {
        %add3A_173 = arith.constant 4 : i32
        %add3A_174 = arith.addi %add3A_129, %add3A_173 : i32
        %dma_start3A_175 = arith.constant 0 : i32
        %dma_start3A_176 = tpu.memref_slice %arg6[%add3A_174, %dma_start3A_175] : memref<128x64xi32, #tpu.memory_space<vmem>> -> memref<1x64xi32, #tpu.memory_space<vmem>>
        %dma_start3A_177 = tpu.memref_squeeze %dma_start3A_176 : memref<1x64xi32, #tpu.memory_space<vmem>> -> memref<64xi32, #tpu.memory_space<vmem>>
        %dma_start3A_178 = arith.constant 0 : i32
        %dma_start3A_179 = arith.constant 0 : i32
        %dma_start3A_180 = tpu.memref_slice %arg2[%dma_start3A_178, %dma_start3A_179] : memref<8192x192xf32, #tpu.memory_space<hbm>> -> memref<8192x192xf32, #tpu.memory_space<hbm>>
        tpu.enqueue_indirect_dma source(%dma_start3A_180 : memref<8192x192xf32, #tpu.memory_space<hbm>>) target(%arg9 : memref<64x192xf32, #tpu.memory_space<vmem>>) offsets(%dma_start3A_177 : memref<64xi32, #tpu.memory_space<vmem>>) semaphore(%arg14 : memref<!tpu.dma_semaphore, #tpu.memory_space<semaphore_mem>>)
      } else {
      }
      %add3A_143 = arith.constant 2 : i32
      %add3A_144 = arith.addi %mul3A_60, %add3A_143 : i32
      %dma_wait3A_145 = arith.constant 0 : i32
      %dma_wait3A_146 = tpu.memref_slice %arg7[%add3A_144, %dma_wait3A_145] : memref<128x64xi32, #tpu.memory_space<vmem>> -> memref<1x64xi32, #tpu.memory_space<vmem>>
      %dma_wait3A_147 = tpu.memref_squeeze %dma_wait3A_146 : memref<1x64xi32, #tpu.memory_space<vmem>> -> memref<64xi32, #tpu.memory_space<vmem>>
      %dma_wait3A_148 = arith.constant 0 : i32
      %dma_wait3A_149 = arith.constant 0 : i32
      %dma_wait3A_150 = tpu.memref_slice %arg12[%dma_wait3A_148, %dma_wait3A_149] : memref<4096x192xf32, #tpu.memory_space<vmem_shared>> -> memref<4096x192xf32, #tpu.memory_space<vmem_shared>>
      tpu.wait_indirect_dma semaphore(%arg19 : memref<!tpu.dma_semaphore, #tpu.memory_space<semaphore_mem>>) src(%arg10 : memref<64x192xf32, #tpu.memory_space<vmem>>) dst(%dma_wait3A_150 : memref<4096x192xf32, #tpu.memory_space<vmem_shared>>)
      %add3A_151 = arith.constant 4 : i32
      %add3A_152 = arith.addi %add3A_144, %add3A_151 : i32
      %lt3A_153 = arith.constant 128 : i32
      %lt3A_154 = arith.cmpi slt, %add3A_152, %lt3A_153 : i32
      %convert_element_type3A_155 = arith.extui %lt3A_154 : i1 to i32
      %cond3A_156 = arith.constant 0 : i32
      %cond3A_157 = arith.cmpi ne, %convert_element_type3A_155, %cond3A_156 : i32
      scf.if %cond3A_157 {
        %add3A_173 = arith.constant 4 : i32
        %add3A_174 = arith.addi %add3A_144, %add3A_173 : i32
        %dma_start3A_175 = arith.constant 0 : i32
        %dma_start3A_176 = tpu.memref_slice %arg6[%add3A_174, %dma_start3A_175] : memref<128x64xi32, #tpu.memory_space<vmem>> -> memref<1x64xi32, #tpu.memory_space<vmem>>
        %dma_start3A_177 = tpu.memref_squeeze %dma_start3A_176 : memref<1x64xi32, #tpu.memory_space<vmem>> -> memref<64xi32, #tpu.memory_space<vmem>>
        %dma_start3A_178 = arith.constant 0 : i32
        %dma_start3A_179 = arith.constant 0 : i32
        %dma_start3A_180 = tpu.memref_slice %arg2[%dma_start3A_178, %dma_start3A_179] : memref<8192x192xf32, #tpu.memory_space<hbm>> -> memref<8192x192xf32, #tpu.memory_space<hbm>>
        tpu.enqueue_indirect_dma source(%dma_start3A_180 : memref<8192x192xf32, #tpu.memory_space<hbm>>) target(%arg10 : memref<64x192xf32, #tpu.memory_space<vmem>>) offsets(%dma_start3A_177 : memref<64xi32, #tpu.memory_space<vmem>>) semaphore(%arg15 : memref<!tpu.dma_semaphore, #tpu.memory_space<semaphore_mem>>)
      } else {
      }
      %add3A_158 = arith.constant 3 : i32
      %add3A_159 = arith.addi %mul3A_60, %add3A_158 : i32
      %dma_wait3A_160 = arith.constant 0 : i32
      %dma_wait3A_161 = tpu.memref_slice %arg7[%add3A_159, %dma_wait3A_160] : memref<128x64xi32, #tpu.memory_space<vmem>> -> memref<1x64xi32, #tpu.memory_space<vmem>>
      %dma_wait3A_162 = tpu.memref_squeeze %dma_wait3A_161 : memref<1x64xi32, #tpu.memory_space<vmem>> -> memref<64xi32, #tpu.memory_space<vmem>>
      %dma_wait3A_163 = arith.constant 0 : i32
      %dma_wait3A_164 = arith.constant 0 : i32
      %dma_wait3A_165 = tpu.memref_slice %arg12[%dma_wait3A_163, %dma_wait3A_164] : memref<4096x192xf32, #tpu.memory_space<vmem_shared>> -> memref<4096x192xf32, #tpu.memory_space<vmem_shared>>
      tpu.wait_indirect_dma semaphore(%arg20 : memref<!tpu.dma_semaphore, #tpu.memory_space<semaphore_mem>>) src(%arg11 : memref<64x192xf32, #tpu.memory_space<vmem>>) dst(%dma_wait3A_165 : memref<4096x192xf32, #tpu.memory_space<vmem_shared>>)
      %add3A_166 = arith.constant 4 : i32
      %add3A_167 = arith.addi %add3A_159, %add3A_166 : i32
      %lt3A_168 = arith.constant 128 : i32
      %lt3A_169 = arith.cmpi slt, %add3A_167, %lt3A_168 : i32
      %convert_element_type3A_170 = arith.extui %lt3A_169 : i1 to i32
      %cond3A_171 = arith.constant 0 : i32
      %cond3A_172 = arith.cmpi ne, %convert_element_type3A_170, %cond3A_171 : i32
      scf.if %cond3A_172 {
        %add3A_173 = arith.constant 4 : i32
        %add3A_174 = arith.addi %add3A_159, %add3A_173 : i32
        %dma_start3A_175 = arith.constant 0 : i32
        %dma_start3A_176 = tpu.memref_slice %arg6[%add3A_174, %dma_start3A_175] : memref<128x64xi32, #tpu.memory_space<vmem>> -> memref<1x64xi32, #tpu.memory_space<vmem>>
        %dma_start3A_177 = tpu.memref_squeeze %dma_start3A_176 : memref<1x64xi32, #tpu.memory_space<vmem>> -> memref<64xi32, #tpu.memory_space<vmem>>
        %dma_start3A_178 = arith.constant 0 : i32
        %dma_start3A_179 = arith.constant 0 : i32
        %dma_start3A_180 = tpu.memref_slice %arg2[%dma_start3A_178, %dma_start3A_179] : memref<8192x192xf32, #tpu.memory_space<hbm>> -> memref<8192x192xf32, #tpu.memory_space<hbm>>
        tpu.enqueue_indirect_dma source(%dma_start3A_180 : memref<8192x192xf32, #tpu.memory_space<hbm>>) target(%arg11 : memref<64x192xf32, #tpu.memory_space<vmem>>) offsets(%dma_start3A_177 : memref<64xi32, #tpu.memory_space<vmem>>) semaphore(%arg16 : memref<!tpu.dma_semaphore, #tpu.memory_space<semaphore_mem>>)
      } else {
      }
    }
    %scan3A_52 = arith.constant 32 : i32
    %barrier3A_53 = arith.constant 0 : index
    tpu.barrier barrier_id(%barrier3A_53)
    %mul3A_54 = arith.constant 256 : i32
    %mul3A_55 = arith.muli %arg1, %mul3A_54 : i32
    %mul3A_56 = arith.constant 256 : i32
    %mul3A_57 = arith.muli %arg1, %mul3A_56 : i32
    "tpu.region"() ({
      %run_scoped3A = tpu.sem_alloc : memref<!tpu.dma_semaphore, #tpu.memory_space<semaphore_mem>>
      %dma_start3A_58 = arith.constant 0 : i32
      %dma_start3A_59 = tpu.memref_slice %arg5[%arg0, %mul3A_57, %dma_start3A_58] : memref<2x4096x192xf32, #tpu.memory_space<hbm>> -> memref<1x256x192xf32, #tpu.memory_space<hbm>>
      %dma_start3A_60 = tpu.memref_squeeze %dma_start3A_59 : memref<1x256x192xf32, #tpu.memory_space<hbm>> -> memref<256x192xf32, #tpu.memory_space<hbm>>
      %dma_start3A_61 = arith.constant 0 : i32
      %dma_start3A_62 = tpu.memref_slice %arg12[%mul3A_55, %dma_start3A_61] : memref<4096x192xf32, #tpu.memory_space<vmem_shared>> -> memref<256x192xf32, #tpu.memory_space<vmem_shared>>
      tpu.enqueue_dma source(%dma_start3A_62 : memref<256x192xf32, #tpu.memory_space<vmem_shared>>) target(%dma_start3A_60 : memref<256x192xf32, #tpu.memory_space<hbm>>) target_semaphore(%run_scoped3A : memref<!tpu.dma_semaphore, #tpu.memory_space<semaphore_mem>>)
      %dma_wait3A = arith.constant 0 : i32
      %dma_wait3A_63 = tpu.memref_slice %arg5[%arg0, %mul3A_57, %dma_wait3A] : memref<2x4096x192xf32, #tpu.memory_space<hbm>> -> memref<1x256x192xf32, #tpu.memory_space<hbm>>
      %dma_wait3A_64 = tpu.memref_squeeze %dma_wait3A_63 : memref<1x256x192xf32, #tpu.memory_space<hbm>> -> memref<256x192xf32, #tpu.memory_space<hbm>>
      %dma_wait3A_65 = arith.constant 0 : i32
      %dma_wait3A_66 = tpu.memref_slice %arg12[%mul3A_55, %dma_wait3A_65] : memref<4096x192xf32, #tpu.memory_space<vmem_shared>> -> memref<256x192xf32, #tpu.memory_space<vmem_shared>>
      tpu.wait_dma2 semaphore(%run_scoped3A : memref<!tpu.dma_semaphore, #tpu.memory_space<semaphore_mem>>) src(%dma_wait3A_66 : memref<256x192xf32, #tpu.memory_space<vmem_shared>>) dst(%dma_wait3A_64 : memref<256x192xf32, #tpu.memory_space<hbm>>)
      tpu.yield
    }) : () -> ()
    return
  }
}

module attributes {stable_mosaic.version = 14 : i64} {
  func.func @body(%arg0: i32, %arg1: memref<1x4096x128xf32, #tpu.memory_space<vmem>>, %arg2: memref<1x128x192xf32, #tpu.memory_space<vmem>>, %arg3: memref<1x1x192xf32, #tpu.memory_space<vmem>>, %arg4: memref<1x4096x16xf32, #tpu.memory_space<vmem>>, %arg5: memref<1x4096x192xf32, #tpu.memory_space<vmem>>, %arg6: memref<1x4096x1xf32, #tpu.memory_space<vmem>>) attributes {dimension_semantics = [#tpu.dimension_semantics<arbitrary>], iteration_bounds = array<i64: 2>, scalar_prefetch = 0 : i64, scratch_operands = 0 : i64, tpu.core_type = #tpu.core_type<tc>, window_params = [{transform_indices = @transform_0, window_bounds = array<i64: 1, 4096, 128>}, {transform_indices = @transform_1, window_bounds = array<i64: 1, 128, 192>}, {transform_indices = @transform_2, window_bounds = array<i64: 1, 1, 192>}, {transform_indices = @transform_3, window_bounds = array<i64: 1, 4096, 16>}, {transform_indices = @transform_4, window_bounds = array<i64: 1, 4096, 192>}, {transform_indices = @transform_5, window_bounds = array<i64: 1, 4096, 1>}]} {
    %get3A = arith.constant 0 : index
    %get3A_0 = arith.constant 0 : index
    %get3A_1 = arith.constant 0 : index
    %get3A_2 = vector.load %arg4[%get3A, %get3A_0, %get3A_1] : memref<1x4096x16xf32, #tpu.memory_space<vmem>>, vector<1x4096x16xf32>
    %get3A_3 = vector.shape_cast %get3A_2 : vector<1x4096x16xf32> to vector<4096x16xf32>
    %slice3A = vector.extract_strided_slice %get3A_3 {offsets = [0, 0], sizes = [4096, 1], strides = [1, 1]} : vector<4096x16xf32> to vector<4096x1xf32>
    %add3A = arith.constant 1.000000e+00 : f32
    %add3A_4 = vector.broadcast %add3A : f32 to vector<4096x1xf32>
    %add3A_5 = arith.addf %slice3A, %add3A_4 : vector<4096x1xf32>
    %rsqrt3A = math.rsqrt %add3A_5 : vector<4096x1xf32>
    %swap3A = arith.constant 0 : index
    %swap3A_6 = arith.constant 0 : index
    %swap3A_7 = arith.constant 0 : index
    %swap3A_8 = vector.load %arg6[%swap3A, %swap3A_6, %swap3A_7] : memref<1x4096x1xf32, #tpu.memory_space<vmem>>, vector<1x4096x1xf32>
    %swap3A_9 = vector.shape_cast %swap3A_8 : vector<1x4096x1xf32> to vector<4096x1xf32>
    %swap3A_10 = vector.shape_cast %rsqrt3A : vector<4096x1xf32> to vector<1x4096x1xf32>
    tpu.vector_store %arg6[%swap3A, %swap3A_6, %swap3A_7], %swap3A_10 {strides = array<i32>} : memref<1x4096x1xf32, #tpu.memory_space<vmem>>, vector<1x4096x1xf32>,
    %get3A_11 = arith.constant 0 : index
    %get3A_12 = arith.constant 0 : index
    %get3A_13 = arith.constant 0 : index
    %get3A_14 = vector.load %arg1[%get3A_11, %get3A_12, %get3A_13] : memref<1x4096x128xf32, #tpu.memory_space<vmem>>, vector<1x4096x128xf32>
    %get3A_15 = vector.shape_cast %get3A_14 : vector<1x4096x128xf32> to vector<4096x128xf32>
    %get3A_16 = arith.constant 0 : index
    %get3A_17 = arith.constant 0 : index
    %get3A_18 = arith.constant 0 : index
    %get3A_19 = vector.load %arg2[%get3A_16, %get3A_17, %get3A_18] : memref<1x128x192xf32, #tpu.memory_space<vmem>>, vector<1x128x192xf32>
    %get3A_20 = vector.shape_cast %get3A_19 : vector<1x128x192xf32> to vector<128x192xf32>
    %dot_general3A = arith.constant dense<0.000000e+00> : vector<4096x192xf32>
    %dot_general3A_21 = tpu.matmul %get3A_15, %get3A_20, %dot_general3A {dimension_numbers = #tpu.dot_dimension_numbers<[1], [0], [0], [1], [0, 0, 1, 1], [], []>, transpose_lhs_hint = false} : vector<4096x128xf32>, vector<128x192xf32>, vector<4096x192xf32> -> vector<4096x192xf32>
    %get3A_22 = arith.constant 0 : index
    %get3A_23 = arith.constant 0 : index
    %get3A_24 = arith.constant 0 : index
    %get3A_25 = vector.load %arg3[%get3A_22, %get3A_23, %get3A_24] : memref<1x1x192xf32, #tpu.memory_space<vmem>>, vector<1x1x192xf32>
    %get3A_26 = vector.shape_cast %get3A_25 : vector<1x1x192xf32> to vector<1x192xf32>
    %add3A_27 = vector.broadcast %get3A_26 : vector<1x192xf32> to vector<4096x192xf32>
    %add3A_28 = arith.addf %dot_general3A_21, %add3A_27 : vector<4096x192xf32>
    %mul3A = vector.broadcast %rsqrt3A : vector<4096x1xf32> to vector<4096x192xf32>
    %mul3A_29 = arith.mulf %add3A_28, %mul3A : vector<4096x192xf32>
    %swap3A_30 = arith.constant 0 : index
    %swap3A_31 = arith.constant 0 : index
    %swap3A_32 = arith.constant 0 : index
    %swap3A_33 = vector.load %arg5[%swap3A_30, %swap3A_31, %swap3A_32] : memref<1x4096x192xf32, #tpu.memory_space<vmem>>, vector<1x4096x192xf32>
    %swap3A_34 = vector.shape_cast %swap3A_33 : vector<1x4096x192xf32> to vector<4096x192xf32>
    %swap3A_35 = vector.shape_cast %mul3A_29 : vector<4096x192xf32> to vector<1x4096x192xf32>
    tpu.vector_store %arg5[%swap3A_30, %swap3A_31, %swap3A_32], %swap3A_35 {strides = array<i32>} : memref<1x4096x192xf32, #tpu.memory_space<vmem>>, vector<1x4096x192xf32>,
    return
  }
  func.func @transform_0(%arg0: i32) -> (i32, i32, i32) {
    %c0_i32 = arith.constant 0 : i32
    %c0_i32_0 = arith.constant 0 : i32
    %c0_i32_1 = arith.constant 0 : i32
    return %arg0, %c0_i32, %c0_i32_0 : i32, i32, i32
  }
  func.func @transform_1(%arg0: i32) -> (i32, i32, i32) {
    %c0_i32 = arith.constant 0 : i32
    %c0_i32_0 = arith.constant 0 : i32
    %c0_i32_1 = arith.constant 0 : i32
    return %arg0, %c0_i32, %c0_i32_0 : i32, i32, i32
  }
  func.func @transform_2(%arg0: i32) -> (i32, i32, i32) {
    %c0_i32 = arith.constant 0 : i32
    %c0_i32_0 = arith.constant 0 : i32
    %c0_i32_1 = arith.constant 0 : i32
    return %arg0, %c0_i32, %c0_i32_0 : i32, i32, i32
  }
  func.func @transform_3(%arg0: i32) -> (i32, i32, i32) {
    %c0_i32 = arith.constant 0 : i32
    %c0_i32_0 = arith.constant 0 : i32
    %c0_i32_1 = arith.constant 0 : i32
    return %arg0, %c0_i32, %c0_i32_0 : i32, i32, i32
  }
  func.func @transform_4(%arg0: i32) -> (i32, i32, i32) {
    %c0_i32 = arith.constant 0 : i32
    %c0_i32_0 = arith.constant 0 : i32
    %c0_i32_1 = arith.constant 0 : i32
    return %arg0, %c0_i32, %c0_i32_0 : i32, i32, i32
  }
  func.func @transform_5(%arg0: i32) -> (i32, i32, i32) {
    %c0_i32 = arith.constant 0 : i32
    %c0_i32_0 = arith.constant 0 : i32
    %c0_i32_1 = arith.constant 0 : i32
    return %arg0, %c0_i32, %c0_i32_0 : i32, i32, i32
  }
}

module attributes {stable_mosaic.version = 14 : i64} {
  func.func @body(%arg0: i32, %arg1: memref<1x4096x192xf32, #tpu.memory_space<vmem>>, %arg2: memref<1x4096x192xf32, #tpu.memory_space<vmem>>, %arg3: memref<1x4096x1xf32, #tpu.memory_space<vmem>>, %arg4: memref<1x192x128xf32, #tpu.memory_space<vmem>>, %arg5: memref<1x1x128xf32, #tpu.memory_space<vmem>>, %arg6: memref<1x4096x128xf32, #tpu.memory_space<vmem>>) attributes {dimension_semantics = [#tpu.dimension_semantics<arbitrary>], iteration_bounds = array<i64: 2>, scalar_prefetch = 0 : i64, scratch_operands = 0 : i64, tpu.core_type = #tpu.core_type<tc>, window_params = [{transform_indices = @transform_0, window_bounds = array<i64: 1, 4096, 192>}, {transform_indices = @transform_1, window_bounds = array<i64: 1, 4096, 192>}, {transform_indices = @transform_2, window_bounds = array<i64: 1, 4096, 1>}, {transform_indices = @transform_3, window_bounds = array<i64: 1, 192, 128>}, {transform_indices = @transform_4, window_bounds = array<i64: 1, 1, 128>}, {transform_indices = @transform_5, window_bounds = array<i64: 1, 4096, 128>}]} {
    %get3A = arith.constant 0 : index
    %get3A_0 = arith.constant 0 : index
    %get3A_1 = arith.constant 0 : index
    %get3A_2 = vector.load %arg3[%get3A, %get3A_0, %get3A_1] : memref<1x4096x1xf32, #tpu.memory_space<vmem>>, vector<1x4096x1xf32>
    %get3A_3 = vector.shape_cast %get3A_2 : vector<1x4096x1xf32> to vector<4096x1xf32>
    %get3A_4 = arith.constant 0 : index
    %get3A_5 = arith.constant 0 : index
    %get3A_6 = arith.constant 0 : index
    %get3A_7 = vector.load %arg1[%get3A_4, %get3A_5, %get3A_6] : memref<1x4096x192xf32, #tpu.memory_space<vmem>>, vector<1x4096x192xf32>
    %get3A_8 = vector.shape_cast %get3A_7 : vector<1x4096x192xf32> to vector<4096x192xf32>
    %get3A_9 = arith.constant 0 : index
    %get3A_10 = arith.constant 0 : index
    %get3A_11 = arith.constant 0 : index
    %get3A_12 = vector.load %arg2[%get3A_9, %get3A_10, %get3A_11] : memref<1x4096x192xf32, #tpu.memory_space<vmem>>, vector<1x4096x192xf32>
    %get3A_13 = vector.shape_cast %get3A_12 : vector<1x4096x192xf32> to vector<4096x192xf32>
    %add3A = arith.addf %get3A_8, %get3A_13 : vector<4096x192xf32>
    %mul3A = vector.broadcast %get3A_3 : vector<4096x1xf32> to vector<4096x192xf32>
    %mul3A_14 = arith.mulf %mul3A, %add3A : vector<4096x192xf32>
    %max3A = arith.constant 0.000000e+00 : f32
    %max3A_15 = vector.broadcast %max3A : f32 to vector<4096x192xf32>
    %max3A_16 = arith.maximumf %mul3A_14, %max3A_15 : vector<4096x192xf32>
    %get3A_17 = arith.constant 0 : index
    %get3A_18 = arith.constant 0 : index
    %get3A_19 = arith.constant 0 : index
    %get3A_20 = vector.load %arg4[%get3A_17, %get3A_18, %get3A_19] : memref<1x192x128xf32, #tpu.memory_space<vmem>>, vector<1x192x128xf32>
    %get3A_21 = vector.shape_cast %get3A_20 : vector<1x192x128xf32> to vector<192x128xf32>
    %dot_general3A = arith.constant dense<0.000000e+00> : vector<4096x128xf32>
    %dot_general3A_22 = tpu.matmul %max3A_16, %get3A_21, %dot_general3A {dimension_numbers = #tpu.dot_dimension_numbers<[1], [0], [0], [1], [0, 0, 1, 1], [], []>, transpose_lhs_hint = false} : vector<4096x192xf32>, vector<192x128xf32>, vector<4096x128xf32> -> vector<4096x128xf32>
    %get3A_23 = arith.constant 0 : index
    %get3A_24 = arith.constant 0 : index
    %get3A_25 = arith.constant 0 : index
    %get3A_26 = vector.load %arg5[%get3A_23, %get3A_24, %get3A_25] : memref<1x1x128xf32, #tpu.memory_space<vmem>>, vector<1x1x128xf32>
    %get3A_27 = vector.shape_cast %get3A_26 : vector<1x1x128xf32> to vector<1x128xf32>
    %add3A_28 = vector.broadcast %get3A_27 : vector<1x128xf32> to vector<4096x128xf32>
    %add3A_29 = arith.addf %dot_general3A_22, %add3A_28 : vector<4096x128xf32>
    %mul3A_30 = vector.broadcast %get3A_3 : vector<4096x1xf32> to vector<4096x128xf32>
    %mul3A_31 = arith.mulf %add3A_29, %mul3A_30 : vector<4096x128xf32>
    %swap3A = arith.constant 0 : index
    %swap3A_32 = arith.constant 0 : index
    %swap3A_33 = arith.constant 0 : index
    %swap3A_34 = vector.load %arg6[%swap3A, %swap3A_32, %swap3A_33] : memref<1x4096x128xf32, #tpu.memory_space<vmem>>, vector<1x4096x128xf32>
    %swap3A_35 = vector.shape_cast %swap3A_34 : vector<1x4096x128xf32> to vector<4096x128xf32>
    %swap3A_36 = vector.shape_cast %mul3A_31 : vector<4096x128xf32> to vector<1x4096x128xf32>
    tpu.vector_store %arg6[%swap3A, %swap3A_32, %swap3A_33], %swap3A_36 {strides = array<i32>} : memref<1x4096x128xf32, #tpu.memory_space<vmem>>, vector<1x4096x128xf32>,
    return
  }
  func.func @transform_0(%arg0: i32) -> (i32, i32, i32) {
    %c0_i32 = arith.constant 0 : i32
    %c0_i32_0 = arith.constant 0 : i32
    %c0_i32_1 = arith.constant 0 : i32
    return %arg0, %c0_i32, %c0_i32_0 : i32, i32, i32
  }
  func.func @transform_1(%arg0: i32) -> (i32, i32, i32) {
    %c0_i32 = arith.constant 0 : i32
    %c0_i32_0 = arith.constant 0 : i32
    %c0_i32_1 = arith.constant 0 : i32
    return %arg0, %c0_i32, %c0_i32_0 : i32, i32, i32
  }
  func.func @transform_2(%arg0: i32) -> (i32, i32, i32) {
    %c0_i32 = arith.constant 0 : i32
    %c0_i32_0 = arith.constant 0 : i32
    %c0_i32_1 = arith.constant 0 : i32
    return %arg0, %c0_i32, %c0_i32_0 : i32, i32, i32
  }
  func.func @transform_3(%arg0: i32) -> (i32, i32, i32) {
    %c0_i32 = arith.constant 0 : i32
    %c0_i32_0 = arith.constant 0 : i32
    %c0_i32_1 = arith.constant 0 : i32
    return %arg0, %c0_i32, %c0_i32_0 : i32, i32, i32
  }
  func.func @transform_4(%arg0: i32) -> (i32, i32, i32) {
    %c0_i32 = arith.constant 0 : i32
    %c0_i32_0 = arith.constant 0 : i32
    %c0_i32_1 = arith.constant 0 : i32
    return %arg0, %c0_i32, %c0_i32_0 : i32, i32, i32
  }
  func.func @transform_5(%arg0: i32) -> (i32, i32, i32) {
    %c0_i32 = arith.constant 0 : i32
    %c0_i32_0 = arith.constant 0 : i32
    %c0_i32_1 = arith.constant 0 : i32
    return %arg0, %c0_i32, %c0_i32_0 : i32, i32, i32
  }
}

module attributes {stable_mosaic.version = 14 : i64} {
  func.func @body(%arg0: i32, %arg1: memref<1x4096x128xf32, #tpu.memory_space<vmem>>, %arg2: memref<1x4096x128xf32, #tpu.memory_space<vmem>>, %arg3: memref<1x4096x1xf32, #tpu.memory_space<vmem>>, %arg4: memref<1x128x64xf32, #tpu.memory_space<vmem>>, %arg5: memref<1x1x64xf32, #tpu.memory_space<vmem>>, %arg6: memref<1x4096x64xf32, #tpu.memory_space<vmem>>, %arg7: memref<1x4096x64xf32, #tpu.memory_space<vmem>>) attributes {dimension_semantics = [#tpu.dimension_semantics<arbitrary>], iteration_bounds = array<i64: 2>, scalar_prefetch = 0 : i64, scratch_operands = 0 : i64, tpu.core_type = #tpu.core_type<tc>, window_params = [{transform_indices = @transform_0, window_bounds = array<i64: 1, 4096, 128>}, {transform_indices = @transform_1, window_bounds = array<i64: 1, 4096, 128>}, {transform_indices = @transform_2, window_bounds = array<i64: 1, 4096, 1>}, {transform_indices = @transform_3, window_bounds = array<i64: 1, 128, 64>}, {transform_indices = @transform_4, window_bounds = array<i64: 1, 1, 64>}, {transform_indices = @transform_5, window_bounds = array<i64: 1, 4096, 64>}, {transform_indices = @transform_6, window_bounds = array<i64: 1, 4096, 64>}]} {
    %get3A = arith.constant 0 : index
    %get3A_0 = arith.constant 0 : index
    %get3A_1 = arith.constant 0 : index
    %get3A_2 = vector.load %arg3[%get3A, %get3A_0, %get3A_1] : memref<1x4096x1xf32, #tpu.memory_space<vmem>>, vector<1x4096x1xf32>
    %get3A_3 = vector.shape_cast %get3A_2 : vector<1x4096x1xf32> to vector<4096x1xf32>
    %get3A_4 = arith.constant 0 : index
    %get3A_5 = arith.constant 0 : index
    %get3A_6 = arith.constant 0 : index
    %get3A_7 = vector.load %arg1[%get3A_4, %get3A_5, %get3A_6] : memref<1x4096x128xf32, #tpu.memory_space<vmem>>, vector<1x4096x128xf32>
    %get3A_8 = vector.shape_cast %get3A_7 : vector<1x4096x128xf32> to vector<4096x128xf32>
    %get3A_9 = arith.constant 0 : index
    %get3A_10 = arith.constant 0 : index
    %get3A_11 = arith.constant 0 : index
    %get3A_12 = vector.load %arg2[%get3A_9, %get3A_10, %get3A_11] : memref<1x4096x128xf32, #tpu.memory_space<vmem>>, vector<1x4096x128xf32>
    %get3A_13 = vector.shape_cast %get3A_12 : vector<1x4096x128xf32> to vector<4096x128xf32>
    %add3A = arith.addf %get3A_8, %get3A_13 : vector<4096x128xf32>
    %mul3A = vector.broadcast %get3A_3 : vector<4096x1xf32> to vector<4096x128xf32>
    %mul3A_14 = arith.mulf %mul3A, %add3A : vector<4096x128xf32>
    %max3A = arith.constant 0.000000e+00 : f32
    %max3A_15 = vector.broadcast %max3A : f32 to vector<4096x128xf32>
    %max3A_16 = arith.maximumf %mul3A_14, %max3A_15 : vector<4096x128xf32>
    %get3A_17 = arith.constant 0 : index
    %get3A_18 = arith.constant 0 : index
    %get3A_19 = arith.constant 0 : index
    %get3A_20 = vector.load %arg4[%get3A_17, %get3A_18, %get3A_19] : memref<1x128x64xf32, #tpu.memory_space<vmem>>, vector<1x128x64xf32>
    %get3A_21 = vector.shape_cast %get3A_20 : vector<1x128x64xf32> to vector<128x64xf32>
    %dot_general3A = arith.constant dense<0.000000e+00> : vector<4096x64xf32>
    %dot_general3A_22 = tpu.matmul %max3A_16, %get3A_21, %dot_general3A {dimension_numbers = #tpu.dot_dimension_numbers<[1], [0], [0], [1], [0, 0, 1, 1], [], []>, transpose_lhs_hint = false} : vector<4096x128xf32>, vector<128x64xf32>, vector<4096x64xf32> -> vector<4096x64xf32>
    %get3A_23 = arith.constant 0 : index
    %get3A_24 = arith.constant 0 : index
    %get3A_25 = arith.constant 0 : index
    %get3A_26 = vector.load %arg5[%get3A_23, %get3A_24, %get3A_25] : memref<1x1x64xf32, #tpu.memory_space<vmem>>, vector<1x1x64xf32>
    %get3A_27 = vector.shape_cast %get3A_26 : vector<1x1x64xf32> to vector<1x64xf32>
    %add3A_28 = vector.broadcast %get3A_27 : vector<1x64xf32> to vector<4096x64xf32>
    %add3A_29 = arith.addf %dot_general3A_22, %add3A_28 : vector<4096x64xf32>
    %mul3A_30 = vector.broadcast %get3A_3 : vector<4096x1xf32> to vector<4096x64xf32>
    %mul3A_31 = arith.mulf %add3A_29, %mul3A_30 : vector<4096x64xf32>
    %swap3A = arith.constant 0 : index
    %swap3A_32 = arith.constant 0 : index
    %swap3A_33 = arith.constant 0 : index
    %swap3A_34 = vector.load %arg6[%swap3A, %swap3A_32, %swap3A_33] : memref<1x4096x64xf32, #tpu.memory_space<vmem>>, vector<1x4096x64xf32>
    %swap3A_35 = vector.shape_cast %swap3A_34 : vector<1x4096x64xf32> to vector<4096x64xf32>
    %swap3A_36 = vector.shape_cast %mul3A_31 : vector<4096x64xf32> to vector<1x4096x64xf32>
    tpu.vector_store %arg6[%swap3A, %swap3A_32, %swap3A_33], %swap3A_36 {strides = array<i32>} : memref<1x4096x64xf32, #tpu.memory_space<vmem>>, vector<1x4096x64xf32>,
    %broadcast_in_dim3A = vector.shape_cast %get3A_3 : vector<4096x1xf32> to vector<4096x1xf32>
    %broadcast_in_dim3A_37 = vector.broadcast %broadcast_in_dim3A : vector<4096x1xf32> to vector<4096x64xf32>
    %swap3A_38 = arith.constant 0 : index
    %swap3A_39 = arith.constant 0 : index
    %swap3A_40 = arith.constant 0 : index
    %swap3A_41 = vector.load %arg7[%swap3A_38, %swap3A_39, %swap3A_40] : memref<1x4096x64xf32, #tpu.memory_space<vmem>>, vector<1x4096x64xf32>
    %swap3A_42 = vector.shape_cast %swap3A_41 : vector<1x4096x64xf32> to vector<4096x64xf32>
    %swap3A_43 = vector.shape_cast %broadcast_in_dim3A_37 : vector<4096x64xf32> to vector<1x4096x64xf32>
    tpu.vector_store %arg7[%swap3A_38, %swap3A_39, %swap3A_40], %swap3A_43 {strides = array<i32>} : memref<1x4096x64xf32, #tpu.memory_space<vmem>>, vector<1x4096x64xf32>,
    return
  }
  func.func @transform_0(%arg0: i32) -> (i32, i32, i32) {
    %c0_i32 = arith.constant 0 : i32
    %c0_i32_0 = arith.constant 0 : i32
    %c0_i32_1 = arith.constant 0 : i32
    return %arg0, %c0_i32, %c0_i32_0 : i32, i32, i32
  }
  func.func @transform_1(%arg0: i32) -> (i32, i32, i32) {
    %c0_i32 = arith.constant 0 : i32
    %c0_i32_0 = arith.constant 0 : i32
    %c0_i32_1 = arith.constant 0 : i32
    return %arg0, %c0_i32, %c0_i32_0 : i32, i32, i32
  }
  func.func @transform_2(%arg0: i32) -> (i32, i32, i32) {
    %c0_i32 = arith.constant 0 : i32
    %c0_i32_0 = arith.constant 0 : i32
    %c0_i32_1 = arith.constant 0 : i32
    return %arg0, %c0_i32, %c0_i32_0 : i32, i32, i32
  }
  func.func @transform_3(%arg0: i32) -> (i32, i32, i32) {
    %c0_i32 = arith.constant 0 : i32
    %c0_i32_0 = arith.constant 0 : i32
    %c0_i32_1 = arith.constant 0 : i32
    return %arg0, %c0_i32, %c0_i32_0 : i32, i32, i32
  }
  func.func @transform_4(%arg0: i32) -> (i32, i32, i32) {
    %c0_i32 = arith.constant 0 : i32
    %c0_i32_0 = arith.constant 0 : i32
    %c0_i32_1 = arith.constant 0 : i32
    return %arg0, %c0_i32, %c0_i32_0 : i32, i32, i32
  }
  func.func @transform_5(%arg0: i32) -> (i32, i32, i32) {
    %c0_i32 = arith.constant 0 : i32
    %c0_i32_0 = arith.constant 0 : i32
    %c0_i32_1 = arith.constant 0 : i32
    return %arg0, %c0_i32, %c0_i32_0 : i32, i32, i32
  }
  func.func @transform_6(%arg0: i32) -> (i32, i32, i32) {
    %c0_i32 = arith.constant 0 : i32
    %c0_i32_0 = arith.constant 0 : i32
    %c0_i32_1 = arith.constant 0 : i32
    return %arg0, %c0_i32, %c0_i32_0 : i32, i32, i32
  }
}

module attributes {stable_mosaic.version = 14 : i64} {
  func.func @body(%arg0: memref<2x10240x64xf32, #tpu.memory_space<vmem>>, %arg1: memref<10240x1xf32, #tpu.memory_space<vmem>>, %arg2: memref<10240x1xf32, #tpu.memory_space<vmem>>, %arg3: memref<64x96xf32, #tpu.memory_space<vmem>>, %arg4: memref<64x96xf32, #tpu.memory_space<vmem>>, %arg5: memref<1x96xf32, #tpu.memory_space<vmem>>, %arg6: memref<96x128xf32, #tpu.memory_space<vmem>>, %arg7: memref<1x128xf32, #tpu.memory_space<vmem>>, %arg8: memref<10240x96xf32, #tpu.memory_space<vmem>>, %arg9: memref<10240x128xf32, #tpu.memory_space<vmem>>) attributes {dimension_semantics = [], scalar_prefetch = 0 : i64, scratch_operands = 0 : i64, tpu.core_type = #tpu.core_type<tc>} {
    %get3A = arith.constant 0 : index
    %get3A_0 = arith.constant 0 : index
    %get3A_1 = arith.constant 0 : index
    %get3A_2 = vector.load %arg0[%get3A, %get3A_0, %get3A_1] : memref<2x10240x64xf32, #tpu.memory_space<vmem>>, vector<1x10240x64xf32>
    %get3A_3 = vector.shape_cast %get3A_2 : vector<1x10240x64xf32> to vector<10240x64xf32>
    %get3A_4 = arith.constant 0 : index
    %get3A_5 = arith.constant 0 : index
    %get3A_6 = vector.load %arg1[%get3A_4, %get3A_5] : memref<10240x1xf32, #tpu.memory_space<vmem>>, vector<10240x1xf32>
    %mul3A = vector.broadcast %get3A_6 : vector<10240x1xf32> to vector<10240x64xf32>
    %mul3A_7 = arith.mulf %get3A_3, %mul3A : vector<10240x64xf32>
    %get3A_8 = arith.constant 1 : index
    %get3A_9 = arith.constant 0 : index
    %get3A_10 = arith.constant 0 : index
    %get3A_11 = vector.load %arg0[%get3A_8, %get3A_9, %get3A_10] : memref<2x10240x64xf32, #tpu.memory_space<vmem>>, vector<1x10240x64xf32>
    %get3A_12 = vector.shape_cast %get3A_11 : vector<1x10240x64xf32> to vector<10240x64xf32>
    %get3A_13 = arith.constant 0 : index
    %get3A_14 = arith.constant 0 : index
    %get3A_15 = vector.load %arg2[%get3A_13, %get3A_14] : memref<10240x1xf32, #tpu.memory_space<vmem>>, vector<10240x1xf32>
    %mul3A_16 = vector.broadcast %get3A_15 : vector<10240x1xf32> to vector<10240x64xf32>
    %mul3A_17 = arith.mulf %get3A_12, %mul3A_16 : vector<10240x64xf32>
    %get3A_18 = arith.constant 0 : index
    %get3A_19 = arith.constant 0 : index
    %get3A_20 = vector.load %arg3[%get3A_18, %get3A_19] : memref<64x96xf32, #tpu.memory_space<vmem>>, vector<64x96xf32>
    %dot_general3A = arith.constant dense<0.000000e+00> : vector<10240x96xf32>
    %dot_general3A_21 = tpu.matmul %mul3A_7, %get3A_20, %dot_general3A {dimension_numbers = #tpu.dot_dimension_numbers<[1], [0], [0], [1], [0, 0, 1, 1], [], []>, transpose_lhs_hint = false} : vector<10240x64xf32>, vector<64x96xf32>, vector<10240x96xf32> -> vector<10240x96xf32>
    %get3A_22 = arith.constant 0 : index
    %get3A_23 = arith.constant 0 : index
    %get3A_24 = vector.load %arg4[%get3A_22, %get3A_23] : memref<64x96xf32, #tpu.memory_space<vmem>>, vector<64x96xf32>
    %dot_general3A_25 = arith.constant dense<0.000000e+00> : vector<10240x96xf32>
    %dot_general3A_26 = tpu.matmul %mul3A_17, %get3A_24, %dot_general3A_25 {dimension_numbers = #tpu.dot_dimension_numbers<[1], [0], [0], [1], [0, 0, 1, 1], [], []>, transpose_lhs_hint = false} : vector<10240x64xf32>, vector<64x96xf32>, vector<10240x96xf32> -> vector<10240x96xf32>
    %add3A = arith.addf %dot_general3A_21, %dot_general3A_26 : vector<10240x96xf32>
    %get3A_27 = arith.constant 0 : index
    %get3A_28 = arith.constant 0 : index
    %get3A_29 = vector.load %arg5[%get3A_27, %get3A_28] : memref<1x96xf32, #tpu.memory_space<vmem>>, vector<1x96xf32>
    %add3A_30 = vector.broadcast %get3A_29 : vector<1x96xf32> to vector<10240x96xf32>
    %add3A_31 = arith.addf %add3A, %add3A_30 : vector<10240x96xf32>
    %max3A = arith.constant 0.000000e+00 : f32
    %max3A_32 = vector.broadcast %max3A : f32 to vector<10240x96xf32>
    %max3A_33 = arith.maximumf %add3A_31, %max3A_32 : vector<10240x96xf32>
    %swap3A = arith.constant 0 : index
    %swap3A_34 = arith.constant 0 : index
    %swap3A_35 = vector.load %arg8[%swap3A, %swap3A_34] : memref<10240x96xf32, #tpu.memory_space<vmem>>, vector<10240x96xf32>
    tpu.vector_store %arg8[%swap3A, %swap3A_34], %max3A_33 {strides = array<i32>} : memref<10240x96xf32, #tpu.memory_space<vmem>>, vector<10240x96xf32>,
    %get3A_36 = arith.constant 0 : index
    %get3A_37 = arith.constant 0 : index
    %get3A_38 = vector.load %arg6[%get3A_36, %get3A_37] : memref<96x128xf32, #tpu.memory_space<vmem>>, vector<96x128xf32>
    %dot_general3A_39 = arith.constant dense<0.000000e+00> : vector<10240x128xf32>
    %dot_general3A_40 = tpu.matmul %max3A_33, %get3A_38, %dot_general3A_39 {dimension_numbers = #tpu.dot_dimension_numbers<[1], [0], [0], [1], [0, 0, 1, 1], [], []>, transpose_lhs_hint = false} : vector<10240x96xf32>, vector<96x128xf32>, vector<10240x128xf32> -> vector<10240x128xf32>
    %get3A_41 = arith.constant 0 : index
    %get3A_42 = arith.constant 0 : index
    %get3A_43 = vector.load %arg7[%get3A_41, %get3A_42] : memref<1x128xf32, #tpu.memory_space<vmem>>, vector<1x128xf32>
    %add3A_44 = vector.broadcast %get3A_43 : vector<1x128xf32> to vector<10240x128xf32>
    %add3A_45 = arith.addf %dot_general3A_40, %add3A_44 : vector<10240x128xf32>
    %swap3A_46 = arith.constant 0 : index
    %swap3A_47 = arith.constant 0 : index
    %swap3A_48 = vector.load %arg9[%swap3A_46, %swap3A_47] : memref<10240x128xf32, #tpu.memory_space<vmem>>, vector<10240x128xf32>
    tpu.vector_store %arg9[%swap3A_46, %swap3A_47], %add3A_45 {strides = array<i32>} : memref<10240x128xf32, #tpu.memory_space<vmem>>, vector<10240x128xf32>,
    return
  }
}

</mosaic_0001>

<sc_bundles>
// kernel: kernel.10.cloned.1.call-start
scs
__scs_entry_jumppad:
0x0: {  	(pc) =	sbr.rel $0x88, $3  }
0x1: {  	(tag) =	ssettag $0x0;
	lr =	simm.s32 $0x1  }
0x2: {  	[smem:$0x3F8A] =	sst lr;
	_ =	strace $0xD0000000  }
0x3: {  	_ = 	snop  }
0x4: {  	_ = 	snop  }
0x5: {  	_ = 	snop  }
0x6: {  	_ = 	snop  }
0x7: {  	_ = 	snop  }
__scs_overlays_trampoline_lowered:
0x8: {  	[smem:$0x3F99] =	sst s0  }
0x9: {  	[smem:$0x3F9A] =	sst s1  }
0xa: {  	[smem:$0x3F9B] =	sst s2  }
0xb: {  	[smem:$0x3F9C] =	sst s3  }
0xc: {  	[smem:$0x3F9D] =	sst s4  }
0xd: {  	[smem:$0x3F9E] =	sst s5  }
0xe: {  	[smem:$0x3F9F] =	sst s6  }
0xf: {  	[smem:$0x3FA0] =	sst s7  }
0x10: {  	[smem:$0x3FA1] =	sst s8  }
0x11: {  	[smem:$0x3FA2] =	sst s9;
	s0 =	simm.s32 @!p0 $0x0  }
0x12: {  	s1 =	sld [smem:$0x3F88];
	s0 =	simm.s32 @p0 $0x1  }
0x13: {  	[smem:$0x3FA3] =	sst s0;
	s0 =	simm.s32 @!p1 $0x0  }
0x14: {  	s2 =	sld [smem:$0x3F87];
	s0 =	simm.s32 @p1 $0x1  }
0x15: {  	[smem:$0x3FA4] =	sst s0;
	s0 =	simm.s32 @!p2 $0x0  }
0x16: {  	s3 =	sld [smem:$0x3FDB];
	s0 =	simm.s32 @p2 $0x1  }
0x17: {  	s4 =	simm.s32 $0x1BF5;
	[smem:$0x3FA6] =	sst s0  }
0x18: {  	s0 =	sld [smem:$0x3F89];
	_ =	swait.ge [sflag:s4], $0x0  }
0x19: {  	s7 =	sld [smem:$0x3F8A]  }
0x1a: {  	s8 =	sadd.s32 $0xFFFFE003, lr  }
0x1b: {  	s9 =	sadd.s32 $0xFFFFFEF7, lr;
	s5 =	simm.s32 $0xFFFFFFFF;
	p2 =	slt.u32 s8, $0xFFFFF086  }
0x1c: {  	p1 =	slt.u32 s9, $0xF7A;
	s5 =	simm.s32 @!p2 $0x0  }
0x1d: {  	s5 =	simm.s32 @p1 $0x1;
	p0 =	seq.s32 s7, s2  }
0x1e: {  	s7 =	smul.u32 @!p0 $0xF7A, s2;
	p2 =	seq.s32 @!p0 s5, $0x0  }
0x1f: {  	s9 =	smul.u32 $0xF7A, s1;
	s8 =	simm.s32 @!p0 $0x1BF5;
	p2 =	por !p2, p0  }
0x20: {  	[sflag:s8] =	ssyncset.s32 @!p0 $0xFFFFF086;
	s6 =	sadd.s32 @!p0 s3, s7;
	s7 =	simm.s32 @!p0 $0x108  }
0x21: {  	s3 =	sadd.s32 s3, s9;
	s6 =	sadd.s32 @!p0 $0x88, s6;
	s7 =	simm.s32 @p2 $0x1082  }
0x22: {  	[simem:s7], [sflag:s8] =	dma.local @!p0 [hbm:s6], $0xF7A  }
0x23: {  	s9 =	sor.u32 $0xD0000000, s2;
	s6 =	simm.s32 $0x108;
	_ =	swait.ge @!p0 [sflag:s8], $0x0  }
0x24: {  	s3 =	sadd.s32 $0x88, s3;
	s6 =	simm.s32 @!p1 $0x1082;
	[sflag:s4] =	ssyncset.s32 $0xFFFFF086  }
0x25: {  	[simem:s6], [sflag:s4] =	dma.local [hbm:s3], $0xF7A  }
0x26: {  	[smem:$0x3F8A] =	sst s1;
	(tag) =	ssettag s2;
	_ =	strace s9  }
0x27: {  	s1 =	sld [smem:$0x3F9A]  }
0x28: {  	s2 =	sld [smem:$0x3F9B]  }
0x29: {  	s4 =	sld [smem:$0x3F9D]  }
0x2a: {  	p0 =	seq.s32 s5, $0x0;
	s5 =	sld [smem:$0x3F9E]  }
0x2b: {  	s6 =	sld [smem:$0x3F9F]  }
0x2c: {  	s7 =	sld [smem:$0x3FA0]  }
0x2d: {  	s3 =	simm.s32 $0x108;
	s8 =	sld [smem:$0x3FA1]  }
0x2e: {  	s3 =	simm.s32 @!p0 $0x1082;
	s9 =	sld [smem:$0x3FA2]  }
0x2f: {  	lr =	sadd.s32 s0, s3;
	s0 =	sld [smem:$0x3F99]  }
0x30: {  	s3 =	sld [smem:$0x3F9C]  }
0x31: {  	[smem:$0x3FA5] =	sst s10  }
0x32: {  	s10 =	sld [smem:$0x3FA3];
	_ =	sdelay $0x3  }
0x33: {  	p0 =	seq.s32 s10, $0x1;
	s10 =	sld [smem:$0x3FA5];
	_ =	sdelay $0x3  }
0x34: {  	[smem:$0x3FA5] =	sst s10  }
0x35: {  	s10 =	sld [smem:$0x3FA4];
	_ =	sdelay $0x3  }
0x36: {  	p1 =	seq.s32 s10, $0x1;
	s10 =	sld [smem:$0x3FA5];
	_ =	sdelay $0x3  }
0x37: {  	[smem:$0x3FA5] =	sst s10  }
0x38: {  	s10 =	sld [smem:$0x3FA6]  }
0x39: {  	_ = 	snop;
	(pc) =	sbr.ind lr, $3  }
0x3a: {  	_ = 	snop  }
0x3b: {  	_ = 	snop  }
0x3c: {  	p2 =	seq.s32 s10, $0x1;
	s10 =	sld [smem:$0x3FA5]  }
0x3d: {  	_ =	shalt  }
0x3e: {  	_ =	shalt  }
0x3f: {  	_ =	shalt  }
0x40: {  	_ =	shalt  }
0x41: {  	_ =	shalt  }
0x42: {  	_ =	shalt  }
0x43: {  	_ =	shalt  }
0x44: {  	_ =	shalt  }
0x45: {  	_ =	shalt  }
0x46: {  	_ =	shalt  }
0x47: {  	_ =	shalt  }
0x48: {  	_ =	shalt  }
0x49: {  	_ =	shalt  }
0x4a: {  	_ =	shalt  }
0x4b: {  	_ =	shalt  }
0x4c: {  	_ =	shalt  }
0x4d: {  	_ =	shalt  }
0x4e: {  	_ =	shalt  }
0x4f: {  	_ =	shalt  }
0x50: {  	_ =	shalt  }
0x51: {  	_ =	shalt  }
0x52: {  	_ =	shalt  }
0x53: {  	_ =	shalt  }
0x54: {  	_ =	shalt  }
0x55: {  	_ =	shalt  }
0x56: {  	_ =	shalt  }
0x57: {  	_ =	shalt  }
0x58: {  	_ =	shalt  }
0x59: {  	_ =	shalt  }
0x5a: {  	_ =	shalt  }
0x5b: {  	_ =	shalt  }
0x5c: {  	_ =	shalt  }
0x5d: {  	_ =	shalt  }
0x5e: {  	_ =	shalt  }
0x5f: {  	_ =	shalt  }
0x60: {  	_ =	shalt  }
0x61: {  	_ =	shalt  }
0x62: {  	_ =	shalt  }
0x63: {  	_ =	shalt  }
0x64: {  	_ =	shalt  }
0x65: {  	_ =	shalt  }
0x66: {  	_ =	shalt  }
0x67: {  	_ =	shalt  }
0x68: {  	_ =	shalt  }
0x69: {  	_ =	shalt  }
0x6a: {  	_ =	shalt  }
0x6b: {  	_ =	shalt  }
0x6c: {  	_ =	shalt  }
0x6d: {  	_ =	shalt  }
0x6e: {  	_ =	shalt  }
0x6f: {  	_ =	shalt  }
0x70: {  	_ =	shalt  }
0x71: {  	_ =	shalt  }
0x72: {  	_ =	shalt  }
0x73: {  	_ =	shalt  }
0x74: {  	_ =	shalt  }
0x75: {  	_ =	shalt  }
0x76: {  	_ =	shalt  }
0x77: {  	_ =	shalt  }
0x78: {  	_ =	shalt  }
0x79: {  	_ =	shalt  }
0x7a: {  	_ =	shalt  }
0x7b: {  	_ =	shalt  }
0x7c: {  	_ =	shalt  }
0x7d: {  	_ =	shalt  }
0x7e: {  	_ =	shalt  }
0x7f: {  	_ =	shalt  }
0x80: {  	_ =	shalt  }
0x81: {  	_ =	shalt  }
0x82: {  	_ =	shalt  }
0x83: {  	_ =	shalt  }
0x84: {  	_ =	shalt  }
0x85: {  	_ =	shalt  }
0x86: {  	_ =	shalt  }
0x87: {  	_ =	shalt  }
.Lfunc_end0:
.L_simem_size_0:
called_computation_lowered:
.L_overlay_start_0:
0x88: {  	s2 =	sld [smem:$0x3FD9]  }
0x89: {  	s3 =	sld [smem:$0x3FFE];
	_ =	sdelay $0x1  }
0x8a: {  	s1 =	srdreg.scid  }
0x8b: {  	s0 =	sand.u32 $0x1, s1  }
0x8c: {  	s14 =	sshll.u32 s0, $0xA;
	s2 =	sadd.s32 s3, s2  }
0x8d: {  	s2 =	sadd.s32 s2, s14  }
0x8e: {  	[smem:$0x3FB1] =	sst s2  }
0x8f: {  	_ = 	snop  }
0x90: {  	s2 =	sld [smem:$0x3FD0];
	_ =	sdelay $0x2  }
0x91: {  	s15 =	simm.s32 $0xA;
	s4 =	simm.s32 $0x10  }
0x92: {  	[smem:s4], [sflag:s15] =	dma.local [hbm:s2], $0x1  }
0x93: {  	_ =	swait.eq [sflag:s15], $0x1  }
0x94: {  	[sflag:s15] =	ssyncset.done $0x0  }
0x95: {  	[sflag:s15] =	ssyncadd.s32 $0xFFFFFFFF  }
0x96: {  	s16 =	sld [smem:$0x11];
	(tm) =	ssettm $0x1  }
0x97: {  	s17 =	sld [smem:$0x3FFB];
	_ =	sdelay $0x3  }
0x98: {  	_ =	strace s17  }
0x99: {  	s3 =	sld [smem:$0x3FFC];
	_ =	sdelay $0x3  }
0x9a: {  	_ =	strace s3  }
0x9b: {  	s3 =	sld [smem:$0x3FFD];
	_ =	sdelay $0x3  }
0x9c: {  	_ =	strace s3  }
0x9d: {  	_ =	strace $0x8FFFFFFF  }
0x9e: {  	s18 =	sld [smem:$0x3FDB];
	_ =	sdelay $0x1  }
0x9f: {  	s19 =	simm.s32 $_scs_section_size  }
0xa0: {  	s5 =	simm.s32 $_size__tile_overlayer_lowered;
	s6 =	simm.s32 $_tile_overlayer_lowered  }
0xa1: {  	s22 =	simm.s32 $0x1BFF;
	s21 =	sshll.u32 s6, $0x1;
	s3 =	sadd.s32 s19, s18  }
0xa2: {  	s7 =	simm.s32 $0x0;
	s20 =	sshll.u32 s5, $0x1;
	s5 =	sadd.s32 s21, s3  }
0xa3: {  	[timem:s7], [sflag:s22] =	dma.local [hbm:s5], s20  }
0xa4: {  	_ =	swait.ge [sflag:s22], s20  }
0xa5: {  	s4 =	ssub.s32 $0x0, s20;
	[sflag:s22] =	ssyncset.done $0x0  }
0xa6: {  	[sflag:s22] =	ssyncadd.s32 s4;
	_ =	sdelay $0x1  }
0xa7: {  	s23 =	simm.s32 $0x1B8B  }
0xa8: {  	_ =	swait.ge [sflag:s23], $0x1  }
0xa9: {  	[sflag:s23] =	ssyncset.done $0x0  }
0xaa: {  	s25 =	simm.s32 $0x1B8E;
	s24 =	sld [smem:$0x3FFE];
	[sflag:s23] =	ssyncadd.s32 $0xFFFFFFFF  }
0xab: {  	s26 =	simm.s32 $execute0_lowered;
	[smem:$0x3FD2] =	sst s25  }
0xac: {  	s5 =	sshll.u32 s26, $0x1;
	_ =	strace $0x80000046;
	[dreg:$0x1] =	wrdreg $0xFFFFFFFF  }
0xad: {  	s28 =	simm.s32 $_size_execute0_lowered;
	s3 =	sadd.s32 s3, s5;
	[dreg:$0x0] =	wrdreg $0x0  }
0xae: {  	s5 =	sshll.u32 s28, $0x1;
	[dreg:$0x2] =	wrdreg s3  }
0xaf: {  	[dreg:$0x3] =	wrdreg s5  }
0xb0: {  	[dreg:$0x4] =	wrdreg $0xC0  }
0xb1: {  	_ =	task [dreg:s7], $0x5FFFF  }
0xb2: {  	[dreg:$0x1] =	wrdreg $0xFFFFFFFF  }
0xb3: {  	[dreg:$0x0] =	wrdreg $0x60  }
0xb4: {  	[dreg:$0x2] =	wrdreg s24  }
0xb5: {  	[dreg:$0x3] =	wrdreg s16  }
0xb6: {  	[dreg:$0x4] =	wrdreg $0x30000  }
0xb7: {  	[dreg:$0x5] =	wrdreg $0x9  }
0xb8: {  	_ =	task.clear_ibuf [dreg:s7], $0x6FFFF;
	_ =	strace $0x90000046  }
0xb9: {  	s29 =	simm.s32 $0x9;
	_ =	strace $0x80000048  }
0xba: {  	_ =	swait.ge [sflag:s29], $0x1  }
0xbb: {  	[sflag:s29] =	ssyncadd.s32 $0xFFFFFFFF  }
0xbc: {  	_ =	strace $0x90000048  }
0xbd: {  	_ =	sfence  }
0xbe: {  	s30 =	sld [smem:$0x0];
	_ =	sdelay $0x2  }
0xbf: {  	s31 =	sshll.u32 s1, $0xD;
	s1 =	sshrl.u32 s1, $0x2  }
0xc0: {  	s3 =	sand.u32 $0x4000, s31;
	s1 =	sadd.s32 s1, s30  }
0xc1: {  	s0 =	sor.u32 s3, s0;
	s1 =	sshll.u32 s1, $0x11  }
0xc2: {  	s0 =	sor.u32 s1, s0  }
0xc3: {  	s0 =	sadd.s32 $0x8F2B, s0  }
0xc4: {  	[sflag:s0] =	ssyncadd.remote.s32 $0x1  }
0xc5: {  	_ =	sfence.sel $0xFFFF  }
0xc6: {  	[dreg:$0x0] =	wrdreg $0xFFFFFFFF;
	(pc) =	sbr.abs _section_cstart, $3  }
0xc7: {  	[dreg:$0x1] =	wrdreg $0xFFFFFFFF  }
0xc8: {  	_ =	task.clear_ibuf [dreg:s7], $0x2FFFF;
	_ =	strace $0x9FFFFFFF  }
0xc9: {  	(tm) =	ssettm $0x7FFFFFFF  }
tec
execute0_lowered:
.L_overlay_start_1:
0x0: {  	(tag) =	ssettag $0x1  }
0x1: {  	s4 =	rddreg [dreg:$0x0]  }
0x2: {  	s7 =	rddreg [dreg:$0x1]  }
0x3: {  	s2 =	rddreg [dreg:$0x2]  }
0x4: {  	s0 =	rddreg [dreg:$0x3]  }
0x5: {  	s3 =	simm.s32 $0x0;
	s1 =	stileid.u32;
	s5 =	srdreg.scid  }
0x6: {  	s11 =	simm.s32 $0x80;
	s12 =	simm.s32 $0x2000;
	s15 =	simm.s32 $0x0  }
0x7: {  	[smem:$0x7FF] =	sst s3;
	s6 =	sshll.u32 s1, $0xA;
	s5 =	sand.u32 $0x1, s5  }
0x8: {  	s9 =	sshll.u32 s1, $0xC;
	s13 =	sshll.u32 s1, $0x6;
	_ =	strace $0x80000047  }
0x9: {  	s4 =	sadd.s32 s6, s4;
	s29 =	ssub.s32 $0x2, s5;
	s10 =	sshll.u32 s5, $0x10  }
0xa: {  	s5 =	sshll.u32 s5, $0xE;
	s13 =	sor.u32 $0x1C01, s13;
	s8 =	sshrl.u32 s29, $0x1  }
0xb: {  	s30 =	sor.u32 s9, s10;
	s5 =	sadd.s32 s5, s4;
	s4 =	sadd.s32 s9, s2  }
0xc: {  	s9 =	simm.s32 $0x1;
	s10 =	simm.s32 $0x2800;
	s8 =	ssub.s32 s29, s8  }
0xd: {  	s31 =	sshrl.u32 s30, $0x3;
	s5 =	sadd.s32 $0x4800, s5;
	s6 =	sadd.s32 $0x800, s4  }
0xe: {  	v0 =	vimm.f32 $1.000000000e+00;
	v1 =	vimm.f32 $0.0e+00;
	s14 =	sshrl.u32 s4, $0x3;
	s7 =	sadd.s32 s7, s31;
	s8 =	smax.u32 s8, $0x1  }
.LBB2_1:
0xf: {  	[tilespmem:s3], [sflag:$0x1] =	stream.linear.gather [hbm4b:s5+s3], $0x2000, $0x38;
	[tilespmem:$0x4000] =	vst v63  }
0x10: {  	_ =	swait.ge [sflag:s9], $0x2000  }
0x11: {  	[sflag:s9] =	ssyncset.done $0x0  }
0x12: {  	s16 =	simm.s32 $0x40;
	s17 =	simm.s32 $0x0;
	[sflag:s9] =	ssyncadd.s32 $0xFFFFE000  }
.LBB2_2:
0x13: {  	p0 =	sne.s32 s16, $0x1FC0;
	[tilespmem:s17+$0x2000] =	vst v0;
	s18 =	smov.u32 s16;
	s16 =	sadd.s32 $0x40, s16  }
.Ltmp0:
0x14: {  	[tilespmem:s17+$0x2800] =	vst v1;
	(pc) =	sbr.rel @p0 .LBB2_2-.Ltmp0, $2  }
0x15: {  	_ =	sdelay $0x2  }
0x16: {  	s17 =	sshra.s32 s18, $0x2  }
0x17: {  	[tilespmem:s17+$0x2000] =	vst v0  }
0x18: {  	[tilespmem:s17+$0x2800] =	vst v1  }
0x19: {  	[spmem:s4] =	stream.linear.scatter [tilespmem:s10], [sflag:$0x1], $0x800, $0x38;
	[tilespmem:$0x4000] =	vst v63  }
0x1a: {  	_ =	swait.ge [sflag:s9], $0x800  }
0x1b: {  	[sflag:s9] =	ssyncset.done $0x0  }
0x1c: {  	[sflag:s9] =	ssyncadd.s32 $0xFFFFF800  }
0x1d: {  	[spmem:s6] =	stream.linear.scatter [tilespmem:s10], [sflag:$0x1], $0x800, $0x38;
	[tilespmem:$0x4000] =	vst v63  }
0x1e: {  	_ =	swait.ge [sflag:s9], $0x800  }
0x1f: {  	[sflag:s9] =	ssyncset.done $0x0  }
0x20: {  	[sflag:s9] =	ssyncadd.s32 $0xFFFFF800  }
0x21: {  	s16 =	simm.s32 $0x0;
	[bflag:$0x0] =	sbarrier.arrive $0xFFFF  }
0x22: {  	[spmem:s2] =	stream.indirect.scatter.add.f32 [tilespmem:s12], [sflag:$0x1], $0x10, s16, s11, $0xb8;
	[tilespmem:$0x4000] =	vst v63  }
0x23: {  	_ =	swait.ge [sflag:s9], $0x800  }
0x24: {  	s16 =	simm.s32 $0x200;
	[sflag:s9] =	ssyncset.done $0x0  }
.LBB2_4:
0x25: {  	s17 =	sshra.s32 s16, $0x2;
	[sflag:s9] =	ssyncadd.s32 $0xFFFFF800;
	p0 =	sne.s32 s16, $0x7E00  }
0x26: {  	[spmem:s2] =	stream.indirect.scatter.add.f32 [tilespmem:s12], [sflag:$0x1], $0x10, s17, s11, $0xb8;
	[tilespmem:$0x4000] =	vst v63  }
.Ltmp1:
0x27: {  	_ = 	snop;
	(pc) =	sbr.rel @p0 .LBB2_4-.Ltmp1, $4  }
0x28: {  	_ = 	snop  }
0x29: {  	s16 =	sadd.s32 $0x200, s16  }
0x2a: {  	_ =	swait.ge [sflag:s9], $0x800  }
0x2b: {  	[sflag:s9] =	ssyncset.done $0x0  }
0x2c: {  	s15 =	sadd.s32 $0x1, s15  }
0x2d: {  	[sflag:s9] =	ssyncadd.s32 $0xFFFFF800;
	p0 =	sne.s32 s15, s8  }
.Ltmp2:
0x2e: {  	[bflag:$0x0] =	sbarrier.arrive $0xFFFF;
	(pc) =	sbr.rel @p0 .LBB2_1-.Ltmp2, $4  }
0x2f: {  	[hbm:s7], [sflag:s13] =	dma.local [spmem:s14], $0x200  }
0x30: {  	_ =	swait.ge [sflag:s9], $0x200  }
0x31: {  	[sflag:s9] =	ssyncset.done $0x0  }
0x32: {  	[sflag:s9] =	ssyncadd.s32 $0xFFFFFE00  }
0x33: {  	_ =	sfence.sel $0x180000  }
0x34: {  	[bflag:$0x0] =	sbarrier.arrive $0xFFFF  }
0x35: {  	p0 =	sne.s32 s1, $0x0;
	_ =	strace $0x90000047  }
0x36: {  	s0 =	sadd.s32 @!p0 $0x100000, s0;
	[bflag:$0x2] =	sbarrier.arrive $0xFFFF  }
0x37: {  	[sflag:s0] =	ssyncadd.tile.s32 @!p0 $0x1;
	_ =	shalt  }
.Lfunc_end2:
_tile_overlayer_lowered:
.L_overlay_start_2:
0x38: {  	(tag) =	ssettag $0x2  }
0x39: {  	s0 =	rddreg [dreg:$0x0];
	s2 =	stileid.u32  }
0x3a: {  	s1 =	rddreg [dreg:$0x1];
	p0 =	sne.s32 s2, $0x0  }
0x3b: {  	s3 =	rddreg [dreg:$0x2];
	[bflag:$0x3] =	sbarrier.arrive $0xFFFF;
	s2 =	simm.s32 @!p0 $0x1C01  }
0x3c: {  	[timem:s3], [sflag:s2] =	dma.local @!p0 [hbm:s0], s1  }
0x3d: {  	s0 =	simm.s32 @!p0 $0x1  }
0x3e: {  	_ =	swait.ge @!p0 [sflag:s0], s1  }
0x3f: {  	s1 =	ssub.s32 @!p0 $0x0, s1;
	[sflag:s0] =	ssyncset.done @!p0 $0x0  }
0x40: {  	[sflag:s0] =	ssyncadd.s32 @!p0 s1  }
0x41: {  	[bflag:$0x3] =	sbarrier.arrive $0xFFFF  }
0x42: {  	_ =	shalt  }

// kernel: kernel.13.cloned.1.call-start
scs
__scs_entry_jumppad:
0x0: {  	(pc) =	sbr.rel $0x88, $3  }
0x1: {  	(tag) =	ssettag $0x0;
	lr =	simm.s32 $0x1  }
0x2: {  	[smem:$0x3F8A] =	sst lr;
	_ =	strace $0xD0000000  }
0x3: {  	_ = 	snop  }
0x4: {  	_ = 	snop  }
0x5: {  	_ = 	snop  }
0x6: {  	_ = 	snop  }
0x7: {  	_ = 	snop  }
__scs_overlays_trampoline_lowered:
0x8: {  	[smem:$0x3F99] =	sst s0  }
0x9: {  	[smem:$0x3F9A] =	sst s1  }
0xa: {  	[smem:$0x3F9B] =	sst s2  }
0xb: {  	[smem:$0x3F9C] =	sst s3  }
0xc: {  	[smem:$0x3F9D] =	sst s4  }
0xd: {  	[smem:$0x3F9E] =	sst s5  }
0xe: {  	[smem:$0x3F9F] =	sst s6  }
0xf: {  	[smem:$0x3FA0] =	sst s7  }
0x10: {  	[smem:$0x3FA1] =	sst s8  }
0x11: {  	[smem:$0x3FA2] =	sst s9;
	s0 =	simm.s32 @!p0 $0x0  }
0x12: {  	s1 =	sld [smem:$0x3F88];
	s0 =	simm.s32 @p0 $0x1  }
0x13: {  	[smem:$0x3FA3] =	sst s0;
	s0 =	simm.s32 @!p1 $0x0  }
0x14: {  	s2 =	sld [smem:$0x3F87];
	s0 =	simm.s32 @p1 $0x1  }
0x15: {  	[smem:$0x3FA4] =	sst s0;
	s0 =	simm.s32 @!p2 $0x0  }
0x16: {  	s3 =	sld [smem:$0x3FDB];
	s0 =	simm.s32 @p2 $0x1  }
0x17: {  	s4 =	simm.s32 $0x1BF5;
	[smem:$0x3FA6] =	sst s0  }
0x18: {  	s0 =	sld [smem:$0x3F89];
	_ =	swait.ge [sflag:s4], $0x0  }
0x19: {  	s7 =	sld [smem:$0x3F8A]  }
0x1a: {  	s8 =	sadd.s32 $0xFFFFE003, lr  }
0x1b: {  	s9 =	sadd.s32 $0xFFFFFEF7, lr;
	s5 =	simm.s32 $0xFFFFFFFF;
	p2 =	slt.u32 s8, $0xFFFFF086  }
0x1c: {  	p1 =	slt.u32 s9, $0xF7A;
	s5 =	simm.s32 @!p2 $0x0  }
0x1d: {  	s5 =	simm.s32 @p1 $0x1;
	p0 =	seq.s32 s7, s2  }
0x1e: {  	s7 =	smul.u32 @!p0 $0xF7A, s2;
	p2 =	seq.s32 @!p0 s5, $0x0  }
0x1f: {  	s9 =	smul.u32 $0xF7A, s1;
	s8 =	simm.s32 @!p0 $0x1BF5;
	p2 =	por !p2, p0  }
0x20: {  	[sflag:s8] =	ssyncset.s32 @!p0 $0xFFFFF086;
	s6 =	sadd.s32 @!p0 s3, s7;
	s7 =	simm.s32 @!p0 $0x108  }
0x21: {  	s3 =	sadd.s32 s3, s9;
	s6 =	sadd.s32 @!p0 $0x88, s6;
	s7 =	simm.s32 @p2 $0x1082  }
0x22: {  	[simem:s7], [sflag:s8] =	dma.local @!p0 [hbm:s6], $0xF7A  }
0x23: {  	s9 =	sor.u32 $0xD0000000, s2;
	s6 =	simm.s32 $0x108;
	_ =	swait.ge @!p0 [sflag:s8], $0x0  }
0x24: {  	s3 =	sadd.s32 $0x88, s3;
	s6 =	simm.s32 @!p1 $0x1082;
	[sflag:s4] =	ssyncset.s32 $0xFFFFF086  }
0x25: {  	[simem:s6], [sflag:s4] =	dma.local [hbm:s3], $0xF7A  }
0x26: {  	[smem:$0x3F8A] =	sst s1;
	(tag) =	ssettag s2;
	_ =	strace s9  }
0x27: {  	s1 =	sld [smem:$0x3F9A]  }
0x28: {  	s2 =	sld [smem:$0x3F9B]  }
0x29: {  	s4 =	sld [smem:$0x3F9D]  }
0x2a: {  	p0 =	seq.s32 s5, $0x0;
	s5 =	sld [smem:$0x3F9E]  }
0x2b: {  	s6 =	sld [smem:$0x3F9F]  }
0x2c: {  	s7 =	sld [smem:$0x3FA0]  }
0x2d: {  	s3 =	simm.s32 $0x108;
	s8 =	sld [smem:$0x3FA1]  }
0x2e: {  	s3 =	simm.s32 @!p0 $0x1082;
	s9 =	sld [smem:$0x3FA2]  }
0x2f: {  	lr =	sadd.s32 s0, s3;
	s0 =	sld [smem:$0x3F99]  }
0x30: {  	s3 =	sld [smem:$0x3F9C]  }
0x31: {  	[smem:$0x3FA5] =	sst s10  }
0x32: {  	s10 =	sld [smem:$0x3FA3];
	_ =	sdelay $0x3  }
0x33: {  	p0 =	seq.s32 s10, $0x1;
	s10 =	sld [smem:$0x3FA5];
	_ =	sdelay $0x3  }
0x34: {  	[smem:$0x3FA5] =	sst s10  }
0x35: {  	s10 =	sld [smem:$0x3FA4];
	_ =	sdelay $0x3  }
0x36: {  	p1 =	seq.s32 s10, $0x1;
	s10 =	sld [smem:$0x3FA5];
	_ =	sdelay $0x3  }
0x37: {  	[smem:$0x3FA5] =	sst s10  }
0x38: {  	s10 =	sld [smem:$0x3FA6]  }
0x39: {  	_ = 	snop;
	(pc) =	sbr.ind lr, $3  }
0x3a: {  	_ = 	snop  }
0x3b: {  	_ = 	snop  }
0x3c: {  	p2 =	seq.s32 s10, $0x1;
	s10 =	sld [smem:$0x3FA5]  }
0x3d: {  	_ =	shalt  }
0x3e: {  	_ =	shalt  }
0x3f: {  	_ =	shalt  }
0x40: {  	_ =	shalt  }
0x41: {  	_ =	shalt  }
0x42: {  	_ =	shalt  }
0x43: {  	_ =	shalt  }
0x44: {  	_ =	shalt  }
0x45: {  	_ =	shalt  }
0x46: {  	_ =	shalt  }
0x47: {  	_ =	shalt  }
0x48: {  	_ =	shalt  }
0x49: {  	_ =	shalt  }
0x4a: {  	_ =	shalt  }
0x4b: {  	_ =	shalt  }
0x4c: {  	_ =	shalt  }
0x4d: {  	_ =	shalt  }
0x4e: {  	_ =	shalt  }
0x4f: {  	_ =	shalt  }
0x50: {  	_ =	shalt  }
0x51: {  	_ =	shalt  }
0x52: {  	_ =	shalt  }
0x53: {  	_ =	shalt  }
0x54: {  	_ =	shalt  }
0x55: {  	_ =	shalt  }
0x56: {  	_ =	shalt  }
0x57: {  	_ =	shalt  }
0x58: {  	_ =	shalt  }
0x59: {  	_ =	shalt  }
0x5a: {  	_ =	shalt  }
0x5b: {  	_ =	shalt  }
0x5c: {  	_ =	shalt  }
0x5d: {  	_ =	shalt  }
0x5e: {  	_ =	shalt  }
0x5f: {  	_ =	shalt  }
0x60: {  	_ =	shalt  }
0x61: {  	_ =	shalt  }
0x62: {  	_ =	shalt  }
0x63: {  	_ =	shalt  }
0x64: {  	_ =	shalt  }
0x65: {  	_ =	shalt  }
0x66: {  	_ =	shalt  }
0x67: {  	_ =	shalt  }
0x68: {  	_ =	shalt  }
0x69: {  	_ =	shalt  }
0x6a: {  	_ =	shalt  }
0x6b: {  	_ =	shalt  }
0x6c: {  	_ =	shalt  }
0x6d: {  	_ =	shalt  }
0x6e: {  	_ =	shalt  }
0x6f: {  	_ =	shalt  }
0x70: {  	_ =	shalt  }
0x71: {  	_ =	shalt  }
0x72: {  	_ =	shalt  }
0x73: {  	_ =	shalt  }
0x74: {  	_ =	shalt  }
0x75: {  	_ =	shalt  }
0x76: {  	_ =	shalt  }
0x77: {  	_ =	shalt  }
0x78: {  	_ =	shalt  }
0x79: {  	_ =	shalt  }
0x7a: {  	_ =	shalt  }
0x7b: {  	_ =	shalt  }
0x7c: {  	_ =	shalt  }
0x7d: {  	_ =	shalt  }
0x7e: {  	_ =	shalt  }
0x7f: {  	_ =	shalt  }
0x80: {  	_ =	shalt  }
0x81: {  	_ =	shalt  }
0x82: {  	_ =	shalt  }
0x83: {  	_ =	shalt  }
0x84: {  	_ =	shalt  }
0x85: {  	_ =	shalt  }
0x86: {  	_ =	shalt  }
0x87: {  	_ =	shalt  }
.Lfunc_end0:
.L_simem_size_0:
called_computation.1_lowered:
.L_overlay_start_0:
0x88: {  	s2 =	sld [smem:$0x3FD9]  }
0x89: {  	s3 =	sld [smem:$0x3FFE];
	_ =	sdelay $0x1  }
0x8a: {  	s1 =	srdreg.scid  }
0x8b: {  	s0 =	sand.u32 $0x1, s1  }
0x8c: {  	s16 =	sshll.u32 s0, $0xA;
	s2 =	sadd.s32 s3, s2  }
0x8d: {  	s2 =	sadd.s32 s2, s16  }
0x8e: {  	[smem:$0x3FB1] =	sst s2  }
0x8f: {  	_ = 	snop  }
0x90: {  	(tm) =	ssettm $0x1  }
0x91: {  	s17 =	sld [smem:$0x3FFB];
	_ =	sdelay $0x3  }
0x92: {  	_ =	strace s17  }
0x93: {  	s2 =	sld [smem:$0x3FFC];
	_ =	sdelay $0x3  }
0x94: {  	_ =	strace s2  }
0x95: {  	s2 =	sld [smem:$0x3FFD];
	_ =	sdelay $0x3  }
0x96: {  	_ =	strace s2  }
0x97: {  	_ =	strace $0x8FFFFFFF  }
0x98: {  	s18 =	sld [smem:$0x3FDB];
	_ =	sdelay $0x1  }
0x99: {  	s19 =	simm.s32 $_scs_section_size  }
0x9a: {  	s4 =	simm.s32 $_size__tile_overlayer_lowered;
	s5 =	simm.s32 $_tile_overlayer_lowered  }
0x9b: {  	s22 =	simm.s32 $0x1BFF;
	s21 =	sshll.u32 s5, $0x1;
	s2 =	sadd.s32 s19, s18  }
0x9c: {  	s6 =	simm.s32 $0x0;
	s20 =	sshll.u32 s4, $0x1;
	s4 =	sadd.s32 s21, s2  }
0x9d: {  	[timem:s6], [sflag:s22] =	dma.local [hbm:s4], s20  }
0x9e: {  	_ =	swait.ge [sflag:s22], s20  }
0x9f: {  	s3 =	ssub.s32 $0x0, s20;
	[sflag:s22] =	ssyncset.done $0x0  }
0xa0: {  	[sflag:s22] =	ssyncadd.s32 s3;
	_ =	sdelay $0x1  }
0xa1: {  	s23 =	simm.s32 $0x1B8B  }
0xa2: {  	_ =	swait.ge [sflag:s23], $0x1  }
0xa3: {  	[sflag:s23] =	ssyncset.done $0x0  }
0xa4: {  	s25 =	simm.s32 $0x1B8E;
	s24 =	sld [smem:$0x3FFE];
	[sflag:s23] =	ssyncadd.s32 $0xFFFFFFFF  }
0xa5: {  	s26 =	simm.s32 $execute0_lowered;
	[smem:$0x3FD2] =	sst s25  }
0xa6: {  	s4 =	sshll.u32 s26, $0x1;
	_ =	strace $0x80000049;
	[dreg:$0x1] =	wrdreg $0xFFFFFFFF  }
0xa7: {  	s28 =	simm.s32 $_size_execute0_lowered;
	s2 =	sadd.s32 s2, s4;
	[dreg:$0x0] =	wrdreg $0x0  }
0xa8: {  	s4 =	sshll.u32 s28, $0x1;
	[dreg:$0x2] =	wrdreg s2  }
0xa9: {  	[dreg:$0x3] =	wrdreg s4  }
0xaa: {  	[dreg:$0x4] =	wrdreg $0xC0  }
0xab: {  	_ =	task [dreg:s6], $0x5FFFF  }
0xac: {  	[dreg:$0x1] =	wrdreg $0xFFFFFFFF  }
0xad: {  	[dreg:$0x0] =	wrdreg $0x60  }
0xae: {  	[dreg:$0x2] =	wrdreg s24  }
0xaf: {  	[dreg:$0x3] =	wrdreg $0x100000  }
0xb0: {  	[dreg:$0x4] =	wrdreg $0x9  }
0xb1: {  	_ =	task.clear_ibuf [dreg:s6], $0x5FFFF;
	_ =	strace $0x90000049  }
0xb2: {  	s29 =	simm.s32 $0x9;
	_ =	strace $0x8000004B  }
0xb3: {  	_ =	swait.ge [sflag:s29], $0x1  }
0xb4: {  	[sflag:s29] =	ssyncadd.s32 $0xFFFFFFFF  }
0xb5: {  	_ =	strace $0x9000004B  }
0xb6: {  	_ =	sfence  }
0xb7: {  	s30 =	sld [smem:$0x0];
	_ =	sdelay $0x2  }
0xb8: {  	s31 =	sshll.u32 s1, $0xD;
	s1 =	sshrl.u32 s1, $0x2  }
0xb9: {  	s3 =	sand.u32 $0x4000, s31;
	s1 =	sadd.s32 s1, s30  }
0xba: {  	s0 =	sor.u32 s3, s0;
	s1 =	sshll.u32 s1, $0x11  }
0xbb: {  	s0 =	sor.u32 s1, s0  }
0xbc: {  	s0 =	sadd.s32 $0x8F2B, s0  }
0xbd: {  	[sflag:s0] =	ssyncadd.remote.s32 $0x1  }
0xbe: {  	_ =	sfence.sel $0xFFFF  }
0xbf: {  	[dreg:$0x0] =	wrdreg $0xFFFFFFFF;
	(pc) =	sbr.abs _section_cstart, $3  }
0xc0: {  	[dreg:$0x1] =	wrdreg $0xFFFFFFFF  }
0xc1: {  	_ =	task.clear_ibuf [dreg:s6], $0x2FFFF;
	_ =	strace $0x9FFFFFFF  }
0xc2: {  	(tm) =	ssettm $0x7FFFFFFF  }
0xc3: {  	_ =	shalt  }
tec
execute0_lowered:
.L_overlay_start_1:
0x0: {  	(tag) =	ssettag $0x1  }
0x1: {  	s0 =	rddreg [dreg:$0x0]  }
0x2: {  	s2 =	rddreg [dreg:$0x1]  }
0x3: {  	s1 =	srdreg.scid;
	s9 =	stileid.u32  }
0x4: {  	s3 =	simm.s32 $0x0;
	s13 =	simm.s32 $0x9;
	s15 =	simm.s32 $0x4000  }
0x5: {  	s16 =	simm.s32 $0x40;
	s17 =	simm.s32 $0x7000;
	s19 =	simm.s32 $0xA000  }
0x6: {  	s21 =	simm.s32 $0xD000;
	s22 =	simm.s32 $0x1;
	s23 =	simm.s32 $0x2  }
0x7: {  	s24 =	simm.s32 $0x3;
	s25 =	simm.s32 $0x4;
	s28 =	simm.s32 $0x6  }
0x8: {  	s29 =	simm.s32 $0x7;
	s30 =	simm.s32 $0x8;
	s14 =	simm.s32 $0x3F80  }
0x9: {  	s18 =	simm.s32 $0x0;
	s1 =	sand.u32 $0x1, s1;
	s7 =	smul.u32 $0xC000, s9  }
0xa: {  	[smem:$0x7FF] =	sst s3;
	s8 =	sshll.u32 s9, $0xA;
	s26 =	smul.u32 $0x30000, s9  }
0xb: {  	s4 =	sadd.s32 $0x74800, s0;
	s5 =	smul.u32 $0xC0000, s1;
	s6 =	sshll.u32 s1, $0xE  }
0xc: {  	_ =	strace $0x8000004A;
	s1 =	ssub.s32 $0x2, s1;
	s6 =	sor.u32 s8, s6  }
0xd: {  	s31 =	sshrl.u32 s1, $0x1;
	s8 =	sshrl.u32 s26, $0x2;
	s26 =	simm.s32 $0x5  }
0xe: {  	s5 =	sadd.s32 s7, s5;
	s6 =	sadd.s32 s6, s0;
	s1 =	ssub.s32 s1, s31  }
0xf: {  	s7 =	sadd.s32 s7, s2;
	s10 =	sadd.s32 s8, s2;
	s5 =	sshrl.u32 s5, $0x3  }
0x10: {  	s8 =	sadd.s32 $0x3000, s10;
	s9 =	sadd.s32 $0x6000, s10;
	s10 =	sadd.s32 $0x9000, s10  }
0x11: {  	s12 =	smax.u32 s1, $0x1;
	s1 =	simm.s32 $0x3FC0;
	s0 =	sadd.s32 s5, s0  }
0x12: {  	v0 =	vimm.f32 $0.0e+00;
	s5 =	sadd.s32 $0xC800, s6;
	s6 =	sadd.s32 $0x4800, s6;
	s11 =	sadd.s32 $0xA4800, s0  }
.LBB2_1:
0x13: {  	[tilespmem:s3], [sflag:$0x9] =	stream.linear.gather [hbm4b:s5+s3], $0x2000, $0x38;
	[tilespmem:$0x1C000] =	vst v63  }
0x14: {  	_ =	swait.ge [sflag:s13], $0x2000  }
0x15: {  	[sflag:s13] =	ssyncset.done $0x0  }
0x16: {  	s0 =	simm.s32 $0x2000;
	[sflag:s13] =	ssyncadd.s32 $0xFFFFE000  }
0x17: {  	[tilespmem:s0], [sflag:$0x9] =	stream.linear.gather [hbm4b:s6+s3], $0x2000, $0x38;
	[tilespmem:$0x1C000] =	vst v63  }
0x18: {  	_ =	swait.ge [sflag:s13], $0x2000  }
0x19: {  	[sflag:s13] =	ssyncset.done $0x0  }
0x1a: {  	s20 =	simm.s32 $0x0;
	s31 =	simm.s32 $0x300;
	[sflag:s13] =	ssyncadd.s32 $0xFFFFE000  }
.LBB2_2:
0x1b: {  	p0 =	sne.s32 s31, $0xBD00;
	[tilespmem:s20+$0x40B0] =	vst v0  }
0x1c: {  	[tilespmem:s20+$0x4000] =	vst v0  }
0x1d: {  	[tilespmem:s20+$0x4010] =	vst v0  }
0x1e: {  	[tilespmem:s20+$0x4020] =	vst v0  }
0x1f: {  	[tilespmem:s20+$0x4030] =	vst v0  }
0x20: {  	[tilespmem:s20+$0x4040] =	vst v0  }
0x21: {  	[tilespmem:s20+$0x4050] =	vst v0  }
.Ltmp0:
0x22: {  	[tilespmem:s20+$0x4060] =	vst v0;
	(pc) =	sbr.rel @p0 .LBB2_2-.Ltmp0, $4  }
0x23: {  	[tilespmem:s20+$0x4070] =	vst v0  }
0x24: {  	[tilespmem:s20+$0x4080] =	vst v0  }
0x25: {  	[tilespmem:s20+$0x4090] =	vst v0  }
0x26: {  	[tilespmem:s20+$0x40A0] =	vst v0;
	s20 =	sshra.s32 s31, $0x2;
	s31 =	sadd.s32 $0x300, s31  }
0x27: {  	[tilespmem:s20+$0x40B0] =	vst v0  }
0x28: {  	[tilespmem:s20+$0x4000] =	vst v0  }
0x29: {  	[tilespmem:s20+$0x4010] =	vst v0  }
0x2a: {  	[tilespmem:s20+$0x4020] =	vst v0  }
0x2b: {  	[tilespmem:s20+$0x4030] =	vst v0  }
0x2c: {  	[tilespmem:s20+$0x4040] =	vst v0  }
0x2d: {  	[tilespmem:s20+$0x4050] =	vst v0  }
0x2e: {  	[tilespmem:s20+$0x4060] =	vst v0  }
0x2f: {  	[tilespmem:s20+$0x4070] =	vst v0  }
0x30: {  	[tilespmem:s20+$0x4080] =	vst v0  }
0x31: {  	[tilespmem:s20+$0x4090] =	vst v0  }
0x32: {  	[tilespmem:s20+$0x40A0] =	vst v0  }
0x33: {  	[spmem:s7] =	stream.linear.scatter [tilespmem:s15], [sflag:$0x9], $0x3000, $0x38;
	[tilespmem:$0x1C000] =	vst v63  }
0x34: {  	_ =	swait.ge [sflag:s13], $0x3000  }
0x35: {  	[sflag:s13] =	ssyncset.done $0x0  }
0x36: {  	[sflag:s13] =	ssyncadd.s32 $0xFFFFD000  }
0x37: {  	[spmem:s8] =	stream.linear.scatter [tilespmem:s15], [sflag:$0x9], $0x3000, $0x38;
	[tilespmem:$0x1C000] =	vst v63  }
0x38: {  	_ =	swait.ge [sflag:s13], $0x3000  }
0x39: {  	[sflag:s13] =	ssyncset.done $0x0  }
0x3a: {  	[sflag:s13] =	ssyncadd.s32 $0xFFFFD000  }
0x3b: {  	[spmem:s9] =	stream.linear.scatter [tilespmem:s15], [sflag:$0x9], $0x3000, $0x38;
	[tilespmem:$0x1C000] =	vst v63  }
0x3c: {  	_ =	swait.ge [sflag:s13], $0x3000  }
0x3d: {  	[sflag:s13] =	ssyncset.done $0x0  }
0x3e: {  	[sflag:s13] =	ssyncadd.s32 $0xFFFFD000  }
0x3f: {  	[spmem:s10] =	stream.linear.scatter [tilespmem:s15], [sflag:$0x9], $0x3000, $0x38;
	[tilespmem:$0x1C000] =	vst v63  }
0x40: {  	_ =	swait.ge [sflag:s13], $0x3000  }
0x41: {  	[sflag:s13] =	ssyncset.done $0x0  }
0x42: {  	[sflag:s13] =	ssyncadd.s32 $0xFFFFD000  }
0x43: {  	s0 =	simm.s32 $0x0;
	[bflag:$0x0] =	sbarrier.arrive $0xFFFF  }
0x44: {  	[tilespmem:s15], [sflag:$0x1] =	stream.indirect.gather [hbm4b:s4+s16], $0xC0, s0, s16, $0xb8;
	[tilespmem:$0x1C000] =	vst v63  }
0x45: {  	_ = 	snop  }
0x46: {  	[tilespmem:s17], [sflag:$0x2] =	stream.indirect.gather [hbm4b:s4+s16], $0xC0, s16, s16, $0xb8;
	[tilespmem:$0x1C000] =	vst v63  }
0x47: {  	s0 =	simm.s32 $0x80  }
0x48: {  	[tilespmem:s19], [sflag:$0x3] =	stream.indirect.gather [hbm4b:s4+s16], $0xC0, s0, s16, $0xb8;
	[tilespmem:$0x1C000] =	vst v63  }
0x49: {  	s20 =	simm.s32 $0xC0  }
0x4a: {  	[tilespmem:s21], [sflag:$0x4] =	stream.indirect.gather [hbm4b:s4+s16], $0xC0, s20, s16, $0xb8;
	[tilespmem:$0x1C000] =	vst v63  }
0x4b: {  	_ =	swait.ge [sflag:s22], $0x3000  }
0x4c: {  	[sflag:s22] =	ssyncset.done $0x0  }
0x4d: {  	s0 =	simm.s32 $0x2000;
	[sflag:s22] =	ssyncadd.s32 $0xFFFFD000  }
0x4e: {  	[spmem:s2] =	stream.indirect.scatter.add.f32 [tilespmem:s15], [sflag:$0x5], $0xC0, s0, s16, $0xb8;
	[tilespmem:$0x1C000] =	vst v63  }
0x4f: {  	_ =	swait.ge [sflag:s23], $0x3000  }
0x50: {  	[sflag:s23] =	ssyncset.done $0x0  }
0x51: {  	s0 =	simm.s32 $0x2040;
	[sflag:s23] =	ssyncadd.s32 $0xFFFFD000  }
0x52: {  	[spmem:s2] =	stream.indirect.scatter.add.f32 [tilespmem:s17], [sflag:$0x6], $0xC0, s0, s16, $0xb8;
	[tilespmem:$0x1C000] =	vst v63  }
0x53: {  	_ =	swait.ge [sflag:s24], $0x3000  }
0x54: {  	[sflag:s24] =	ssyncset.done $0x0  }
0x55: {  	s0 =	simm.s32 $0x2080;
	[sflag:s24] =	ssyncadd.s32 $0xFFFFD000  }
0x56: {  	[spmem:s2] =	stream.indirect.scatter.add.f32 [tilespmem:s19], [sflag:$0x7], $0xC0, s0, s16, $0xb8;
	[tilespmem:$0x1C000] =	vst v63  }
0x57: {  	_ =	swait.ge [sflag:s25], $0x3000  }
0x58: {  	[sflag:s25] =	ssyncset.done $0x0  }
0x59: {  	s0 =	simm.s32 $0x20C0;
	[sflag:s25] =	ssyncadd.s32 $0xFFFFD000  }
0x5a: {  	[spmem:s2] =	stream.indirect.scatter.add.f32 [tilespmem:s21], [sflag:$0x8], $0xC0, s0, s16, $0xb8;
	[tilespmem:$0x1C000] =	vst v63  }
0x5b: {  	_ =	swait.ge [sflag:s26], $0x3000  }
0x5c: {  	[sflag:s26] =	ssyncset.done $0x0  }
0x5d: {  	s0 =	simm.s32 $0x100;
	[sflag:s26] =	ssyncadd.s32 $0xFFFFD000  }
0x5e: {  	[tilespmem:s15], [sflag:$0x1] =	stream.indirect.gather [hbm4b:s4+s16], $0xC0, s0, s16, $0xb8;
	[tilespmem:$0x1C000] =	vst v63  }
0x5f: {  	_ =	swait.ge [sflag:s28], $0x3000  }
0x60: {  	[sflag:s28] =	ssyncset.done $0x0  }
0x61: {  	s0 =	simm.s32 $0x140;
	[sflag:s28] =	ssyncadd.s32 $0xFFFFD000  }
0x62: {  	[tilespmem:s17], [sflag:$0x2] =	stream.indirect.gather [hbm4b:s4+s16], $0xC0, s0, s16, $0xb8;
	[tilespmem:$0x1C000] =	vst v63  }
0x63: {  	_ =	swait.ge [sflag:s29], $0x3000  }
0x64: {  	[sflag:s29] =	ssyncset.done $0x0  }
0x65: {  	s0 =	simm.s32 $0x180;
	[sflag:s29] =	ssyncadd.s32 $0xFFFFD000  }
0x66: {  	[tilespmem:s19], [sflag:$0x3] =	stream.indirect.gather [hbm4b:s4+s16], $0xC0, s0, s16, $0xb8;
	[tilespmem:$0x1C000] =	vst v63  }
0x67: {  	_ =	swait.ge [sflag:s30], $0x3000  }
0x68: {  	[sflag:s30] =	ssyncset.done $0x0  }
0x69: {  	s31 =	simm.s32 $0x1C0;
	s20 =	simm.s32 $0x400;
	[sflag:s30] =	ssyncadd.s32 $0xFFFFD000  }
.LBB2_4:
0x6a: {  	[tilespmem:s21], [sflag:$0x4] =	stream.indirect.gather [hbm4b:s4+s16], $0xC0, s31, s16, $0xb8;
	[tilespmem:$0x1C000] =	vst v63  }
0x6b: {  	s31 =	smov.u32 s20  }
0x6c: {  	p0 =	sne.s32 s20, $0x7800;
	s20 =	sadd.s32 $0x400, s20;
	_ =	swait.ge [sflag:s22], $0x3000  }
0x6d: {  	s31 =	sshra.s32 s31, $0x2;
	[sflag:s22] =	ssyncset.done $0x0  }
0x6e: {  	s0 =	sadd.s32 $0x2000, s31;
	[sflag:s22] =	ssyncadd.s32 $0xFFFFD000  }
0x6f: {  	[spmem:s2] =	stream.indirect.scatter.add.f32 [tilespmem:s15], [sflag:$0x5], $0xC0, s0, s16, $0xb8;
	[tilespmem:$0x1C000] =	vst v63  }
0x70: {  	_ =	swait.ge [sflag:s23], $0x3000  }
0x71: {  	[sflag:s23] =	ssyncset.done $0x0  }
0x72: {  	s0 =	sadd.s32 $0x2040, s31;
	[sflag:s23] =	ssyncadd.s32 $0xFFFFD000  }
0x73: {  	[spmem:s2] =	stream.indirect.scatter.add.f32 [tilespmem:s17], [sflag:$0x6], $0xC0, s0, s16, $0xb8;
	[tilespmem:$0x1C000] =	vst v63  }
0x74: {  	_ =	swait.ge [sflag:s24], $0x3000  }
0x75: {  	[sflag:s24] =	ssyncset.done $0x0  }
0x76: {  	s0 =	sadd.s32 $0x2080, s31;
	[sflag:s24] =	ssyncadd.s32 $0xFFFFD000  }
0x77: {  	[spmem:s2] =	stream.indirect.scatter.add.f32 [tilespmem:s19], [sflag:$0x7], $0xC0, s0, s16, $0xb8;
	[tilespmem:$0x1C000] =	vst v63  }
0x78: {  	_ =	swait.ge [sflag:s25], $0x3000  }
0x79: {  	[sflag:s25] =	ssyncset.done $0x0  }
0x7a: {  	s0 =	sadd.s32 $0x20C0, s31;
	[sflag:s25] =	ssyncadd.s32 $0xFFFFD000  }
0x7b: {  	[spmem:s2] =	stream.indirect.scatter.add.f32 [tilespmem:s21], [sflag:$0x8], $0xC0, s0, s16, $0xb8;
	[tilespmem:$0x1C000] =	vst v63  }
0x7c: {  	_ =	swait.ge [sflag:s26], $0x3000  }
0x7d: {  	[sflag:s26] =	ssyncset.done $0x0  }
0x7e: {  	s0 =	sadd.s32 $0x100, s31;
	[sflag:s26] =	ssyncadd.s32 $0xFFFFD000  }
0x7f: {  	[tilespmem:s15], [sflag:$0x1] =	stream.indirect.gather [hbm4b:s4+s16], $0xC0, s0, s16, $0xb8;
	[tilespmem:$0x1C000] =	vst v63  }
0x80: {  	_ =	swait.ge [sflag:s28], $0x3000  }
0x81: {  	[sflag:s28] =	ssyncset.done $0x0  }
0x82: {  	s0 =	sadd.s32 $0x140, s31;
	[sflag:s28] =	ssyncadd.s32 $0xFFFFD000  }
0x83: {  	[tilespmem:s17], [sflag:$0x2] =	stream.indirect.gather [hbm4b:s4+s16], $0xC0, s0, s16, $0xb8;
	[tilespmem:$0x1C000] =	vst v63  }
0x84: {  	_ =	swait.ge [sflag:s29], $0x3000  }
0x85: {  	[sflag:s29] =	ssyncset.done $0x0  }
.Ltmp1:
0x86: {  	s0 =	sadd.s32 $0x180, s31;
	[sflag:s29] =	ssyncadd.s32 $0xFFFFD000;
	(pc) =	sbr.rel @p0 .LBB2_4-.Ltmp1, $4  }
0x87: {  	[tilespmem:s19], [sflag:$0x3] =	stream.indirect.gather [hbm4b:s4+s16], $0xC0, s0, s16, $0xb8;
	[tilespmem:$0x1C000] =	vst v63  }
0x88: {  	_ =	swait.ge [sflag:s30], $0x3000  }
0x89: {  	[sflag:s30] =	ssyncset.done $0x0  }
0x8a: {  	s31 =	sadd.s32 $0x1C0, s31;
	[sflag:s30] =	ssyncadd.s32 $0xFFFFD000  }
0x8b: {  	[tilespmem:s21], [sflag:$0x4] =	stream.indirect.gather [hbm4b:s4+s16], $0xC0, s31, s16, $0xb8;
	[tilespmem:$0x1C000] =	vst v63  }
0x8c: {  	_ =	swait.ge [sflag:s22], $0x3000  }
0x8d: {  	[sflag:s22] =	ssyncset.done $0x0  }
0x8e: {  	s0 =	simm.s32 $0x3F00;
	[sflag:s22] =	ssyncadd.s32 $0xFFFFD000  }
0x8f: {  	[spmem:s2] =	stream.indirect.scatter.add.f32 [tilespmem:s15], [sflag:$0x5], $0xC0, s0, s16, $0xb8;
	[tilespmem:$0x1C000] =	vst v63  }
0x90: {  	_ =	swait.ge [sflag:s23], $0x3000  }
0x91: {  	[sflag:s23] =	ssyncset.done $0x0  }
0x92: {  	s20 =	simm.s32 $0x3F40;
	[sflag:s23] =	ssyncadd.s32 $0xFFFFD000  }
0x93: {  	[spmem:s2] =	stream.indirect.scatter.add.f32 [tilespmem:s17], [sflag:$0x6], $0xC0, s20, s16, $0xb8;
	[tilespmem:$0x1C000] =	vst v63  }
0x94: {  	_ =	swait.ge [sflag:s24], $0x3000  }
0x95: {  	[sflag:s24] =	ssyncset.done $0x0  }
0x96: {  	[sflag:s24] =	ssyncadd.s32 $0xFFFFD000  }
0x97: {  	[spmem:s2] =	stream.indirect.scatter.add.f32 [tilespmem:s19], [sflag:$0x7], $0xC0, s14, s16, $0xb8;
	[tilespmem:$0x1C000] =	vst v63  }
0x98: {  	_ =	swait.ge [sflag:s25], $0x3000  }
0x99: {  	[sflag:s25] =	ssyncset.done $0x0  }
0x9a: {  	[sflag:s25] =	ssyncadd.s32 $0xFFFFD000  }
0x9b: {  	[spmem:s2] =	stream.indirect.scatter.add.f32 [tilespmem:s21], [sflag:$0x8], $0xC0, s1, s16, $0xb8;
	[tilespmem:$0x1C000] =	vst v63  }
0x9c: {  	_ =	swait.ge [sflag:s26], $0x3000  }
0x9d: {  	[sflag:s26] =	ssyncset.done $0x0  }
0x9e: {  	[sflag:s26] =	ssyncadd.s32 $0xFFFFD000  }
0x9f: {  	_ =	swait.ge [sflag:s28], $0x3000  }
0xa0: {  	[sflag:s28] =	ssyncset.done $0x0  }
0xa1: {  	[sflag:s28] =	ssyncadd.s32 $0xFFFFD000  }
0xa2: {  	_ =	swait.ge [sflag:s29], $0x3000  }
0xa3: {  	[sflag:s29] =	ssyncset.done $0x0  }
0xa4: {  	[sflag:s29] =	ssyncadd.s32 $0xFFFFD000  }
0xa5: {  	s31 =	stileid.u32;
	_ =	swait.ge [sflag:s30], $0x3000  }
0xa6: {  	s18 =	sadd.s32 $0x1, s18;
	s0 =	sshll.u32 s31, $0x6;
	[sflag:s30] =	ssyncset.done $0x0  }
0xa7: {  	p0 =	sne.s32 s18, s12;
	s0 =	sor.u32 $0x1C09, s0;
	[sflag:s30] =	ssyncadd.s32 $0xFFFFD000  }
.Ltmp2:
0xa8: {  	s20 =	sshrl.u32 s7, $0x3;
	[bflag:$0x0] =	sbarrier.arrive $0xFFFF;
	(pc) =	sbr.rel @p0 .LBB2_1-.Ltmp2, $4  }
0xa9: {  	[hbm:s11], [sflag:s0] =	dma.local [spmem:s20], $0x1800  }
0xaa: {  	_ =	swait.ge [sflag:s13], $0x1800  }
0xab: {  	[sflag:s13] =	ssyncset.done $0x0  }
0xac: {  	[sflag:s13] =	ssyncadd.s32 $0xFFFFE800  }
0xad: {  	_ =	sfence.sel $0x180000  }
0xae: {  	[bflag:$0x0] =	sbarrier.arrive $0xFFFF  }
0xaf: {  	_ =	strace $0x9000004A  }
0xb0: {  	s0 =	stileid.u32;
	[bflag:$0x2] =	sbarrier.arrive $0xFFFF  }
0xb1: {  	p0 =	sne.s32 s0, $0x0;
	s0 =	rddreg [dreg:$0x2]  }
0xb2: {  	s0 =	sadd.s32 @!p0 $0x100000, s0  }
0xb3: {  	[sflag:s0] =	ssyncadd.tile.s32 @!p0 $0x1;
	_ =	shalt  }
.Lfunc_end2:
_tile_overlayer_lowered:
.L_overlay_start_2:
0xb4: {  	(tag) =	ssettag $0x2  }
0xb5: {  	s0 =	rddreg [dreg:$0x0];
	s2 =	stileid.u32  }
0xb6: {  	s1 =	rddreg [dreg:$0x1];
	p0 =	sne.s32 s2, $0x0  }
0xb7: {  	s3 =	rddreg [dreg:$0x2];
	[bflag:$0x3] =	sbarrier.arrive $0xFFFF;
	s2 =	simm.s32 @!p0 $0x1C09  }
0xb8: {  	[timem:s3], [sflag:s2] =	dma.local @!p0 [hbm:s0], s1  }
0xb9: {  	s0 =	simm.s32 @!p0 $0x9  }
0xba: {  	_ =	swait.ge @!p0 [sflag:s0], s1  }
0xbb: {  	s1 =	ssub.s32 @!p0 $0x0, s1;
	[sflag:s0] =	ssyncset.done @!p0 $0x0  }
0xbc: {  	[sflag:s0] =	ssyncadd.s32 @!p0 s1  }
0xbd: {  	[bflag:$0x3] =	sbarrier.arrive $0xFFFF  }
0xbe: {  	_ =	shalt  }

// kernel: kernel.16.cloned.1.call-start
scs
__scs_entry_jumppad:
0x0: {  	(pc) =	sbr.rel $0x88, $3  }
0x1: {  	(tag) =	ssettag $0x0;
	lr =	simm.s32 $0x1  }
0x2: {  	[smem:$0x3F8A] =	sst lr;
	_ =	strace $0xD0000000  }
0x3: {  	_ = 	snop  }
0x4: {  	_ = 	snop  }
0x5: {  	_ = 	snop  }
0x6: {  	_ = 	snop  }
0x7: {  	_ = 	snop  }
__scs_overlays_trampoline_lowered:
0x8: {  	[smem:$0x3F99] =	sst s0  }
0x9: {  	[smem:$0x3F9A] =	sst s1  }
0xa: {  	[smem:$0x3F9B] =	sst s2  }
0xb: {  	[smem:$0x3F9C] =	sst s3  }
0xc: {  	[smem:$0x3F9D] =	sst s4  }
0xd: {  	[smem:$0x3F9E] =	sst s5  }
0xe: {  	[smem:$0x3F9F] =	sst s6  }
0xf: {  	[smem:$0x3FA0] =	sst s7  }
0x10: {  	[smem:$0x3FA1] =	sst s8  }
0x11: {  	[smem:$0x3FA2] =	sst s9;
	s0 =	simm.s32 @!p0 $0x0  }
0x12: {  	s1 =	sld [smem:$0x3F88];
	s0 =	simm.s32 @p0 $0x1  }
0x13: {  	[smem:$0x3FA3] =	sst s0;
	s0 =	simm.s32 @!p1 $0x0  }
0x14: {  	s2 =	sld [smem:$0x3F87];
	s0 =	simm.s32 @p1 $0x1  }
0x15: {  	[smem:$0x3FA4] =	sst s0;
	s0 =	simm.s32 @!p2 $0x0  }
0x16: {  	s3 =	sld [smem:$0x3FDB];
	s0 =	simm.s32 @p2 $0x1  }
0x17: {  	s4 =	simm.s32 $0x1BF5;
	[smem:$0x3FA6] =	sst s0  }
0x18: {  	s0 =	sld [smem:$0x3F89];
	_ =	swait.ge [sflag:s4], $0x0  }
0x19: {  	s7 =	sld [smem:$0x3F8A]  }
0x1a: {  	s8 =	sadd.s32 $0xFFFFE003, lr  }
0x1b: {  	s9 =	sadd.s32 $0xFFFFFEF7, lr;
	s5 =	simm.s32 $0xFFFFFFFF;
	p2 =	slt.u32 s8, $0xFFFFF086  }
0x1c: {  	p1 =	slt.u32 s9, $0xF7A;
	s5 =	simm.s32 @!p2 $0x0  }
0x1d: {  	s5 =	simm.s32 @p1 $0x1;
	p0 =	seq.s32 s7, s2  }
0x1e: {  	s7 =	smul.u32 @!p0 $0xF7A, s2;
	p2 =	seq.s32 @!p0 s5, $0x0  }
0x1f: {  	s9 =	smul.u32 $0xF7A, s1;
	s8 =	simm.s32 @!p0 $0x1BF5;
	p2 =	por !p2, p0  }
0x20: {  	[sflag:s8] =	ssyncset.s32 @!p0 $0xFFFFF086;
	s6 =	sadd.s32 @!p0 s3, s7;
	s7 =	simm.s32 @!p0 $0x108  }
0x21: {  	s3 =	sadd.s32 s3, s9;
	s6 =	sadd.s32 @!p0 $0x88, s6;
	s7 =	simm.s32 @p2 $0x1082  }
0x22: {  	[simem:s7], [sflag:s8] =	dma.local @!p0 [hbm:s6], $0xF7A  }
0x23: {  	s9 =	sor.u32 $0xD0000000, s2;
	s6 =	simm.s32 $0x108;
	_ =	swait.ge @!p0 [sflag:s8], $0x0  }
0x24: {  	s3 =	sadd.s32 $0x88, s3;
	s6 =	simm.s32 @!p1 $0x1082;
	[sflag:s4] =	ssyncset.s32 $0xFFFFF086  }
0x25: {  	[simem:s6], [sflag:s4] =	dma.local [hbm:s3], $0xF7A  }
0x26: {  	[smem:$0x3F8A] =	sst s1;
	(tag) =	ssettag s2;
	_ =	strace s9  }
0x27: {  	s1 =	sld [smem:$0x3F9A]  }
0x28: {  	s2 =	sld [smem:$0x3F9B]  }
0x29: {  	s4 =	sld [smem:$0x3F9D]  }
0x2a: {  	p0 =	seq.s32 s5, $0x0;
	s5 =	sld [smem:$0x3F9E]  }
0x2b: {  	s6 =	sld [smem:$0x3F9F]  }
0x2c: {  	s7 =	sld [smem:$0x3FA0]  }
0x2d: {  	s3 =	simm.s32 $0x108;
	s8 =	sld [smem:$0x3FA1]  }
0x2e: {  	s3 =	simm.s32 @!p0 $0x1082;
	s9 =	sld [smem:$0x3FA2]  }
0x2f: {  	lr =	sadd.s32 s0, s3;
	s0 =	sld [smem:$0x3F99]  }
0x30: {  	s3 =	sld [smem:$0x3F9C]  }
0x31: {  	[smem:$0x3FA5] =	sst s10  }
0x32: {  	s10 =	sld [smem:$0x3FA3];
	_ =	sdelay $0x3  }
0x33: {  	p0 =	seq.s32 s10, $0x1;
	s10 =	sld [smem:$0x3FA5];
	_ =	sdelay $0x3  }
0x34: {  	[smem:$0x3FA5] =	sst s10  }
0x35: {  	s10 =	sld [smem:$0x3FA4];
	_ =	sdelay $0x3  }
0x36: {  	p1 =	seq.s32 s10, $0x1;
	s10 =	sld [smem:$0x3FA5];
	_ =	sdelay $0x3  }
0x37: {  	[smem:$0x3FA5] =	sst s10  }
0x38: {  	s10 =	sld [smem:$0x3FA6]  }
0x39: {  	_ = 	snop;
	(pc) =	sbr.ind lr, $3  }
0x3a: {  	_ = 	snop  }
0x3b: {  	_ = 	snop  }
0x3c: {  	p2 =	seq.s32 s10, $0x1;
	s10 =	sld [smem:$0x3FA5]  }
0x3d: {  	_ =	shalt  }
0x3e: {  	_ =	shalt  }
0x3f: {  	_ =	shalt  }
0x40: {  	_ =	shalt  }
0x41: {  	_ =	shalt  }
0x42: {  	_ =	shalt  }
0x43: {  	_ =	shalt  }
0x44: {  	_ =	shalt  }
0x45: {  	_ =	shalt  }
0x46: {  	_ =	shalt  }
0x47: {  	_ =	shalt  }
0x48: {  	_ =	shalt  }
0x49: {  	_ =	shalt  }
0x4a: {  	_ =	shalt  }
0x4b: {  	_ =	shalt  }
0x4c: {  	_ =	shalt  }
0x4d: {  	_ =	shalt  }
0x4e: {  	_ =	shalt  }
0x4f: {  	_ =	shalt  }
0x50: {  	_ =	shalt  }
0x51: {  	_ =	shalt  }
0x52: {  	_ =	shalt  }
0x53: {  	_ =	shalt  }
0x54: {  	_ =	shalt  }
0x55: {  	_ =	shalt  }
0x56: {  	_ =	shalt  }
0x57: {  	_ =	shalt  }
0x58: {  	_ =	shalt  }
0x59: {  	_ =	shalt  }
0x5a: {  	_ =	shalt  }
0x5b: {  	_ =	shalt  }
0x5c: {  	_ =	shalt  }
0x5d: {  	_ =	shalt  }
0x5e: {  	_ =	shalt  }
0x5f: {  	_ =	shalt  }
0x60: {  	_ =	shalt  }
0x61: {  	_ =	shalt  }
0x62: {  	_ =	shalt  }
0x63: {  	_ =	shalt  }
0x64: {  	_ =	shalt  }
0x65: {  	_ =	shalt  }
0x66: {  	_ =	shalt  }
0x67: {  	_ =	shalt  }
0x68: {  	_ =	shalt  }
0x69: {  	_ =	shalt  }
0x6a: {  	_ =	shalt  }
0x6b: {  	_ =	shalt  }
0x6c: {  	_ =	shalt  }
0x6d: {  	_ =	shalt  }
0x6e: {  	_ =	shalt  }
0x6f: {  	_ =	shalt  }
0x70: {  	_ =	shalt  }
0x71: {  	_ =	shalt  }
0x72: {  	_ =	shalt  }
0x73: {  	_ =	shalt  }
0x74: {  	_ =	shalt  }
0x75: {  	_ =	shalt  }
0x76: {  	_ =	shalt  }
0x77: {  	_ =	shalt  }
0x78: {  	_ =	shalt  }
0x79: {  	_ =	shalt  }
0x7a: {  	_ =	shalt  }
0x7b: {  	_ =	shalt  }
0x7c: {  	_ =	shalt  }
0x7d: {  	_ =	shalt  }
0x7e: {  	_ =	shalt  }
0x7f: {  	_ =	shalt  }
0x80: {  	_ =	shalt  }
0x81: {  	_ =	shalt  }
0x82: {  	_ =	shalt  }
0x83: {  	_ =	shalt  }
0x84: {  	_ =	shalt  }
0x85: {  	_ =	shalt  }
0x86: {  	_ =	shalt  }
0x87: {  	_ =	shalt  }
.Lfunc_end0:
.L_simem_size_0:
called_computation.2_lowered:
.L_overlay_start_0:
0x88: {  	s2 =	sld [smem:$0x3FD9]  }
0x89: {  	s3 =	sld [smem:$0x3FFE];
	_ =	sdelay $0x1  }
0x8a: {  	s1 =	srdreg.scid  }
0x8b: {  	s0 =	sand.u32 $0x1, s1  }
0x8c: {  	s16 =	sshll.u32 s0, $0xA;
	s2 =	sadd.s32 s3, s2  }
0x8d: {  	s2 =	sadd.s32 s2, s16  }
0x8e: {  	[smem:$0x3FB1] =	sst s2  }
0x8f: {  	_ = 	snop  }
0x90: {  	(tm) =	ssettm $0x1  }
0x91: {  	s17 =	sld [smem:$0x3FFB];
	_ =	sdelay $0x3  }
0x92: {  	_ =	strace s17  }
0x93: {  	s2 =	sld [smem:$0x3FFC];
	_ =	sdelay $0x3  }
0x94: {  	_ =	strace s2  }
0x95: {  	s2 =	sld [smem:$0x3FFD];
	_ =	sdelay $0x3  }
0x96: {  	_ =	strace s2  }
0x97: {  	_ =	strace $0x8FFFFFFF  }
0x98: {  	s18 =	sld [smem:$0x3FDB];
	_ =	sdelay $0x1  }
0x99: {  	s19 =	simm.s32 $_scs_section_size  }
0x9a: {  	s4 =	simm.s32 $_size__tile_overlayer_lowered;
	s5 =	simm.s32 $_tile_overlayer_lowered  }
0x9b: {  	s22 =	simm.s32 $0x1BFF;
	s21 =	sshll.u32 s5, $0x1;
	s2 =	sadd.s32 s19, s18  }
0x9c: {  	s6 =	simm.s32 $0x0;
	s20 =	sshll.u32 s4, $0x1;
	s4 =	sadd.s32 s21, s2  }
0x9d: {  	[timem:s6], [sflag:s22] =	dma.local [hbm:s4], s20  }
0x9e: {  	_ =	swait.ge [sflag:s22], s20  }
0x9f: {  	s3 =	ssub.s32 $0x0, s20;
	[sflag:s22] =	ssyncset.done $0x0  }
0xa0: {  	[sflag:s22] =	ssyncadd.s32 s3;
	_ =	sdelay $0x1  }
0xa1: {  	s23 =	simm.s32 $0x1B8B  }
0xa2: {  	_ =	swait.ge [sflag:s23], $0x1  }
0xa3: {  	[sflag:s23] =	ssyncset.done $0x0  }
0xa4: {  	s25 =	simm.s32 $0x1B8E;
	s24 =	sld [smem:$0x3FFE];
	[sflag:s23] =	ssyncadd.s32 $0xFFFFFFFF  }
0xa5: {  	s26 =	simm.s32 $execute0_lowered;
	[smem:$0x3FD2] =	sst s25  }
0xa6: {  	s4 =	sshll.u32 s26, $0x1;
	_ =	strace $0x8000004C;
	[dreg:$0x1] =	wrdreg $0xFFFFFFFF  }
0xa7: {  	s28 =	simm.s32 $_size_execute0_lowered;
	s2 =	sadd.s32 s2, s4;
	[dreg:$0x0] =	wrdreg $0x0  }
0xa8: {  	s4 =	sshll.u32 s28, $0x1;
	[dreg:$0x2] =	wrdreg s2  }
0xa9: {  	[dreg:$0x3] =	wrdreg s4  }
0xaa: {  	[dreg:$0x4] =	wrdreg $0xC0  }
0xab: {  	_ =	task [dreg:s6], $0x5FFFF  }
0xac: {  	[dreg:$0x1] =	wrdreg $0xFFFFFFFF  }
0xad: {  	[dreg:$0x0] =	wrdreg $0x60  }
0xae: {  	[dreg:$0x2] =	wrdreg s24  }
0xaf: {  	[dreg:$0x3] =	wrdreg $0x140000  }
0xb0: {  	[dreg:$0x4] =	wrdreg $0x9  }
0xb1: {  	_ =	task.clear_ibuf [dreg:s6], $0x5FFFF;
	_ =	strace $0x9000004C  }
0xb2: {  	s29 =	simm.s32 $0x9;
	_ =	strace $0x8000004E  }
0xb3: {  	_ =	swait.ge [sflag:s29], $0x1  }
0xb4: {  	[sflag:s29] =	ssyncadd.s32 $0xFFFFFFFF  }
0xb5: {  	_ =	strace $0x9000004E  }
0xb6: {  	_ =	sfence  }
0xb7: {  	s30 =	sld [smem:$0x0];
	_ =	sdelay $0x2  }
0xb8: {  	s31 =	sshll.u32 s1, $0xD;
	s1 =	sshrl.u32 s1, $0x2  }
0xb9: {  	s3 =	sand.u32 $0x4000, s31;
	s1 =	sadd.s32 s1, s30  }
0xba: {  	s0 =	sor.u32 s3, s0;
	s1 =	sshll.u32 s1, $0x11  }
0xbb: {  	s0 =	sor.u32 s1, s0  }
0xbc: {  	s0 =	sadd.s32 $0x8F2B, s0  }
0xbd: {  	[sflag:s0] =	ssyncadd.remote.s32 $0x1  }
0xbe: {  	_ =	sfence.sel $0xFFFF  }
0xbf: {  	[dreg:$0x0] =	wrdreg $0xFFFFFFFF;
	(pc) =	sbr.abs _section_cstart, $3  }
0xc0: {  	[dreg:$0x1] =	wrdreg $0xFFFFFFFF  }
0xc1: {  	_ =	task.clear_ibuf [dreg:s6], $0x2FFFF;
	_ =	strace $0x9FFFFFFF  }
0xc2: {  	(tm) =	ssettm $0x7FFFFFFF  }
0xc3: {  	_ =	shalt  }
tec
execute0_lowered:
.L_overlay_start_1:
0x0: {  	(tag) =	ssettag $0x1  }
0x1: {  	s0 =	rddreg [dreg:$0x0]  }
0x2: {  	s1 =	rddreg [dreg:$0x1]  }
0x3: {  	s2 =	simm.s32 $0x0;
	s21 =	srdreg.scid;
	s7 =	stileid.u32  }
0x4: {  	s13 =	simm.s32 $0x11;
	s15 =	simm.s32 $0x4000;
	s16 =	simm.s32 $0x40  }
0x5: {  	s17 =	simm.s32 $0x6000;
	s19 =	simm.s32 $0x8000;
	s28 =	simm.s32 $0x10000  }
0x6: {  	s30 =	simm.s32 $0x12000;
	s31 =	simm.s32 $0x1;
	s14 =	simm.s32 $0x4  }
0x7: {  	s18 =	simm.s32 $0x5;
	s20 =	simm.s32 $0x6;
	s29 =	simm.s32 $0xA  }
0x8: {  	s8 =	simm.s32 $0xE;
	s9 =	simm.s32 $0xF;
	s10 =	simm.s32 $0x10  }
0x9: {  	s11 =	simm.s32 $0x0;
	[smem:$0x7FF] =	sst s2;
	s4 =	sadd.s32 $0x14800, s0  }
0xa: {  	s2 =	sand.u32 $0x1, s21;
	s5 =	sshll.u32 s7, $0xF;
	s7 =	sshll.u32 s7, $0xA  }
0xb: {  	s21 =	simm.s32 $0xA000;
	_ =	strace $0x8000004D;
	s3 =	sshll.u32 s2, $0xE  }
0xc: {  	s6 =	sshll.u32 s2, $0x13;
	s2 =	ssub.s32 $0x2, s2;
	s24 =	sadd.s32 s5, s1  }
0xd: {  	s6 =	sor.u32 s5, s6;
	s3 =	sor.u32 s7, s3;
	s22 =	sshrl.u32 s2, $0x1  }
0xe: {  	s5 =	sadd.s32 $0x2000, s24;
	s25 =	sadd.s32 $0x4000, s24;
	[dreg:$0x5] =	wrdreg s24  }
0xf: {  	s6 =	sshrl.u32 s6, $0x3;
	s3 =	sadd.s32 s3, s0;
	[dreg:$0x6] =	wrdreg s5  }
0x10: {  	s2 =	ssub.s32 s2, s22;
	[dreg:$0x7] =	wrdreg s25;
	s25 =	simm.s32 $0xE000  }
0x11: {  	s22 =	simm.s32 $0x7;
	s5 =	simm.s32 $0xC;
	s0 =	sadd.s32 s6, s0  }
0x12: {  	s23 =	sadd.s32 $0xC800, s3;
	s3 =	sadd.s32 $0x4800, s3;
	s26 =	smax.u32 s2, $0x1  }
.Ltmp0:
0x13: {  	s2 =	simm.s32 $0xB;
	[dreg:$0x3] =	wrdreg s23;
	(pc) =	sbr.rel .LBB2_1-.Ltmp0, $4  }
0x14: {  	s6 =	simm.s32 $0xD;
	[dreg:$0x4] =	wrdreg s3;
	s3 =	sadd.s32 $0x6000, s24  }
0x15: {  	s0 =	sadd.s32 $0x34800, s0;
	[dreg:$0xa] =	wrdreg s26;
	s23 =	simm.s32 $0xC000  }
0x16: {  	s24 =	simm.s32 $0x8;
	s26 =	simm.s32 $0x9;
	[dreg:$0x8] =	wrdreg s3  }
0x17: {  	v0 =	vimm.f32 $0.0e+00;
	[dreg:$0x9] =	wrdreg s0;
	s0 =	simm.s32 $0x2;
	s3 =	simm.s32 $0x3  }
.LBB2_6:
0x18: {  	_ =	swait.ge [sflag:s29], $0x2000  }
0x19: {  	[sflag:s29] =	ssyncset.done $0x0  }
0x1a: {  	[sflag:s29] =	ssyncadd.s32 $0xFFFFE000  }
0x1b: {  	_ =	swait.ge [sflag:s2], $0x2000  }
0x1c: {  	[sflag:s2] =	ssyncset.done $0x0  }
0x1d: {  	[sflag:s2] =	ssyncadd.s32 $0xFFFFE000  }
0x1e: {  	_ =	swait.ge [sflag:s5], $0x2000  }
0x1f: {  	[sflag:s5] =	ssyncset.done $0x0  }
0x20: {  	[sflag:s5] =	ssyncadd.s32 $0xFFFFE000  }
0x21: {  	_ =	swait.ge [sflag:s6], $0x2000  }
0x22: {  	[sflag:s6] =	ssyncset.done $0x0  }
0x23: {  	[sflag:s6] =	ssyncadd.s32 $0xFFFFE000  }
0x24: {  	_ =	swait.ge [sflag:s8], $0x2000  }
0x25: {  	[sflag:s8] =	ssyncset.done $0x0  }
0x26: {  	[sflag:s8] =	ssyncadd.s32 $0xFFFFE000  }
0x27: {  	_ =	swait.ge [sflag:s9], $0x2000  }
0x28: {  	[sflag:s9] =	ssyncset.done $0x0  }
0x29: {  	[sflag:s9] =	ssyncadd.s32 $0xFFFFE000  }
0x2a: {  	_ =	swait.ge [sflag:s10], $0x2000  }
0x2b: {  	[sflag:s10] =	ssyncset.done $0x0  }
0x2c: {  	[sflag:s10] =	ssyncadd.s32 $0xFFFFE000  }
0x2d: {  	s7 =	stileid.u32;
	[bflag:$0x0] =	sbarrier.arrive $0xFFFF  }
0x2e: {  	s7 =	sshll.u32 s7, $0x6;
	s11 =	rddreg [dreg:$0x5]  }
0x2f: {  	s7 =	sor.u32 $0x1C11, s7;
	s12 =	rddreg [dreg:$0x9];
	s11 =	sshrl.u32 s11, $0x3  }
0x30: {  	[hbm:s12], [sflag:s7] =	dma.local [spmem:s11], $0x1000  }
0x31: {  	_ =	swait.ge [sflag:s13], $0x1000  }
0x32: {  	s7 =	rddreg [dreg:$0xb]  }
0x33: {  	s12 =	rddreg [dreg:$0xa];
	s11 =	sadd.s32 $0x1, s7  }
0x34: {  	p0 =	sne.s32 s11, s12  }
.Ltmp1:
0x35: {  	_ = 	snop;
	(pc) =	sbr.rel @!p0 .LBB2_7-.Ltmp1, $3  }
0x36: {  	_ =	sdelay $0x1  }
0x37: {  	[sflag:s13] =	ssyncset.done $0x0  }
0x38: {  	[sflag:s13] =	ssyncadd.s32 $0xFFFFF000  }
.LBB2_1:
0x39: {  	[dreg:$0xb] =	wrdreg s11  }
0x3a: {  	s7 =	simm.s32 $0x0;
	s12 =	rddreg [dreg:$0x3]  }
0x3b: {  	[tilespmem:s7], [sflag:$0x11] =	stream.linear.gather [hbm4b:s12+s7], $0x2000, $0x38;
	[tilespmem:$0x1C000] =	vst v63  }
0x3c: {  	_ =	swait.ge [sflag:s13], $0x2000  }
0x3d: {  	[sflag:s13] =	ssyncset.done $0x0  }
0x3e: {  	s12 =	simm.s32 $0x2000;
	s11 =	rddreg [dreg:$0x4];
	[sflag:s13] =	ssyncadd.s32 $0xFFFFE000  }
0x3f: {  	[tilespmem:s12], [sflag:$0x11] =	stream.linear.gather [hbm4b:s11+s7], $0x2000, $0x38;
	[tilespmem:$0x1C000] =	vst v63  }
0x40: {  	_ =	swait.ge [sflag:s13], $0x2000  }
0x41: {  	[sflag:s13] =	ssyncset.done $0x0  }
0x42: {  	s7 =	simm.s32 $0x0;
	s12 =	simm.s32 $0x200;
	[sflag:s13] =	ssyncadd.s32 $0xFFFFE000  }
.LBB2_2:
0x43: {  	p0 =	sne.s32 s12, $0x7E00;
	[tilespmem:s7+$0x4070] =	vst v0  }
0x44: {  	[tilespmem:s7+$0x4000] =	vst v0  }
0x45: {  	[tilespmem:s7+$0x4010] =	vst v0  }
.Ltmp2:
0x46: {  	[tilespmem:s7+$0x4020] =	vst v0;
	(pc) =	sbr.rel @p0 .LBB2_2-.Ltmp2, $4  }
0x47: {  	[tilespmem:s7+$0x4030] =	vst v0  }
0x48: {  	[tilespmem:s7+$0x4040] =	vst v0  }
0x49: {  	[tilespmem:s7+$0x4050] =	vst v0  }
0x4a: {  	[tilespmem:s7+$0x4060] =	vst v0;
	s7 =	sshra.s32 s12, $0x2;
	s12 =	sadd.s32 $0x200, s12  }
0x4b: {  	[tilespmem:s7+$0x4070] =	vst v0  }
0x4c: {  	[tilespmem:s7+$0x4000] =	vst v0  }
0x4d: {  	[tilespmem:s7+$0x4010] =	vst v0  }
0x4e: {  	[tilespmem:s7+$0x4020] =	vst v0  }
0x4f: {  	[tilespmem:s7+$0x4030] =	vst v0  }
0x50: {  	[tilespmem:s7+$0x4040] =	vst v0  }
0x51: {  	[tilespmem:s7+$0x4050] =	vst v0  }
0x52: {  	[tilespmem:s7+$0x4060] =	vst v0;
	s11 =	rddreg [dreg:$0x5]  }
0x53: {  	[spmem:s11] =	stream.linear.scatter [tilespmem:s15], [sflag:$0x11], $0x2000, $0x38;
	[tilespmem:$0x1C000] =	vst v63  }
0x54: {  	_ =	swait.ge [sflag:s13], $0x2000  }
0x55: {  	[sflag:s13] =	ssyncset.done $0x0  }
0x56: {  	s12 =	rddreg [dreg:$0x6];
	[sflag:s13] =	ssyncadd.s32 $0xFFFFE000  }
0x57: {  	[spmem:s12] =	stream.linear.scatter [tilespmem:s15], [sflag:$0x11], $0x2000, $0x38;
	[tilespmem:$0x1C000] =	vst v63  }
0x58: {  	_ =	swait.ge [sflag:s13], $0x2000  }
0x59: {  	[sflag:s13] =	ssyncset.done $0x0  }
0x5a: {  	s11 =	rddreg [dreg:$0x7];
	[sflag:s13] =	ssyncadd.s32 $0xFFFFE000  }
0x5b: {  	[spmem:s11] =	stream.linear.scatter [tilespmem:s15], [sflag:$0x11], $0x2000, $0x38;
	[tilespmem:$0x1C000] =	vst v63  }
0x5c: {  	_ =	swait.ge [sflag:s13], $0x2000  }
0x5d: {  	[sflag:s13] =	ssyncset.done $0x0  }
0x5e: {  	s12 =	rddreg [dreg:$0x8];
	[sflag:s13] =	ssyncadd.s32 $0xFFFFE000  }
0x5f: {  	[spmem:s12] =	stream.linear.scatter [tilespmem:s15], [sflag:$0x11], $0x2000, $0x38;
	[tilespmem:$0x1C000] =	vst v63  }
0x60: {  	_ =	swait.ge [sflag:s13], $0x2000  }
0x61: {  	[sflag:s13] =	ssyncset.done $0x0  }
0x62: {  	[sflag:s13] =	ssyncadd.s32 $0xFFFFE000  }
0x63: {  	s12 =	simm.s32 $0x0;
	[bflag:$0x0] =	sbarrier.arrive $0xFFFF  }
0x64: {  	[tilespmem:s15], [sflag:$0x1] =	stream.indirect.gather [hbm4b:s4+s16], $0x80, s12, s16, $0xb8;
	[tilespmem:$0x1C000] =	vst v63  }
0x65: {  	_ = 	snop  }
0x66: {  	[tilespmem:s17], [sflag:$0x2] =	stream.indirect.gather [hbm4b:s4+s16], $0x80, s16, s16, $0xb8;
	[tilespmem:$0x1C000] =	vst v63  }
0x67: {  	s11 =	simm.s32 $0x80  }
0x68: {  	[tilespmem:s19], [sflag:$0x3] =	stream.indirect.gather [hbm4b:s4+s16], $0x80, s11, s16, $0xb8;
	[tilespmem:$0x1C000] =	vst v63  }
0x69: {  	s11 =	simm.s32 $0xC0  }
0x6a: {  	[tilespmem:s21], [sflag:$0x4] =	stream.indirect.gather [hbm4b:s4+s16], $0x80, s11, s16, $0xb8;
	[tilespmem:$0x1C000] =	vst v63  }
0x6b: {  	s11 =	simm.s32 $0x100  }
0x6c: {  	[tilespmem:s23], [sflag:$0x5] =	stream.indirect.gather [hbm4b:s4+s16], $0x80, s11, s16, $0xb8;
	[tilespmem:$0x1C000] =	vst v63  }
0x6d: {  	s11 =	simm.s32 $0x140  }
0x6e: {  	[tilespmem:s25], [sflag:$0x6] =	stream.indirect.gather [hbm4b:s4+s16], $0x80, s11, s16, $0xb8;
	[tilespmem:$0x1C000] =	vst v63  }
0x6f: {  	s11 =	simm.s32 $0x180  }
0x70: {  	[tilespmem:s28], [sflag:$0x7] =	stream.indirect.gather [hbm4b:s4+s16], $0x80, s11, s16, $0xb8;
	[tilespmem:$0x1C000] =	vst v63  }
0x71: {  	s11 =	simm.s32 $0x1C0  }
0x72: {  	[tilespmem:s30], [sflag:$0x8] =	stream.indirect.gather [hbm4b:s4+s16], $0x80, s11, s16, $0xb8;
	[tilespmem:$0x1C000] =	vst v63  }
.LBB2_4:
0x73: {  	_ =	swait.ge [sflag:s31], $0x2000  }
0x74: {  	s7 =	sshra.s32 s12, $0x2;
	[sflag:s31] =	ssyncset.done $0x0  }
0x75: {  	s11 =	sadd.s32 $0x2000, s7;
	[sflag:s31] =	ssyncadd.s32 $0xFFFFE000  }
0x76: {  	[spmem:s1] =	stream.indirect.scatter.add.f32 [tilespmem:s15], [sflag:$0x9], $0x80, s11, s16, $0xb8;
	[tilespmem:$0x1C000] =	vst v63  }
0x77: {  	_ =	swait.ge [sflag:s0], $0x2000  }
0x78: {  	[sflag:s0] =	ssyncset.done $0x0  }
0x79: {  	s11 =	sadd.s32 $0x2040, s7;
	[sflag:s0] =	ssyncadd.s32 $0xFFFFE000  }
0x7a: {  	[spmem:s1] =	stream.indirect.scatter.add.f32 [tilespmem:s17], [sflag:$0xA], $0x80, s11, s16, $0xb8;
	[tilespmem:$0x1C000] =	vst v63  }
0x7b: {  	_ =	swait.ge [sflag:s3], $0x2000  }
0x7c: {  	[sflag:s3] =	ssyncset.done $0x0  }
0x7d: {  	s11 =	sadd.s32 $0x2080, s7;
	[sflag:s3] =	ssyncadd.s32 $0xFFFFE000  }
0x7e: {  	[spmem:s1] =	stream.indirect.scatter.add.f32 [tilespmem:s19], [sflag:$0xB], $0x80, s11, s16, $0xb8;
	[tilespmem:$0x1C000] =	vst v63  }
0x7f: {  	_ =	swait.ge [sflag:s14], $0x2000  }
0x80: {  	[sflag:s14] =	ssyncset.done $0x0  }
0x81: {  	s11 =	sadd.s32 $0x20C0, s7;
	[sflag:s14] =	ssyncadd.s32 $0xFFFFE000  }
0x82: {  	[spmem:s1] =	stream.indirect.scatter.add.f32 [tilespmem:s21], [sflag:$0xC], $0x80, s11, s16, $0xb8;
	[tilespmem:$0x1C000] =	vst v63  }
0x83: {  	_ =	swait.ge [sflag:s18], $0x2000  }
0x84: {  	[sflag:s18] =	ssyncset.done $0x0  }
0x85: {  	s11 =	sadd.s32 $0x2100, s7;
	[sflag:s18] =	ssyncadd.s32 $0xFFFFE000  }
0x86: {  	[spmem:s1] =	stream.indirect.scatter.add.f32 [tilespmem:s23], [sflag:$0xD], $0x80, s11, s16, $0xb8;
	[tilespmem:$0x1C000] =	vst v63  }
0x87: {  	_ =	swait.ge [sflag:s20], $0x2000  }
0x88: {  	[sflag:s20] =	ssyncset.done $0x0  }
0x89: {  	s11 =	sadd.s32 $0x2140, s7;
	[sflag:s20] =	ssyncadd.s32 $0xFFFFE000  }
0x8a: {  	[spmem:s1] =	stream.indirect.scatter.add.f32 [tilespmem:s25], [sflag:$0xE], $0x80, s11, s16, $0xb8;
	[tilespmem:$0x1C000] =	vst v63  }
0x8b: {  	_ =	swait.ge [sflag:s22], $0x2000  }
0x8c: {  	[sflag:s22] =	ssyncset.done $0x0  }
0x8d: {  	s11 =	sadd.s32 $0x2180, s7;
	[sflag:s22] =	ssyncadd.s32 $0xFFFFE000  }
0x8e: {  	[spmem:s1] =	stream.indirect.scatter.add.f32 [tilespmem:s28], [sflag:$0xF], $0x80, s11, s16, $0xb8;
	[tilespmem:$0x1C000] =	vst v63  }
0x8f: {  	_ =	swait.ge [sflag:s24], $0x2000  }
0x90: {  	p0 =	seq.s32 s12, $0x7800;
	[sflag:s24] =	ssyncset.done $0x0  }
.Ltmp3:
0x91: {  	s11 =	sadd.s32 $0x21C0, s7;
	[sflag:s24] =	ssyncadd.s32 $0xFFFFE000;
	(pc) =	sbr.rel @p0 .LBB2_6-.Ltmp3, $4  }
0x92: {  	[spmem:s1] =	stream.indirect.scatter.add.f32 [tilespmem:s30], [sflag:$0x10], $0x80, s11, s16, $0xb8;
	[tilespmem:$0x1C000] =	vst v63  }
0x93: {  	_ =	swait.ge [sflag:s26], $0x2000  }
0x94: {  	[sflag:s26] =	ssyncset.done $0x0  }
0x95: {  	[sflag:s26] =	ssyncadd.s32 $0xFFFFE000  }
0x96: {  	s11 =	sadd.s32 $0x200, s7  }
0x97: {  	[tilespmem:s15], [sflag:$0x1] =	stream.indirect.gather [hbm4b:s4+s16], $0x80, s11, s16, $0xb8;
	[tilespmem:$0x1C000] =	vst v63  }
0x98: {  	_ =	swait.ge [sflag:s29], $0x2000  }
0x99: {  	[sflag:s29] =	ssyncset.done $0x0  }
0x9a: {  	s11 =	sadd.s32 $0x240, s7;
	[sflag:s29] =	ssyncadd.s32 $0xFFFFE000  }
0x9b: {  	[tilespmem:s17], [sflag:$0x2] =	stream.indirect.gather [hbm4b:s4+s16], $0x80, s11, s16, $0xb8;
	[tilespmem:$0x1C000] =	vst v63  }
0x9c: {  	_ =	swait.ge [sflag:s2], $0x2000  }
0x9d: {  	[sflag:s2] =	ssyncset.done $0x0  }
0x9e: {  	s11 =	sadd.s32 $0x280, s7;
	[sflag:s2] =	ssyncadd.s32 $0xFFFFE000  }
0x9f: {  	[tilespmem:s19], [sflag:$0x3] =	stream.indirect.gather [hbm4b:s4+s16], $0x80, s11, s16, $0xb8;
	[tilespmem:$0x1C000] =	vst v63  }
0xa0: {  	_ =	swait.ge [sflag:s5], $0x2000  }
0xa1: {  	[sflag:s5] =	ssyncset.done $0x0  }
0xa2: {  	s11 =	sadd.s32 $0x2C0, s7;
	[sflag:s5] =	ssyncadd.s32 $0xFFFFE000  }
0xa3: {  	[tilespmem:s21], [sflag:$0x4] =	stream.indirect.gather [hbm4b:s4+s16], $0x80, s11, s16, $0xb8;
	[tilespmem:$0x1C000] =	vst v63  }
0xa4: {  	_ =	swait.ge [sflag:s6], $0x2000  }
0xa5: {  	[sflag:s6] =	ssyncset.done $0x0  }
0xa6: {  	s11 =	sadd.s32 $0x300, s7;
	[sflag:s6] =	ssyncadd.s32 $0xFFFFE000  }
0xa7: {  	[tilespmem:s23], [sflag:$0x5] =	stream.indirect.gather [hbm4b:s4+s16], $0x80, s11, s16, $0xb8;
	[tilespmem:$0x1C000] =	vst v63  }
0xa8: {  	_ =	swait.ge [sflag:s8], $0x2000  }
0xa9: {  	[sflag:s8] =	ssyncset.done $0x0  }
0xaa: {  	s11 =	sadd.s32 $0x340, s7;
	[sflag:s8] =	ssyncadd.s32 $0xFFFFE000  }
0xab: {  	[tilespmem:s25], [sflag:$0x6] =	stream.indirect.gather [hbm4b:s4+s16], $0x80, s11, s16, $0xb8;
	[tilespmem:$0x1C000] =	vst v63  }
0xac: {  	_ =	swait.ge [sflag:s9], $0x2000  }
0xad: {  	[sflag:s9] =	ssyncset.done $0x0  }
0xae: {  	s11 =	sadd.s32 $0x380, s7;
	[sflag:s9] =	ssyncadd.s32 $0xFFFFE000  }
0xaf: {  	[tilespmem:s28], [sflag:$0x7] =	stream.indirect.gather [hbm4b:s4+s16], $0x80, s11, s16, $0xb8;
	[tilespmem:$0x1C000] =	vst v63  }
.Ltmp4:
0xb0: {  	_ = 	snop;
	(pc) =	sbr.rel .LBB2_4-.Ltmp4, $4  }
0xb1: {  	_ =	swait.ge [sflag:s10], $0x2000  }
0xb2: {  	[sflag:s10] =	ssyncset.done $0x0  }
0xb3: {  	s12 =	sadd.s32 $0x800, s12;
	s11 =	sadd.s32 $0x3C0, s7;
	[sflag:s10] =	ssyncadd.s32 $0xFFFFE000  }
0xb4: {  	[tilespmem:s30], [sflag:$0x8] =	stream.indirect.gather [hbm4b:s4+s16], $0x80, s11, s16, $0xb8;
	[tilespmem:$0x1C000] =	vst v63  }
.LBB2_7:
0xb5: {  	_ =	sfence.sel $0x180000  }
0xb6: {  	[bflag:$0x0] =	sbarrier.arrive $0xFFFF  }
0xb7: {  	_ =	strace $0x9000004D  }
0xb8: {  	s0 =	stileid.u32;
	[bflag:$0x2] =	sbarrier.arrive $0xFFFF  }
0xb9: {  	p0 =	sne.s32 s0, $0x0;
	s0 =	rddreg [dreg:$0x2]  }
0xba: {  	s0 =	sadd.s32 @!p0 $0x100000, s0  }
0xbb: {  	[sflag:s0] =	ssyncadd.tile.s32 @!p0 $0x1;
	_ =	shalt  }
.Lfunc_end2:
_tile_overlayer_lowered:
.L_overlay_start_2:
0xbc: {  	(tag) =	ssettag $0x2  }
0xbd: {  	s0 =	rddreg [dreg:$0x0];
	s2 =	stileid.u32  }
0xbe: {  	s1 =	rddreg [dreg:$0x1];
	p0 =	sne.s32 s2, $0x0  }
0xbf: {  	s3 =	rddreg [dreg:$0x2];
	[bflag:$0x3] =	sbarrier.arrive $0xFFFF;
	s2 =	simm.s32 @!p0 $0x1C11  }
0xc0: {  	[timem:s3], [sflag:s2] =	dma.local @!p0 [hbm:s0], s1  }
0xc1: {  	s0 =	simm.s32 @!p0 $0x11  }
0xc2: {  	_ =	swait.ge @!p0 [sflag:s0], s1  }
0xc3: {  	s1 =	ssub.s32 @!p0 $0x0, s1;
	[sflag:s0] =	ssyncset.done @!p0 $0x0  }
0xc4: {  	[sflag:s0] =	ssyncadd.s32 @!p0 s1  }
0xc5: {  	[bflag:$0x3] =	sbarrier.arrive $0xFFFF  }
0xc6: {  	_ =	shalt  }

// kernel: kernel.19.cloned.1.call-start
scs
__scs_entry_jumppad:
0x0: {  	(pc) =	sbr.rel $0x88, $3  }
0x1: {  	(tag) =	ssettag $0x0;
	lr =	simm.s32 $0x1  }
0x2: {  	[smem:$0x3F8A] =	sst lr;
	_ =	strace $0xD0000000  }
0x3: {  	_ = 	snop  }
0x4: {  	_ = 	snop  }
0x5: {  	_ = 	snop  }
0x6: {  	_ = 	snop  }
0x7: {  	_ = 	snop  }
__scs_overlays_trampoline_lowered:
0x8: {  	[smem:$0x3F99] =	sst s0  }
0x9: {  	[smem:$0x3F9A] =	sst s1  }
0xa: {  	[smem:$0x3F9B] =	sst s2  }
0xb: {  	[smem:$0x3F9C] =	sst s3  }
0xc: {  	[smem:$0x3F9D] =	sst s4  }
0xd: {  	[smem:$0x3F9E] =	sst s5  }
0xe: {  	[smem:$0x3F9F] =	sst s6  }
0xf: {  	[smem:$0x3FA0] =	sst s7  }
0x10: {  	[smem:$0x3FA1] =	sst s8  }
0x11: {  	[smem:$0x3FA2] =	sst s9;
	s0 =	simm.s32 @!p0 $0x0  }
0x12: {  	s1 =	sld [smem:$0x3F88];
	s0 =	simm.s32 @p0 $0x1  }
0x13: {  	[smem:$0x3FA3] =	sst s0;
	s0 =	simm.s32 @!p1 $0x0  }
0x14: {  	s2 =	sld [smem:$0x3F87];
	s0 =	simm.s32 @p1 $0x1  }
0x15: {  	[smem:$0x3FA4] =	sst s0;
	s0 =	simm.s32 @!p2 $0x0  }
0x16: {  	s3 =	sld [smem:$0x3FDB];
	s0 =	simm.s32 @p2 $0x1  }
0x17: {  	s4 =	simm.s32 $0x1BF5;
	[smem:$0x3FA6] =	sst s0  }
0x18: {  	s0 =	sld [smem:$0x3F89];
	_ =	swait.ge [sflag:s4], $0x0  }
0x19: {  	s7 =	sld [smem:$0x3F8A]  }
0x1a: {  	s8 =	sadd.s32 $0xFFFFE003, lr  }
0x1b: {  	s9 =	sadd.s32 $0xFFFFFEF7, lr;
	s5 =	simm.s32 $0xFFFFFFFF;
	p2 =	slt.u32 s8, $0xFFFFF086  }
0x1c: {  	p1 =	slt.u32 s9, $0xF7A;
	s5 =	simm.s32 @!p2 $0x0  }
0x1d: {  	s5 =	simm.s32 @p1 $0x1;
	p0 =	seq.s32 s7, s2  }
0x1e: {  	s7 =	smul.u32 @!p0 $0xF7A, s2;
	p2 =	seq.s32 @!p0 s5, $0x0  }
0x1f: {  	s9 =	smul.u32 $0xF7A, s1;
	s8 =	simm.s32 @!p0 $0x1BF5;
	p2 =	por !p2, p0  }
0x20: {  	[sflag:s8] =	ssyncset.s32 @!p0 $0xFFFFF086;
	s6 =	sadd.s32 @!p0 s3, s7;
	s7 =	simm.s32 @!p0 $0x108  }
0x21: {  	s3 =	sadd.s32 s3, s9;
	s6 =	sadd.s32 @!p0 $0x88, s6;
	s7 =	simm.s32 @p2 $0x1082  }
0x22: {  	[simem:s7], [sflag:s8] =	dma.local @!p0 [hbm:s6], $0xF7A  }
0x23: {  	s9 =	sor.u32 $0xD0000000, s2;
	s6 =	simm.s32 $0x108;
	_ =	swait.ge @!p0 [sflag:s8], $0x0  }
0x24: {  	s3 =	sadd.s32 $0x88, s3;
	s6 =	simm.s32 @!p1 $0x1082;
	[sflag:s4] =	ssyncset.s32 $0xFFFFF086  }
0x25: {  	[simem:s6], [sflag:s4] =	dma.local [hbm:s3], $0xF7A  }
0x26: {  	[smem:$0x3F8A] =	sst s1;
	(tag) =	ssettag s2;
	_ =	strace s9  }
0x27: {  	s1 =	sld [smem:$0x3F9A]  }
0x28: {  	s2 =	sld [smem:$0x3F9B]  }
0x29: {  	s4 =	sld [smem:$0x3F9D]  }
0x2a: {  	p0 =	seq.s32 s5, $0x0;
	s5 =	sld [smem:$0x3F9E]  }
0x2b: {  	s6 =	sld [smem:$0x3F9F]  }
0x2c: {  	s7 =	sld [smem:$0x3FA0]  }
0x2d: {  	s3 =	simm.s32 $0x108;
	s8 =	sld [smem:$0x3FA1]  }
0x2e: {  	s3 =	simm.s32 @!p0 $0x1082;
	s9 =	sld [smem:$0x3FA2]  }
0x2f: {  	lr =	sadd.s32 s0, s3;
	s0 =	sld [smem:$0x3F99]  }
0x30: {  	s3 =	sld [smem:$0x3F9C]  }
0x31: {  	[smem:$0x3FA5] =	sst s10  }
0x32: {  	s10 =	sld [smem:$0x3FA3];
	_ =	sdelay $0x3  }
0x33: {  	p0 =	seq.s32 s10, $0x1;
	s10 =	sld [smem:$0x3FA5];
	_ =	sdelay $0x3  }
0x34: {  	[smem:$0x3FA5] =	sst s10  }
0x35: {  	s10 =	sld [smem:$0x3FA4];
	_ =	sdelay $0x3  }
0x36: {  	p1 =	seq.s32 s10, $0x1;
	s10 =	sld [smem:$0x3FA5];
	_ =	sdelay $0x3  }
0x37: {  	[smem:$0x3FA5] =	sst s10  }
0x38: {  	s10 =	sld [smem:$0x3FA6]  }
0x39: {  	_ = 	snop;
	(pc) =	sbr.ind lr, $3  }
0x3a: {  	_ = 	snop  }
0x3b: {  	_ = 	snop  }
0x3c: {  	p2 =	seq.s32 s10, $0x1;
	s10 =	sld [smem:$0x3FA5]  }
0x3d: {  	_ =	shalt  }
0x3e: {  	_ =	shalt  }
0x3f: {  	_ =	shalt  }
0x40: {  	_ =	shalt  }
0x41: {  	_ =	shalt  }
0x42: {  	_ =	shalt  }
0x43: {  	_ =	shalt  }
0x44: {  	_ =	shalt  }
0x45: {  	_ =	shalt  }
0x46: {  	_ =	shalt  }
0x47: {  	_ =	shalt  }
0x48: {  	_ =	shalt  }
0x49: {  	_ =	shalt  }
0x4a: {  	_ =	shalt  }
0x4b: {  	_ =	shalt  }
0x4c: {  	_ =	shalt  }
0x4d: {  	_ =	shalt  }
0x4e: {  	_ =	shalt  }
0x4f: {  	_ =	shalt  }
0x50: {  	_ =	shalt  }
0x51: {  	_ =	shalt  }
0x52: {  	_ =	shalt  }
0x53: {  	_ =	shalt  }
0x54: {  	_ =	shalt  }
0x55: {  	_ =	shalt  }
0x56: {  	_ =	shalt  }
0x57: {  	_ =	shalt  }
0x58: {  	_ =	shalt  }
0x59: {  	_ =	shalt  }
0x5a: {  	_ =	shalt  }
0x5b: {  	_ =	shalt  }
0x5c: {  	_ =	shalt  }
0x5d: {  	_ =	shalt  }
0x5e: {  	_ =	shalt  }
0x5f: {  	_ =	shalt  }
0x60: {  	_ =	shalt  }
0x61: {  	_ =	shalt  }
0x62: {  	_ =	shalt  }
0x63: {  	_ =	shalt  }
0x64: {  	_ =	shalt  }
0x65: {  	_ =	shalt  }
0x66: {  	_ =	shalt  }
0x67: {  	_ =	shalt  }
0x68: {  	_ =	shalt  }
0x69: {  	_ =	shalt  }
0x6a: {  	_ =	shalt  }
0x6b: {  	_ =	shalt  }
0x6c: {  	_ =	shalt  }
0x6d: {  	_ =	shalt  }
0x6e: {  	_ =	shalt  }
0x6f: {  	_ =	shalt  }
0x70: {  	_ =	shalt  }
0x71: {  	_ =	shalt  }
0x72: {  	_ =	shalt  }
0x73: {  	_ =	shalt  }
0x74: {  	_ =	shalt  }
0x75: {  	_ =	shalt  }
0x76: {  	_ =	shalt  }
0x77: {  	_ =	shalt  }
0x78: {  	_ =	shalt  }
0x79: {  	_ =	shalt  }
0x7a: {  	_ =	shalt  }
0x7b: {  	_ =	shalt  }
0x7c: {  	_ =	shalt  }
0x7d: {  	_ =	shalt  }
0x7e: {  	_ =	shalt  }
0x7f: {  	_ =	shalt  }
0x80: {  	_ =	shalt  }
0x81: {  	_ =	shalt  }
0x82: {  	_ =	shalt  }
0x83: {  	_ =	shalt  }
0x84: {  	_ =	shalt  }
0x85: {  	_ =	shalt  }
0x86: {  	_ =	shalt  }
0x87: {  	_ =	shalt  }
.Lfunc_end0:
.L_simem_size_0:
called_computation.3_lowered:
.L_overlay_start_0:
0x88: {  	s2 =	sld [smem:$0x3FD9]  }
0x89: {  	s3 =	sld [smem:$0x3FFE];
	_ =	sdelay $0x1  }
0x8a: {  	s1 =	srdreg.scid  }
0x8b: {  	s0 =	sand.u32 $0x1, s1  }
0x8c: {  	s14 =	sshll.u32 s0, $0xA;
	s2 =	sadd.s32 s3, s2  }
0x8d: {  	s2 =	sadd.s32 s2, s14  }
0x8e: {  	[smem:$0x3FB1] =	sst s2  }
0x8f: {  	_ = 	snop  }
0x90: {  	s2 =	sld [smem:$0x3FD0];
	_ =	sdelay $0x2  }
0x91: {  	s15 =	simm.s32 $0xA;
	s4 =	simm.s32 $0x10  }
0x92: {  	[smem:s4], [sflag:s15] =	dma.local [hbm:s2], $0x1  }
0x93: {  	_ =	swait.eq [sflag:s15], $0x1  }
0x94: {  	[sflag:s15] =	ssyncset.done $0x0  }
0x95: {  	s16 =	sld [smem:$0x10];
	[sflag:s15] =	ssyncadd.s32 $0xFFFFFFFF  }
0x96: {  	s17 =	sld [smem:$0x11];
	(tm) =	ssettm $0x1  }
0x97: {  	s18 =	sld [smem:$0x3FFB];
	_ =	sdelay $0x3  }
0x98: {  	_ =	strace s18  }
0x99: {  	s4 =	sld [smem:$0x3FFC];
	_ =	sdelay $0x3  }
0x9a: {  	_ =	strace s4  }
0x9b: {  	s4 =	sld [smem:$0x3FFD];
	_ =	sdelay $0x3  }
0x9c: {  	_ =	strace s4  }
0x9d: {  	_ =	strace $0x8FFFFFFF  }
0x9e: {  	s19 =	sld [smem:$0x3FDB];
	_ =	sdelay $0x1  }
0x9f: {  	s5 =	simm.s32 $_scs_section_size  }
0xa0: {  	s6 =	simm.s32 $_size__tile_overlayer_lowered;
	s7 =	simm.s32 $_tile_overlayer_lowered  }
0xa1: {  	s22 =	simm.s32 $0x1BFF;
	s21 =	sshll.u32 s7, $0x1;
	s4 =	sadd.s32 s5, s19  }
0xa2: {  	s8 =	simm.s32 $0x0;
	s20 =	sshll.u32 s6, $0x1;
	s6 =	sadd.s32 s21, s4  }
0xa3: {  	[timem:s8], [sflag:s22] =	dma.local [hbm:s6], s20  }
0xa4: {  	_ =	swait.ge [sflag:s22], s20  }
0xa5: {  	s5 =	ssub.s32 $0x0, s20;
	[sflag:s22] =	ssyncset.done $0x0  }
0xa6: {  	[sflag:s22] =	ssyncadd.s32 s5;
	_ =	sdelay $0x1  }
0xa7: {  	s23 =	simm.s32 $0x1B8B  }
0xa8: {  	_ =	swait.ge [sflag:s23], $0x1  }
0xa9: {  	[sflag:s23] =	ssyncset.done $0x0  }
0xaa: {  	s25 =	simm.s32 $0x1B8E;
	s24 =	sld [smem:$0x3FFE];
	[sflag:s23] =	ssyncadd.s32 $0xFFFFFFFF  }
0xab: {  	s26 =	simm.s32 $execute0_lowered;
	[smem:$0x3FD2] =	sst s25  }
0xac: {  	s6 =	sshll.u32 s26, $0x1;
	_ =	strace $0x8000004F;
	[dreg:$0x1] =	wrdreg $0xFFFFFFFF  }
0xad: {  	s28 =	simm.s32 $_size_execute0_lowered;
	s4 =	sadd.s32 s4, s6;
	[dreg:$0x0] =	wrdreg $0x0  }
0xae: {  	s6 =	sshll.u32 s28, $0x1;
	[dreg:$0x2] =	wrdreg s4  }
0xaf: {  	[dreg:$0x3] =	wrdreg s6  }
0xb0: {  	[dreg:$0x4] =	wrdreg $0xC0  }
0xb1: {  	_ =	task [dreg:s8], $0x5FFFF  }
0xb2: {  	[dreg:$0x1] =	wrdreg $0xFFFFFFFF  }
0xb3: {  	[dreg:$0x0] =	wrdreg $0x60  }
0xb4: {  	[dreg:$0x2] =	wrdreg s16  }
0xb5: {  	[dreg:$0x3] =	wrdreg s24  }
0xb6: {  	[dreg:$0x4] =	wrdreg s17  }
0xb7: {  	[dreg:$0x5] =	wrdreg $0x101000  }
0xb8: {  	[dreg:$0x6] =	wrdreg $0x141000  }
0xb9: {  	[dreg:$0x7] =	wrdreg $0x9  }
0xba: {  	_ =	task.clear_ibuf [dreg:s8], $0x8FFFF;
	_ =	strace $0x9000004F  }
0xbb: {  	s29 =	simm.s32 $0x9;
	_ =	strace $0x80000051  }
0xbc: {  	_ =	swait.ge [sflag:s29], $0x1  }
0xbd: {  	[sflag:s29] =	ssyncadd.s32 $0xFFFFFFFF  }
0xbe: {  	_ =	strace $0x90000051  }
0xbf: {  	_ =	sfence  }
0xc0: {  	s30 =	sld [smem:$0x0];
	_ =	sdelay $0x2  }
0xc1: {  	s31 =	sshll.u32 s1, $0xD;
	s1 =	sshrl.u32 s1, $0x2  }
0xc2: {  	s3 =	sand.u32 $0x4000, s31;
	s1 =	sadd.s32 s1, s30  }
0xc3: {  	s0 =	sor.u32 s3, s0;
	s1 =	sshll.u32 s1, $0x11  }
0xc4: {  	s0 =	sor.u32 s1, s0  }
0xc5: {  	s0 =	sadd.s32 $0x8F2B, s0  }
0xc6: {  	[sflag:s0] =	ssyncadd.remote.s32 $0x1  }
0xc7: {  	_ =	sfence.sel $0xFFFF  }
0xc8: {  	[dreg:$0x0] =	wrdreg $0xFFFFFFFF;
	(pc) =	sbr.abs _section_cstart, $3  }
0xc9: {  	[dreg:$0x1] =	wrdreg $0xFFFFFFFF  }
0xca: {  	_ =	task.clear_ibuf [dreg:s8], $0x2FFFF;
	_ =	strace $0x9FFFFFFF  }
0xcb: {  	(tm) =	ssettm $0x7FFFFFFF  }
tec
execute0_lowered:
.L_overlay_start_1:
0x0: {  	(tag) =	ssettag $0x1  }
0x1: {  	s0 =	rddreg [dreg:$0x0]  }
0x2: {  	s1 =	rddreg [dreg:$0x1]  }
0x3: {  	s2 =	rddreg [dreg:$0x2]  }
0x4: {  	s3 =	rddreg [dreg:$0x3];
	s4 =	srdreg.scid  }
0x5: {  	s14 =	stileid.u32;
	s15 =	rddreg [dreg:$0x4];
	s5 =	simm.s32 $0x0  }
0x6: {  	s30 =	simm.s32 $0x9;
	s31 =	simm.s32 $0xC100;
	s4 =	sand.u32 $0x1, s4  }
0x7: {  	s6 =	smul.u32 $0xA000, s14;
	s9 =	sshll.u32 s14, $0xA;
	[smem:$0x7FF] =	sst s5  }
0x8: {  	s12 =	sadd.s32 $0x14800, s1;
	s10 =	sshll.u32 s14, $0x8;
	s11 =	smul.u32 $0x28000, s14  }
0x9: {  	s22 =	sshll.u32 s14, $0xE;
	s7 =	smul.u32 $0xA0000, s4;
	s8 =	sshll.u32 s4, $0xE  }
0xa: {  	_ =	strace $0x80000050;
	s18 =	ssub.s32 $0x2, s4;
	s4 =	sshll.u32 s4, $0xC  }
0xb: {  	s23 =	sor.u32 $0x80, s10;
	s8 =	sor.u32 s9, s8;
	s19 =	sshrl.u32 s18, $0x1  }
0xc: {  	s13 =	sor.u32 s10, s4;
	s9 =	sadd.s32 s22, s3;
	s24 =	sshll.u32 s23, $0x6  }
0xd: {  	s25 =	sshrl.u32 s11, $0x2;
	s11 =	sadd.s32 s6, s15;
	s4 =	sor.u32 s4, s23  }
0xe: {  	s7 =	sadd.s32 s6, s7;
	s8 =	sadd.s32 s8, s1;
	s21 =	sshrl.u32 s13, $0x3  }
0xf: {  	s10 =	sadd.s32 s24, s3;
	s26 =	sadd.s32 s25, s15;
	s22 =	sshll.u32 s13, $0x3  }
0x10: {  	s4 =	sshll.u32 s4, $0x3;
	s28 =	sadd.s32 $0x1000, s9;
	s20 =	sadd.s32 $0xC800, s8  }
0x11: {  	s29 =	sadd.s32 $0x3000, s9;
	s8 =	sadd.s32 $0x4800, s8;
	[dreg:$0x6] =	wrdreg s20  }
0x12: {  	s6 =	simm.s32 $0x80;
	s2 =	sadd.s32 s2, s21;
	[dreg:$0x7] =	wrdreg s8  }
0x13: {  	s13 =	simm.s32 $0x2;
	s14 =	sadd.s32 $0x1000, s26;
	[dreg:$0x8] =	wrdreg s2  }
0x14: {  	s7 =	sshrl.u32 s7, $0x3;
	s15 =	sadd.s32 $0x2000, s26;
	[dreg:$0x9] =	wrdreg s14  }
0x15: {  	s16 =	sadd.s32 $0x3000, s26;
	s17 =	sadd.s32 $0x4000, s26;
	[dreg:$0xa] =	wrdreg s15  }
0x16: {  	s21 =	sadd.s32 $0x8000, s26;
	s23 =	sadd.s32 s0, s22;
	[dreg:$0xb] =	wrdreg s16  }
0x17: {  	s24 =	sadd.s32 s12, s4;
	s25 =	sadd.s32 s0, s4;
	[dreg:$0xc] =	wrdreg s17  }
0x18: {  	s4 =	simm.s32 $0xD100;
	s1 =	sadd.s32 s7, s1;
	[dreg:$0x10] =	wrdreg s21  }
0x19: {  	s7 =	ssub.s32 s18, s19;
	s18 =	sadd.s32 $0x5000, s26;
	[dreg:$0x12] =	wrdreg s23  }
0x1a: {  	s19 =	sadd.s32 $0x6000, s26;
	s20 =	sadd.s32 $0x7000, s26;
	[dreg:$0x14] =	wrdreg s24  }
0x1b: {  	s2 =	sadd.s32 $0x9000, s26;
	[dreg:$0x15] =	wrdreg s25;
	s8 =	simm.s32 $0xF100  }
0x1c: {  	s14 =	simm.s32 $0x3;
	s15 =	simm.s32 $0x4;
	[dreg:$0xd] =	wrdreg s18  }
0x1d: {  	s16 =	simm.s32 $0x5;
	s17 =	simm.s32 $0x6;
	[dreg:$0xe] =	wrdreg s19  }
0x1e: {  	s21 =	simm.s32 $0x6100;
	s23 =	simm.s32 $0x0;
	[dreg:$0xf] =	wrdreg s20  }
0x1f: {  	[dreg:$0x11] =	wrdreg s2;
	s2 =	sadd.s32 s12, s22;
	s1 =	sadd.s32 $0x24800, s1  }
0x20: {  	s26 =	smax.u32 s7, $0x1;
	s7 =	simm.s32 $0xE100;
	s12 =	simm.s32 $0x1  }
0x21: {  	s18 =	simm.s32 $0x7;
	s19 =	simm.s32 $0x8;
	[dreg:$0x13] =	wrdreg s2  }
0x22: {  	s20 =	simm.s32 $0x4100;
	s22 =	simm.s32 $0xA100;
	[dreg:$0x16] =	wrdreg s1  }
0x23: {  	v0 =	vimm.f32 $0.0e+00;
	[dreg:$0x17] =	wrdreg s26;
	s1 =	simm.s32 $0x40;
	s2 =	simm.s32 $0x8100  }
.LBB2_1:
0x24: {  	s24 =	rddreg [dreg:$0x6]  }
0x25: {  	[tilespmem:s5], [sflag:$0x9] =	stream.linear.gather [hbm4b:s24+s5], $0x2000, $0x38;
	[tilespmem:$0x1E100] =	vst v63  }
0x26: {  	_ =	swait.ge [sflag:s30], $0x2000  }
0x27: {  	[sflag:s30] =	ssyncset.done $0x0  }
0x28: {  	s25 =	simm.s32 $0x2000;
	s26 =	rddreg [dreg:$0x7];
	[sflag:s30] =	ssyncadd.s32 $0xFFFFE000  }
0x29: {  	[tilespmem:s25], [sflag:$0x9] =	stream.linear.gather [hbm4b:s26+s5], $0x2000, $0x38;
	[tilespmem:$0x1E100] =	vst v63  }
0x2a: {  	_ =	swait.ge [sflag:s30], $0x2000  }
0x2b: {  	[sflag:s30] =	ssyncset.done $0x0  }
0x2c: {  	s26 =	simm.s32 $0x4000;
	s25 =	rddreg [dreg:$0x8];
	[sflag:s30] =	ssyncadd.s32 $0xFFFFE000  }
0x2d: {  	[tilespmem:s26], [sflag:$0x9] =	stream.linear.gather [hbm4b:s25+s5], $0x100, $0x38;
	[tilespmem:$0x1E100] =	vst v63  }
0x2e: {  	_ =	swait.ge [sflag:s30], $0x100  }
0x2f: {  	[sflag:s30] =	ssyncset.done $0x0  }
0x30: {  	s24 =	simm.s32 $0x0;
	s25 =	simm.s32 $0x100;
	[sflag:s30] =	ssyncadd.s32 $0xFFFFFF00  }
.LBB2_2:
0x31: {  	p0 =	sne.s32 s25, $0x3F00;
	[tilespmem:s24+$0xC130] =	vst v0;
	s26 =	smov.u32 s25;
	s25 =	sadd.s32 $0x100, s25  }
.Ltmp0:
0x32: {  	[tilespmem:s24+$0xC120] =	vst v0;
	(pc) =	sbr.rel @p0 .LBB2_2-.Ltmp0, $3  }
0x33: {  	[tilespmem:s24+$0xC100] =	vst v0  }
0x34: {  	[tilespmem:s24+$0xC110] =	vst v0;
	_ =	sdelay $0x1  }
0x35: {  	s24 =	sshra.s32 s26, $0x2  }
0x36: {  	[tilespmem:s24+$0xC130] =	vst v0  }
0x37: {  	[tilespmem:s24+$0xC120] =	vst v0  }
0x38: {  	[tilespmem:s24+$0xC100] =	vst v0  }
0x39: {  	[tilespmem:s24+$0xC110] =	vst v0  }
0x3a: {  	[spmem:s9] =	stream.linear.scatter [tilespmem:s31], [sflag:$0x9], $0x1000, $0x38;
	[tilespmem:$0x1E100] =	vst v63  }
0x3b: {  	_ =	swait.ge [sflag:s30], $0x1000  }
0x3c: {  	[sflag:s30] =	ssyncset.done $0x0  }
0x3d: {  	[sflag:s30] =	ssyncadd.s32 $0xFFFFF000  }
0x3e: {  	[spmem:s28] =	stream.linear.scatter [tilespmem:s31], [sflag:$0x9], $0x1000, $0x38;
	[tilespmem:$0x1E100] =	vst v63  }
0x3f: {  	_ =	swait.ge [sflag:s30], $0x1000  }
0x40: {  	[sflag:s30] =	ssyncset.done $0x0  }
0x41: {  	[sflag:s30] =	ssyncadd.s32 $0xFFFFF000  }
0x42: {  	[spmem:s10] =	stream.linear.scatter [tilespmem:s31], [sflag:$0x9], $0x1000, $0x38;
	[tilespmem:$0x1E100] =	vst v63  }
0x43: {  	_ =	swait.ge [sflag:s30], $0x1000  }
0x44: {  	[sflag:s30] =	ssyncset.done $0x0  }
0x45: {  	[sflag:s30] =	ssyncadd.s32 $0xFFFFF000  }
0x46: {  	[spmem:s29] =	stream.linear.scatter [tilespmem:s31], [sflag:$0x9], $0x1000, $0x38;
	[tilespmem:$0x1E100] =	vst v63  }
0x47: {  	_ =	swait.ge [sflag:s30], $0x1000  }
0x48: {  	[sflag:s30] =	ssyncset.done $0x0  }
0x49: {  	[sflag:s30] =	ssyncadd.s32 $0xFFFFF000  }
0x4a: {  	[spmem:s11] =	stream.linear.scatter [tilespmem:s31], [sflag:$0x9], $0x1000, $0x38;
	[tilespmem:$0x1E100] =	vst v63  }
0x4b: {  	_ =	swait.ge [sflag:s30], $0x1000  }
0x4c: {  	[sflag:s30] =	ssyncset.done $0x0  }
0x4d: {  	s25 =	rddreg [dreg:$0x9];
	[sflag:s30] =	ssyncadd.s32 $0xFFFFF000  }
0x4e: {  	[spmem:s25] =	stream.linear.scatter [tilespmem:s31], [sflag:$0x9], $0x1000, $0x38;
	[tilespmem:$0x1E100] =	vst v63  }
0x4f: {  	_ =	swait.ge [sflag:s30], $0x1000  }
0x50: {  	[sflag:s30] =	ssyncset.done $0x0  }
0x51: {  	s26 =	rddreg [dreg:$0xa];
	[sflag:s30] =	ssyncadd.s32 $0xFFFFF000  }
0x52: {  	[spmem:s26] =	stream.linear.scatter [tilespmem:s31], [sflag:$0x9], $0x1000, $0x38;
	[tilespmem:$0x1E100] =	vst v63  }
0x53: {  	_ =	swait.ge [sflag:s30], $0x1000  }
0x54: {  	[sflag:s30] =	ssyncset.done $0x0  }
0x55: {  	s25 =	rddreg [dreg:$0xb];
	[sflag:s30] =	ssyncadd.s32 $0xFFFFF000  }
0x56: {  	[spmem:s25] =	stream.linear.scatter [tilespmem:s31], [sflag:$0x9], $0x1000, $0x38;
	[tilespmem:$0x1E100] =	vst v63  }
0x57: {  	_ =	swait.ge [sflag:s30], $0x1000  }
0x58: {  	[sflag:s30] =	ssyncset.done $0x0  }
0x59: {  	s26 =	rddreg [dreg:$0xc];
	[sflag:s30] =	ssyncadd.s32 $0xFFFFF000  }
0x5a: {  	[spmem:s26] =	stream.linear.scatter [tilespmem:s31], [sflag:$0x9], $0x1000, $0x38;
	[tilespmem:$0x1E100] =	vst v63  }
0x5b: {  	_ =	swait.ge [sflag:s30], $0x1000  }
0x5c: {  	[sflag:s30] =	ssyncset.done $0x0  }
0x5d: {  	s25 =	rddreg [dreg:$0xd];
	[sflag:s30] =	ssyncadd.s32 $0xFFFFF000  }
0x5e: {  	[spmem:s25] =	stream.linear.scatter [tilespmem:s31], [sflag:$0x9], $0x1000, $0x38;
	[tilespmem:$0x1E100] =	vst v63  }
0x5f: {  	_ =	swait.ge [sflag:s30], $0x1000  }
0x60: {  	[sflag:s30] =	ssyncset.done $0x0  }
0x61: {  	s26 =	rddreg [dreg:$0xe];
	[sflag:s30] =	ssyncadd.s32 $0xFFFFF000  }
0x62: {  	[spmem:s26] =	stream.linear.scatter [tilespmem:s31], [sflag:$0x9], $0x1000, $0x38;
	[tilespmem:$0x1E100] =	vst v63  }
0x63: {  	_ =	swait.ge [sflag:s30], $0x1000  }
0x64: {  	[sflag:s30] =	ssyncset.done $0x0  }
0x65: {  	s25 =	rddreg [dreg:$0xf];
	[sflag:s30] =	ssyncadd.s32 $0xFFFFF000  }
0x66: {  	[spmem:s25] =	stream.linear.scatter [tilespmem:s31], [sflag:$0x9], $0x1000, $0x38;
	[tilespmem:$0x1E100] =	vst v63  }
0x67: {  	_ =	swait.ge [sflag:s30], $0x1000  }
0x68: {  	[sflag:s30] =	ssyncset.done $0x0  }
0x69: {  	s26 =	rddreg [dreg:$0x10];
	[sflag:s30] =	ssyncadd.s32 $0xFFFFF000  }
0x6a: {  	[spmem:s26] =	stream.linear.scatter [tilespmem:s31], [sflag:$0x9], $0x1000, $0x38;
	[tilespmem:$0x1E100] =	vst v63  }
0x6b: {  	_ =	swait.ge [sflag:s30], $0x1000  }
0x6c: {  	[sflag:s30] =	ssyncset.done $0x0  }
0x6d: {  	s25 =	rddreg [dreg:$0x11];
	[sflag:s30] =	ssyncadd.s32 $0xFFFFF000  }
0x6e: {  	[spmem:s25] =	stream.linear.scatter [tilespmem:s31], [sflag:$0x9], $0x1000, $0x38;
	[tilespmem:$0x1E100] =	vst v63  }
0x6f: {  	_ =	swait.ge [sflag:s30], $0x1000  }
0x70: {  	[sflag:s30] =	ssyncset.done $0x0  }
0x71: {  	[sflag:s30] =	ssyncadd.s32 $0xFFFFF000  }
0x72: {  	s26 =	simm.s32 $0x0;
	[bflag:$0x0] =	sbarrier.arrive $0xFFFF  }
0x73: {  	[tilespmem:s31], [sflag:$0x1] =	stream.indirect.gather [hbm4b:s0+s1], $0x40, s26, s1, $0xb8;
	[tilespmem:$0x1E100] =	vst v63  }
0x74: {  	_ = 	snop  }
0x75: {  	[tilespmem:s4], [sflag:$0x2] =	stream.indirect.gather [hbm4b:s0+s1], $0x40, s1, s1, $0xb8;
	[tilespmem:$0x1E100] =	vst v63  }
0x76: {  	_ = 	snop  }
0x77: {  	[tilespmem:s7], [sflag:$0x3] =	stream.indirect.gather [hbm4b:s0+s1], $0x40, s6, s1, $0xb8;
	[tilespmem:$0x1E100] =	vst v63  }
0x78: {  	s25 =	simm.s32 $0xC0  }
0x79: {  	[tilespmem:s8], [sflag:$0x4] =	stream.indirect.gather [hbm4b:s0+s1], $0x40, s25, s1, $0xb8;
	[tilespmem:$0x1E100] =	vst v63  }
0x7a: {  	_ =	swait.ge [sflag:s12], $0x1000  }
0x7b: {  	[sflag:s12] =	ssyncset.done $0x0  }
0x7c: {  	s26 =	simm.s32 $0x2000;
	[sflag:s12] =	ssyncadd.s32 $0xFFFFF000  }
0x7d: {  	[spmem:s3] =	stream.indirect.scatter.add.f32 [tilespmem:s31], [sflag:$0x5], $0x40, s26, s1, $0xb8;
	[tilespmem:$0x1E100] =	vst v63  }
0x7e: {  	_ =	swait.ge [sflag:s13], $0x1000  }
0x7f: {  	[sflag:s13] =	ssyncset.done $0x0  }
0x80: {  	s25 =	simm.s32 $0x2040;
	[sflag:s13] =	ssyncadd.s32 $0xFFFFF000  }
0x81: {  	[spmem:s3] =	stream.indirect.scatter.add.f32 [tilespmem:s4], [sflag:$0x6], $0x40, s25, s1, $0xb8;
	[tilespmem:$0x1E100] =	vst v63  }
0x82: {  	_ =	swait.ge [sflag:s14], $0x1000  }
0x83: {  	[sflag:s14] =	ssyncset.done $0x0  }
0x84: {  	s26 =	simm.s32 $0x2080;
	[sflag:s14] =	ssyncadd.s32 $0xFFFFF000  }
0x85: {  	[spmem:s3] =	stream.indirect.scatter.add.f32 [tilespmem:s7], [sflag:$0x7], $0x40, s26, s1, $0xb8;
	[tilespmem:$0x1E100] =	vst v63  }
0x86: {  	_ =	swait.ge [sflag:s15], $0x1000  }
0x87: {  	[sflag:s15] =	ssyncset.done $0x0  }
0x88: {  	s25 =	simm.s32 $0x20C0;
	[sflag:s15] =	ssyncadd.s32 $0xFFFFF000  }
0x89: {  	[spmem:s3] =	stream.indirect.scatter.add.f32 [tilespmem:s8], [sflag:$0x8], $0x40, s25, s1, $0xb8;
	[tilespmem:$0x1E100] =	vst v63  }
0x8a: {  	_ =	swait.ge [sflag:s16], $0x1000  }
0x8b: {  	[sflag:s16] =	ssyncset.done $0x0  }
0x8c: {  	s26 =	simm.s32 $0x100;
	[sflag:s16] =	ssyncadd.s32 $0xFFFFF000  }
0x8d: {  	[tilespmem:s31], [sflag:$0x1] =	stream.indirect.gather [hbm4b:s0+s1], $0x40, s26, s1, $0xb8;
	[tilespmem:$0x1E100] =	vst v63  }
0x8e: {  	_ =	swait.ge [sflag:s17], $0x1000  }
0x8f: {  	[sflag:s17] =	ssyncset.done $0x0  }
0x90: {  	s25 =	simm.s32 $0x140;
	[sflag:s17] =	ssyncadd.s32 $0xFFFFF000  }
0x91: {  	[tilespmem:s4], [sflag:$0x2] =	stream.indirect.gather [hbm4b:s0+s1], $0x40, s25, s1, $0xb8;
	[tilespmem:$0x1E100] =	vst v63  }
0x92: {  	_ =	swait.ge [sflag:s18], $0x1000  }
0x93: {  	[sflag:s18] =	ssyncset.done $0x0  }
0x94: {  	s26 =	simm.s32 $0x180;
	[sflag:s18] =	ssyncadd.s32 $0xFFFFF000  }
0x95: {  	[tilespmem:s7], [sflag:$0x3] =	stream.indirect.gather [hbm4b:s0+s1], $0x40, s26, s1, $0xb8;
	[tilespmem:$0x1E100] =	vst v63  }
0x96: {  	_ =	swait.ge [sflag:s19], $0x1000  }
0x97: {  	[sflag:s19] =	ssyncset.done $0x0  }
0x98: {  	s24 =	simm.s32 $0x400;
	s25 =	simm.s32 $0x1C0;
	[sflag:s19] =	ssyncadd.s32 $0xFFFFF000  }
.LBB2_4:
0x99: {  	[tilespmem:s8], [sflag:$0x4] =	stream.indirect.gather [hbm4b:s0+s1], $0x40, s25, s1, $0xb8;
	[tilespmem:$0x1E100] =	vst v63  }
0x9a: {  	s25 =	smov.u32 s24  }
0x9b: {  	p0 =	sne.s32 s24, $0x7800;
	s24 =	sadd.s32 $0x400, s24;
	_ =	swait.ge [sflag:s12], $0x1000  }
0x9c: {  	s25 =	sshra.s32 s25, $0x2;
	[sflag:s12] =	ssyncset.done $0x0  }
0x9d: {  	s26 =	sadd.s32 $0x2000, s25;
	[sflag:s12] =	ssyncadd.s32 $0xFFFFF000  }
0x9e: {  	[spmem:s3] =	stream.indirect.scatter.add.f32 [tilespmem:s31], [sflag:$0x5], $0x40, s26, s1, $0xb8;
	[tilespmem:$0x1E100] =	vst v63  }
0x9f: {  	_ =	swait.ge [sflag:s13], $0x1000  }
0xa0: {  	[sflag:s13] =	ssyncset.done $0x0  }
0xa1: {  	s26 =	sadd.s32 $0x2040, s25;
	[sflag:s13] =	ssyncadd.s32 $0xFFFFF000  }
0xa2: {  	[spmem:s3] =	stream.indirect.scatter.add.f32 [tilespmem:s4], [sflag:$0x6], $0x40, s26, s1, $0xb8;
	[tilespmem:$0x1E100] =	vst v63  }
0xa3: {  	_ =	swait.ge [sflag:s14], $0x1000  }
0xa4: {  	[sflag:s14] =	ssyncset.done $0x0  }
0xa5: {  	s26 =	sadd.s32 $0x2080, s25;
	[sflag:s14] =	ssyncadd.s32 $0xFFFFF000  }
0xa6: {  	[spmem:s3] =	stream.indirect.scatter.add.f32 [tilespmem:s7], [sflag:$0x7], $0x40, s26, s1, $0xb8;
	[tilespmem:$0x1E100] =	vst v63  }
0xa7: {  	_ =	swait.ge [sflag:s15], $0x1000  }
0xa8: {  	[sflag:s15] =	ssyncset.done $0x0  }
0xa9: {  	s26 =	sadd.s32 $0x20C0, s25;
	[sflag:s15] =	ssyncadd.s32 $0xFFFFF000  }
0xaa: {  	[spmem:s3] =	stream.indirect.scatter.add.f32 [tilespmem:s8], [sflag:$0x8], $0x40, s26, s1, $0xb8;
	[tilespmem:$0x1E100] =	vst v63  }
0xab: {  	_ =	swait.ge [sflag:s16], $0x1000  }
0xac: {  	[sflag:s16] =	ssyncset.done $0x0  }
0xad: {  	s26 =	sadd.s32 $0x100, s25;
	[sflag:s16] =	ssyncadd.s32 $0xFFFFF000  }
0xae: {  	[tilespmem:s31], [sflag:$0x1] =	stream.indirect.gather [hbm4b:s0+s1], $0x40, s26, s1, $0xb8;
	[tilespmem:$0x1E100] =	vst v63  }
0xaf: {  	_ =	swait.ge [sflag:s17], $0x1000  }
0xb0: {  	[sflag:s17] =	ssyncset.done $0x0  }
0xb1: {  	s26 =	sadd.s32 $0x140, s25;
	[sflag:s17] =	ssyncadd.s32 $0xFFFFF000  }
0xb2: {  	[tilespmem:s4], [sflag:$0x2] =	stream.indirect.gather [hbm4b:s0+s1], $0x40, s26, s1, $0xb8;
	[tilespmem:$0x1E100] =	vst v63  }
0xb3: {  	_ =	swait.ge [sflag:s18], $0x1000  }
0xb4: {  	[sflag:s18] =	ssyncset.done $0x0  }
.Ltmp1:
0xb5: {  	s26 =	sadd.s32 $0x180, s25;
	[sflag:s18] =	ssyncadd.s32 $0xFFFFF000;
	(pc) =	sbr.rel @p0 .LBB2_4-.Ltmp1, $4  }
0xb6: {  	[tilespmem:s7], [sflag:$0x3] =	stream.indirect.gather [hbm4b:s0+s1], $0x40, s26, s1, $0xb8;
	[tilespmem:$0x1E100] =	vst v63  }
0xb7: {  	_ =	swait.ge [sflag:s19], $0x1000  }
0xb8: {  	[sflag:s19] =	ssyncset.done $0x0  }
0xb9: {  	s25 =	sadd.s32 $0x1C0, s25;
	[sflag:s19] =	ssyncadd.s32 $0xFFFFF000  }
0xba: {  	[tilespmem:s8], [sflag:$0x4] =	stream.indirect.gather [hbm4b:s0+s1], $0x40, s25, s1, $0xb8;
	[tilespmem:$0x1E100] =	vst v63  }
0xbb: {  	_ =	swait.ge [sflag:s12], $0x1000  }
0xbc: {  	[sflag:s12] =	ssyncset.done $0x0  }
0xbd: {  	s24 =	simm.s32 $0x3F00;
	[sflag:s12] =	ssyncadd.s32 $0xFFFFF000  }
0xbe: {  	[spmem:s3] =	stream.indirect.scatter.add.f32 [tilespmem:s31], [sflag:$0x5], $0x40, s24, s1, $0xb8;
	[tilespmem:$0x1E100] =	vst v63  }
0xbf: {  	_ =	swait.ge [sflag:s13], $0x1000  }
0xc0: {  	[sflag:s13] =	ssyncset.done $0x0  }
0xc1: {  	s25 =	simm.s32 $0x3F40;
	[sflag:s13] =	ssyncadd.s32 $0xFFFFF000  }
0xc2: {  	[spmem:s3] =	stream.indirect.scatter.add.f32 [tilespmem:s4], [sflag:$0x6], $0x40, s25, s1, $0xb8;
	[tilespmem:$0x1E100] =	vst v63  }
0xc3: {  	_ =	swait.ge [sflag:s14], $0x1000  }
0xc4: {  	[sflag:s14] =	ssyncset.done $0x0  }
0xc5: {  	s26 =	simm.s32 $0x3F80;
	[sflag:s14] =	ssyncadd.s32 $0xFFFFF000  }
0xc6: {  	[spmem:s3] =	stream.indirect.scatter.add.f32 [tilespmem:s7], [sflag:$0x7], $0x40, s26, s1, $0xb8;
	[tilespmem:$0x1E100] =	vst v63  }
0xc7: {  	_ =	swait.ge [sflag:s15], $0x1000  }
0xc8: {  	[sflag:s15] =	ssyncset.done $0x0  }
0xc9: {  	s25 =	simm.s32 $0x3FC0;
	[sflag:s15] =	ssyncadd.s32 $0xFFFFF000  }
0xca: {  	[spmem:s3] =	stream.indirect.scatter.add.f32 [tilespmem:s8], [sflag:$0x8], $0x40, s25, s1, $0xb8;
	[tilespmem:$0x1E100] =	vst v63  }
0xcb: {  	_ =	swait.ge [sflag:s16], $0x1000  }
0xcc: {  	[sflag:s16] =	ssyncset.done $0x0  }
0xcd: {  	[sflag:s16] =	ssyncadd.s32 $0xFFFFF000  }
0xce: {  	_ =	swait.ge [sflag:s17], $0x1000  }
0xcf: {  	[sflag:s17] =	ssyncset.done $0x0  }
0xd0: {  	[sflag:s17] =	ssyncadd.s32 $0xFFFFF000  }
0xd1: {  	_ =	swait.ge [sflag:s18], $0x1000  }
0xd2: {  	[sflag:s18] =	ssyncset.done $0x0  }
0xd3: {  	[sflag:s18] =	ssyncadd.s32 $0xFFFFF000  }
0xd4: {  	_ =	swait.ge [sflag:s19], $0x1000  }
0xd5: {  	[sflag:s19] =	ssyncset.done $0x0  }
0xd6: {  	[sflag:s19] =	ssyncadd.s32 $0xFFFFF000  }
0xd7: {  	[bflag:$0x0] =	sbarrier.arrive $0xFFFF  }
0xd8: {  	[tilespmem:s20], [sflag:$0x9] =	stream.linear.gather [spmem:s9], $0x2000, $0x38;
	[tilespmem:$0x1E100] =	vst v63  }
0xd9: {  	_ =	swait.ge [sflag:s30], $0x2000  }
0xda: {  	[sflag:s30] =	ssyncset.done $0x0  }
0xdb: {  	s24 =	simm.s32 $0x0;
	s26 =	rddreg [dreg:$0x12];
	[sflag:s30] =	ssyncadd.s32 $0xFFFFE000  }
0xdc: {  	[tilespmem:s21], [sflag:$0x9] =	stream.linear.gather [hbm4b:s26+s24], $0x2000, $0x38;
	[tilespmem:$0x1E100] =	vst v63  }
0xdd: {  	_ =	swait.ge [sflag:s30], $0x2000  }
0xde: {  	[sflag:s30] =	ssyncset.done $0x0  }
0xdf: {  	s26 =	rddreg [dreg:$0x13];
	[sflag:s30] =	ssyncadd.s32 $0xFFFFE000  }
0xe0: {  	[tilespmem:s22], [sflag:$0x9] =	stream.linear.gather [hbm4b:s26+s24], $0x2000, $0x38;
	[tilespmem:$0x1E100] =	vst v63  }
0xe1: {  	_ =	swait.ge [sflag:s30], $0x2000  }
0xe2: {  	[sflag:s30] =	ssyncset.done $0x0  }
0xe3: {  	s24 =	simm.s32 $0x0;
	[sflag:s30] =	ssyncadd.s32 $0xFFFFE000  }
0xe4: {  	v1 =	vld [tilespmem:s24+$0x4130]  }
0xe5: {  	v2 =	vld [tilespmem:s24+$0x6130]  }
0xe6: {  	v7 =	vld [tilespmem:s24+$0x4100]  }
0xe7: {  	v4 =	vld [tilespmem:s24+$0xA130]  }
0xe8: {  	v8 =	vld [tilespmem:s24+$0x6100]  }
0xe9: {  	v9 =	vld [tilespmem:s24+$0x4110]  }
0xea: {  	v10 =	vld [tilespmem:s24+$0x6110]  }
0xeb: {  	v3 =	vld [tilespmem:s24+$0x6120];
	v2 =	vadd.f32 v2, v1  }
0xec: {  	v1 =	vld [tilespmem:s24+$0x4120]  }
0xed: {  	v6 =	vld [tilespmem:s24+$0xA100];
	v2 =	vmul.f32 v4, v2  }
0xee: {  	v4 =	vld [tilespmem:s24+$0xA110]  }
0xef: {  	s25 =	simm.s32 $0x40;
	v5 =	vld [tilespmem:s24+$0xA120];
	[tilespmem:s24+$0x8130] =	vst v2  }
0xf0: {  	s26 =	simm.s32 $0x200;
	v7 =	vadd.f32 v8, v7;
	v8 =	vadd.f32 v10, v9;
	v2 =	vld [tilespmem:s25+$0x4130]  }
.LBB2_6:
0xf1: {  	p0 =	sne.s32 s26, $0x7F00;
	v9 =	vld [tilespmem:s25+$0x6130];
	v1 =	vadd.f32 v3, v1  }
0xf2: {  	v10 =	vld [tilespmem:s25+$0x4100];
	v3 =	vmul.f32 v6, v7  }
0xf3: {  	v6 =	vld [tilespmem:s25+$0xA130];
	v4 =	vmul.f32 v4, v8  }
0xf4: {  	v7 =	vld [tilespmem:s25+$0x6100];
	[tilespmem:s24+$0x8100] =	vst v3;
	v1 =	vmul.f32 v5, v1  }
0xf5: {  	v5 =	vld [tilespmem:s25+$0x4110];
	[tilespmem:s24+$0x8110] =	vst v4  }
0xf6: {  	v8 =	vld [tilespmem:s25+$0x6110];
	v2 =	vadd.f32 v9, v2;
	[tilespmem:s24+$0x8120] =	vst v1;
	s24 =	smov.u32 s25  }
0xf7: {  	v1 =	vld [tilespmem:s24+$0x4120]  }
.Ltmp2:
0xf8: {  	v3 =	vld [tilespmem:s24+$0x6120];
	v2 =	vmul.f32 v6, v2;
	(pc) =	sbr.rel @p0 .LBB2_6-.Ltmp2, $4  }
0xf9: {  	v7 =	vadd.f32 v7, v10;
	v6 =	vld [tilespmem:s24+$0xA100]  }
0xfa: {  	v4 =	vld [tilespmem:s24+$0xA110];
	[tilespmem:s24+$0x8130] =	vst v2  }
0xfb: {  	s25 =	sshra.s32 s26, $0x2;
	v8 =	vadd.f32 v8, v5;
	v5 =	vld [tilespmem:s24+$0xA120]  }
0xfc: {  	s26 =	sadd.s32 $0x100, s26;
	v2 =	vld [tilespmem:s25+$0x4130]  }
0xfd: {  	v9 =	vld [tilespmem:s25+$0x6130]  }
0xfe: {  	v10 =	vld [tilespmem:s25+$0x4100];
	v1 =	vadd.f32 v3, v1;
	v6 =	vmul.f32 v6, v7  }
0xff: {  	v11 =	vld [tilespmem:s25+$0x6100];
	v3 =	vmul.f32 v4, v8  }
0x100: {  	v7 =	vld [tilespmem:s25+$0xA130];
	[tilespmem:s24+$0x8100] =	vst v6;
	v1 =	vmul.f32 v5, v1  }
0x101: {  	v4 =	vld [tilespmem:s25+$0x4110];
	[tilespmem:s24+$0x8110] =	vst v3  }
0x102: {  	v3 =	vld [tilespmem:s25+$0x6110];
	[tilespmem:s24+$0x8120] =	vst v1  }
0x103: {  	v1 =	vadd.f32 v9, v2;
	v2 =	vld [tilespmem:s25+$0x4120]  }
0x104: {  	v5 =	vld [tilespmem:s25+$0x6120]  }
0x105: {  	v6 =	vld [tilespmem:s25+$0xA100];
	v1 =	vmul.f32 v7, v1  }
0x106: {  	v7 =	vld [tilespmem:s25+$0xA110]  }
0x107: {  	[tilespmem:s25+$0x8130] =	vst v1;
	v1 =	vld [tilespmem:s25+$0xA120]  }
0x108: {  	v8 =	vadd.f32 v11, v10  }
0x109: {  	v3 =	vadd.f32 v3, v4  }
0x10a: {  	v2 =	vadd.f32 v5, v2;
	v4 =	vmul.f32 v6, v8  }
0x10b: {  	v3 =	vmul.f32 v7, v3  }
0x10c: {  	[tilespmem:s25+$0x8100] =	vst v4;
	v1 =	vmul.f32 v1, v2  }
0x10d: {  	[tilespmem:s25+$0x8110] =	vst v3  }
0x10e: {  	s26 =	simm.s32 $0x4000;
	[tilespmem:s25+$0x8120] =	vst v1;
	s25 =	rddreg [dreg:$0x4]  }
0x10f: {  	[spmem:s25] =	stream.indirect.scatter.add.f32 [tilespmem:s2], [sflag:$0x9], $0x40, s26, s6, $0xb8;
	[tilespmem:$0x1E100] =	vst v63  }
0x110: {  	_ =	swait.ge [sflag:s30], $0x2000  }
0x111: {  	[sflag:s30] =	ssyncset.done $0x0  }
0x112: {  	[sflag:s30] =	ssyncadd.s32 $0xFFFFE000  }
0x113: {  	[tilespmem:s20], [sflag:$0x9] =	stream.linear.gather [spmem:s10], $0x2000, $0x38;
	[tilespmem:$0x1E100] =	vst v63  }
0x114: {  	_ =	swait.ge [sflag:s30], $0x2000  }
0x115: {  	[sflag:s30] =	ssyncset.done $0x0  }
0x116: {  	s24 =	simm.s32 $0x0;
	s26 =	rddreg [dreg:$0x15];
	[sflag:s30] =	ssyncadd.s32 $0xFFFFE000  }
0x117: {  	[tilespmem:s21], [sflag:$0x9] =	stream.linear.gather [hbm4b:s26+s24], $0x2000, $0x38;
	[tilespmem:$0x1E100] =	vst v63  }
0x118: {  	_ =	swait.ge [sflag:s30], $0x2000  }
0x119: {  	[sflag:s30] =	ssyncset.done $0x0  }
0x11a: {  	s26 =	rddreg [dreg:$0x14];
	[sflag:s30] =	ssyncadd.s32 $0xFFFFE000  }
0x11b: {  	[tilespmem:s22], [sflag:$0x9] =	stream.linear.gather [hbm4b:s26+s24], $0x2000, $0x38;
	[tilespmem:$0x1E100] =	vst v63  }
0x11c: {  	_ =	swait.ge [sflag:s30], $0x2000  }
0x11d: {  	[sflag:s30] =	ssyncset.done $0x0  }
0x11e: {  	s24 =	simm.s32 $0x0;
	[sflag:s30] =	ssyncadd.s32 $0xFFFFE000  }
0x11f: {  	v1 =	vld [tilespmem:s24+$0x4130]  }
0x120: {  	v2 =	vld [tilespmem:s24+$0x6130]  }
0x121: {  	v7 =	vld [tilespmem:s24+$0x4100]  }
0x122: {  	v4 =	vld [tilespmem:s24+$0xA130]  }
0x123: {  	v8 =	vld [tilespmem:s24+$0x6100]  }
0x124: {  	v9 =	vld [tilespmem:s24+$0x4110]  }
0x125: {  	v10 =	vld [tilespmem:s24+$0x6110]  }
0x126: {  	v3 =	vld [tilespmem:s24+$0x6120];
	v2 =	vadd.f32 v2, v1  }
0x127: {  	v1 =	vld [tilespmem:s24+$0x4120]  }
0x128: {  	v6 =	vld [tilespmem:s24+$0xA100];
	v2 =	vmul.f32 v4, v2  }
0x129: {  	v4 =	vld [tilespmem:s24+$0xA110]  }
0x12a: {  	s25 =	simm.s32 $0x40;
	v5 =	vld [tilespmem:s24+$0xA120];
	[tilespmem:s24+$0x8130] =	vst v2  }
0x12b: {  	s26 =	simm.s32 $0x200;
	v7 =	vadd.f32 v8, v7;
	v8 =	vadd.f32 v10, v9;
	v2 =	vld [tilespmem:s25+$0x4130]  }
.LBB2_8:
0x12c: {  	p0 =	sne.s32 s26, $0x7F00;
	v9 =	vld [tilespmem:s25+$0x6130];
	v1 =	vadd.f32 v3, v1  }
0x12d: {  	v10 =	vld [tilespmem:s25+$0x4100];
	v3 =	vmul.f32 v6, v7  }
0x12e: {  	v6 =	vld [tilespmem:s25+$0xA130];
	v4 =	vmul.f32 v4, v8  }
0x12f: {  	v7 =	vld [tilespmem:s25+$0x6100];
	[tilespmem:s24+$0x8100] =	vst v3;
	v1 =	vmul.f32 v5, v1  }
0x130: {  	v5 =	vld [tilespmem:s25+$0x4110];
	[tilespmem:s24+$0x8110] =	vst v4  }
0x131: {  	v8 =	vld [tilespmem:s25+$0x6110];
	v2 =	vadd.f32 v9, v2;
	[tilespmem:s24+$0x8120] =	vst v1;
	s24 =	smov.u32 s25  }
0x132: {  	v1 =	vld [tilespmem:s24+$0x4120]  }
.Ltmp3:
0x133: {  	v3 =	vld [tilespmem:s24+$0x6120];
	v2 =	vmul.f32 v6, v2;
	(pc) =	sbr.rel @p0 .LBB2_8-.Ltmp3, $4  }
0x134: {  	v7 =	vadd.f32 v7, v10;
	v6 =	vld [tilespmem:s24+$0xA100]  }
0x135: {  	v4 =	vld [tilespmem:s24+$0xA110];
	[tilespmem:s24+$0x8130] =	vst v2  }
0x136: {  	s25 =	sshra.s32 s26, $0x2;
	v8 =	vadd.f32 v8, v5;
	v5 =	vld [tilespmem:s24+$0xA120]  }
0x137: {  	s26 =	sadd.s32 $0x100, s26;
	v2 =	vld [tilespmem:s25+$0x4130]  }
0x138: {  	v9 =	vld [tilespmem:s25+$0x6130]  }
0x139: {  	v10 =	vld [tilespmem:s25+$0x4100];
	v1 =	vadd.f32 v3, v1;
	v6 =	vmul.f32 v6, v7  }
0x13a: {  	v58 =	vld [tilespmem:s25+$0xA130];
	v3 =	vmul.f32 v4, v8  }
0x13b: {  	v11 =	vld [tilespmem:s25+$0x6100];
	[tilespmem:s24+$0x8100] =	vst v6;
	v1 =	vmul.f32 v5, v1  }
0x13c: {  	v59 =	vld [tilespmem:s25+$0x4110];
	[tilespmem:s24+$0x8110] =	vst v3  }
0x13d: {  	v3 =	vld [tilespmem:s25+$0x6110];
	[tilespmem:s24+$0x8120] =	vst v1  }
0x13e: {  	v1 =	vadd.f32 v9, v2;
	v2 =	vld [tilespmem:s25+$0x4120]  }
0x13f: {  	v60 =	vld [tilespmem:s25+$0x6120]  }
0x140: {  	v6 =	vld [tilespmem:s25+$0xA100];
	v1 =	vmul.f32 v58, v1  }
0x141: {  	v61 =	vld [tilespmem:s25+$0xA110]  }
0x142: {  	[tilespmem:s25+$0x8130] =	vst v1;
	v1 =	vld [tilespmem:s25+$0xA120]  }
0x143: {  	v62 =	vadd.f32 v11, v10  }
0x144: {  	v3 =	vadd.f32 v3, v59  }
0x145: {  	v2 =	vadd.f32 v60, v2;
	v63 =	vmul.f32 v6, v62  }
0x146: {  	v3 =	vmul.f32 v61, v3  }
0x147: {  	[tilespmem:s25+$0x8100] =	vst v63;
	v1 =	vmul.f32 v1, v2  }
0x148: {  	[tilespmem:s25+$0x8110] =	vst v3  }
0x149: {  	s26 =	simm.s32 $0x4080;
	[tilespmem:s25+$0x8120] =	vst v1;
	s25 =	rddreg [dreg:$0x4]  }
0x14a: {  	[spmem:s25] =	stream.indirect.scatter.add.f32 [tilespmem:s2], [sflag:$0x9], $0x40, s26, s6, $0xb8;
	[tilespmem:$0x1E100] =	vst v63  }
0x14b: {  	_ =	swait.ge [sflag:s30], $0x2000  }
0x14c: {  	[sflag:s30] =	ssyncset.done $0x0  }
0x14d: {  	s25 =	stileid.u32;
	[sflag:s30] =	ssyncadd.s32 $0xFFFFE000  }
0x14e: {  	s24 =	sshll.u32 s25, $0x6;
	[bflag:$0x0] =	sbarrier.arrive $0xFFFF  }
0x14f: {  	s25 =	sshrl.u32 s11, $0x3;
	s24 =	sor.u32 $0x1C09, s24;
	s26 =	rddreg [dreg:$0x16]  }
0x150: {  	[hbm:s26], [sflag:s24] =	dma.local [spmem:s25], $0x1400  }
0x151: {  	_ =	swait.ge [sflag:s30], $0x1400  }
0x152: {  	s23 =	sadd.s32 $0x1, s23;
	s26 =	rddreg [dreg:$0x17]  }
0x153: {  	p0 =	sne.s32 s23, s26  }
.Ltmp4:
0x154: {  	_ = 	snop;
	(pc) =	sbr.rel @p0 .LBB2_1-.Ltmp4, $3  }
0x155: {  	_ =	sdelay $0x1  }
0x156: {  	[sflag:s30] =	ssyncset.done $0x0  }
0x157: {  	[sflag:s30] =	ssyncadd.s32 $0xFFFFEC00  }
0x158: {  	_ =	sfence.sel $0x180000  }
0x159: {  	[bflag:$0x0] =	sbarrier.arrive $0xFFFF  }
0x15a: {  	_ =	strace $0x90000050  }
0x15b: {  	s0 =	stileid.u32;
	[bflag:$0x2] =	sbarrier.arrive $0xFFFF  }
0x15c: {  	p0 =	sne.s32 s0, $0x0;
	s0 =	rddreg [dreg:$0x5]  }
0x15d: {  	s0 =	sadd.s32 @!p0 $0x100000, s0  }
0x15e: {  	[sflag:s0] =	ssyncadd.tile.s32 @!p0 $0x1;
	_ =	shalt  }
.Lfunc_end2:
_tile_overlayer_lowered:
.L_overlay_start_2:
0x15f: {  	(tag) =	ssettag $0x2  }
0x160: {  	s0 =	rddreg [dreg:$0x0];
	s2 =	stileid.u32  }
0x161: {  	s1 =	rddreg [dreg:$0x1];
	p0 =	sne.s32 s2, $0x0  }
0x162: {  	s3 =	rddreg [dreg:$0x2];
	[bflag:$0x3] =	sbarrier.arrive $0xFFFF;
	s2 =	simm.s32 @!p0 $0x1C09  }
0x163: {  	[timem:s3], [sflag:s2] =	dma.local @!p0 [hbm:s0], s1  }
0x164: {  	s0 =	simm.s32 @!p0 $0x9  }
0x165: {  	_ =	swait.ge @!p0 [sflag:s0], s1  }
0x166: {  	s1 =	ssub.s32 @!p0 $0x0, s1;
	[sflag:s0] =	ssyncset.done @!p0 $0x0  }
0x167: {  	[sflag:s0] =	ssyncadd.s32 @!p0 s1  }
0x168: {  	[bflag:$0x3] =	sbarrier.arrive $0xFFFF  }
0x169: {  	_ =	shalt  }

</sc_bundles>
